<compile_context>
chip_gen: v7x
topology: tpu7x:2x2x1
jax: 0.10.2.dev20260603
libtpu: 0.0.44.dev20260713+nightly
codegen_flags: <defaults>
</compile_context>

<pallas_src>
import functools

import jax
import jax.numpy as jnp
from jax import lax
from jax.experimental import pallas as pl
from jax.experimental.pallas import tpu as pltpu
from jax.experimental.pallas import tpu_sc as plsc

NC = 2
NS = 16
NW = NC * NS
L = 16
EC = 128


def _sc_mesh():
    return plsc.VectorSubcoreMesh(core_axis_name="c", subcore_axis_name="s",
                                  num_cores=NC, num_subcores=NS)


def _deg_kernel(n, npad, et):
    @functools.partial(
        pl.kernel,
        out_type=jax.ShapeDtypeStruct((NW, npad), jnp.float32),
        mesh=_sc_mesh(),
        scratch_types=[
            pltpu.VMEM((et,), jnp.int32),
            pltpu.VMEM((et,), jnp.float32),
            pltpu.VMEM((npad,), jnp.float32),
        ],
        compiler_params=pltpu.CompilerParams(needs_layout_passes=False),
    )
    def k(dst_hbm, ew_hbm, degp_hbm, dst_v, ew_v, part_v):
        w = lax.axis_index("s") * NC + lax.axis_index("c")
        z = jnp.zeros((L,), jnp.float32)

        def zbody(i, carry):
            part_v[pl.ds(i * L, L)] = z
            return carry

        lax.fori_loop(0, npad // L, zbody, 0)
        pltpu.sync_copy(dst_hbm.at[w], dst_v)
        pltpu.sync_copy(ew_hbm.at[w], ew_v)

        def body(j, carry):
            idx = dst_v[pl.ds(j * L, L)]
            vals = ew_v[pl.ds(j * L, L)]
            plsc.addupdate_scatter(part_v, [idx], vals)
            return carry

        lax.fori_loop(0, et // L, body, 0)
        pltpu.sync_copy(part_v, degp_hbm.at[w])

    return k


def _norm_kernel(npad, et):
    @functools.partial(
        pl.kernel,
        out_type=jax.ShapeDtypeStruct((NW, et), jnp.float32),
        mesh=_sc_mesh(),
        scratch_types=[
            pltpu.VMEM((npad,), jnp.float32),
            pltpu.VMEM((et,), jnp.int32),
            pltpu.VMEM((et,), jnp.int32),
            pltpu.VMEM((et,), jnp.float32),
            pltpu.VMEM((et,), jnp.float32),
        ],
        compiler_params=pltpu.CompilerParams(needs_layout_passes=False),
    )
    def k(src_hbm, dst_hbm, ew_hbm, dinv_hbm, norm_hbm,
          dinv_v, src_v, dst_v, ew_v, out_v):
        w = lax.axis_index("s") * NC + lax.axis_index("c")
        pltpu.sync_copy(dinv_hbm, dinv_v)
        pltpu.sync_copy(src_hbm.at[w], src_v)
        pltpu.sync_copy(dst_hbm.at[w], dst_v)
        pltpu.sync_copy(ew_hbm.at[w], ew_v)

        def body(j, carry):
            s = plsc.load_gather(dinv_v, [src_v[pl.ds(j * L, L)]])
            t = plsc.load_gather(dinv_v, [dst_v[pl.ds(j * L, L)]])
            out_v[pl.ds(j * L, L)] = s * ew_v[pl.ds(j * L, L)] * t
            return carry

        lax.fori_loop(0, et // L, body, 0)
        pltpu.sync_copy(out_v, norm_hbm.at[w])

    return k


def _agg_kernel(n, d, ch):
    ns_rows = n // NS

    @functools.partial(
        pl.kernel,
        out_type=jax.ShapeDtypeStruct((NC, n, d), jnp.float32),
        mesh=_sc_mesh(),
        scratch_types=[
            pltpu.VMEM((ch, EC), jnp.int32),
            pltpu.VMEM((ch, EC), jnp.int32),
            pltpu.VMEM((ch, EC), jnp.float32),
            pltpu.VMEM((EC, d), jnp.float32),
            pltpu.VMEM_SHARED((n, d), jnp.float32),
            pltpu.SemaphoreType.DMA,
        ],
        compiler_params=pltpu.CompilerParams(needs_layout_passes=False,
                                             use_tc_tiling_on_sc=False),
    )
    def k(g_hbm, src_hbm, dst_hbm, norm_hbm, init_hbm, zero_hbm, aggp_hbm,
          src_v, dst_v, norm_v, rows_v, agg_sp, sem):
        c = lax.axis_index("c")
        s = lax.axis_index("s")
        w = s * NC + c
        r0 = s * ns_rows

        @pl.when(c == 0)
        def _():
            pltpu.sync_copy(init_hbm.at[pl.ds(r0, ns_rows)],
                            agg_sp.at[pl.ds(r0, ns_rows)])

        @pl.when(c != 0)
        def _():
            pltpu.sync_copy(zero_hbm.at[pl.ds(r0, ns_rows)],
                            agg_sp.at[pl.ds(r0, ns_rows)])

        pltpu.sync_copy(src_hbm.at[w], src_v)
        pltpu.sync_copy(dst_hbm.at[w], dst_v)
        pltpu.sync_copy(norm_hbm.at[w], norm_v)
        plsc.subcore_barrier()

        def chunk(j, carry):
            pltpu.async_copy(g_hbm.at[src_v.at[j]], rows_v, sem).wait()

            def scale(g, carry2):
                nv = norm_v[j, pl.ds(g * L, L)]
                for rr in range(L):
                    sv = jnp.full((L,), nv[rr], jnp.float32)
                    r = g * L + rr
                    for kk in range(d // L):
                        rows_v[r, pl.ds(kk * L, L)] = (
                            rows_v[r, pl.ds(kk * L, L)] * sv)
                return carry2

            lax.fori_loop(0, EC // L, scale, 0)
            pltpu.sync_copy(rows_v, agg_sp.at[dst_v.at[j]], add=True)
            return carry

        lax.fori_loop(0, ch, chunk, 0)
        plsc.subcore_barrier()
        pltpu.sync_copy(agg_sp.at[pl.ds(r0, ns_rows)],
                        aggp_hbm.at[c, pl.ds(r0, ns_rows)])

    return k


def _prep_tc(x, w1, degp):
    n, _ = x.shape
    dh = w1.shape[1]

    def body(x_ref, w_ref, degp_ref, h_ref, self_ref, dinv_ref):
        deg = jnp.sum(degp_ref[...], axis=0) + 1.0
        dinv = lax.rsqrt(deg)
        h = jnp.dot(x_ref[...], w_ref[...],
                    preferred_element_type=jnp.float32)
        h_ref[...] = h
        self_ref[...] = h * (dinv * dinv)[:, None]
        dinv_ref[...] = dinv

    return pl.pallas_call(
        body,
        out_shape=(
            jax.ShapeDtypeStruct((n, dh), jnp.float32),
            jax.ShapeDtypeStruct((n, dh), jnp.float32),
            jax.ShapeDtypeStruct((n,), jnp.float32),
        ),
    )(x, w1, degp)


def _mid_tc(aggp, b1, w2, dinv):
    _, n, dh = aggp.shape
    dl = w2.shape[1]

    def body(aggp_ref, b_ref, w_ref, dinv_ref, h2_ref, self2_ref):
        z = jnp.maximum(aggp_ref[0] + aggp_ref[1] + b_ref[...], 0.0)
        h2 = jnp.dot(z, w_ref[...], preferred_element_type=jnp.float32)
        dinv = dinv_ref[...]
        h2_ref[...] = h2
        self2_ref[...] = h2 * (dinv * dinv)[:, None]

    return pl.pallas_call(
        body,
        out_shape=(
            jax.ShapeDtypeStruct((n, dl), jnp.float32),
            jax.ShapeDtypeStruct((n, dl), jnp.float32),
        ),
    )(aggp, b1, w2, dinv)


def _fin_tc(aggp, b2, n):
    _, npad, dl = aggp.shape

    def body(aggp_ref, b_ref, out_ref):
        out_ref[...] = jnp.maximum(
            aggp_ref[0, :n] + aggp_ref[1, :n] + b_ref[...], 0.0)

    return pl.pallas_call(
        body,
        out_shape=jax.ShapeDtypeStruct((n, dl), jnp.float32),
    )(aggp, b2)


def kernel(x, edge_index, edge_weight, W1, b1, W2, b2):
    n, _ = x.shape
    e = edge_weight.shape[0]
    dh = W1.shape[1]
    dl = W2.shape[1]
    npad = -(-n // (8 * NS)) * (8 * NS)

    src = edge_index[0]
    dst = edge_index[1]
    per_tile = -(-e // NW)
    et = -(-per_tile // EC) * EC
    epad = NW * et
    padn = epad - e
    src_p = jnp.concatenate(
        [src, jnp.zeros((padn,), src.dtype)]).reshape(NW, et)
    dst_p = jnp.concatenate(
        [dst, jnp.zeros((padn,), dst.dtype)]).reshape(NW, et)
    ew_p = jnp.concatenate(
        [edge_weight, jnp.zeros((padn,), edge_weight.dtype)]).reshape(NW, et)

    x_p = jnp.pad(x, ((0, npad - n), (0, 0)))
    degp = _deg_kernel(n, npad, et)(dst_p, ew_p)
    h1, self1, dinv = _prep_tc(x_p, W1, degp)
    norm2 = _norm_kernel(npad, et)(src_p, dst_p, ew_p, dinv)

    ch = et // EC
    src3 = src_p.reshape(NW, ch, EC)
    dst3 = dst_p.reshape(NW, ch, EC)
    norm3 = norm2.reshape(NW, ch, EC)

    zeros1 = jnp.zeros((npad, dh), jnp.float32)
    aggp1 = _agg_kernel(npad, dh, ch)(h1, src3, dst3, norm3, self1, zeros1)
    h2, self2 = _mid_tc(aggp1, b1, W2, dinv)

    zeros2 = jnp.zeros((npad, dl), jnp.float32)
    aggp2 = _agg_kernel(npad, dl, ch)(h2, src3, dst3, norm3, self2, zeros2)
    return _fin_tc(aggp2, b2, n)

# --- scband reference (transcript-rebuilt; emitter-appended) ---
"""Pipeline reference for scband-gcnencoder-31370441130066 (READ-ONLY COPY).

The authoritative reference and input builder live on the scoring server;
editing this copy changes nothing except your own understanding.
"""

import jax, jax.numpy as jnp
import numpy as np

N = 10000
E = 320000
D_IN = 128
D_H = 128
D_LAT = 64


def setup_inputs(seed: int = 0) -> dict:
    key = jax.random.key(seed)
    ks = jax.random.split(key, 8)
    x = jax.random.normal(ks[0], (N, D_IN), dtype=jnp.float32)
    edge_index = jax.random.randint(ks[1], (2, E), 0, N, dtype=jnp.int32)
    edge_weight = jax.random.uniform(ks[2], (E,), dtype=jnp.float32)
    W1 = jax.random.normal(ks[3], (D_IN, D_H), dtype=jnp.float32) * (1.0 / np.sqrt(D_IN))
    b1 = jnp.zeros((D_H,), dtype=jnp.float32)
    W2 = jax.random.normal(ks[4], (D_H, D_LAT), dtype=jnp.float32) * (1.0 / np.sqrt(D_H))
    b2 = jnp.zeros((D_LAT,), dtype=jnp.float32)
    return {"x": x, "edge_index": edge_index, "edge_weight": edge_weight,
            "W1": W1, "b1": b1, "W2": W2, "b2": b2}


def _gcn_conv(x, src, dst, ew, W, b):
    # Faithful PyG-style GCNConv: linear transform, add self-loops (weight 1),
    # symmetric normalization deg^-1/2 * A * deg^-1/2, scatter-add aggregation, bias.
    n = x.shape[0]
    h = x @ W
    loop = jnp.arange(n, dtype=src.dtype)
    src2 = jnp.concatenate([src, loop])
    dst2 = jnp.concatenate([dst, loop])
    ew2 = jnp.concatenate([ew, jnp.ones((n,), dtype=ew.dtype)])
    deg = jnp.zeros((n,), dtype=h.dtype).at[dst2].add(ew2)
    dinv = jnp.where(deg > 0, jax.lax.rsqrt(jnp.maximum(deg, 1e-12)), 0.0)
    norm = dinv[src2] * ew2 * dinv[dst2]
    msg = h[src2] * norm[:, None]
    out = jnp.zeros_like(h).at[dst2].add(msg)
    return out + b


def reference(x, edge_index, edge_weight, W1, b1, W2, b2):
    src = edge_index[0]
    dst = edge_index[1]
    h = jax.nn.relu(_gcn_conv(x, src, dst, edge_weight, W1, b1))
    h = jax.nn.relu(_gcn_conv(h, src, dst, edge_weight, W2, b2))
    return h

if __name__ == "__main__":
    import jax
    _d = setup_inputs()
    print(jax.jit(kernel)(*tuple(_d.values())))

</pallas_src>

<mosaic_0001>
#map = affine_map<(d0, d1) -> (0, 0)>
#map1 = affine_map<(d0, d1) -> (0)>
module attributes {stable_mosaic.version = 14 : i64} {
  func.func @k(%arg0: i32, %arg1: i32, %arg2: memref<32x10112xi32, #tpu.memory_space<hbm>>, %arg3: memref<32x10112xi32, #tpu.memory_space<hbm>>, %arg4: memref<32x10112xf32, #tpu.memory_space<hbm>>, %arg5: memref<10112xf32, #tpu.memory_space<hbm>>, %arg6: memref<32x10112xf32, #tpu.memory_space<hbm>>, %arg7: memref<10112xf32, #tpu.memory_space<vmem>>, %arg8: memref<10112xi32, #tpu.memory_space<vmem>>, %arg9: memref<10112xi32, #tpu.memory_space<vmem>>, %arg10: memref<10112xf32, #tpu.memory_space<vmem>>, %arg11: memref<10112xf32, #tpu.memory_space<vmem>>) attributes {dimension_semantics = [#tpu.dimension_semantics<core_parallel>, #tpu.dimension_semantics<subcore_parallel>], iteration_bounds = array<i64: 2, 16>, scalar_prefetch = 0 : i64, scratch_operands = 5 : i64, tpu.core_type = #tpu.core_type<sc_vector_subcore>, window_params = [{transform_indices = #map}, {transform_indices = #map}, {transform_indices = #map}, {transform_indices = #map1}, {transform_indices = #map}]} {
    %mul3A = arith.constant 2 : i32
    %mul3A_0 = arith.muli %arg1, %mul3A : i32
    %add3A = arith.addi %mul3A_0, %arg0 : i32
    "tpu.region"() ({
      %run_scoped3A = tpu.sem_alloc : memref<!tpu.dma_semaphore, #tpu.memory_space<semaphore_mem>>
      tpu.enqueue_dma source(%arg5 : memref<10112xf32, #tpu.memory_space<hbm>>) target(%arg7 : memref<10112xf32, #tpu.memory_space<vmem>>) target_semaphore(%run_scoped3A : memref<!tpu.dma_semaphore, #tpu.memory_space<semaphore_mem>>)
      tpu.wait_dma2 semaphore(%run_scoped3A : memref<!tpu.dma_semaphore, #tpu.memory_space<semaphore_mem>>) src(%arg5 : memref<10112xf32, #tpu.memory_space<hbm>>) dst(%arg7 : memref<10112xf32, #tpu.memory_space<vmem>>)
      tpu.yield
    }) : () -> ()
    "tpu.region"() ({
      %run_scoped3A = tpu.sem_alloc : memref<!tpu.dma_semaphore, #tpu.memory_space<semaphore_mem>>
      %dma_start3A = arith.constant 0 : i32
      %dma_start3A_6 = tpu.memref_slice %arg2[%add3A, %dma_start3A] : memref<32x10112xi32, #tpu.memory_space<hbm>> -> memref<1x10112xi32, #tpu.memory_space<hbm>>
      %dma_start3A_7 = tpu.memref_squeeze %dma_start3A_6 : memref<1x10112xi32, #tpu.memory_space<hbm>> -> memref<10112xi32, #tpu.memory_space<hbm>>
      %dma_start3A_8 = arith.constant 0 : i32
      %dma_start3A_9 = tpu.memref_slice %arg2[%add3A, %dma_start3A_8] : memref<32x10112xi32, #tpu.memory_space<hbm>> -> memref<1x10112xi32, #tpu.memory_space<hbm>>
      %dma_start3A_10 = tpu.memref_squeeze %dma_start3A_9 : memref<1x10112xi32, #tpu.memory_space<hbm>> -> memref<10112xi32, #tpu.memory_space<hbm>>
      tpu.enqueue_dma source(%dma_start3A_10 : memref<10112xi32, #tpu.memory_space<hbm>>) target(%arg8 : memref<10112xi32, #tpu.memory_space<vmem>>) target_semaphore(%run_scoped3A : memref<!tpu.dma_semaphore, #tpu.memory_space<semaphore_mem>>)
      %dma_wait3A = arith.constant 0 : i32
      %dma_wait3A_11 = tpu.memref_slice %arg2[%add3A, %dma_wait3A] : memref<32x10112xi32, #tpu.memory_space<hbm>> -> memref<1x10112xi32, #tpu.memory_space<hbm>>
      %dma_wait3A_12 = tpu.memref_squeeze %dma_wait3A_11 : memref<1x10112xi32, #tpu.memory_space<hbm>> -> memref<10112xi32, #tpu.memory_space<hbm>>
      %dma_wait3A_13 = arith.constant 0 : i32
      %dma_wait3A_14 = tpu.memref_slice %arg2[%add3A, %dma_wait3A_13] : memref<32x10112xi32, #tpu.memory_space<hbm>> -> memref<1x10112xi32, #tpu.memory_space<hbm>>
      %dma_wait3A_15 = tpu.memref_squeeze %dma_wait3A_14 : memref<1x10112xi32, #tpu.memory_space<hbm>> -> memref<10112xi32, #tpu.memory_space<hbm>>
      tpu.wait_dma2 semaphore(%run_scoped3A : memref<!tpu.dma_semaphore, #tpu.memory_space<semaphore_mem>>) src(%dma_wait3A_15 : memref<10112xi32, #tpu.memory_space<hbm>>) dst(%arg8 : memref<10112xi32, #tpu.memory_space<vmem>>)
      tpu.yield
    }) : () -> ()
    "tpu.region"() ({
      %run_scoped3A = tpu.sem_alloc : memref<!tpu.dma_semaphore, #tpu.memory_space<semaphore_mem>>
      %dma_start3A = arith.constant 0 : i32
      %dma_start3A_6 = tpu.memref_slice %arg3[%add3A, %dma_start3A] : memref<32x10112xi32, #tpu.memory_space<hbm>> -> memref<1x10112xi32, #tpu.memory_space<hbm>>
      %dma_start3A_7 = tpu.memref_squeeze %dma_start3A_6 : memref<1x10112xi32, #tpu.memory_space<hbm>> -> memref<10112xi32, #tpu.memory_space<hbm>>
      %dma_start3A_8 = arith.constant 0 : i32
      %dma_start3A_9 = tpu.memref_slice %arg3[%add3A, %dma_start3A_8] : memref<32x10112xi32, #tpu.memory_space<hbm>> -> memref<1x10112xi32, #tpu.memory_space<hbm>>
      %dma_start3A_10 = tpu.memref_squeeze %dma_start3A_9 : memref<1x10112xi32, #tpu.memory_space<hbm>> -> memref<10112xi32, #tpu.memory_space<hbm>>
      tpu.enqueue_dma source(%dma_start3A_10 : memref<10112xi32, #tpu.memory_space<hbm>>) target(%arg9 : memref<10112xi32, #tpu.memory_space<vmem>>) target_semaphore(%run_scoped3A : memref<!tpu.dma_semaphore, #tpu.memory_space<semaphore_mem>>)
      %dma_wait3A = arith.constant 0 : i32
      %dma_wait3A_11 = tpu.memref_slice %arg3[%add3A, %dma_wait3A] : memref<32x10112xi32, #tpu.memory_space<hbm>> -> memref<1x10112xi32, #tpu.memory_space<hbm>>
      %dma_wait3A_12 = tpu.memref_squeeze %dma_wait3A_11 : memref<1x10112xi32, #tpu.memory_space<hbm>> -> memref<10112xi32, #tpu.memory_space<hbm>>
      %dma_wait3A_13 = arith.constant 0 : i32
      %dma_wait3A_14 = tpu.memref_slice %arg3[%add3A, %dma_wait3A_13] : memref<32x10112xi32, #tpu.memory_space<hbm>> -> memref<1x10112xi32, #tpu.memory_space<hbm>>
      %dma_wait3A_15 = tpu.memref_squeeze %dma_wait3A_14 : memref<1x10112xi32, #tpu.memory_space<hbm>> -> memref<10112xi32, #tpu.memory_space<hbm>>
      tpu.wait_dma2 semaphore(%run_scoped3A : memref<!tpu.dma_semaphore, #tpu.memory_space<semaphore_mem>>) src(%dma_wait3A_15 : memref<10112xi32, #tpu.memory_space<hbm>>) dst(%arg9 : memref<10112xi32, #tpu.memory_space<vmem>>)
      tpu.yield
    }) : () -> ()
    "tpu.region"() ({
      %run_scoped3A = tpu.sem_alloc : memref<!tpu.dma_semaphore, #tpu.memory_space<semaphore_mem>>
      %dma_start3A = arith.constant 0 : i32
      %dma_start3A_6 = tpu.memref_slice %arg4[%add3A, %dma_start3A] : memref<32x10112xf32, #tpu.memory_space<hbm>> -> memref<1x10112xf32, #tpu.memory_space<hbm>>
      %dma_start3A_7 = tpu.memref_squeeze %dma_start3A_6 : memref<1x10112xf32, #tpu.memory_space<hbm>> -> memref<10112xf32, #tpu.memory_space<hbm>>
      %dma_start3A_8 = arith.constant 0 : i32
      %dma_start3A_9 = tpu.memref_slice %arg4[%add3A, %dma_start3A_8] : memref<32x10112xf32, #tpu.memory_space<hbm>> -> memref<1x10112xf32, #tpu.memory_space<hbm>>
      %dma_start3A_10 = tpu.memref_squeeze %dma_start3A_9 : memref<1x10112xf32, #tpu.memory_space<hbm>> -> memref<10112xf32, #tpu.memory_space<hbm>>
      tpu.enqueue_dma source(%dma_start3A_10 : memref<10112xf32, #tpu.memory_space<hbm>>) target(%arg10 : memref<10112xf32, #tpu.memory_space<vmem>>) target_semaphore(%run_scoped3A : memref<!tpu.dma_semaphore, #tpu.memory_space<semaphore_mem>>)
      %dma_wait3A = arith.constant 0 : i32
      %dma_wait3A_11 = tpu.memref_slice %arg4[%add3A, %dma_wait3A] : memref<32x10112xf32, #tpu.memory_space<hbm>> -> memref<1x10112xf32, #tpu.memory_space<hbm>>
      %dma_wait3A_12 = tpu.memref_squeeze %dma_wait3A_11 : memref<1x10112xf32, #tpu.memory_space<hbm>> -> memref<10112xf32, #tpu.memory_space<hbm>>
      %dma_wait3A_13 = arith.constant 0 : i32
      %dma_wait3A_14 = tpu.memref_slice %arg4[%add3A, %dma_wait3A_13] : memref<32x10112xf32, #tpu.memory_space<hbm>> -> memref<1x10112xf32, #tpu.memory_space<hbm>>
      %dma_wait3A_15 = tpu.memref_squeeze %dma_wait3A_14 : memref<1x10112xf32, #tpu.memory_space<hbm>> -> memref<10112xf32, #tpu.memory_space<hbm>>
      tpu.wait_dma2 semaphore(%run_scoped3A : memref<!tpu.dma_semaphore, #tpu.memory_space<semaphore_mem>>) src(%dma_wait3A_15 : memref<10112xf32, #tpu.memory_space<hbm>>) dst(%arg10 : memref<10112xf32, #tpu.memory_space<vmem>>)
      tpu.yield
    }) : () -> ()
    %scan3A = arith.constant 0 : i32
    %scan3A_1 = arith.constant 0 : i32
    %scan3A_2 = arith.constant 632 : i32
    %scan3A_3 = arith.addi %scan3A_1, %scan3A_2 : i32
    %scan3A_4 = arith.constant 1 : i32
    scf.for %scan3A_6 = %scan3A_1 to %scan3A_3 step %scan3A_4  : i32 {
      %mul3A_7 = arith.constant 16 : i32
      %mul3A_8 = arith.muli %scan3A_6, %mul3A_7 : i32
      %get3A = arith.index_cast %mul3A_8 : i32 to index
      %get3A_9 = tpu.vector_load %arg8[%get3A] {strides = array<i32>} : memref<10112xi32, #tpu.memory_space<vmem>>, vector<16xi32>,
      %gather3A = tpu.vector_load_idx %arg7[%get3A_9] : memref<10112xf32, #tpu.memory_space<vmem>>[vector<16xi32>], vector<16xf32>,
      %mul3A_10 = arith.constant 16 : i32
      %mul3A_11 = arith.muli %scan3A_6, %mul3A_10 : i32
      %get3A_12 = arith.index_cast %mul3A_11 : i32 to index
      %get3A_13 = tpu.vector_load %arg9[%get3A_12] {strides = array<i32>} : memref<10112xi32, #tpu.memory_space<vmem>>, vector<16xi32>,
      %gather3A_14 = tpu.vector_load_idx %arg7[%get3A_13] : memref<10112xf32, #tpu.memory_space<vmem>>[vector<16xi32>], vector<16xf32>,
      %mul3A_15 = arith.constant 16 : i32
      %mul3A_16 = arith.muli %scan3A_6, %mul3A_15 : i32
      %get3A_17 = arith.index_cast %mul3A_16 : i32 to index
      %get3A_18 = tpu.vector_load %arg10[%get3A_17] {strides = array<i32>} : memref<10112xf32, #tpu.memory_space<vmem>>, vector<16xf32>,
      %mul3A_19 = arith.mulf %gather3A, %get3A_18 : vector<16xf32>
      %mul3A_20 = arith.mulf %mul3A_19, %gather3A_14 : vector<16xf32>
      %mul3A_21 = arith.constant 16 : i32
      %mul3A_22 = arith.muli %scan3A_6, %mul3A_21 : i32
      %swap3A = arith.index_cast %mul3A_22 : i32 to index
      %swap3A_23 = tpu.vector_load %arg11[%swap3A] {strides = array<i32>} : memref<10112xf32, #tpu.memory_space<vmem>>, vector<16xf32>,
      tpu.vector_store %arg11[%swap3A], %mul3A_20 {strides = array<i32>} : memref<10112xf32, #tpu.memory_space<vmem>>, vector<16xf32>,
    }
    %scan3A_5 = arith.constant 632 : i32
    "tpu.region"() ({
      %run_scoped3A = tpu.sem_alloc : memref<!tpu.dma_semaphore, #tpu.memory_space<semaphore_mem>>
      %dma_start3A = arith.constant 0 : i32
      %dma_start3A_6 = tpu.memref_slice %arg6[%add3A, %dma_start3A] : memref<32x10112xf32, #tpu.memory_space<hbm>> -> memref<1x10112xf32, #tpu.memory_space<hbm>>
      %dma_start3A_7 = tpu.memref_squeeze %dma_start3A_6 : memref<1x10112xf32, #tpu.memory_space<hbm>> -> memref<10112xf32, #tpu.memory_space<hbm>>
      %dma_start3A_8 = arith.constant 0 : i32
      %dma_start3A_9 = tpu.memref_slice %arg6[%add3A, %dma_start3A_8] : memref<32x10112xf32, #tpu.memory_space<hbm>> -> memref<1x10112xf32, #tpu.memory_space<hbm>>
      %dma_start3A_10 = tpu.memref_squeeze %dma_start3A_9 : memref<1x10112xf32, #tpu.memory_space<hbm>> -> memref<10112xf32, #tpu.memory_space<hbm>>
      tpu.enqueue_dma source(%arg11 : memref<10112xf32, #tpu.memory_space<vmem>>) target(%dma_start3A_10 : memref<10112xf32, #tpu.memory_space<hbm>>) target_semaphore(%run_scoped3A : memref<!tpu.dma_semaphore, #tpu.memory_space<semaphore_mem>>)
      %dma_wait3A = arith.constant 0 : i32
      %dma_wait3A_11 = tpu.memref_slice %arg6[%add3A, %dma_wait3A] : memref<32x10112xf32, #tpu.memory_space<hbm>> -> memref<1x10112xf32, #tpu.memory_space<hbm>>
      %dma_wait3A_12 = tpu.memref_squeeze %dma_wait3A_11 : memref<1x10112xf32, #tpu.memory_space<hbm>> -> memref<10112xf32, #tpu.memory_space<hbm>>
      %dma_wait3A_13 = arith.constant 0 : i32
      %dma_wait3A_14 = tpu.memref_slice %arg6[%add3A, %dma_wait3A_13] : memref<32x10112xf32, #tpu.memory_space<hbm>> -> memref<1x10112xf32, #tpu.memory_space<hbm>>
      %dma_wait3A_15 = tpu.memref_squeeze %dma_wait3A_14 : memref<1x10112xf32, #tpu.memory_space<hbm>> -> memref<10112xf32, #tpu.memory_space<hbm>>
      tpu.wait_dma2 semaphore(%run_scoped3A : memref<!tpu.dma_semaphore, #tpu.memory_space<semaphore_mem>>) src(%arg11 : memref<10112xf32, #tpu.memory_space<vmem>>) dst(%dma_wait3A_15 : memref<10112xf32, #tpu.memory_space<hbm>>)
      tpu.yield
    }) : () -> ()
    return
  }
}

#map = affine_map<(d0, d1) -> (0, 0)>
#map1 = affine_map<(d0, d1) -> (0, 0, 0)>
module attributes {stable_mosaic.version = 14 : i64} {
  func.func @k(%arg0: i32, %arg1: i32, %arg2: memref<10112x64xf32, #tpu.memory_space<hbm>>, %arg3: memref<32x79x128xi32, #tpu.memory_space<hbm>>, %arg4: memref<32x79x128xi32, #tpu.memory_space<hbm>>, %arg5: memref<32x79x128xf32, #tpu.memory_space<hbm>>, %arg6: memref<10112x64xf32, #tpu.memory_space<hbm>>, %arg7: memref<10112x64xf32, #tpu.memory_space<hbm>>, %arg8: memref<2x10112x64xf32, #tpu.memory_space<hbm>>, %arg9: memref<79x128xi32, #tpu.memory_space<vmem>>, %arg10: memref<79x128xi32, #tpu.memory_space<vmem>>, %arg11: memref<79x128xf32, #tpu.memory_space<vmem>>, %arg12: memref<128x64xf32, #tpu.memory_space<vmem>>, %arg13: memref<10112x64xf32, #tpu.memory_space<vmem_shared>>, %arg14: memref<!tpu.dma_semaphore, #tpu.memory_space<semaphore_mem>>) attributes {dimension_semantics = [#tpu.dimension_semantics<core_parallel>, #tpu.dimension_semantics<subcore_parallel>], iteration_bounds = array<i64: 2, 16>, scalar_prefetch = 0 : i64, scratch_operands = 6 : i64, tpu.core_type = #tpu.core_type<sc_vector_subcore>, window_params = [{transform_indices = #map}, {transform_indices = #map1}, {transform_indices = #map1}, {transform_indices = #map1}, {transform_indices = #map}, {transform_indices = #map}, {transform_indices = #map1}]} {
    %mul3A = arith.constant 2 : i32
    %mul3A_0 = arith.muli %arg1, %mul3A : i32
    %add3A = arith.addi %mul3A_0, %arg0 : i32
    %mul3A_1 = arith.constant 632 : i32
    %mul3A_2 = arith.muli %arg1, %mul3A_1 : i32
    %eq3A = arith.constant 0 : i32
    %eq3A_3 = arith.cmpi eq, %arg0, %eq3A : i32
    %convert_element_type3A = arith.extui %eq3A_3 : i1 to i32
    %cond3A = arith.constant 0 : i32
    %cond3A_4 = arith.cmpi ne, %convert_element_type3A, %cond3A : i32
    scf.if %cond3A_4 {
      "tpu.region"() ({
        %run_scoped3A = tpu.sem_alloc : memref<!tpu.dma_semaphore, #tpu.memory_space<semaphore_mem>>
        %dma_start3A = arith.constant 0 : i32
        %dma_start3A_15 = tpu.memref_slice %arg13[%mul3A_2, %dma_start3A] : memref<10112x64xf32, #tpu.memory_space<vmem_shared>> -> memref<632x64xf32, #tpu.memory_space<vmem_shared>>
        %dma_start3A_16 = arith.constant 0 : i32
        %dma_start3A_17 = tpu.memref_slice %arg6[%mul3A_2, %dma_start3A_16] : memref<10112x64xf32, #tpu.memory_space<hbm>> -> memref<632x64xf32, #tpu.memory_space<hbm>>
        tpu.enqueue_dma source(%dma_start3A_17 : memref<632x64xf32, #tpu.memory_space<hbm>>) target(%dma_start3A_15 : memref<632x64xf32, #tpu.memory_space<vmem_shared>>) target_semaphore(%run_scoped3A : memref<!tpu.dma_semaphore, #tpu.memory_space<semaphore_mem>>)
        %dma_wait3A = arith.constant 0 : i32
        %dma_wait3A_18 = tpu.memref_slice %arg13[%mul3A_2, %dma_wait3A] : memref<10112x64xf32, #tpu.memory_space<vmem_shared>> -> memref<632x64xf32, #tpu.memory_space<vmem_shared>>
        %dma_wait3A_19 = arith.constant 0 : i32
        %dma_wait3A_20 = tpu.memref_slice %arg6[%mul3A_2, %dma_wait3A_19] : memref<10112x64xf32, #tpu.memory_space<hbm>> -> memref<632x64xf32, #tpu.memory_space<hbm>>
        tpu.wait_dma2 semaphore(%run_scoped3A : memref<!tpu.dma_semaphore, #tpu.memory_space<semaphore_mem>>) src(%dma_wait3A_20 : memref<632x64xf32, #tpu.memory_space<hbm>>) dst(%dma_wait3A_18 : memref<632x64xf32, #tpu.memory_space<vmem_shared>>)
        tpu.yield
      }) : () -> ()
    } else {
    }
    %ne3A = arith.constant 0 : i32
    %ne3A_5 = arith.cmpi ne, %arg0, %ne3A : i32
    %convert_element_type3A_6 = arith.extui %ne3A_5 : i1 to i32
    %cond3A_7 = arith.constant 0 : i32
    %cond3A_8 = arith.cmpi ne, %convert_element_type3A_6, %cond3A_7 : i32
    scf.if %cond3A_8 {
      "tpu.region"() ({
        %run_scoped3A = tpu.sem_alloc : memref<!tpu.dma_semaphore, #tpu.memory_space<semaphore_mem>>
        %dma_start3A = arith.constant 0 : i32
        %dma_start3A_15 = tpu.memref_slice %arg13[%mul3A_2, %dma_start3A] : memref<10112x64xf32, #tpu.memory_space<vmem_shared>> -> memref<632x64xf32, #tpu.memory_space<vmem_shared>>
        %dma_start3A_16 = arith.constant 0 : i32
        %dma_start3A_17 = tpu.memref_slice %arg7[%mul3A_2, %dma_start3A_16] : memref<10112x64xf32, #tpu.memory_space<hbm>> -> memref<632x64xf32, #tpu.memory_space<hbm>>
        tpu.enqueue_dma source(%dma_start3A_17 : memref<632x64xf32, #tpu.memory_space<hbm>>) target(%dma_start3A_15 : memref<632x64xf32, #tpu.memory_space<vmem_shared>>) target_semaphore(%run_scoped3A : memref<!tpu.dma_semaphore, #tpu.memory_space<semaphore_mem>>)
        %dma_wait3A = arith.constant 0 : i32
        %dma_wait3A_18 = tpu.memref_slice %arg13[%mul3A_2, %dma_wait3A] : memref<10112x64xf32, #tpu.memory_space<vmem_shared>> -> memref<632x64xf32, #tpu.memory_space<vmem_shared>>
        %dma_wait3A_19 = arith.constant 0 : i32
        %dma_wait3A_20 = tpu.memref_slice %arg7[%mul3A_2, %dma_wait3A_19] : memref<10112x64xf32, #tpu.memory_space<hbm>> -> memref<632x64xf32, #tpu.memory_space<hbm>>
        tpu.wait_dma2 semaphore(%run_scoped3A : memref<!tpu.dma_semaphore, #tpu.memory_space<semaphore_mem>>) src(%dma_wait3A_20 : memref<632x64xf32, #tpu.memory_space<hbm>>) dst(%dma_wait3A_18 : memref<632x64xf32, #tpu.memory_space<vmem_shared>>)
        tpu.yield
      }) : () -> ()
    } else {
    }
    "tpu.region"() ({
      %run_scoped3A = tpu.sem_alloc : memref<!tpu.dma_semaphore, #tpu.memory_space<semaphore_mem>>
      %dma_start3A = arith.constant 0 : i32
      %dma_start3A_15 = arith.constant 0 : i32
      %dma_start3A_16 = tpu.memref_slice %arg3[%add3A, %dma_start3A, %dma_start3A_15] : memref<32x79x128xi32, #tpu.memory_space<hbm>> -> memref<1x79x128xi32, #tpu.memory_space<hbm>>
      %dma_start3A_17 = tpu.memref_squeeze %dma_start3A_16 : memref<1x79x128xi32, #tpu.memory_space<hbm>> -> memref<79x128xi32, #tpu.memory_space<hbm>>
      %dma_start3A_18 = arith.constant 0 : i32
      %dma_start3A_19 = arith.constant 0 : i32
      %dma_start3A_20 = tpu.memref_slice %arg3[%add3A, %dma_start3A_18, %dma_start3A_19] : memref<32x79x128xi32, #tpu.memory_space<hbm>> -> memref<1x79x128xi32, #tpu.memory_space<hbm>>
      %dma_start3A_21 = tpu.memref_squeeze %dma_start3A_20 : memref<1x79x128xi32, #tpu.memory_space<hbm>> -> memref<79x128xi32, #tpu.memory_space<hbm>>
      tpu.enqueue_dma source(%dma_start3A_21 : memref<79x128xi32, #tpu.memory_space<hbm>>) target(%arg9 : memref<79x128xi32, #tpu.memory_space<vmem>>) target_semaphore(%run_scoped3A : memref<!tpu.dma_semaphore, #tpu.memory_space<semaphore_mem>>)
      %dma_wait3A = arith.constant 0 : i32
      %dma_wait3A_22 = arith.constant 0 : i32
      %dma_wait3A_23 = tpu.memref_slice %arg3[%add3A, %dma_wait3A, %dma_wait3A_22] : memref<32x79x128xi32, #tpu.memory_space<hbm>> -> memref<1x79x128xi32, #tpu.memory_space<hbm>>
      %dma_wait3A_24 = tpu.memref_squeeze %dma_wait3A_23 : memref<1x79x128xi32, #tpu.memory_space<hbm>> -> memref<79x128xi32, #tpu.memory_space<hbm>>
      %dma_wait3A_25 = arith.constant 0 : i32
      %dma_wait3A_26 = arith.constant 0 : i32
      %dma_wait3A_27 = tpu.memref_slice %arg3[%add3A, %dma_wait3A_25, %dma_wait3A_26] : memref<32x79x128xi32, #tpu.memory_space<hbm>> -> memref<1x79x128xi32, #tpu.memory_space<hbm>>
      %dma_wait3A_28 = tpu.memref_squeeze %dma_wait3A_27 : memref<1x79x128xi32, #tpu.memory_space<hbm>> -> memref<79x128xi32, #tpu.memory_space<hbm>>
      tpu.wait_dma2 semaphore(%run_scoped3A : memref<!tpu.dma_semaphore, #tpu.memory_space<semaphore_mem>>) src(%dma_wait3A_28 : memref<79x128xi32, #tpu.memory_space<hbm>>) dst(%arg9 : memref<79x128xi32, #tpu.memory_space<vmem>>)
      tpu.yield
    }) : () -> ()
    "tpu.region"() ({
      %run_scoped3A = tpu.sem_alloc : memref<!tpu.dma_semaphore, #tpu.memory_space<semaphore_mem>>
      %dma_start3A = arith.constant 0 : i32
      %dma_start3A_15 = arith.constant 0 : i32
      %dma_start3A_16 = tpu.memref_slice %arg4[%add3A, %dma_start3A, %dma_start3A_15] : memref<32x79x128xi32, #tpu.memory_space<hbm>> -> memref<1x79x128xi32, #tpu.memory_space<hbm>>
      %dma_start3A_17 = tpu.memref_squeeze %dma_start3A_16 : memref<1x79x128xi32, #tpu.memory_space<hbm>> -> memref<79x128xi32, #tpu.memory_space<hbm>>
      %dma_start3A_18 = arith.constant 0 : i32
      %dma_start3A_19 = arith.constant 0 : i32
      %dma_start3A_20 = tpu.memref_slice %arg4[%add3A, %dma_start3A_18, %dma_start3A_19] : memref<32x79x128xi32, #tpu.memory_space<hbm>> -> memref<1x79x128xi32, #tpu.memory_space<hbm>>
      %dma_start3A_21 = tpu.memref_squeeze %dma_start3A_20 : memref<1x79x128xi32, #tpu.memory_space<hbm>> -> memref<79x128xi32, #tpu.memory_space<hbm>>
      tpu.enqueue_dma source(%dma_start3A_21 : memref<79x128xi32, #tpu.memory_space<hbm>>) target(%arg10 : memref<79x128xi32, #tpu.memory_space<vmem>>) target_semaphore(%run_scoped3A : memref<!tpu.dma_semaphore, #tpu.memory_space<semaphore_mem>>)
      %dma_wait3A = arith.constant 0 : i32
      %dma_wait3A_22 = arith.constant 0 : i32
      %dma_wait3A_23 = tpu.memref_slice %arg4[%add3A, %dma_wait3A, %dma_wait3A_22] : memref<32x79x128xi32, #tpu.memory_space<hbm>> -> memref<1x79x128xi32, #tpu.memory_space<hbm>>
      %dma_wait3A_24 = tpu.memref_squeeze %dma_wait3A_23 : memref<1x79x128xi32, #tpu.memory_space<hbm>> -> memref<79x128xi32, #tpu.memory_space<hbm>>
      %dma_wait3A_25 = arith.constant 0 : i32
      %dma_wait3A_26 = arith.constant 0 : i32
      %dma_wait3A_27 = tpu.memref_slice %arg4[%add3A, %dma_wait3A_25, %dma_wait3A_26] : memref<32x79x128xi32, #tpu.memory_space<hbm>> -> memref<1x79x128xi32, #tpu.memory_space<hbm>>
      %dma_wait3A_28 = tpu.memref_squeeze %dma_wait3A_27 : memref<1x79x128xi32, #tpu.memory_space<hbm>> -> memref<79x128xi32, #tpu.memory_space<hbm>>
      tpu.wait_dma2 semaphore(%run_scoped3A : memref<!tpu.dma_semaphore, #tpu.memory_space<semaphore_mem>>) src(%dma_wait3A_28 : memref<79x128xi32, #tpu.memory_space<hbm>>) dst(%arg10 : memref<79x128xi32, #tpu.memory_space<vmem>>)
      tpu.yield
    }) : () -> ()
    "tpu.region"() ({
      %run_scoped3A = tpu.sem_alloc : memref<!tpu.dma_semaphore, #tpu.memory_space<semaphore_mem>>
      %dma_start3A = arith.constant 0 : i32
      %dma_start3A_15 = arith.constant 0 : i32
      %dma_start3A_16 = tpu.memref_slice %arg5[%add3A, %dma_start3A, %dma_start3A_15] : memref<32x79x128xf32, #tpu.memory_space<hbm>> -> memref<1x79x128xf32, #tpu.memory_space<hbm>>
      %dma_start3A_17 = tpu.memref_squeeze %dma_start3A_16 : memref<1x79x128xf32, #tpu.memory_space<hbm>> -> memref<79x128xf32, #tpu.memory_space<hbm>>
      %dma_start3A_18 = arith.constant 0 : i32
      %dma_start3A_19 = arith.constant 0 : i32
      %dma_start3A_20 = tpu.memref_slice %arg5[%add3A, %dma_start3A_18, %dma_start3A_19] : memref<32x79x128xf32, #tpu.memory_space<hbm>> -> memref<1x79x128xf32, #tpu.memory_space<hbm>>
      %dma_start3A_21 = tpu.memref_squeeze %dma_start3A_20 : memref<1x79x128xf32, #tpu.memory_space<hbm>> -> memref<79x128xf32, #tpu.memory_space<hbm>>
      tpu.enqueue_dma source(%dma_start3A_21 : memref<79x128xf32, #tpu.memory_space<hbm>>) target(%arg11 : memref<79x128xf32, #tpu.memory_space<vmem>>) target_semaphore(%run_scoped3A : memref<!tpu.dma_semaphore, #tpu.memory_space<semaphore_mem>>)
      %dma_wait3A = arith.constant 0 : i32
      %dma_wait3A_22 = arith.constant 0 : i32
      %dma_wait3A_23 = tpu.memref_slice %arg5[%add3A, %dma_wait3A, %dma_wait3A_22] : memref<32x79x128xf32, #tpu.memory_space<hbm>> -> memref<1x79x128xf32, #tpu.memory_space<hbm>>
      %dma_wait3A_24 = tpu.memref_squeeze %dma_wait3A_23 : memref<1x79x128xf32, #tpu.memory_space<hbm>> -> memref<79x128xf32, #tpu.memory_space<hbm>>
      %dma_wait3A_25 = arith.constant 0 : i32
      %dma_wait3A_26 = arith.constant 0 : i32
      %dma_wait3A_27 = tpu.memref_slice %arg5[%add3A, %dma_wait3A_25, %dma_wait3A_26] : memref<32x79x128xf32, #tpu.memory_space<hbm>> -> memref<1x79x128xf32, #tpu.memory_space<hbm>>
      %dma_wait3A_28 = tpu.memref_squeeze %dma_wait3A_27 : memref<1x79x128xf32, #tpu.memory_space<hbm>> -> memref<79x128xf32, #tpu.memory_space<hbm>>
      tpu.wait_dma2 semaphore(%run_scoped3A : memref<!tpu.dma_semaphore, #tpu.memory_space<semaphore_mem>>) src(%dma_wait3A_28 : memref<79x128xf32, #tpu.memory_space<hbm>>) dst(%arg11 : memref<79x128xf32, #tpu.memory_space<vmem>>)
      tpu.yield
    }) : () -> ()
    %barrier3A = arith.constant 0 : index
    tpu.barrier barrier_id(%barrier3A)
    %scan3A = arith.constant 0 : i32
    %scan3A_9 = arith.constant 0 : i32
    %scan3A_10 = arith.constant 79 : i32
    %scan3A_11 = arith.addi %scan3A_9, %scan3A_10 : i32
    %scan3A_12 = arith.constant 1 : i32
    scf.for %scan3A_15 = %scan3A_9 to %scan3A_11 step %scan3A_12  : i32 {
      %dma_start3A = arith.constant 0 : i32
      %dma_start3A_16 = tpu.memref_slice %arg9[%scan3A_15, %dma_start3A] : memref<79x128xi32, #tpu.memory_space<vmem>> -> memref<1x128xi32, #tpu.memory_space<vmem>>
      %dma_start3A_17 = tpu.memref_squeeze %dma_start3A_16 : memref<1x128xi32, #tpu.memory_space<vmem>> -> memref<128xi32, #tpu.memory_space<vmem>>
      %dma_start3A_18 = arith.constant 0 : i32
      %dma_start3A_19 = arith.constant 0 : i32
      %dma_start3A_20 = tpu.memref_slice %arg2[%dma_start3A_18, %dma_start3A_19] : memref<10112x64xf32, #tpu.memory_space<hbm>> -> memref<10112x64xf32, #tpu.memory_space<hbm>>
      tpu.enqueue_indirect_dma source(%dma_start3A_20 : memref<10112x64xf32, #tpu.memory_space<hbm>>) target(%arg12 : memref<128x64xf32, #tpu.memory_space<vmem>>) offsets(%dma_start3A_17 : memref<128xi32, #tpu.memory_space<vmem>>) semaphore(%arg14 : memref<!tpu.dma_semaphore, #tpu.memory_space<semaphore_mem>>)
      %dma_wait3A = arith.constant 0 : i32
      %dma_wait3A_21 = tpu.memref_slice %arg9[%scan3A_15, %dma_wait3A] : memref<79x128xi32, #tpu.memory_space<vmem>> -> memref<1x128xi32, #tpu.memory_space<vmem>>
      %dma_wait3A_22 = tpu.memref_squeeze %dma_wait3A_21 : memref<1x128xi32, #tpu.memory_space<vmem>> -> memref<128xi32, #tpu.memory_space<vmem>>
      %dma_wait3A_23 = arith.constant 0 : i32
      %dma_wait3A_24 = arith.constant 0 : i32
      %dma_wait3A_25 = tpu.memref_slice %arg2[%dma_wait3A_23, %dma_wait3A_24] : memref<10112x64xf32, #tpu.memory_space<hbm>> -> memref<10112x64xf32, #tpu.memory_space<hbm>>
      tpu.wait_indirect_dma semaphore(%arg14 : memref<!tpu.dma_semaphore, #tpu.memory_space<semaphore_mem>>) src(%dma_wait3A_25 : memref<10112x64xf32, #tpu.memory_space<hbm>>) dst(%arg12 : memref<128x64xf32, #tpu.memory_space<vmem>>)
      %scan3A_26 = arith.constant 0 : i32
      %scan3A_27 = arith.constant 0 : i32
      %scan3A_28 = arith.constant 8 : i32
      %scan3A_29 = arith.addi %scan3A_27, %scan3A_28 : i32
      %scan3A_30 = arith.constant 1 : i32
      scf.for %scan3A_32 = %scan3A_27 to %scan3A_29 step %scan3A_30  : i32 {
        %mul3A_33 = arith.constant 16 : i32
        %mul3A_34 = arith.muli %scan3A_32, %mul3A_33 : i32
        %get3A = arith.index_cast %scan3A_15 : i32 to index
        %get3A_35 = arith.index_cast %mul3A_34 : i32 to index
        %get3A_36 = tpu.vector_load %arg11[%get3A, %get3A_35] {strides = array<i32>} : memref<79x128xf32, #tpu.memory_space<vmem>>, vector<16xf32>,
        %slice3A = vector.extract_strided_slice %get3A_36 {offsets = [0], sizes = [1], strides = [1]} : vector<16xf32> to vector<1xf32>
        %squeeze3A = vector.extract %slice3A[0] : f32 from vector<1xf32>
        %broadcast_in_dim3A = vector.broadcast %squeeze3A : f32 to vector<16xf32>
        %mul3A_37 = arith.constant 16 : i32
        %mul3A_38 = arith.muli %scan3A_32, %mul3A_37 : i32
        %add3A_39 = arith.constant 0 : i32
        %add3A_40 = arith.addi %mul3A_38, %add3A_39 : i32
        %get3A_41 = arith.index_cast %add3A_40 : i32 to index
        %get3A_42 = arith.constant 0 : index
        %get3A_43 = tpu.vector_load %arg12[%get3A_41, %get3A_42] {strides = array<i32>} : memref<128x64xf32, #tpu.memory_space<vmem>>, vector<16xf32>,
        %mul3A_44 = arith.mulf %get3A_43, %broadcast_in_dim3A : vector<16xf32>
        %swap3A = arith.index_cast %add3A_40 : i32 to index
        %swap3A_45 = arith.constant 0 : index
        %swap3A_46 = tpu.vector_load %arg12[%swap3A, %swap3A_45] {strides = array<i32>} : memref<128x64xf32, #tpu.memory_space<vmem>>, vector<16xf32>,
        tpu.vector_store %arg12[%swap3A, %swap3A_45], %mul3A_44 {strides = array<i32>} : memref<128x64xf32, #tpu.memory_space<vmem>>, vector<16xf32>,
        %get3A_47 = arith.index_cast %add3A_40 : i32 to index
        %get3A_48 = arith.constant 16 : index
        %get3A_49 = tpu.vector_load %arg12[%get3A_47, %get3A_48] {strides = array<i32>} : memref<128x64xf32, #tpu.memory_space<vmem>>, vector<16xf32>,
        %mul3A_50 = arith.mulf %get3A_49, %broadcast_in_dim3A : vector<16xf32>
        %swap3A_51 = arith.index_cast %add3A_40 : i32 to index
        %swap3A_52 = arith.constant 16 : index
        %swap3A_53 = tpu.vector_load %arg12[%swap3A_51, %swap3A_52] {strides = array<i32>} : memref<128x64xf32, #tpu.memory_space<vmem>>, vector<16xf32>,
        tpu.vector_store %arg12[%swap3A_51, %swap3A_52], %mul3A_50 {strides = array<i32>} : memref<128x64xf32, #tpu.memory_space<vmem>>, vector<16xf32>,
        %get3A_54 = arith.index_cast %add3A_40 : i32 to index
        %get3A_55 = arith.constant 32 : index
        %get3A_56 = tpu.vector_load %arg12[%get3A_54, %get3A_55] {strides = array<i32>} : memref<128x64xf32, #tpu.memory_space<vmem>>, vector<16xf32>,
        %mul3A_57 = arith.mulf %get3A_56, %broadcast_in_dim3A : vector<16xf32>
        %swap3A_58 = arith.index_cast %add3A_40 : i32 to index
        %swap3A_59 = arith.constant 32 : index
        %swap3A_60 = tpu.vector_load %arg12[%swap3A_58, %swap3A_59] {strides = array<i32>} : memref<128x64xf32, #tpu.memory_space<vmem>>, vector<16xf32>,
        tpu.vector_store %arg12[%swap3A_58, %swap3A_59], %mul3A_57 {strides = array<i32>} : memref<128x64xf32, #tpu.memory_space<vmem>>, vector<16xf32>,
        %get3A_61 = arith.index_cast %add3A_40 : i32 to index
        %get3A_62 = arith.constant 48 : index
        %get3A_63 = tpu.vector_load %arg12[%get3A_61, %get3A_62] {strides = array<i32>} : memref<128x64xf32, #tpu.memory_space<vmem>>, vector<16xf32>,
        %mul3A_64 = arith.mulf %get3A_63, %broadcast_in_dim3A : vector<16xf32>
        %swap3A_65 = arith.index_cast %add3A_40 : i32 to index
        %swap3A_66 = arith.constant 48 : index
        %swap3A_67 = tpu.vector_load %arg12[%swap3A_65, %swap3A_66] {strides = array<i32>} : memref<128x64xf32, #tpu.memory_space<vmem>>, vector<16xf32>,
        tpu.vector_store %arg12[%swap3A_65, %swap3A_66], %mul3A_64 {strides = array<i32>} : memref<128x64xf32, #tpu.memory_space<vmem>>, vector<16xf32>,
        %slice3A_68 = vector.extract_strided_slice %get3A_36 {offsets = [1], sizes = [1], strides = [1]} : vector<16xf32> to vector<1xf32>
        %squeeze3A_69 = vector.extract %slice3A_68[0] : f32 from vector<1xf32>
        %broadcast_in_dim3A_70 = vector.broadcast %squeeze3A_69 : f32 to vector<16xf32>
        %mul3A_71 = arith.constant 16 : i32
        %mul3A_72 = arith.muli %scan3A_32, %mul3A_71 : i32
        %add3A_73 = arith.constant 1 : i32
        %add3A_74 = arith.addi %mul3A_72, %add3A_73 : i32
        %get3A_75 = arith.index_cast %add3A_74 : i32 to index
        %get3A_76 = arith.constant 0 : index
        %get3A_77 = tpu.vector_load %arg12[%get3A_75, %get3A_76] {strides = array<i32>} : memref<128x64xf32, #tpu.memory_space<vmem>>, vector<16xf32>,
        %mul3A_78 = arith.mulf %get3A_77, %broadcast_in_dim3A_70 : vector<16xf32>
        %swap3A_79 = arith.index_cast %add3A_74 : i32 to index
        %swap3A_80 = arith.constant 0 : index
        %swap3A_81 = tpu.vector_load %arg12[%swap3A_79, %swap3A_80] {strides = array<i32>} : memref<128x64xf32, #tpu.memory_space<vmem>>, vector<16xf32>,
        tpu.vector_store %arg12[%swap3A_79, %swap3A_80], %mul3A_78 {strides = array<i32>} : memref<128x64xf32, #tpu.memory_space<vmem>>, vector<16xf32>,
        %get3A_82 = arith.index_cast %add3A_74 : i32 to index
        %get3A_83 = arith.constant 16 : index
        %get3A_84 = tpu.vector_load %arg12[%get3A_82, %get3A_83] {strides = array<i32>} : memref<128x64xf32, #tpu.memory_space<vmem>>, vector<16xf32>,
        %mul3A_85 = arith.mulf %get3A_84, %broadcast_in_dim3A_70 : vector<16xf32>
        %swap3A_86 = arith.index_cast %add3A_74 : i32 to index
        %swap3A_87 = arith.constant 16 : index
        %swap3A_88 = tpu.vector_load %arg12[%swap3A_86, %swap3A_87] {strides = array<i32>} : memref<128x64xf32, #tpu.memory_space<vmem>>, vector<16xf32>,
        tpu.vector_store %arg12[%swap3A_86, %swap3A_87], %mul3A_85 {strides = array<i32>} : memref<128x64xf32, #tpu.memory_space<vmem>>, vector<16xf32>,
        %get3A_89 = arith.index_cast %add3A_74 : i32 to index
        %get3A_90 = arith.constant 32 : index
        %get3A_91 = tpu.vector_load %arg12[%get3A_89, %get3A_90] {strides = array<i32>} : memref<128x64xf32, #tpu.memory_space<vmem>>, vector<16xf32>,
        %mul3A_92 = arith.mulf %get3A_91, %broadcast_in_dim3A_70 : vector<16xf32>
        %swap3A_93 = arith.index_cast %add3A_74 : i32 to index
        %swap3A_94 = arith.constant 32 : index
        %swap3A_95 = tpu.vector_load %arg12[%swap3A_93, %swap3A_94] {strides = array<i32>} : memref<128x64xf32, #tpu.memory_space<vmem>>, vector<16xf32>,
        tpu.vector_store %arg12[%swap3A_93, %swap3A_94], %mul3A_92 {strides = array<i32>} : memref<128x64xf32, #tpu.memory_space<vmem>>, vector<16xf32>,
        %get3A_96 = arith.index_cast %add3A_74 : i32 to index
        %get3A_97 = arith.constant 48 : index
        %get3A_98 = tpu.vector_load %arg12[%get3A_96, %get3A_97] {strides = array<i32>} : memref<128x64xf32, #tpu.memory_space<vmem>>, vector<16xf32>,
        %mul3A_99 = arith.mulf %get3A_98, %broadcast_in_dim3A_70 : vector<16xf32>
        %swap3A_100 = arith.index_cast %add3A_74 : i32 to index
        %swap3A_101 = arith.constant 48 : index
        %swap3A_102 = tpu.vector_load %arg12[%swap3A_100, %swap3A_101] {strides = array<i32>} : memref<128x64xf32, #tpu.memory_space<vmem>>, vector<16xf32>,
        tpu.vector_store %arg12[%swap3A_100, %swap3A_101], %mul3A_99 {strides = array<i32>} : memref<128x64xf32, #tpu.memory_space<vmem>>, vector<16xf32>,
        %slice3A_103 = vector.extract_strided_slice %get3A_36 {offsets = [2], sizes = [1], strides = [1]} : vector<16xf32> to vector<1xf32>
        %squeeze3A_104 = vector.extract %slice3A_103[0] : f32 from vector<1xf32>
        %broadcast_in_dim3A_105 = vector.broadcast %squeeze3A_104 : f32 to vector<16xf32>
        %mul3A_106 = arith.constant 16 : i32
        %mul3A_107 = arith.muli %scan3A_32, %mul3A_106 : i32
        %add3A_108 = arith.constant 2 : i32
        %add3A_109 = arith.addi %mul3A_107, %add3A_108 : i32
        %get3A_110 = arith.index_cast %add3A_109 : i32 to index
        %get3A_111 = arith.constant 0 : index
        %get3A_112 = tpu.vector_load %arg12[%get3A_110, %get3A_111] {strides = array<i32>} : memref<128x64xf32, #tpu.memory_space<vmem>>, vector<16xf32>,
        %mul3A_113 = arith.mulf %get3A_112, %broadcast_in_dim3A_105 : vector<16xf32>
        %swap3A_114 = arith.index_cast %add3A_109 : i32 to index
        %swap3A_115 = arith.constant 0 : index
        %swap3A_116 = tpu.vector_load %arg12[%swap3A_114, %swap3A_115] {strides = array<i32>} : memref<128x64xf32, #tpu.memory_space<vmem>>, vector<16xf32>,
        tpu.vector_store %arg12[%swap3A_114, %swap3A_115], %mul3A_113 {strides = array<i32>} : memref<128x64xf32, #tpu.memory_space<vmem>>, vector<16xf32>,
        %get3A_117 = arith.index_cast %add3A_109 : i32 to index
        %get3A_118 = arith.constant 16 : index
        %get3A_119 = tpu.vector_load %arg12[%get3A_117, %get3A_118] {strides = array<i32>} : memref<128x64xf32, #tpu.memory_space<vmem>>, vector<16xf32>,
        %mul3A_120 = arith.mulf %get3A_119, %broadcast_in_dim3A_105 : vector<16xf32>
        %swap3A_121 = arith.index_cast %add3A_109 : i32 to index
        %swap3A_122 = arith.constant 16 : index
        %swap3A_123 = tpu.vector_load %arg12[%swap3A_121, %swap3A_122] {strides = array<i32>} : memref<128x64xf32, #tpu.memory_space<vmem>>, vector<16xf32>,
        tpu.vector_store %arg12[%swap3A_121, %swap3A_122], %mul3A_120 {strides = array<i32>} : memref<128x64xf32, #tpu.memory_space<vmem>>, vector<16xf32>,
        %get3A_124 = arith.index_cast %add3A_109 : i32 to index
        %get3A_125 = arith.constant 32 : index
        %get3A_126 = tpu.vector_load %arg12[%get3A_124, %get3A_125] {strides = array<i32>} : memref<128x64xf32, #tpu.memory_space<vmem>>, vector<16xf32>,
        %mul3A_127 = arith.mulf %get3A_126, %broadcast_in_dim3A_105 : vector<16xf32>
        %swap3A_128 = arith.index_cast %add3A_109 : i32 to index
        %swap3A_129 = arith.constant 32 : index
        %swap3A_130 = tpu.vector_load %arg12[%swap3A_128, %swap3A_129] {strides = array<i32>} : memref<128x64xf32, #tpu.memory_space<vmem>>, vector<16xf32>,
        tpu.vector_store %arg12[%swap3A_128, %swap3A_129], %mul3A_127 {strides = array<i32>} : memref<128x64xf32, #tpu.memory_space<vmem>>, vector<16xf32>,
        %get3A_131 = arith.index_cast %add3A_109 : i32 to index
        %get3A_132 = arith.constant 48 : index
        %get3A_133 = tpu.vector_load %arg12[%get3A_131, %get3A_132] {strides = array<i32>} : memref<128x64xf32, #tpu.memory_space<vmem>>, vector<16xf32>,
        %mul3A_134 = arith.mulf %get3A_133, %broadcast_in_dim3A_105 : vector<16xf32>
        %swap3A_135 = arith.index_cast %add3A_109 : i32 to index
        %swap3A_136 = arith.constant 48 : index
        %swap3A_137 = tpu.vector_load %arg12[%swap3A_135, %swap3A_136] {strides = array<i32>} : memref<128x64xf32, #tpu.memory_space<vmem>>, vector<16xf32>,
        tpu.vector_store %arg12[%swap3A_135, %swap3A_136], %mul3A_134 {strides = array<i32>} : memref<128x64xf32, #tpu.memory_space<vmem>>, vector<16xf32>,
        %slice3A_138 = vector.extract_strided_slice %get3A_36 {offsets = [3], sizes = [1], strides = [1]} : vector<16xf32> to vector<1xf32>
        %squeeze3A_139 = vector.extract %slice3A_138[0] : f32 from vector<1xf32>
        %broadcast_in_dim3A_140 = vector.broadcast %squeeze3A_139 : f32 to vector<16xf32>
        %mul3A_141 = arith.constant 16 : i32
        %mul3A_142 = arith.muli %scan3A_32, %mul3A_141 : i32
        %add3A_143 = arith.constant 3 : i32
        %add3A_144 = arith.addi %mul3A_142, %add3A_143 : i32
        %get3A_145 = arith.index_cast %add3A_144 : i32 to index
        %get3A_146 = arith.constant 0 : index
        %get3A_147 = tpu.vector_load %arg12[%get3A_145, %get3A_146] {strides = array<i32>} : memref<128x64xf32, #tpu.memory_space<vmem>>, vector<16xf32>,
        %mul3A_148 = arith.mulf %get3A_147, %broadcast_in_dim3A_140 : vector<16xf32>
        %swap3A_149 = arith.index_cast %add3A_144 : i32 to index
        %swap3A_150 = arith.constant 0 : index
        %swap3A_151 = tpu.vector_load %arg12[%swap3A_149, %swap3A_150] {strides = array<i32>} : memref<128x64xf32, #tpu.memory_space<vmem>>, vector<16xf32>,
        tpu.vector_store %arg12[%swap3A_149, %swap3A_150], %mul3A_148 {strides = array<i32>} : memref<128x64xf32, #tpu.memory_space<vmem>>, vector<16xf32>,
        %get3A_152 = arith.index_cast %add3A_144 : i32 to index
        %get3A_153 = arith.constant 16 : index
        %get3A_154 = tpu.vector_load %arg12[%get3A_152, %get3A_153] {strides = array<i32>} : memref<128x64xf32, #tpu.memory_space<vmem>>, vector<16xf32>,
        %mul3A_155 = arith.mulf %get3A_154, %broadcast_in_dim3A_140 : vector<16xf32>
        %swap3A_156 = arith.index_cast %add3A_144 : i32 to index
        %swap3A_157 = arith.constant 16 : index
        %swap3A_158 = tpu.vector_load %arg12[%swap3A_156, %swap3A_157] {strides = array<i32>} : memref<128x64xf32, #tpu.memory_space<vmem>>, vector<16xf32>,
        tpu.vector_store %arg12[%swap3A_156, %swap3A_157], %mul3A_155 {strides = array<i32>} : memref<128x64xf32, #tpu.memory_space<vmem>>, vector<16xf32>,
        %get3A_159 = arith.index_cast %add3A_144 : i32 to index
        %get3A_160 = arith.constant 32 : index
        %get3A_161 = tpu.vector_load %arg12[%get3A_159, %get3A_160] {strides = array<i32>} : memref<128x64xf32, #tpu.memory_space<vmem>>, vector<16xf32>,
        %mul3A_162 = arith.mulf %get3A_161, %broadcast_in_dim3A_140 : vector<16xf32>
        %swap3A_163 = arith.index_cast %add3A_144 : i32 to index
        %swap3A_164 = arith.constant 32 : index
        %swap3A_165 = tpu.vector_load %arg12[%swap3A_163, %swap3A_164] {strides = array<i32>} : memref<128x64xf32, #tpu.memory_space<vmem>>, vector<16xf32>,
        tpu.vector_store %arg12[%swap3A_163, %swap3A_164], %mul3A_162 {strides = array<i32>} : memref<128x64xf32, #tpu.memory_space<vmem>>, vector<16xf32>,
        %get3A_166 = arith.index_cast %add3A_144 : i32 to index
        %get3A_167 = arith.constant 48 : index
        %get3A_168 = tpu.vector_load %arg12[%get3A_166, %get3A_167] {strides = array<i32>} : memref<128x64xf32, #tpu.memory_space<vmem>>, vector<16xf32>,
        %mul3A_169 = arith.mulf %get3A_168, %broadcast_in_dim3A_140 : vector<16xf32>
        %swap3A_170 = arith.index_cast %add3A_144 : i32 to index
        %swap3A_171 = arith.constant 48 : index
        %swap3A_172 = tpu.vector_load %arg12[%swap3A_170, %swap3A_171] {strides = array<i32>} : memref<128x64xf32, #tpu.memory_space<vmem>>, vector<16xf32>,
        tpu.vector_store %arg12[%swap3A_170, %swap3A_171], %mul3A_169 {strides = array<i32>} : memref<128x64xf32, #tpu.memory_space<vmem>>, vector<16xf32>,
        %slice3A_173 = vector.extract_strided_slice %get3A_36 {offsets = [4], sizes = [1], strides = [1]} : vector<16xf32> to vector<1xf32>
        %squeeze3A_174 = vector.extract %slice3A_173[0] : f32 from vector<1xf32>
        %broadcast_in_dim3A_175 = vector.broadcast %squeeze3A_174 : f32 to vector<16xf32>
        %mul3A_176 = arith.constant 16 : i32
        %mul3A_177 = arith.muli %scan3A_32, %mul3A_176 : i32
        %add3A_178 = arith.constant 4 : i32
        %add3A_179 = arith.addi %mul3A_177, %add3A_178 : i32
        %get3A_180 = arith.index_cast %add3A_179 : i32 to index
        %get3A_181 = arith.constant 0 : index
        %get3A_182 = tpu.vector_load %arg12[%get3A_180, %get3A_181] {strides = array<i32>} : memref<128x64xf32, #tpu.memory_space<vmem>>, vector<16xf32>,
        %mul3A_183 = arith.mulf %get3A_182, %broadcast_in_dim3A_175 : vector<16xf32>
        %swap3A_184 = arith.index_cast %add3A_179 : i32 to index
        %swap3A_185 = arith.constant 0 : index
        %swap3A_186 = tpu.vector_load %arg12[%swap3A_184, %swap3A_185] {strides = array<i32>} : memref<128x64xf32, #tpu.memory_space<vmem>>, vector<16xf32>,
        tpu.vector_store %arg12[%swap3A_184, %swap3A_185], %mul3A_183 {strides = array<i32>} : memref<128x64xf32, #tpu.memory_space<vmem>>, vector<16xf32>,
        %get3A_187 = arith.index_cast %add3A_179 : i32 to index
        %get3A_188 = arith.constant 16 : index
        %get3A_189 = tpu.vector_load %arg12[%get3A_187, %get3A_188] {strides = array<i32>} : memref<128x64xf32, #tpu.memory_space<vmem>>, vector<16xf32>,
        %mul3A_190 = arith.mulf %get3A_189, %broadcast_in_dim3A_175 : vector<16xf32>
        %swap3A_191 = arith.index_cast %add3A_179 : i32 to index
        %swap3A_192 = arith.constant 16 : index
        %swap3A_193 = tpu.vector_load %arg12[%swap3A_191, %swap3A_192] {strides = array<i32>} : memref<128x64xf32, #tpu.memory_space<vmem>>, vector<16xf32>,
        tpu.vector_store %arg12[%swap3A_191, %swap3A_192], %mul3A_190 {strides = array<i32>} : memref<128x64xf32, #tpu.memory_space<vmem>>, vector<16xf32>,
        %get3A_194 = arith.index_cast %add3A_179 : i32 to index
        %get3A_195 = arith.constant 32 : index
        %get3A_196 = tpu.vector_load %arg12[%get3A_194, %get3A_195] {strides = array<i32>} : memref<128x64xf32, #tpu.memory_space<vmem>>, vector<16xf32>,
        %mul3A_197 = arith.mulf %get3A_196, %broadcast_in_dim3A_175 : vector<16xf32>
        %swap3A_198 = arith.index_cast %add3A_179 : i32 to index
        %swap3A_199 = arith.constant 32 : index
        %swap3A_200 = tpu.vector_load %arg12[%swap3A_198, %swap3A_199] {strides = array<i32>} : memref<128x64xf32, #tpu.memory_space<vmem>>, vector<16xf32>,
        tpu.vector_store %arg12[%swap3A_198, %swap3A_199], %mul3A_197 {strides = array<i32>} : memref<128x64xf32, #tpu.memory_space<vmem>>, vector<16xf32>,
        %get3A_201 = arith.index_cast %add3A_179 : i32 to index
        %get3A_202 = arith.constant 48 : index
        %get3A_203 = tpu.vector_load %arg12[%get3A_201, %get3A_202] {strides = array<i32>} : memref<128x64xf32, #tpu.memory_space<vmem>>, vector<16xf32>,
        %mul3A_204 = arith.mulf %get3A_203, %broadcast_in_dim3A_175 : vector<16xf32>
        %swap3A_205 = arith.index_cast %add3A_179 : i32 to index
        %swap3A_206 = arith.constant 48 : index
        %swap3A_207 = tpu.vector_load %arg12[%swap3A_205, %swap3A_206] {strides = array<i32>} : memref<128x64xf32, #tpu.memory_space<vmem>>, vector<16xf32>,
        tpu.vector_store %arg12[%swap3A_205, %swap3A_206], %mul3A_204 {strides = array<i32>} : memref<128x64xf32, #tpu.memory_space<vmem>>, vector<16xf32>,
        %slice3A_208 = vector.extract_strided_slice %get3A_36 {offsets = [5], sizes = [1], strides = [1]} : vector<16xf32> to vector<1xf32>
        %squeeze3A_209 = vector.extract %slice3A_208[0] : f32 from vector<1xf32>
        %broadcast_in_dim3A_210 = vector.broadcast %squeeze3A_209 : f32 to vector<16xf32>
        %mul3A_211 = arith.constant 16 : i32
        %mul3A_212 = arith.muli %scan3A_32, %mul3A_211 : i32
        %add3A_213 = arith.constant 5 : i32
        %add3A_214 = arith.addi %mul3A_212, %add3A_213 : i32
        %get3A_215 = arith.index_cast %add3A_214 : i32 to index
        %get3A_216 = arith.constant 0 : index
        %get3A_217 = tpu.vector_load %arg12[%get3A_215, %get3A_216] {strides = array<i32>} : memref<128x64xf32, #tpu.memory_space<vmem>>, vector<16xf32>,
        %mul3A_218 = arith.mulf %get3A_217, %broadcast_in_dim3A_210 : vector<16xf32>
        %swap3A_219 = arith.index_cast %add3A_214 : i32 to index
        %swap3A_220 = arith.constant 0 : index
        %swap3A_221 = tpu.vector_load %arg12[%swap3A_219, %swap3A_220] {strides = array<i32>} : memref<128x64xf32, #tpu.memory_space<vmem>>, vector<16xf32>,
        tpu.vector_store %arg12[%swap3A_219, %swap3A_220], %mul3A_218 {strides = array<i32>} : memref<128x64xf32, #tpu.memory_space<vmem>>, vector<16xf32>,
        %get3A_222 = arith.index_cast %add3A_214 : i32 to index
        %get3A_223 = arith.constant 16 : index
        %get3A_224 = tpu.vector_load %arg12[%get3A_222, %get3A_223] {strides = array<i32>} : memref<128x64xf32, #tpu.memory_space<vmem>>, vector<16xf32>,
        %mul3A_225 = arith.mulf %get3A_224, %broadcast_in_dim3A_210 : vector<16xf32>
        %swap3A_226 = arith.index_cast %add3A_214 : i32 to index
        %swap3A_227 = arith.constant 16 : index
        %swap3A_228 = tpu.vector_load %arg12[%swap3A_226, %swap3A_227] {strides = array<i32>} : memref<128x64xf32, #tpu.memory_space<vmem>>, vector<16xf32>,
        tpu.vector_store %arg12[%swap3A_226, %swap3A_227], %mul3A_225 {strides = array<i32>} : memref<128x64xf32, #tpu.memory_space<vmem>>, vector<16xf32>,
        %get3A_229 = arith.index_cast %add3A_214 : i32 to index
        %get3A_230 = arith.constant 32 : index
        %get3A_231 = tpu.vector_load %arg12[%get3A_229, %get3A_230] {strides = array<i32>} : memref<128x64xf32, #tpu.memory_space<vmem>>, vector<16xf32>,
        %mul3A_232 = arith.mulf %get3A_231, %broadcast_in_dim3A_210 : vector<16xf32>
        %swap3A_233 = arith.index_cast %add3A_214 : i32 to index
        %swap3A_234 = arith.constant 32 : index
        %swap3A_235 = tpu.vector_load %arg12[%swap3A_233, %swap3A_234] {strides = array<i32>} : memref<128x64xf32, #tpu.memory_space<vmem>>, vector<16xf32>,
        tpu.vector_store %arg12[%swap3A_233, %swap3A_234], %mul3A_232 {strides = array<i32>} : memref<128x64xf32, #tpu.memory_space<vmem>>, vector<16xf32>,
        %get3A_236 = arith.index_cast %add3A_214 : i32 to index
        %get3A_237 = arith.constant 48 : index
        %get3A_238 = tpu.vector_load %arg12[%get3A_236, %get3A_237] {strides = array<i32>} : memref<128x64xf32, #tpu.memory_space<vmem>>, vector<16xf32>,
        %mul3A_239 = arith.mulf %get3A_238, %broadcast_in_dim3A_210 : vector<16xf32>
        %swap3A_240 = arith.index_cast %add3A_214 : i32 to index
        %swap3A_241 = arith.constant 48 : index
        %swap3A_242 = tpu.vector_load %arg12[%swap3A_240, %swap3A_241] {strides = array<i32>} : memref<128x64xf32, #tpu.memory_space<vmem>>, vector<16xf32>,
        tpu.vector_store %arg12[%swap3A_240, %swap3A_241], %mul3A_239 {strides = array<i32>} : memref<128x64xf32, #tpu.memory_space<vmem>>, vector<16xf32>,
        %slice3A_243 = vector.extract_strided_slice %get3A_36 {offsets = [6], sizes = [1], strides = [1]} : vector<16xf32> to vector<1xf32>
        %squeeze3A_244 = vector.extract %slice3A_243[0] : f32 from vector<1xf32>
        %broadcast_in_dim3A_245 = vector.broadcast %squeeze3A_244 : f32 to vector<16xf32>
        %mul3A_246 = arith.constant 16 : i32
        %mul3A_247 = arith.muli %scan3A_32, %mul3A_246 : i32
        %add3A_248 = arith.constant 6 : i32
        %add3A_249 = arith.addi %mul3A_247, %add3A_248 : i32
        %get3A_250 = arith.index_cast %add3A_249 : i32 to index
        %get3A_251 = arith.constant 0 : index
        %get3A_252 = tpu.vector_load %arg12[%get3A_250, %get3A_251] {strides = array<i32>} : memref<128x64xf32, #tpu.memory_space<vmem>>, vector<16xf32>,
        %mul3A_253 = arith.mulf %get3A_252, %broadcast_in_dim3A_245 : vector<16xf32>
        %swap3A_254 = arith.index_cast %add3A_249 : i32 to index
        %swap3A_255 = arith.constant 0 : index
        %swap3A_256 = tpu.vector_load %arg12[%swap3A_254, %swap3A_255] {strides = array<i32>} : memref<128x64xf32, #tpu.memory_space<vmem>>, vector<16xf32>,
        tpu.vector_store %arg12[%swap3A_254, %swap3A_255], %mul3A_253 {strides = array<i32>} : memref<128x64xf32, #tpu.memory_space<vmem>>, vector<16xf32>,
        %get3A_257 = arith.index_cast %add3A_249 : i32 to index
        %get3A_258 = arith.constant 16 : index
        %get3A_259 = tpu.vector_load %arg12[%get3A_257, %get3A_258] {strides = array<i32>} : memref<128x64xf32, #tpu.memory_space<vmem>>, vector<16xf32>,
        %mul3A_260 = arith.mulf %get3A_259, %broadcast_in_dim3A_245 : vector<16xf32>
        %swap3A_261 = arith.index_cast %add3A_249 : i32 to index
        %swap3A_262 = arith.constant 16 : index
        %swap3A_263 = tpu.vector_load %arg12[%swap3A_261, %swap3A_262] {strides = array<i32>} : memref<128x64xf32, #tpu.memory_space<vmem>>, vector<16xf32>,
        tpu.vector_store %arg12[%swap3A_261, %swap3A_262], %mul3A_260 {strides = array<i32>} : memref<128x64xf32, #tpu.memory_space<vmem>>, vector<16xf32>,
        %get3A_264 = arith.index_cast %add3A_249 : i32 to index
        %get3A_265 = arith.constant 32 : index
        %get3A_266 = tpu.vector_load %arg12[%get3A_264, %get3A_265] {strides = array<i32>} : memref<128x64xf32, #tpu.memory_space<vmem>>, vector<16xf32>,
        %mul3A_267 = arith.mulf %get3A_266, %broadcast_in_dim3A_245 : vector<16xf32>
        %swap3A_268 = arith.index_cast %add3A_249 : i32 to index
        %swap3A_269 = arith.constant 32 : index
        %swap3A_270 = tpu.vector_load %arg12[%swap3A_268, %swap3A_269] {strides = array<i32>} : memref<128x64xf32, #tpu.memory_space<vmem>>, vector<16xf32>,
        tpu.vector_store %arg12[%swap3A_268, %swap3A_269], %mul3A_267 {strides = array<i32>} : memref<128x64xf32, #tpu.memory_space<vmem>>, vector<16xf32>,
        %get3A_271 = arith.index_cast %add3A_249 : i32 to index
        %get3A_272 = arith.constant 48 : index
        %get3A_273 = tpu.vector_load %arg12[%get3A_271, %get3A_272] {strides = array<i32>} : memref<128x64xf32, #tpu.memory_space<vmem>>, vector<16xf32>,
        %mul3A_274 = arith.mulf %get3A_273, %broadcast_in_dim3A_245 : vector<16xf32>
        %swap3A_275 = arith.index_cast %add3A_249 : i32 to index
        %swap3A_276 = arith.constant 48 : index
        %swap3A_277 = tpu.vector_load %arg12[%swap3A_275, %swap3A_276] {strides = array<i32>} : memref<128x64xf32, #tpu.memory_space<vmem>>, vector<16xf32>,
        tpu.vector_store %arg12[%swap3A_275, %swap3A_276], %mul3A_274 {strides = array<i32>} : memref<128x64xf32, #tpu.memory_space<vmem>>, vector<16xf32>,
        %slice3A_278 = vector.extract_strided_slice %get3A_36 {offsets = [7], sizes = [1], strides = [1]} : vector<16xf32> to vector<1xf32>
        %squeeze3A_279 = vector.extract %slice3A_278[0] : f32 from vector<1xf32>
        %broadcast_in_dim3A_280 = vector.broadcast %squeeze3A_279 : f32 to vector<16xf32>
        %mul3A_281 = arith.constant 16 : i32
        %mul3A_282 = arith.muli %scan3A_32, %mul3A_281 : i32
        %add3A_283 = arith.constant 7 : i32
        %add3A_284 = arith.addi %mul3A_282, %add3A_283 : i32
        %get3A_285 = arith.index_cast %add3A_284 : i32 to index
        %get3A_286 = arith.constant 0 : index
        %get3A_287 = tpu.vector_load %arg12[%get3A_285, %get3A_286] {strides = array<i32>} : memref<128x64xf32, #tpu.memory_space<vmem>>, vector<16xf32>,
        %mul3A_288 = arith.mulf %get3A_287, %broadcast_in_dim3A_280 : vector<16xf32>
        %swap3A_289 = arith.index_cast %add3A_284 : i32 to index
        %swap3A_290 = arith.constant 0 : index
        %swap3A_291 = tpu.vector_load %arg12[%swap3A_289, %swap3A_290] {strides = array<i32>} : memref<128x64xf32, #tpu.memory_space<vmem>>, vector<16xf32>,
        tpu.vector_store %arg12[%swap3A_289, %swap3A_290], %mul3A_288 {strides = array<i32>} : memref<128x64xf32, #tpu.memory_space<vmem>>, vector<16xf32>,
        %get3A_292 = arith.index_cast %add3A_284 : i32 to index
        %get3A_293 = arith.constant 16 : index
        %get3A_294 = tpu.vector_load %arg12[%get3A_292, %get3A_293] {strides = array<i32>} : memref<128x64xf32, #tpu.memory_space<vmem>>, vector<16xf32>,
        %mul3A_295 = arith.mulf %get3A_294, %broadcast_in_dim3A_280 : vector<16xf32>
        %swap3A_296 = arith.index_cast %add3A_284 : i32 to index
        %swap3A_297 = arith.constant 16 : index
        %swap3A_298 = tpu.vector_load %arg12[%swap3A_296, %swap3A_297] {strides = array<i32>} : memref<128x64xf32, #tpu.memory_space<vmem>>, vector<16xf32>,
        tpu.vector_store %arg12[%swap3A_296, %swap3A_297], %mul3A_295 {strides = array<i32>} : memref<128x64xf32, #tpu.memory_space<vmem>>, vector<16xf32>,
        %get3A_299 = arith.index_cast %add3A_284 : i32 to index
        %get3A_300 = arith.constant 32 : index
        %get3A_301 = tpu.vector_load %arg12[%get3A_299, %get3A_300] {strides = array<i32>} : memref<128x64xf32, #tpu.memory_space<vmem>>, vector<16xf32>,
        %mul3A_302 = arith.mulf %get3A_301, %broadcast_in_dim3A_280 : vector<16xf32>
        %swap3A_303 = arith.index_cast %add3A_284 : i32 to index
        %swap3A_304 = arith.constant 32 : index
        %swap3A_305 = tpu.vector_load %arg12[%swap3A_303, %swap3A_304] {strides = array<i32>} : memref<128x64xf32, #tpu.memory_space<vmem>>, vector<16xf32>,
        tpu.vector_store %arg12[%swap3A_303, %swap3A_304], %mul3A_302 {strides = array<i32>} : memref<128x64xf32, #tpu.memory_space<vmem>>, vector<16xf32>,
        %get3A_306 = arith.index_cast %add3A_284 : i32 to index
        %get3A_307 = arith.constant 48 : index
        %get3A_308 = tpu.vector_load %arg12[%get3A_306, %get3A_307] {strides = array<i32>} : memref<128x64xf32, #tpu.memory_space<vmem>>, vector<16xf32>,
        %mul3A_309 = arith.mulf %get3A_308, %broadcast_in_dim3A_280 : vector<16xf32>
        %swap3A_310 = arith.index_cast %add3A_284 : i32 to index
        %swap3A_311 = arith.constant 48 : index
        %swap3A_312 = tpu.vector_load %arg12[%swap3A_310, %swap3A_311] {strides = array<i32>} : memref<128x64xf32, #tpu.memory_space<vmem>>, vector<16xf32>,
        tpu.vector_store %arg12[%swap3A_310, %swap3A_311], %mul3A_309 {strides = array<i32>} : memref<128x64xf32, #tpu.memory_space<vmem>>, vector<16xf32>,
        %slice3A_313 = vector.extract_strided_slice %get3A_36 {offsets = [8], sizes = [1], strides = [1]} : vector<16xf32> to vector<1xf32>
        %squeeze3A_314 = vector.extract %slice3A_313[0] : f32 from vector<1xf32>
        %broadcast_in_dim3A_315 = vector.broadcast %squeeze3A_314 : f32 to vector<16xf32>
        %mul3A_316 = arith.constant 16 : i32
        %mul3A_317 = arith.muli %scan3A_32, %mul3A_316 : i32
        %add3A_318 = arith.constant 8 : i32
        %add3A_319 = arith.addi %mul3A_317, %add3A_318 : i32
        %get3A_320 = arith.index_cast %add3A_319 : i32 to index
        %get3A_321 = arith.constant 0 : index
        %get3A_322 = tpu.vector_load %arg12[%get3A_320, %get3A_321] {strides = array<i32>} : memref<128x64xf32, #tpu.memory_space<vmem>>, vector<16xf32>,
        %mul3A_323 = arith.mulf %get3A_322, %broadcast_in_dim3A_315 : vector<16xf32>
        %swap3A_324 = arith.index_cast %add3A_319 : i32 to index
        %swap3A_325 = arith.constant 0 : index
        %swap3A_326 = tpu.vector_load %arg12[%swap3A_324, %swap3A_325] {strides = array<i32>} : memref<128x64xf32, #tpu.memory_space<vmem>>, vector<16xf32>,
        tpu.vector_store %arg12[%swap3A_324, %swap3A_325], %mul3A_323 {strides = array<i32>} : memref<128x64xf32, #tpu.memory_space<vmem>>, vector<16xf32>,
        %get3A_327 = arith.index_cast %add3A_319 : i32 to index
        %get3A_328 = arith.constant 16 : index
        %get3A_329 = tpu.vector_load %arg12[%get3A_327, %get3A_328] {strides = array<i32>} : memref<128x64xf32, #tpu.memory_space<vmem>>, vector<16xf32>,
        %mul3A_330 = arith.mulf %get3A_329, %broadcast_in_dim3A_315 : vector<16xf32>
        %swap3A_331 = arith.index_cast %add3A_319 : i32 to index
        %swap3A_332 = arith.constant 16 : index
        %swap3A_333 = tpu.vector_load %arg12[%swap3A_331, %swap3A_332] {strides = array<i32>} : memref<128x64xf32, #tpu.memory_space<vmem>>, vector<16xf32>,
        tpu.vector_store %arg12[%swap3A_331, %swap3A_332], %mul3A_330 {strides = array<i32>} : memref<128x64xf32, #tpu.memory_space<vmem>>, vector<16xf32>,
        %get3A_334 = arith.index_cast %add3A_319 : i32 to index
        %get3A_335 = arith.constant 32 : index
        %get3A_336 = tpu.vector_load %arg12[%get3A_334, %get3A_335] {strides = array<i32>} : memref<128x64xf32, #tpu.memory_space<vmem>>, vector<16xf32>,
        %mul3A_337 = arith.mulf %get3A_336, %broadcast_in_dim3A_315 : vector<16xf32>
        %swap3A_338 = arith.index_cast %add3A_319 : i32 to index
        %swap3A_339 = arith.constant 32 : index
        %swap3A_340 = tpu.vector_load %arg12[%swap3A_338, %swap3A_339] {strides = array<i32>} : memref<128x64xf32, #tpu.memory_space<vmem>>, vector<16xf32>,
        tpu.vector_store %arg12[%swap3A_338, %swap3A_339], %mul3A_337 {strides = array<i32>} : memref<128x64xf32, #tpu.memory_space<vmem>>, vector<16xf32>,
        %get3A_341 = arith.index_cast %add3A_319 : i32 to index
        %get3A_342 = arith.constant 48 : index
        %get3A_343 = tpu.vector_load %arg12[%get3A_341, %get3A_342] {strides = array<i32>} : memref<128x64xf32, #tpu.memory_space<vmem>>, vector<16xf32>,
        %mul3A_344 = arith.mulf %get3A_343, %broadcast_in_dim3A_315 : vector<16xf32>
        %swap3A_345 = arith.index_cast %add3A_319 : i32 to index
        %swap3A_346 = arith.constant 48 : index
        %swap3A_347 = tpu.vector_load %arg12[%swap3A_345, %swap3A_346] {strides = array<i32>} : memref<128x64xf32, #tpu.memory_space<vmem>>, vector<16xf32>,
        tpu.vector_store %arg12[%swap3A_345, %swap3A_346], %mul3A_344 {strides = array<i32>} : memref<128x64xf32, #tpu.memory_space<vmem>>, vector<16xf32>,
        %slice3A_348 = vector.extract_strided_slice %get3A_36 {offsets = [9], sizes = [1], strides = [1]} : vector<16xf32> to vector<1xf32>
        %squeeze3A_349 = vector.extract %slice3A_348[0] : f32 from vector<1xf32>
        %broadcast_in_dim3A_350 = vector.broadcast %squeeze3A_349 : f32 to vector<16xf32>
        %mul3A_351 = arith.constant 16 : i32
        %mul3A_352 = arith.muli %scan3A_32, %mul3A_351 : i32
        %add3A_353 = arith.constant 9 : i32
        %add3A_354 = arith.addi %mul3A_352, %add3A_353 : i32
        %get3A_355 = arith.index_cast %add3A_354 : i32 to index
        %get3A_356 = arith.constant 0 : index
        %get3A_357 = tpu.vector_load %arg12[%get3A_355, %get3A_356] {strides = array<i32>} : memref<128x64xf32, #tpu.memory_space<vmem>>, vector<16xf32>,
        %mul3A_358 = arith.mulf %get3A_357, %broadcast_in_dim3A_350 : vector<16xf32>
        %swap3A_359 = arith.index_cast %add3A_354 : i32 to index
        %swap3A_360 = arith.constant 0 : index
        %swap3A_361 = tpu.vector_load %arg12[%swap3A_359, %swap3A_360] {strides = array<i32>} : memref<128x64xf32, #tpu.memory_space<vmem>>, vector<16xf32>,
        tpu.vector_store %arg12[%swap3A_359, %swap3A_360], %mul3A_358 {strides = array<i32>} : memref<128x64xf32, #tpu.memory_space<vmem>>, vector<16xf32>,
        %get3A_362 = arith.index_cast %add3A_354 : i32 to index
        %get3A_363 = arith.constant 16 : index
        %get3A_364 = tpu.vector_load %arg12[%get3A_362, %get3A_363] {strides = array<i32>} : memref<128x64xf32, #tpu.memory_space<vmem>>, vector<16xf32>,
        %mul3A_365 = arith.mulf %get3A_364, %broadcast_in_dim3A_350 : vector<16xf32>
        %swap3A_366 = arith.index_cast %add3A_354 : i32 to index
        %swap3A_367 = arith.constant 16 : index
        %swap3A_368 = tpu.vector_load %arg12[%swap3A_366, %swap3A_367] {strides = array<i32>} : memref<128x64xf32, #tpu.memory_space<vmem>>, vector<16xf32>,
        tpu.vector_store %arg12[%swap3A_366, %swap3A_367], %mul3A_365 {strides = array<i32>} : memref<128x64xf32, #tpu.memory_space<vmem>>, vector<16xf32>,
        %get3A_369 = arith.index_cast %add3A_354 : i32 to index
        %get3A_370 = arith.constant 32 : index
        %get3A_371 = tpu.vector_load %arg12[%get3A_369, %get3A_370] {strides = array<i32>} : memref<128x64xf32, #tpu.memory_space<vmem>>, vector<16xf32>,
        %mul3A_372 = arith.mulf %get3A_371, %broadcast_in_dim3A_350 : vector<16xf32>
        %swap3A_373 = arith.index_cast %add3A_354 : i32 to index
        %swap3A_374 = arith.constant 32 : index
        %swap3A_375 = tpu.vector_load %arg12[%swap3A_373, %swap3A_374] {strides = array<i32>} : memref<128x64xf32, #tpu.memory_space<vmem>>, vector<16xf32>,
        tpu.vector_store %arg12[%swap3A_373, %swap3A_374], %mul3A_372 {strides = array<i32>} : memref<128x64xf32, #tpu.memory_space<vmem>>, vector<16xf32>,
        %get3A_376 = arith.index_cast %add3A_354 : i32 to index
        %get3A_377 = arith.constant 48 : index
        %get3A_378 = tpu.vector_load %arg12[%get3A_376, %get3A_377] {strides = array<i32>} : memref<128x64xf32, #tpu.memory_space<vmem>>, vector<16xf32>,
        %mul3A_379 = arith.mulf %get3A_378, %broadcast_in_dim3A_350 : vector<16xf32>
        %swap3A_380 = arith.index_cast %add3A_354 : i32 to index
        %swap3A_381 = arith.constant 48 : index
        %swap3A_382 = tpu.vector_load %arg12[%swap3A_380, %swap3A_381] {strides = array<i32>} : memref<128x64xf32, #tpu.memory_space<vmem>>, vector<16xf32>,
        tpu.vector_store %arg12[%swap3A_380, %swap3A_381], %mul3A_379 {strides = array<i32>} : memref<128x64xf32, #tpu.memory_space<vmem>>, vector<16xf32>,
        %slice3A_383 = vector.extract_strided_slice %get3A_36 {offsets = [10], sizes = [1], strides = [1]} : vector<16xf32> to vector<1xf32>
        %squeeze3A_384 = vector.extract %slice3A_383[0] : f32 from vector<1xf32>
        %broadcast_in_dim3A_385 = vector.broadcast %squeeze3A_384 : f32 to vector<16xf32>
        %mul3A_386 = arith.constant 16 : i32
        %mul3A_387 = arith.muli %scan3A_32, %mul3A_386 : i32
        %add3A_388 = arith.constant 10 : i32
        %add3A_389 = arith.addi %mul3A_387, %add3A_388 : i32
        %get3A_390 = arith.index_cast %add3A_389 : i32 to index
        %get3A_391 = arith.constant 0 : index
        %get3A_392 = tpu.vector_load %arg12[%get3A_390, %get3A_391] {strides = array<i32>} : memref<128x64xf32, #tpu.memory_space<vmem>>, vector<16xf32>,
        %mul3A_393 = arith.mulf %get3A_392, %broadcast_in_dim3A_385 : vector<16xf32>
        %swap3A_394 = arith.index_cast %add3A_389 : i32 to index
        %swap3A_395 = arith.constant 0 : index
        %swap3A_396 = tpu.vector_load %arg12[%swap3A_394, %swap3A_395] {strides = array<i32>} : memref<128x64xf32, #tpu.memory_space<vmem>>, vector<16xf32>,
        tpu.vector_store %arg12[%swap3A_394, %swap3A_395], %mul3A_393 {strides = array<i32>} : memref<128x64xf32, #tpu.memory_space<vmem>>, vector<16xf32>,
        %get3A_397 = arith.index_cast %add3A_389 : i32 to index
        %get3A_398 = arith.constant 16 : index
        %get3A_399 = tpu.vector_load %arg12[%get3A_397, %get3A_398] {strides = array<i32>} : memref<128x64xf32, #tpu.memory_space<vmem>>, vector<16xf32>,
        %mul3A_400 = arith.mulf %get3A_399, %broadcast_in_dim3A_385 : vector<16xf32>
        %swap3A_401 = arith.index_cast %add3A_389 : i32 to index
        %swap3A_402 = arith.constant 16 : index
        %swap3A_403 = tpu.vector_load %arg12[%swap3A_401, %swap3A_402] {strides = array<i32>} : memref<128x64xf32, #tpu.memory_space<vmem>>, vector<16xf32>,
        tpu.vector_store %arg12[%swap3A_401, %swap3A_402], %mul3A_400 {strides = array<i32>} : memref<128x64xf32, #tpu.memory_space<vmem>>, vector<16xf32>,
        %get3A_404 = arith.index_cast %add3A_389 : i32 to index
        %get3A_405 = arith.constant 32 : index
        %get3A_406 = tpu.vector_load %arg12[%get3A_404, %get3A_405] {strides = array<i32>} : memref<128x64xf32, #tpu.memory_space<vmem>>, vector<16xf32>,
        %mul3A_407 = arith.mulf %get3A_406, %broadcast_in_dim3A_385 : vector<16xf32>
        %swap3A_408 = arith.index_cast %add3A_389 : i32 to index
        %swap3A_409 = arith.constant 32 : index
        %swap3A_410 = tpu.vector_load %arg12[%swap3A_408, %swap3A_409] {strides = array<i32>} : memref<128x64xf32, #tpu.memory_space<vmem>>, vector<16xf32>,
        tpu.vector_store %arg12[%swap3A_408, %swap3A_409], %mul3A_407 {strides = array<i32>} : memref<128x64xf32, #tpu.memory_space<vmem>>, vector<16xf32>,
        %get3A_411 = arith.index_cast %add3A_389 : i32 to index
        %get3A_412 = arith.constant 48 : index
        %get3A_413 = tpu.vector_load %arg12[%get3A_411, %get3A_412] {strides = array<i32>} : memref<128x64xf32, #tpu.memory_space<vmem>>, vector<16xf32>,
        %mul3A_414 = arith.mulf %get3A_413, %broadcast_in_dim3A_385 : vector<16xf32>
        %swap3A_415 = arith.index_cast %add3A_389 : i32 to index
        %swap3A_416 = arith.constant 48 : index
        %swap3A_417 = tpu.vector_load %arg12[%swap3A_415, %swap3A_416] {strides = array<i32>} : memref<128x64xf32, #tpu.memory_space<vmem>>, vector<16xf32>,
        tpu.vector_store %arg12[%swap3A_415, %swap3A_416], %mul3A_414 {strides = array<i32>} : memref<128x64xf32, #tpu.memory_space<vmem>>, vector<16xf32>,
        %slice3A_418 = vector.extract_strided_slice %get3A_36 {offsets = [11], sizes = [1], strides = [1]} : vector<16xf32> to vector<1xf32>
        %squeeze3A_419 = vector.extract %slice3A_418[0] : f32 from vector<1xf32>
        %broadcast_in_dim3A_420 = vector.broadcast %squeeze3A_419 : f32 to vector<16xf32>
        %mul3A_421 = arith.constant 16 : i32
        %mul3A_422 = arith.muli %scan3A_32, %mul3A_421 : i32
        %add3A_423 = arith.constant 11 : i32
        %add3A_424 = arith.addi %mul3A_422, %add3A_423 : i32
        %get3A_425 = arith.index_cast %add3A_424 : i32 to index
        %get3A_426 = arith.constant 0 : index
        %get3A_427 = tpu.vector_load %arg12[%get3A_425, %get3A_426] {strides = array<i32>} : memref<128x64xf32, #tpu.memory_space<vmem>>, vector<16xf32>,
        %mul3A_428 = arith.mulf %get3A_427, %broadcast_in_dim3A_420 : vector<16xf32>
        %swap3A_429 = arith.index_cast %add3A_424 : i32 to index
        %swap3A_430 = arith.constant 0 : index
        %swap3A_431 = tpu.vector_load %arg12[%swap3A_429, %swap3A_430] {strides = array<i32>} : memref<128x64xf32, #tpu.memory_space<vmem>>, vector<16xf32>,
        tpu.vector_store %arg12[%swap3A_429, %swap3A_430], %mul3A_428 {strides = array<i32>} : memref<128x64xf32, #tpu.memory_space<vmem>>, vector<16xf32>,
        %get3A_432 = arith.index_cast %add3A_424 : i32 to index
        %get3A_433 = arith.constant 16 : index
        %get3A_434 = tpu.vector_load %arg12[%get3A_432, %get3A_433] {strides = array<i32>} : memref<128x64xf32, #tpu.memory_space<vmem>>, vector<16xf32>,
        %mul3A_435 = arith.mulf %get3A_434, %broadcast_in_dim3A_420 : vector<16xf32>
        %swap3A_436 = arith.index_cast %add3A_424 : i32 to index
        %swap3A_437 = arith.constant 16 : index
        %swap3A_438 = tpu.vector_load %arg12[%swap3A_436, %swap3A_437] {strides = array<i32>} : memref<128x64xf32, #tpu.memory_space<vmem>>, vector<16xf32>,
        tpu.vector_store %arg12[%swap3A_436, %swap3A_437], %mul3A_435 {strides = array<i32>} : memref<128x64xf32, #tpu.memory_space<vmem>>, vector<16xf32>,
        %get3A_439 = arith.index_cast %add3A_424 : i32 to index
        %get3A_440 = arith.constant 32 : index
        %get3A_441 = tpu.vector_load %arg12[%get3A_439, %get3A_440] {strides = array<i32>} : memref<128x64xf32, #tpu.memory_space<vmem>>, vector<16xf32>,
        %mul3A_442 = arith.mulf %get3A_441, %broadcast_in_dim3A_420 : vector<16xf32>
        %swap3A_443 = arith.index_cast %add3A_424 : i32 to index
        %swap3A_444 = arith.constant 32 : index
        %swap3A_445 = tpu.vector_load %arg12[%swap3A_443, %swap3A_444] {strides = array<i32>} : memref<128x64xf32, #tpu.memory_space<vmem>>, vector<16xf32>,
        tpu.vector_store %arg12[%swap3A_443, %swap3A_444], %mul3A_442 {strides = array<i32>} : memref<128x64xf32, #tpu.memory_space<vmem>>, vector<16xf32>,
        %get3A_446 = arith.index_cast %add3A_424 : i32 to index
        %get3A_447 = arith.constant 48 : index
        %get3A_448 = tpu.vector_load %arg12[%get3A_446, %get3A_447] {strides = array<i32>} : memref<128x64xf32, #tpu.memory_space<vmem>>, vector<16xf32>,
        %mul3A_449 = arith.mulf %get3A_448, %broadcast_in_dim3A_420 : vector<16xf32>
        %swap3A_450 = arith.index_cast %add3A_424 : i32 to index
        %swap3A_451 = arith.constant 48 : index
        %swap3A_452 = tpu.vector_load %arg12[%swap3A_450, %swap3A_451] {strides = array<i32>} : memref<128x64xf32, #tpu.memory_space<vmem>>, vector<16xf32>,
        tpu.vector_store %arg12[%swap3A_450, %swap3A_451], %mul3A_449 {strides = array<i32>} : memref<128x64xf32, #tpu.memory_space<vmem>>, vector<16xf32>,
        %slice3A_453 = vector.extract_strided_slice %get3A_36 {offsets = [12], sizes = [1], strides = [1]} : vector<16xf32> to vector<1xf32>
        %squeeze3A_454 = vector.extract %slice3A_453[0] : f32 from vector<1xf32>
        %broadcast_in_dim3A_455 = vector.broadcast %squeeze3A_454 : f32 to vector<16xf32>
        %mul3A_456 = arith.constant 16 : i32
        %mul3A_457 = arith.muli %scan3A_32, %mul3A_456 : i32
        %add3A_458 = arith.constant 12 : i32
        %add3A_459 = arith.addi %mul3A_457, %add3A_458 : i32
        %get3A_460 = arith.index_cast %add3A_459 : i32 to index
        %get3A_461 = arith.constant 0 : index
        %get3A_462 = tpu.vector_load %arg12[%get3A_460, %get3A_461] {strides = array<i32>} : memref<128x64xf32, #tpu.memory_space<vmem>>, vector<16xf32>,
        %mul3A_463 = arith.mulf %get3A_462, %broadcast_in_dim3A_455 : vector<16xf32>
        %swap3A_464 = arith.index_cast %add3A_459 : i32 to index
        %swap3A_465 = arith.constant 0 : index
        %swap3A_466 = tpu.vector_load %arg12[%swap3A_464, %swap3A_465] {strides = array<i32>} : memref<128x64xf32, #tpu.memory_space<vmem>>, vector<16xf32>,
        tpu.vector_store %arg12[%swap3A_464, %swap3A_465], %mul3A_463 {strides = array<i32>} : memref<128x64xf32, #tpu.memory_space<vmem>>, vector<16xf32>,
        %get3A_467 = arith.index_cast %add3A_459 : i32 to index
        %get3A_468 = arith.constant 16 : index
        %get3A_469 = tpu.vector_load %arg12[%get3A_467, %get3A_468] {strides = array<i32>} : memref<128x64xf32, #tpu.memory_space<vmem>>, vector<16xf32>,
        %mul3A_470 = arith.mulf %get3A_469, %broadcast_in_dim3A_455 : vector<16xf32>
        %swap3A_471 = arith.index_cast %add3A_459 : i32 to index
        %swap3A_472 = arith.constant 16 : index
        %swap3A_473 = tpu.vector_load %arg12[%swap3A_471, %swap3A_472] {strides = array<i32>} : memref<128x64xf32, #tpu.memory_space<vmem>>, vector<16xf32>,
        tpu.vector_store %arg12[%swap3A_471, %swap3A_472], %mul3A_470 {strides = array<i32>} : memref<128x64xf32, #tpu.memory_space<vmem>>, vector<16xf32>,
        %get3A_474 = arith.index_cast %add3A_459 : i32 to index
        %get3A_475 = arith.constant 32 : index
        %get3A_476 = tpu.vector_load %arg12[%get3A_474, %get3A_475] {strides = array<i32>} : memref<128x64xf32, #tpu.memory_space<vmem>>, vector<16xf32>,
        %mul3A_477 = arith.mulf %get3A_476, %broadcast_in_dim3A_455 : vector<16xf32>
        %swap3A_478 = arith.index_cast %add3A_459 : i32 to index
        %swap3A_479 = arith.constant 32 : index
        %swap3A_480 = tpu.vector_load %arg12[%swap3A_478, %swap3A_479] {strides = array<i32>} : memref<128x64xf32, #tpu.memory_space<vmem>>, vector<16xf32>,
        tpu.vector_store %arg12[%swap3A_478, %swap3A_479], %mul3A_477 {strides = array<i32>} : memref<128x64xf32, #tpu.memory_space<vmem>>, vector<16xf32>,
        %get3A_481 = arith.index_cast %add3A_459 : i32 to index
        %get3A_482 = arith.constant 48 : index
        %get3A_483 = tpu.vector_load %arg12[%get3A_481, %get3A_482] {strides = array<i32>} : memref<128x64xf32, #tpu.memory_space<vmem>>, vector<16xf32>,
        %mul3A_484 = arith.mulf %get3A_483, %broadcast_in_dim3A_455 : vector<16xf32>
        %swap3A_485 = arith.index_cast %add3A_459 : i32 to index
        %swap3A_486 = arith.constant 48 : index
        %swap3A_487 = tpu.vector_load %arg12[%swap3A_485, %swap3A_486] {strides = array<i32>} : memref<128x64xf32, #tpu.memory_space<vmem>>, vector<16xf32>,
        tpu.vector_store %arg12[%swap3A_485, %swap3A_486], %mul3A_484 {strides = array<i32>} : memref<128x64xf32, #tpu.memory_space<vmem>>, vector<16xf32>,
        %slice3A_488 = vector.extract_strided_slice %get3A_36 {offsets = [13], sizes = [1], strides = [1]} : vector<16xf32> to vector<1xf32>
        %squeeze3A_489 = vector.extract %slice3A_488[0] : f32 from vector<1xf32>
        %broadcast_in_dim3A_490 = vector.broadcast %squeeze3A_489 : f32 to vector<16xf32>
        %mul3A_491 = arith.constant 16 : i32
        %mul3A_492 = arith.muli %scan3A_32, %mul3A_491 : i32
        %add3A_493 = arith.constant 13 : i32
        %add3A_494 = arith.addi %mul3A_492, %add3A_493 : i32
        %get3A_495 = arith.index_cast %add3A_494 : i32 to index
        %get3A_496 = arith.constant 0 : index
        %get3A_497 = tpu.vector_load %arg12[%get3A_495, %get3A_496] {strides = array<i32>} : memref<128x64xf32, #tpu.memory_space<vmem>>, vector<16xf32>,
        %mul3A_498 = arith.mulf %get3A_497, %broadcast_in_dim3A_490 : vector<16xf32>
        %swap3A_499 = arith.index_cast %add3A_494 : i32 to index
        %swap3A_500 = arith.constant 0 : index
        %swap3A_501 = tpu.vector_load %arg12[%swap3A_499, %swap3A_500] {strides = array<i32>} : memref<128x64xf32, #tpu.memory_space<vmem>>, vector<16xf32>,
        tpu.vector_store %arg12[%swap3A_499, %swap3A_500], %mul3A_498 {strides = array<i32>} : memref<128x64xf32, #tpu.memory_space<vmem>>, vector<16xf32>,
        %get3A_502 = arith.index_cast %add3A_494 : i32 to index
        %get3A_503 = arith.constant 16 : index
        %get3A_504 = tpu.vector_load %arg12[%get3A_502, %get3A_503] {strides = array<i32>} : memref<128x64xf32, #tpu.memory_space<vmem>>, vector<16xf32>,
        %mul3A_505 = arith.mulf %get3A_504, %broadcast_in_dim3A_490 : vector<16xf32>
        %swap3A_506 = arith.index_cast %add3A_494 : i32 to index
        %swap3A_507 = arith.constant 16 : index
        %swap3A_508 = tpu.vector_load %arg12[%swap3A_506, %swap3A_507] {strides = array<i32>} : memref<128x64xf32, #tpu.memory_space<vmem>>, vector<16xf32>,
        tpu.vector_store %arg12[%swap3A_506, %swap3A_507], %mul3A_505 {strides = array<i32>} : memref<128x64xf32, #tpu.memory_space<vmem>>, vector<16xf32>,
        %get3A_509 = arith.index_cast %add3A_494 : i32 to index
        %get3A_510 = arith.constant 32 : index
        %get3A_511 = tpu.vector_load %arg12[%get3A_509, %get3A_510] {strides = array<i32>} : memref<128x64xf32, #tpu.memory_space<vmem>>, vector<16xf32>,
        %mul3A_512 = arith.mulf %get3A_511, %broadcast_in_dim3A_490 : vector<16xf32>
        %swap3A_513 = arith.index_cast %add3A_494 : i32 to index
        %swap3A_514 = arith.constant 32 : index
        %swap3A_515 = tpu.vector_load %arg12[%swap3A_513, %swap3A_514] {strides = array<i32>} : memref<128x64xf32, #tpu.memory_space<vmem>>, vector<16xf32>,
        tpu.vector_store %arg12[%swap3A_513, %swap3A_514], %mul3A_512 {strides = array<i32>} : memref<128x64xf32, #tpu.memory_space<vmem>>, vector<16xf32>,
        %get3A_516 = arith.index_cast %add3A_494 : i32 to index
        %get3A_517 = arith.constant 48 : index
        %get3A_518 = tpu.vector_load %arg12[%get3A_516, %get3A_517] {strides = array<i32>} : memref<128x64xf32, #tpu.memory_space<vmem>>, vector<16xf32>,
        %mul3A_519 = arith.mulf %get3A_518, %broadcast_in_dim3A_490 : vector<16xf32>
        %swap3A_520 = arith.index_cast %add3A_494 : i32 to index
        %swap3A_521 = arith.constant 48 : index
        %swap3A_522 = tpu.vector_load %arg12[%swap3A_520, %swap3A_521] {strides = array<i32>} : memref<128x64xf32, #tpu.memory_space<vmem>>, vector<16xf32>,
        tpu.vector_store %arg12[%swap3A_520, %swap3A_521], %mul3A_519 {strides = array<i32>} : memref<128x64xf32, #tpu.memory_space<vmem>>, vector<16xf32>,
        %slice3A_523 = vector.extract_strided_slice %get3A_36 {offsets = [14], sizes = [1], strides = [1]} : vector<16xf32> to vector<1xf32>
        %squeeze3A_524 = vector.extract %slice3A_523[0] : f32 from vector<1xf32>
        %broadcast_in_dim3A_525 = vector.broadcast %squeeze3A_524 : f32 to vector<16xf32>
        %mul3A_526 = arith.constant 16 : i32
        %mul3A_527 = arith.muli %scan3A_32, %mul3A_526 : i32
        %add3A_528 = arith.constant 14 : i32
        %add3A_529 = arith.addi %mul3A_527, %add3A_528 : i32
        %get3A_530 = arith.index_cast %add3A_529 : i32 to index
        %get3A_531 = arith.constant 0 : index
        %get3A_532 = tpu.vector_load %arg12[%get3A_530, %get3A_531] {strides = array<i32>} : memref<128x64xf32, #tpu.memory_space<vmem>>, vector<16xf32>,
        %mul3A_533 = arith.mulf %get3A_532, %broadcast_in_dim3A_525 : vector<16xf32>
        %swap3A_534 = arith.index_cast %add3A_529 : i32 to index
        %swap3A_535 = arith.constant 0 : index
        %swap3A_536 = tpu.vector_load %arg12[%swap3A_534, %swap3A_535] {strides = array<i32>} : memref<128x64xf32, #tpu.memory_space<vmem>>, vector<16xf32>,
        tpu.vector_store %arg12[%swap3A_534, %swap3A_535], %mul3A_533 {strides = array<i32>} : memref<128x64xf32, #tpu.memory_space<vmem>>, vector<16xf32>,
        %get3A_537 = arith.index_cast %add3A_529 : i32 to index
        %get3A_538 = arith.constant 16 : index
        %get3A_539 = tpu.vector_load %arg12[%get3A_537, %get3A_538] {strides = array<i32>} : memref<128x64xf32, #tpu.memory_space<vmem>>, vector<16xf32>,
        %mul3A_540 = arith.mulf %get3A_539, %broadcast_in_dim3A_525 : vector<16xf32>
        %swap3A_541 = arith.index_cast %add3A_529 : i32 to index
        %swap3A_542 = arith.constant 16 : index
        %swap3A_543 = tpu.vector_load %arg12[%swap3A_541, %swap3A_542] {strides = array<i32>} : memref<128x64xf32, #tpu.memory_space<vmem>>, vector<16xf32>,
        tpu.vector_store %arg12[%swap3A_541, %swap3A_542], %mul3A_540 {strides = array<i32>} : memref<128x64xf32, #tpu.memory_space<vmem>>, vector<16xf32>,
        %get3A_544 = arith.index_cast %add3A_529 : i32 to index
        %get3A_545 = arith.constant 32 : index
        %get3A_546 = tpu.vector_load %arg12[%get3A_544, %get3A_545] {strides = array<i32>} : memref<128x64xf32, #tpu.memory_space<vmem>>, vector<16xf32>,
        %mul3A_547 = arith.mulf %get3A_546, %broadcast_in_dim3A_525 : vector<16xf32>
        %swap3A_548 = arith.index_cast %add3A_529 : i32 to index
        %swap3A_549 = arith.constant 32 : index
        %swap3A_550 = tpu.vector_load %arg12[%swap3A_548, %swap3A_549] {strides = array<i32>} : memref<128x64xf32, #tpu.memory_space<vmem>>, vector<16xf32>,
        tpu.vector_store %arg12[%swap3A_548, %swap3A_549], %mul3A_547 {strides = array<i32>} : memref<128x64xf32, #tpu.memory_space<vmem>>, vector<16xf32>,
        %get3A_551 = arith.index_cast %add3A_529 : i32 to index
        %get3A_552 = arith.constant 48 : index
        %get3A_553 = tpu.vector_load %arg12[%get3A_551, %get3A_552] {strides = array<i32>} : memref<128x64xf32, #tpu.memory_space<vmem>>, vector<16xf32>,
        %mul3A_554 = arith.mulf %get3A_553, %broadcast_in_dim3A_525 : vector<16xf32>
        %swap3A_555 = arith.index_cast %add3A_529 : i32 to index
        %swap3A_556 = arith.constant 48 : index
        %swap3A_557 = tpu.vector_load %arg12[%swap3A_555, %swap3A_556] {strides = array<i32>} : memref<128x64xf32, #tpu.memory_space<vmem>>, vector<16xf32>,
        tpu.vector_store %arg12[%swap3A_555, %swap3A_556], %mul3A_554 {strides = array<i32>} : memref<128x64xf32, #tpu.memory_space<vmem>>, vector<16xf32>,
        %slice3A_558 = vector.extract_strided_slice %get3A_36 {offsets = [15], sizes = [1], strides = [1]} : vector<16xf32> to vector<1xf32>
        %squeeze3A_559 = vector.extract %slice3A_558[0] : f32 from vector<1xf32>
        %broadcast_in_dim3A_560 = vector.broadcast %squeeze3A_559 : f32 to vector<16xf32>
        %mul3A_561 = arith.constant 16 : i32
        %mul3A_562 = arith.muli %scan3A_32, %mul3A_561 : i32
        %add3A_563 = arith.constant 15 : i32
        %add3A_564 = arith.addi %mul3A_562, %add3A_563 : i32
        %get3A_565 = arith.index_cast %add3A_564 : i32 to index
        %get3A_566 = arith.constant 0 : index
        %get3A_567 = tpu.vector_load %arg12[%get3A_565, %get3A_566] {strides = array<i32>} : memref<128x64xf32, #tpu.memory_space<vmem>>, vector<16xf32>,
        %mul3A_568 = arith.mulf %get3A_567, %broadcast_in_dim3A_560 : vector<16xf32>
        %swap3A_569 = arith.index_cast %add3A_564 : i32 to index
        %swap3A_570 = arith.constant 0 : index
        %swap3A_571 = tpu.vector_load %arg12[%swap3A_569, %swap3A_570] {strides = array<i32>} : memref<128x64xf32, #tpu.memory_space<vmem>>, vector<16xf32>,
        tpu.vector_store %arg12[%swap3A_569, %swap3A_570], %mul3A_568 {strides = array<i32>} : memref<128x64xf32, #tpu.memory_space<vmem>>, vector<16xf32>,
        %get3A_572 = arith.index_cast %add3A_564 : i32 to index
        %get3A_573 = arith.constant 16 : index
        %get3A_574 = tpu.vector_load %arg12[%get3A_572, %get3A_573] {strides = array<i32>} : memref<128x64xf32, #tpu.memory_space<vmem>>, vector<16xf32>,
        %mul3A_575 = arith.mulf %get3A_574, %broadcast_in_dim3A_560 : vector<16xf32>
        %swap3A_576 = arith.index_cast %add3A_564 : i32 to index
        %swap3A_577 = arith.constant 16 : index
        %swap3A_578 = tpu.vector_load %arg12[%swap3A_576, %swap3A_577] {strides = array<i32>} : memref<128x64xf32, #tpu.memory_space<vmem>>, vector<16xf32>,
        tpu.vector_store %arg12[%swap3A_576, %swap3A_577], %mul3A_575 {strides = array<i32>} : memref<128x64xf32, #tpu.memory_space<vmem>>, vector<16xf32>,
        %get3A_579 = arith.index_cast %add3A_564 : i32 to index
        %get3A_580 = arith.constant 32 : index
        %get3A_581 = tpu.vector_load %arg12[%get3A_579, %get3A_580] {strides = array<i32>} : memref<128x64xf32, #tpu.memory_space<vmem>>, vector<16xf32>,
        %mul3A_582 = arith.mulf %get3A_581, %broadcast_in_dim3A_560 : vector<16xf32>
        %swap3A_583 = arith.index_cast %add3A_564 : i32 to index
        %swap3A_584 = arith.constant 32 : index
        %swap3A_585 = tpu.vector_load %arg12[%swap3A_583, %swap3A_584] {strides = array<i32>} : memref<128x64xf32, #tpu.memory_space<vmem>>, vector<16xf32>,
        tpu.vector_store %arg12[%swap3A_583, %swap3A_584], %mul3A_582 {strides = array<i32>} : memref<128x64xf32, #tpu.memory_space<vmem>>, vector<16xf32>,
        %get3A_586 = arith.index_cast %add3A_564 : i32 to index
        %get3A_587 = arith.constant 48 : index
        %get3A_588 = tpu.vector_load %arg12[%get3A_586, %get3A_587] {strides = array<i32>} : memref<128x64xf32, #tpu.memory_space<vmem>>, vector<16xf32>,
        %mul3A_589 = arith.mulf %get3A_588, %broadcast_in_dim3A_560 : vector<16xf32>
        %swap3A_590 = arith.index_cast %add3A_564 : i32 to index
        %swap3A_591 = arith.constant 48 : index
        %swap3A_592 = tpu.vector_load %arg12[%swap3A_590, %swap3A_591] {strides = array<i32>} : memref<128x64xf32, #tpu.memory_space<vmem>>, vector<16xf32>,
        tpu.vector_store %arg12[%swap3A_590, %swap3A_591], %mul3A_589 {strides = array<i32>} : memref<128x64xf32, #tpu.memory_space<vmem>>, vector<16xf32>,
      }
      %scan3A_31 = arith.constant 8 : i32
      "tpu.region"() ({
        %run_scoped3A = tpu.sem_alloc : memref<!tpu.dma_semaphore, #tpu.memory_space<semaphore_mem>>
        %dma_start3A_32 = arith.constant 0 : i32
        %dma_start3A_33 = tpu.memref_slice %arg10[%scan3A_15, %dma_start3A_32] : memref<79x128xi32, #tpu.memory_space<vmem>> -> memref<1x128xi32, #tpu.memory_space<vmem>>
        %dma_start3A_34 = tpu.memref_squeeze %dma_start3A_33 : memref<1x128xi32, #tpu.memory_space<vmem>> -> memref<128xi32, #tpu.memory_space<vmem>>
        %dma_start3A_35 = arith.constant 0 : i32
        %dma_start3A_36 = arith.constant 0 : i32
        %dma_start3A_37 = tpu.memref_slice %arg13[%dma_start3A_35, %dma_start3A_36] : memref<10112x64xf32, #tpu.memory_space<vmem_shared>> -> memref<10112x64xf32, #tpu.memory_space<vmem_shared>>
        tpu.enqueue_indirect_dma source(%arg12 : memref<128x64xf32, #tpu.memory_space<vmem>>) target(%dma_start3A_37 : memref<10112x64xf32, #tpu.memory_space<vmem_shared>>) offsets(%dma_start3A_34 : memref<128xi32, #tpu.memory_space<vmem>>) semaphore(%run_scoped3A : memref<!tpu.dma_semaphore, #tpu.memory_space<semaphore_mem>>) {add = true}
        %dma_wait3A_38 = arith.constant 0 : i32
        %dma_wait3A_39 = tpu.memref_slice %arg10[%scan3A_15, %dma_wait3A_38] : memref<79x128xi32, #tpu.memory_space<vmem>> -> memref<1x128xi32, #tpu.memory_space<vmem>>
        %dma_wait3A_40 = tpu.memref_squeeze %dma_wait3A_39 : memref<1x128xi32, #tpu.memory_space<vmem>> -> memref<128xi32, #tpu.memory_space<vmem>>
        %dma_wait3A_41 = arith.constant 0 : i32
        %dma_wait3A_42 = arith.constant 0 : i32
        %dma_wait3A_43 = tpu.memref_slice %arg13[%dma_wait3A_41, %dma_wait3A_42] : memref<10112x64xf32, #tpu.memory_space<vmem_shared>> -> memref<10112x64xf32, #tpu.memory_space<vmem_shared>>
        tpu.wait_indirect_dma semaphore(%run_scoped3A : memref<!tpu.dma_semaphore, #tpu.memory_space<semaphore_mem>>) src(%arg12 : memref<128x64xf32, #tpu.memory_space<vmem>>) dst(%dma_wait3A_43 : memref<10112x64xf32, #tpu.memory_space<vmem_shared>>)
        tpu.yield
      }) : () -> ()
    }
    %scan3A_13 = arith.constant 79 : i32
    %barrier3A_14 = arith.constant 0 : index
    tpu.barrier barrier_id(%barrier3A_14)
    "tpu.region"() ({
      %run_scoped3A = tpu.sem_alloc : memref<!tpu.dma_semaphore, #tpu.memory_space<semaphore_mem>>
      %dma_start3A = arith.constant 0 : i32
      %dma_start3A_15 = tpu.memref_slice %arg8[%arg0, %mul3A_2, %dma_start3A] : memref<2x10112x64xf32, #tpu.memory_space<hbm>> -> memref<1x632x64xf32, #tpu.memory_space<hbm>>
      %dma_start3A_16 = tpu.memref_squeeze %dma_start3A_15 : memref<1x632x64xf32, #tpu.memory_space<hbm>> -> memref<632x64xf32, #tpu.memory_space<hbm>>
      %dma_start3A_17 = arith.constant 0 : i32
      %dma_start3A_18 = tpu.memref_slice %arg13[%mul3A_2, %dma_start3A_17] : memref<10112x64xf32, #tpu.memory_space<vmem_shared>> -> memref<632x64xf32, #tpu.memory_space<vmem_shared>>
      tpu.enqueue_dma source(%dma_start3A_18 : memref<632x64xf32, #tpu.memory_space<vmem_shared>>) target(%dma_start3A_16 : memref<632x64xf32, #tpu.memory_space<hbm>>) target_semaphore(%run_scoped3A : memref<!tpu.dma_semaphore, #tpu.memory_space<semaphore_mem>>)
      %dma_wait3A = arith.constant 0 : i32
      %dma_wait3A_19 = tpu.memref_slice %arg8[%arg0, %mul3A_2, %dma_wait3A] : memref<2x10112x64xf32, #tpu.memory_space<hbm>> -> memref<1x632x64xf32, #tpu.memory_space<hbm>>
      %dma_wait3A_20 = tpu.memref_squeeze %dma_wait3A_19 : memref<1x632x64xf32, #tpu.memory_space<hbm>> -> memref<632x64xf32, #tpu.memory_space<hbm>>
      %dma_wait3A_21 = arith.constant 0 : i32
      %dma_wait3A_22 = tpu.memref_slice %arg13[%mul3A_2, %dma_wait3A_21] : memref<10112x64xf32, #tpu.memory_space<vmem_shared>> -> memref<632x64xf32, #tpu.memory_space<vmem_shared>>
      tpu.wait_dma2 semaphore(%run_scoped3A : memref<!tpu.dma_semaphore, #tpu.memory_space<semaphore_mem>>) src(%dma_wait3A_22 : memref<632x64xf32, #tpu.memory_space<vmem_shared>>) dst(%dma_wait3A_20 : memref<632x64xf32, #tpu.memory_space<hbm>>)
      tpu.yield
    }) : () -> ()
    return
  }
}

#map = affine_map<(d0, d1) -> (0, 0)>
module attributes {stable_mosaic.version = 14 : i64} {
  func.func @k(%arg0: i32, %arg1: i32, %arg2: memref<32x10112xi32, #tpu.memory_space<hbm>>, %arg3: memref<32x10112xf32, #tpu.memory_space<hbm>>, %arg4: memref<32x10112xf32, #tpu.memory_space<hbm>>, %arg5: memref<10112xi32, #tpu.memory_space<vmem>>, %arg6: memref<10112xf32, #tpu.memory_space<vmem>>, %arg7: memref<10112xf32, #tpu.memory_space<vmem>>) attributes {dimension_semantics = [#tpu.dimension_semantics<core_parallel>, #tpu.dimension_semantics<subcore_parallel>], iteration_bounds = array<i64: 2, 16>, scalar_prefetch = 0 : i64, scratch_operands = 3 : i64, tpu.core_type = #tpu.core_type<sc_vector_subcore>, window_params = [{transform_indices = #map}, {transform_indices = #map}, {transform_indices = #map}]} {
    %mul3A = arith.constant 2 : i32
    %mul3A_0 = arith.muli %arg1, %mul3A : i32
    %add3A = arith.addi %mul3A_0, %arg0 : i32
    %broadcast_in_dim3A = arith.constant 0.000000e+00 : f32
    %broadcast_in_dim3A_1 = vector.broadcast %broadcast_in_dim3A : f32 to vector<16xf32>
    %scan3A = arith.constant 0 : i32
    %scan3A_2 = arith.constant 0 : i32
    %scan3A_3 = arith.constant 632 : i32
    %scan3A_4 = arith.addi %scan3A_2, %scan3A_3 : i32
    %scan3A_5 = arith.constant 1 : i32
    scf.for %scan3A_13 = %scan3A_2 to %scan3A_4 step %scan3A_5  : i32 {
      %mul3A_14 = arith.constant 16 : i32
      %mul3A_15 = arith.muli %scan3A_13, %mul3A_14 : i32
      %swap3A = arith.index_cast %mul3A_15 : i32 to index
      %swap3A_16 = tpu.vector_load %arg7[%swap3A] {strides = array<i32>} : memref<10112xf32, #tpu.memory_space<vmem>>, vector<16xf32>,
      tpu.vector_store %arg7[%swap3A], %broadcast_in_dim3A_1 {strides = array<i32>} : memref<10112xf32, #tpu.memory_space<vmem>>, vector<16xf32>,
    }
    %scan3A_6 = arith.constant 632 : i32
    "tpu.region"() ({
      %run_scoped3A = tpu.sem_alloc : memref<!tpu.dma_semaphore, #tpu.memory_space<semaphore_mem>>
      %dma_start3A = arith.constant 0 : i32
      %dma_start3A_13 = tpu.memref_slice %arg2[%add3A, %dma_start3A] : memref<32x10112xi32, #tpu.memory_space<hbm>> -> memref<1x10112xi32, #tpu.memory_space<hbm>>
      %dma_start3A_14 = tpu.memref_squeeze %dma_start3A_13 : memref<1x10112xi32, #tpu.memory_space<hbm>> -> memref<10112xi32, #tpu.memory_space<hbm>>
      %dma_start3A_15 = arith.constant 0 : i32
      %dma_start3A_16 = tpu.memref_slice %arg2[%add3A, %dma_start3A_15] : memref<32x10112xi32, #tpu.memory_space<hbm>> -> memref<1x10112xi32, #tpu.memory_space<hbm>>
      %dma_start3A_17 = tpu.memref_squeeze %dma_start3A_16 : memref<1x10112xi32, #tpu.memory_space<hbm>> -> memref<10112xi32, #tpu.memory_space<hbm>>
      tpu.enqueue_dma source(%dma_start3A_17 : memref<10112xi32, #tpu.memory_space<hbm>>) target(%arg5 : memref<10112xi32, #tpu.memory_space<vmem>>) target_semaphore(%run_scoped3A : memref<!tpu.dma_semaphore, #tpu.memory_space<semaphore_mem>>)
      %dma_wait3A = arith.constant 0 : i32
      %dma_wait3A_18 = tpu.memref_slice %arg2[%add3A, %dma_wait3A] : memref<32x10112xi32, #tpu.memory_space<hbm>> -> memref<1x10112xi32, #tpu.memory_space<hbm>>
      %dma_wait3A_19 = tpu.memref_squeeze %dma_wait3A_18 : memref<1x10112xi32, #tpu.memory_space<hbm>> -> memref<10112xi32, #tpu.memory_space<hbm>>
      %dma_wait3A_20 = arith.constant 0 : i32
      %dma_wait3A_21 = tpu.memref_slice %arg2[%add3A, %dma_wait3A_20] : memref<32x10112xi32, #tpu.memory_space<hbm>> -> memref<1x10112xi32, #tpu.memory_space<hbm>>
      %dma_wait3A_22 = tpu.memref_squeeze %dma_wait3A_21 : memref<1x10112xi32, #tpu.memory_space<hbm>> -> memref<10112xi32, #tpu.memory_space<hbm>>
      tpu.wait_dma2 semaphore(%run_scoped3A : memref<!tpu.dma_semaphore, #tpu.memory_space<semaphore_mem>>) src(%dma_wait3A_22 : memref<10112xi32, #tpu.memory_space<hbm>>) dst(%arg5 : memref<10112xi32, #tpu.memory_space<vmem>>)
      tpu.yield
    }) : () -> ()
    "tpu.region"() ({
      %run_scoped3A = tpu.sem_alloc : memref<!tpu.dma_semaphore, #tpu.memory_space<semaphore_mem>>
      %dma_start3A = arith.constant 0 : i32
      %dma_start3A_13 = tpu.memref_slice %arg3[%add3A, %dma_start3A] : memref<32x10112xf32, #tpu.memory_space<hbm>> -> memref<1x10112xf32, #tpu.memory_space<hbm>>
      %dma_start3A_14 = tpu.memref_squeeze %dma_start3A_13 : memref<1x10112xf32, #tpu.memory_space<hbm>> -> memref<10112xf32, #tpu.memory_space<hbm>>
      %dma_start3A_15 = arith.constant 0 : i32
      %dma_start3A_16 = tpu.memref_slice %arg3[%add3A, %dma_start3A_15] : memref<32x10112xf32, #tpu.memory_space<hbm>> -> memref<1x10112xf32, #tpu.memory_space<hbm>>
      %dma_start3A_17 = tpu.memref_squeeze %dma_start3A_16 : memref<1x10112xf32, #tpu.memory_space<hbm>> -> memref<10112xf32, #tpu.memory_space<hbm>>
      tpu.enqueue_dma source(%dma_start3A_17 : memref<10112xf32, #tpu.memory_space<hbm>>) target(%arg6 : memref<10112xf32, #tpu.memory_space<vmem>>) target_semaphore(%run_scoped3A : memref<!tpu.dma_semaphore, #tpu.memory_space<semaphore_mem>>)
      %dma_wait3A = arith.constant 0 : i32
      %dma_wait3A_18 = tpu.memref_slice %arg3[%add3A, %dma_wait3A] : memref<32x10112xf32, #tpu.memory_space<hbm>> -> memref<1x10112xf32, #tpu.memory_space<hbm>>
      %dma_wait3A_19 = tpu.memref_squeeze %dma_wait3A_18 : memref<1x10112xf32, #tpu.memory_space<hbm>> -> memref<10112xf32, #tpu.memory_space<hbm>>
      %dma_wait3A_20 = arith.constant 0 : i32
      %dma_wait3A_21 = tpu.memref_slice %arg3[%add3A, %dma_wait3A_20] : memref<32x10112xf32, #tpu.memory_space<hbm>> -> memref<1x10112xf32, #tpu.memory_space<hbm>>
      %dma_wait3A_22 = tpu.memref_squeeze %dma_wait3A_21 : memref<1x10112xf32, #tpu.memory_space<hbm>> -> memref<10112xf32, #tpu.memory_space<hbm>>
      tpu.wait_dma2 semaphore(%run_scoped3A : memref<!tpu.dma_semaphore, #tpu.memory_space<semaphore_mem>>) src(%dma_wait3A_22 : memref<10112xf32, #tpu.memory_space<hbm>>) dst(%arg6 : memref<10112xf32, #tpu.memory_space<vmem>>)
      tpu.yield
    }) : () -> ()
    %scan3A_7 = arith.constant 0 : i32
    %scan3A_8 = arith.constant 0 : i32
    %scan3A_9 = arith.constant 632 : i32
    %scan3A_10 = arith.addi %scan3A_8, %scan3A_9 : i32
    %scan3A_11 = arith.constant 1 : i32
    scf.for %scan3A_13 = %scan3A_8 to %scan3A_10 step %scan3A_11  : i32 {
      %mul3A_14 = arith.constant 16 : i32
      %mul3A_15 = arith.muli %scan3A_13, %mul3A_14 : i32
      %get3A = arith.index_cast %mul3A_15 : i32 to index
      %get3A_16 = tpu.vector_load %arg5[%get3A] {strides = array<i32>} : memref<10112xi32, #tpu.memory_space<vmem>>, vector<16xi32>,
      %mul3A_17 = arith.constant 16 : i32
      %mul3A_18 = arith.muli %scan3A_13, %mul3A_17 : i32
      %get3A_19 = arith.index_cast %mul3A_18 : i32 to index
      %get3A_20 = tpu.vector_load %arg6[%get3A_19] {strides = array<i32>} : memref<10112xf32, #tpu.memory_space<vmem>>, vector<16xf32>,
      tpu.vector_store_idx %arg7[%get3A_16], %get3A_20 {add = true} : memref<10112xf32, #tpu.memory_space<vmem>>[vector<16xi32>], vector<16xf32>,
    }
    %scan3A_12 = arith.constant 632 : i32
    "tpu.region"() ({
      %run_scoped3A = tpu.sem_alloc : memref<!tpu.dma_semaphore, #tpu.memory_space<semaphore_mem>>
      %dma_start3A = arith.constant 0 : i32
      %dma_start3A_13 = tpu.memref_slice %arg4[%add3A, %dma_start3A] : memref<32x10112xf32, #tpu.memory_space<hbm>> -> memref<1x10112xf32, #tpu.memory_space<hbm>>
      %dma_start3A_14 = tpu.memref_squeeze %dma_start3A_13 : memref<1x10112xf32, #tpu.memory_space<hbm>> -> memref<10112xf32, #tpu.memory_space<hbm>>
      %dma_start3A_15 = arith.constant 0 : i32
      %dma_start3A_16 = tpu.memref_slice %arg4[%add3A, %dma_start3A_15] : memref<32x10112xf32, #tpu.memory_space<hbm>> -> memref<1x10112xf32, #tpu.memory_space<hbm>>
      %dma_start3A_17 = tpu.memref_squeeze %dma_start3A_16 : memref<1x10112xf32, #tpu.memory_space<hbm>> -> memref<10112xf32, #tpu.memory_space<hbm>>
      tpu.enqueue_dma source(%arg7 : memref<10112xf32, #tpu.memory_space<vmem>>) target(%dma_start3A_17 : memref<10112xf32, #tpu.memory_space<hbm>>) target_semaphore(%run_scoped3A : memref<!tpu.dma_semaphore, #tpu.memory_space<semaphore_mem>>)
      %dma_wait3A = arith.constant 0 : i32
      %dma_wait3A_18 = tpu.memref_slice %arg4[%add3A, %dma_wait3A] : memref<32x10112xf32, #tpu.memory_space<hbm>> -> memref<1x10112xf32, #tpu.memory_space<hbm>>
      %dma_wait3A_19 = tpu.memref_squeeze %dma_wait3A_18 : memref<1x10112xf32, #tpu.memory_space<hbm>> -> memref<10112xf32, #tpu.memory_space<hbm>>
      %dma_wait3A_20 = arith.constant 0 : i32
      %dma_wait3A_21 = tpu.memref_slice %arg4[%add3A, %dma_wait3A_20] : memref<32x10112xf32, #tpu.memory_space<hbm>> -> memref<1x10112xf32, #tpu.memory_space<hbm>>
      %dma_wait3A_22 = tpu.memref_squeeze %dma_wait3A_21 : memref<1x10112xf32, #tpu.memory_space<hbm>> -> memref<10112xf32, #tpu.memory_space<hbm>>
      tpu.wait_dma2 semaphore(%run_scoped3A : memref<!tpu.dma_semaphore, #tpu.memory_space<semaphore_mem>>) src(%arg7 : memref<10112xf32, #tpu.memory_space<vmem>>) dst(%dma_wait3A_22 : memref<10112xf32, #tpu.memory_space<hbm>>)
      tpu.yield
    }) : () -> ()
    return
  }
}

#map = affine_map<(d0, d1) -> (0, 0)>
#map1 = affine_map<(d0, d1) -> (0, 0, 0)>
module attributes {stable_mosaic.version = 14 : i64} {
  func.func @k(%arg0: i32, %arg1: i32, %arg2: memref<10112x128xf32, #tpu.memory_space<hbm>>, %arg3: memref<32x79x128xi32, #tpu.memory_space<hbm>>, %arg4: memref<32x79x128xi32, #tpu.memory_space<hbm>>, %arg5: memref<32x79x128xf32, #tpu.memory_space<hbm>>, %arg6: memref<10112x128xf32, #tpu.memory_space<hbm>>, %arg7: memref<10112x128xf32, #tpu.memory_space<hbm>>, %arg8: memref<2x10112x128xf32, #tpu.memory_space<hbm>>, %arg9: memref<79x128xi32, #tpu.memory_space<vmem>>, %arg10: memref<79x128xi32, #tpu.memory_space<vmem>>, %arg11: memref<79x128xf32, #tpu.memory_space<vmem>>, %arg12: memref<128x128xf32, #tpu.memory_space<vmem>>, %arg13: memref<10112x128xf32, #tpu.memory_space<vmem_shared>>, %arg14: memref<!tpu.dma_semaphore, #tpu.memory_space<semaphore_mem>>) attributes {dimension_semantics = [#tpu.dimension_semantics<core_parallel>, #tpu.dimension_semantics<subcore_parallel>], iteration_bounds = array<i64: 2, 16>, scalar_prefetch = 0 : i64, scratch_operands = 6 : i64, tpu.core_type = #tpu.core_type<sc_vector_subcore>, window_params = [{transform_indices = #map}, {transform_indices = #map1}, {transform_indices = #map1}, {transform_indices = #map1}, {transform_indices = #map}, {transform_indices = #map}, {transform_indices = #map1}]} {
    %mul3A = arith.constant 2 : i32
    %mul3A_0 = arith.muli %arg1, %mul3A : i32
    %add3A = arith.addi %mul3A_0, %arg0 : i32
    %mul3A_1 = arith.constant 632 : i32
    %mul3A_2 = arith.muli %arg1, %mul3A_1 : i32
    %eq3A = arith.constant 0 : i32
    %eq3A_3 = arith.cmpi eq, %arg0, %eq3A : i32
    %convert_element_type3A = arith.extui %eq3A_3 : i1 to i32
    %cond3A = arith.constant 0 : i32
    %cond3A_4 = arith.cmpi ne, %convert_element_type3A, %cond3A : i32
    scf.if %cond3A_4 {
      "tpu.region"() ({
        %run_scoped3A = tpu.sem_alloc : memref<!tpu.dma_semaphore, #tpu.memory_space<semaphore_mem>>
        %dma_start3A = arith.constant 0 : i32
        %dma_start3A_15 = tpu.memref_slice %arg13[%mul3A_2, %dma_start3A] : memref<10112x128xf32, #tpu.memory_space<vmem_shared>> -> memref<632x128xf32, #tpu.memory_space<vmem_shared>>
        %dma_start3A_16 = arith.constant 0 : i32
        %dma_start3A_17 = tpu.memref_slice %arg6[%mul3A_2, %dma_start3A_16] : memref<10112x128xf32, #tpu.memory_space<hbm>> -> memref<632x128xf32, #tpu.memory_space<hbm>>
        tpu.enqueue_dma source(%dma_start3A_17 : memref<632x128xf32, #tpu.memory_space<hbm>>) target(%dma_start3A_15 : memref<632x128xf32, #tpu.memory_space<vmem_shared>>) target_semaphore(%run_scoped3A : memref<!tpu.dma_semaphore, #tpu.memory_space<semaphore_mem>>)
        %dma_wait3A = arith.constant 0 : i32
        %dma_wait3A_18 = tpu.memref_slice %arg13[%mul3A_2, %dma_wait3A] : memref<10112x128xf32, #tpu.memory_space<vmem_shared>> -> memref<632x128xf32, #tpu.memory_space<vmem_shared>>
        %dma_wait3A_19 = arith.constant 0 : i32
        %dma_wait3A_20 = tpu.memref_slice %arg6[%mul3A_2, %dma_wait3A_19] : memref<10112x128xf32, #tpu.memory_space<hbm>> -> memref<632x128xf32, #tpu.memory_space<hbm>>
        tpu.wait_dma2 semaphore(%run_scoped3A : memref<!tpu.dma_semaphore, #tpu.memory_space<semaphore_mem>>) src(%dma_wait3A_20 : memref<632x128xf32, #tpu.memory_space<hbm>>) dst(%dma_wait3A_18 : memref<632x128xf32, #tpu.memory_space<vmem_shared>>)
        tpu.yield
      }) : () -> ()
    } else {
    }
    %ne3A = arith.constant 0 : i32
    %ne3A_5 = arith.cmpi ne, %arg0, %ne3A : i32
    %convert_element_type3A_6 = arith.extui %ne3A_5 : i1 to i32
    %cond3A_7 = arith.constant 0 : i32
    %cond3A_8 = arith.cmpi ne, %convert_element_type3A_6, %cond3A_7 : i32
    scf.if %cond3A_8 {
      "tpu.region"() ({
        %run_scoped3A = tpu.sem_alloc : memref<!tpu.dma_semaphore, #tpu.memory_space<semaphore_mem>>
        %dma_start3A = arith.constant 0 : i32
        %dma_start3A_15 = tpu.memref_slice %arg13[%mul3A_2, %dma_start3A] : memref<10112x128xf32, #tpu.memory_space<vmem_shared>> -> memref<632x128xf32, #tpu.memory_space<vmem_shared>>
        %dma_start3A_16 = arith.constant 0 : i32
        %dma_start3A_17 = tpu.memref_slice %arg7[%mul3A_2, %dma_start3A_16] : memref<10112x128xf32, #tpu.memory_space<hbm>> -> memref<632x128xf32, #tpu.memory_space<hbm>>
        tpu.enqueue_dma source(%dma_start3A_17 : memref<632x128xf32, #tpu.memory_space<hbm>>) target(%dma_start3A_15 : memref<632x128xf32, #tpu.memory_space<vmem_shared>>) target_semaphore(%run_scoped3A : memref<!tpu.dma_semaphore, #tpu.memory_space<semaphore_mem>>)
        %dma_wait3A = arith.constant 0 : i32
        %dma_wait3A_18 = tpu.memref_slice %arg13[%mul3A_2, %dma_wait3A] : memref<10112x128xf32, #tpu.memory_space<vmem_shared>> -> memref<632x128xf32, #tpu.memory_space<vmem_shared>>
        %dma_wait3A_19 = arith.constant 0 : i32
        %dma_wait3A_20 = tpu.memref_slice %arg7[%mul3A_2, %dma_wait3A_19] : memref<10112x128xf32, #tpu.memory_space<hbm>> -> memref<632x128xf32, #tpu.memory_space<hbm>>
        tpu.wait_dma2 semaphore(%run_scoped3A : memref<!tpu.dma_semaphore, #tpu.memory_space<semaphore_mem>>) src(%dma_wait3A_20 : memref<632x128xf32, #tpu.memory_space<hbm>>) dst(%dma_wait3A_18 : memref<632x128xf32, #tpu.memory_space<vmem_shared>>)
        tpu.yield
      }) : () -> ()
    } else {
    }
    "tpu.region"() ({
      %run_scoped3A = tpu.sem_alloc : memref<!tpu.dma_semaphore, #tpu.memory_space<semaphore_mem>>
      %dma_start3A = arith.constant 0 : i32
      %dma_start3A_15 = arith.constant 0 : i32
      %dma_start3A_16 = tpu.memref_slice %arg3[%add3A, %dma_start3A, %dma_start3A_15] : memref<32x79x128xi32, #tpu.memory_space<hbm>> -> memref<1x79x128xi32, #tpu.memory_space<hbm>>
      %dma_start3A_17 = tpu.memref_squeeze %dma_start3A_16 : memref<1x79x128xi32, #tpu.memory_space<hbm>> -> memref<79x128xi32, #tpu.memory_space<hbm>>
      %dma_start3A_18 = arith.constant 0 : i32
      %dma_start3A_19 = arith.constant 0 : i32
      %dma_start3A_20 = tpu.memref_slice %arg3[%add3A, %dma_start3A_18, %dma_start3A_19] : memref<32x79x128xi32, #tpu.memory_space<hbm>> -> memref<1x79x128xi32, #tpu.memory_space<hbm>>
      %dma_start3A_21 = tpu.memref_squeeze %dma_start3A_20 : memref<1x79x128xi32, #tpu.memory_space<hbm>> -> memref<79x128xi32, #tpu.memory_space<hbm>>
      tpu.enqueue_dma source(%dma_start3A_21 : memref<79x128xi32, #tpu.memory_space<hbm>>) target(%arg9 : memref<79x128xi32, #tpu.memory_space<vmem>>) target_semaphore(%run_scoped3A : memref<!tpu.dma_semaphore, #tpu.memory_space<semaphore_mem>>)
      %dma_wait3A = arith.constant 0 : i32
      %dma_wait3A_22 = arith.constant 0 : i32
      %dma_wait3A_23 = tpu.memref_slice %arg3[%add3A, %dma_wait3A, %dma_wait3A_22] : memref<32x79x128xi32, #tpu.memory_space<hbm>> -> memref<1x79x128xi32, #tpu.memory_space<hbm>>
      %dma_wait3A_24 = tpu.memref_squeeze %dma_wait3A_23 : memref<1x79x128xi32, #tpu.memory_space<hbm>> -> memref<79x128xi32, #tpu.memory_space<hbm>>
      %dma_wait3A_25 = arith.constant 0 : i32
      %dma_wait3A_26 = arith.constant 0 : i32
      %dma_wait3A_27 = tpu.memref_slice %arg3[%add3A, %dma_wait3A_25, %dma_wait3A_26] : memref<32x79x128xi32, #tpu.memory_space<hbm>> -> memref<1x79x128xi32, #tpu.memory_space<hbm>>
      %dma_wait3A_28 = tpu.memref_squeeze %dma_wait3A_27 : memref<1x79x128xi32, #tpu.memory_space<hbm>> -> memref<79x128xi32, #tpu.memory_space<hbm>>
      tpu.wait_dma2 semaphore(%run_scoped3A : memref<!tpu.dma_semaphore, #tpu.memory_space<semaphore_mem>>) src(%dma_wait3A_28 : memref<79x128xi32, #tpu.memory_space<hbm>>) dst(%arg9 : memref<79x128xi32, #tpu.memory_space<vmem>>)
      tpu.yield
    }) : () -> ()
    "tpu.region"() ({
      %run_scoped3A = tpu.sem_alloc : memref<!tpu.dma_semaphore, #tpu.memory_space<semaphore_mem>>
      %dma_start3A = arith.constant 0 : i32
      %dma_start3A_15 = arith.constant 0 : i32
      %dma_start3A_16 = tpu.memref_slice %arg4[%add3A, %dma_start3A, %dma_start3A_15] : memref<32x79x128xi32, #tpu.memory_space<hbm>> -> memref<1x79x128xi32, #tpu.memory_space<hbm>>
      %dma_start3A_17 = tpu.memref_squeeze %dma_start3A_16 : memref<1x79x128xi32, #tpu.memory_space<hbm>> -> memref<79x128xi32, #tpu.memory_space<hbm>>
      %dma_start3A_18 = arith.constant 0 : i32
      %dma_start3A_19 = arith.constant 0 : i32
      %dma_start3A_20 = tpu.memref_slice %arg4[%add3A, %dma_start3A_18, %dma_start3A_19] : memref<32x79x128xi32, #tpu.memory_space<hbm>> -> memref<1x79x128xi32, #tpu.memory_space<hbm>>
      %dma_start3A_21 = tpu.memref_squeeze %dma_start3A_20 : memref<1x79x128xi32, #tpu.memory_space<hbm>> -> memref<79x128xi32, #tpu.memory_space<hbm>>
      tpu.enqueue_dma source(%dma_start3A_21 : memref<79x128xi32, #tpu.memory_space<hbm>>) target(%arg10 : memref<79x128xi32, #tpu.memory_space<vmem>>) target_semaphore(%run_scoped3A : memref<!tpu.dma_semaphore, #tpu.memory_space<semaphore_mem>>)
      %dma_wait3A = arith.constant 0 : i32
      %dma_wait3A_22 = arith.constant 0 : i32
      %dma_wait3A_23 = tpu.memref_slice %arg4[%add3A, %dma_wait3A, %dma_wait3A_22] : memref<32x79x128xi32, #tpu.memory_space<hbm>> -> memref<1x79x128xi32, #tpu.memory_space<hbm>>
      %dma_wait3A_24 = tpu.memref_squeeze %dma_wait3A_23 : memref<1x79x128xi32, #tpu.memory_space<hbm>> -> memref<79x128xi32, #tpu.memory_space<hbm>>
      %dma_wait3A_25 = arith.constant 0 : i32
      %dma_wait3A_26 = arith.constant 0 : i32
      %dma_wait3A_27 = tpu.memref_slice %arg4[%add3A, %dma_wait3A_25, %dma_wait3A_26] : memref<32x79x128xi32, #tpu.memory_space<hbm>> -> memref<1x79x128xi32, #tpu.memory_space<hbm>>
      %dma_wait3A_28 = tpu.memref_squeeze %dma_wait3A_27 : memref<1x79x128xi32, #tpu.memory_space<hbm>> -> memref<79x128xi32, #tpu.memory_space<hbm>>
      tpu.wait_dma2 semaphore(%run_scoped3A : memref<!tpu.dma_semaphore, #tpu.memory_space<semaphore_mem>>) src(%dma_wait3A_28 : memref<79x128xi32, #tpu.memory_space<hbm>>) dst(%arg10 : memref<79x128xi32, #tpu.memory_space<vmem>>)
      tpu.yield
    }) : () -> ()
    "tpu.region"() ({
      %run_scoped3A = tpu.sem_alloc : memref<!tpu.dma_semaphore, #tpu.memory_space<semaphore_mem>>
      %dma_start3A = arith.constant 0 : i32
      %dma_start3A_15 = arith.constant 0 : i32
      %dma_start3A_16 = tpu.memref_slice %arg5[%add3A, %dma_start3A, %dma_start3A_15] : memref<32x79x128xf32, #tpu.memory_space<hbm>> -> memref<1x79x128xf32, #tpu.memory_space<hbm>>
      %dma_start3A_17 = tpu.memref_squeeze %dma_start3A_16 : memref<1x79x128xf32, #tpu.memory_space<hbm>> -> memref<79x128xf32, #tpu.memory_space<hbm>>
      %dma_start3A_18 = arith.constant 0 : i32
      %dma_start3A_19 = arith.constant 0 : i32
      %dma_start3A_20 = tpu.memref_slice %arg5[%add3A, %dma_start3A_18, %dma_start3A_19] : memref<32x79x128xf32, #tpu.memory_space<hbm>> -> memref<1x79x128xf32, #tpu.memory_space<hbm>>
      %dma_start3A_21 = tpu.memref_squeeze %dma_start3A_20 : memref<1x79x128xf32, #tpu.memory_space<hbm>> -> memref<79x128xf32, #tpu.memory_space<hbm>>
      tpu.enqueue_dma source(%dma_start3A_21 : memref<79x128xf32, #tpu.memory_space<hbm>>) target(%arg11 : memref<79x128xf32, #tpu.memory_space<vmem>>) target_semaphore(%run_scoped3A : memref<!tpu.dma_semaphore, #tpu.memory_space<semaphore_mem>>)
      %dma_wait3A = arith.constant 0 : i32
      %dma_wait3A_22 = arith.constant 0 : i32
      %dma_wait3A_23 = tpu.memref_slice %arg5[%add3A, %dma_wait3A, %dma_wait3A_22] : memref<32x79x128xf32, #tpu.memory_space<hbm>> -> memref<1x79x128xf32, #tpu.memory_space<hbm>>
      %dma_wait3A_24 = tpu.memref_squeeze %dma_wait3A_23 : memref<1x79x128xf32, #tpu.memory_space<hbm>> -> memref<79x128xf32, #tpu.memory_space<hbm>>
      %dma_wait3A_25 = arith.constant 0 : i32
      %dma_wait3A_26 = arith.constant 0 : i32
      %dma_wait3A_27 = tpu.memref_slice %arg5[%add3A, %dma_wait3A_25, %dma_wait3A_26] : memref<32x79x128xf32, #tpu.memory_space<hbm>> -> memref<1x79x128xf32, #tpu.memory_space<hbm>>
      %dma_wait3A_28 = tpu.memref_squeeze %dma_wait3A_27 : memref<1x79x128xf32, #tpu.memory_space<hbm>> -> memref<79x128xf32, #tpu.memory_space<hbm>>
      tpu.wait_dma2 semaphore(%run_scoped3A : memref<!tpu.dma_semaphore, #tpu.memory_space<semaphore_mem>>) src(%dma_wait3A_28 : memref<79x128xf32, #tpu.memory_space<hbm>>) dst(%arg11 : memref<79x128xf32, #tpu.memory_space<vmem>>)
      tpu.yield
    }) : () -> ()
    %barrier3A = arith.constant 0 : index
    tpu.barrier barrier_id(%barrier3A)
    %scan3A = arith.constant 0 : i32
    %scan3A_9 = arith.constant 0 : i32
    %scan3A_10 = arith.constant 79 : i32
    %scan3A_11 = arith.addi %scan3A_9, %scan3A_10 : i32
    %scan3A_12 = arith.constant 1 : i32
    scf.for %scan3A_15 = %scan3A_9 to %scan3A_11 step %scan3A_12  : i32 {
      %dma_start3A = arith.constant 0 : i32
      %dma_start3A_16 = tpu.memref_slice %arg9[%scan3A_15, %dma_start3A] : memref<79x128xi32, #tpu.memory_space<vmem>> -> memref<1x128xi32, #tpu.memory_space<vmem>>
      %dma_start3A_17 = tpu.memref_squeeze %dma_start3A_16 : memref<1x128xi32, #tpu.memory_space<vmem>> -> memref<128xi32, #tpu.memory_space<vmem>>
      %dma_start3A_18 = arith.constant 0 : i32
      %dma_start3A_19 = arith.constant 0 : i32
      %dma_start3A_20 = tpu.memref_slice %arg2[%dma_start3A_18, %dma_start3A_19] : memref<10112x128xf32, #tpu.memory_space<hbm>> -> memref<10112x128xf32, #tpu.memory_space<hbm>>
      tpu.enqueue_indirect_dma source(%dma_start3A_20 : memref<10112x128xf32, #tpu.memory_space<hbm>>) target(%arg12 : memref<128x128xf32, #tpu.memory_space<vmem>>) offsets(%dma_start3A_17 : memref<128xi32, #tpu.memory_space<vmem>>) semaphore(%arg14 : memref<!tpu.dma_semaphore, #tpu.memory_space<semaphore_mem>>)
      %dma_wait3A = arith.constant 0 : i32
      %dma_wait3A_21 = tpu.memref_slice %arg9[%scan3A_15, %dma_wait3A] : memref<79x128xi32, #tpu.memory_space<vmem>> -> memref<1x128xi32, #tpu.memory_space<vmem>>
      %dma_wait3A_22 = tpu.memref_squeeze %dma_wait3A_21 : memref<1x128xi32, #tpu.memory_space<vmem>> -> memref<128xi32, #tpu.memory_space<vmem>>
      %dma_wait3A_23 = arith.constant 0 : i32
      %dma_wait3A_24 = arith.constant 0 : i32
      %dma_wait3A_25 = tpu.memref_slice %arg2[%dma_wait3A_23, %dma_wait3A_24] : memref<10112x128xf32, #tpu.memory_space<hbm>> -> memref<10112x128xf32, #tpu.memory_space<hbm>>
      tpu.wait_indirect_dma semaphore(%arg14 : memref<!tpu.dma_semaphore, #tpu.memory_space<semaphore_mem>>) src(%dma_wait3A_25 : memref<10112x128xf32, #tpu.memory_space<hbm>>) dst(%arg12 : memref<128x128xf32, #tpu.memory_space<vmem>>)
      %scan3A_26 = arith.constant 0 : i32
      %scan3A_27 = arith.constant 0 : i32
      %scan3A_28 = arith.constant 8 : i32
      %scan3A_29 = arith.addi %scan3A_27, %scan3A_28 : i32
      %scan3A_30 = arith.constant 1 : i32
      scf.for %scan3A_32 = %scan3A_27 to %scan3A_29 step %scan3A_30  : i32 {
        %mul3A_33 = arith.constant 16 : i32
        %mul3A_34 = arith.muli %scan3A_32, %mul3A_33 : i32
        %get3A = arith.index_cast %scan3A_15 : i32 to index
        %get3A_35 = arith.index_cast %mul3A_34 : i32 to index
        %get3A_36 = tpu.vector_load %arg11[%get3A, %get3A_35] {strides = array<i32>} : memref<79x128xf32, #tpu.memory_space<vmem>>, vector<16xf32>,
        %slice3A = vector.extract_strided_slice %get3A_36 {offsets = [0], sizes = [1], strides = [1]} : vector<16xf32> to vector<1xf32>
        %squeeze3A = vector.extract %slice3A[0] : f32 from vector<1xf32>
        %broadcast_in_dim3A = vector.broadcast %squeeze3A : f32 to vector<16xf32>
        %mul3A_37 = arith.constant 16 : i32
        %mul3A_38 = arith.muli %scan3A_32, %mul3A_37 : i32
        %add3A_39 = arith.constant 0 : i32
        %add3A_40 = arith.addi %mul3A_38, %add3A_39 : i32
        %get3A_41 = arith.index_cast %add3A_40 : i32 to index
        %get3A_42 = arith.constant 0 : index
        %get3A_43 = tpu.vector_load %arg12[%get3A_41, %get3A_42] {strides = array<i32>} : memref<128x128xf32, #tpu.memory_space<vmem>>, vector<16xf32>,
        %mul3A_44 = arith.mulf %get3A_43, %broadcast_in_dim3A : vector<16xf32>
        %swap3A = arith.index_cast %add3A_40 : i32 to index
        %swap3A_45 = arith.constant 0 : index
        %swap3A_46 = tpu.vector_load %arg12[%swap3A, %swap3A_45] {strides = array<i32>} : memref<128x128xf32, #tpu.memory_space<vmem>>, vector<16xf32>,
        tpu.vector_store %arg12[%swap3A, %swap3A_45], %mul3A_44 {strides = array<i32>} : memref<128x128xf32, #tpu.memory_space<vmem>>, vector<16xf32>,
        %get3A_47 = arith.index_cast %add3A_40 : i32 to index
        %get3A_48 = arith.constant 16 : index
        %get3A_49 = tpu.vector_load %arg12[%get3A_47, %get3A_48] {strides = array<i32>} : memref<128x128xf32, #tpu.memory_space<vmem>>, vector<16xf32>,
        %mul3A_50 = arith.mulf %get3A_49, %broadcast_in_dim3A : vector<16xf32>
        %swap3A_51 = arith.index_cast %add3A_40 : i32 to index
        %swap3A_52 = arith.constant 16 : index
        %swap3A_53 = tpu.vector_load %arg12[%swap3A_51, %swap3A_52] {strides = array<i32>} : memref<128x128xf32, #tpu.memory_space<vmem>>, vector<16xf32>,
        tpu.vector_store %arg12[%swap3A_51, %swap3A_52], %mul3A_50 {strides = array<i32>} : memref<128x128xf32, #tpu.memory_space<vmem>>, vector<16xf32>,
        %get3A_54 = arith.index_cast %add3A_40 : i32 to index
        %get3A_55 = arith.constant 32 : index
        %get3A_56 = tpu.vector_load %arg12[%get3A_54, %get3A_55] {strides = array<i32>} : memref<128x128xf32, #tpu.memory_space<vmem>>, vector<16xf32>,
        %mul3A_57 = arith.mulf %get3A_56, %broadcast_in_dim3A : vector<16xf32>
        %swap3A_58 = arith.index_cast %add3A_40 : i32 to index
        %swap3A_59 = arith.constant 32 : index
        %swap3A_60 = tpu.vector_load %arg12[%swap3A_58, %swap3A_59] {strides = array<i32>} : memref<128x128xf32, #tpu.memory_space<vmem>>, vector<16xf32>,
        tpu.vector_store %arg12[%swap3A_58, %swap3A_59], %mul3A_57 {strides = array<i32>} : memref<128x128xf32, #tpu.memory_space<vmem>>, vector<16xf32>,
        %get3A_61 = arith.index_cast %add3A_40 : i32 to index
        %get3A_62 = arith.constant 48 : index
        %get3A_63 = tpu.vector_load %arg12[%get3A_61, %get3A_62] {strides = array<i32>} : memref<128x128xf32, #tpu.memory_space<vmem>>, vector<16xf32>,
        %mul3A_64 = arith.mulf %get3A_63, %broadcast_in_dim3A : vector<16xf32>
        %swap3A_65 = arith.index_cast %add3A_40 : i32 to index
        %swap3A_66 = arith.constant 48 : index
        %swap3A_67 = tpu.vector_load %arg12[%swap3A_65, %swap3A_66] {strides = array<i32>} : memref<128x128xf32, #tpu.memory_space<vmem>>, vector<16xf32>,
        tpu.vector_store %arg12[%swap3A_65, %swap3A_66], %mul3A_64 {strides = array<i32>} : memref<128x128xf32, #tpu.memory_space<vmem>>, vector<16xf32>,
        %get3A_68 = arith.index_cast %add3A_40 : i32 to index
        %get3A_69 = arith.constant 64 : index
        %get3A_70 = tpu.vector_load %arg12[%get3A_68, %get3A_69] {strides = array<i32>} : memref<128x128xf32, #tpu.memory_space<vmem>>, vector<16xf32>,
        %mul3A_71 = arith.mulf %get3A_70, %broadcast_in_dim3A : vector<16xf32>
        %swap3A_72 = arith.index_cast %add3A_40 : i32 to index
        %swap3A_73 = arith.constant 64 : index
        %swap3A_74 = tpu.vector_load %arg12[%swap3A_72, %swap3A_73] {strides = array<i32>} : memref<128x128xf32, #tpu.memory_space<vmem>>, vector<16xf32>,
        tpu.vector_store %arg12[%swap3A_72, %swap3A_73], %mul3A_71 {strides = array<i32>} : memref<128x128xf32, #tpu.memory_space<vmem>>, vector<16xf32>,
        %get3A_75 = arith.index_cast %add3A_40 : i32 to index
        %get3A_76 = arith.constant 80 : index
        %get3A_77 = tpu.vector_load %arg12[%get3A_75, %get3A_76] {strides = array<i32>} : memref<128x128xf32, #tpu.memory_space<vmem>>, vector<16xf32>,
        %mul3A_78 = arith.mulf %get3A_77, %broadcast_in_dim3A : vector<16xf32>
        %swap3A_79 = arith.index_cast %add3A_40 : i32 to index
        %swap3A_80 = arith.constant 80 : index
        %swap3A_81 = tpu.vector_load %arg12[%swap3A_79, %swap3A_80] {strides = array<i32>} : memref<128x128xf32, #tpu.memory_space<vmem>>, vector<16xf32>,
        tpu.vector_store %arg12[%swap3A_79, %swap3A_80], %mul3A_78 {strides = array<i32>} : memref<128x128xf32, #tpu.memory_space<vmem>>, vector<16xf32>,
        %get3A_82 = arith.index_cast %add3A_40 : i32 to index
        %get3A_83 = arith.constant 96 : index
        %get3A_84 = tpu.vector_load %arg12[%get3A_82, %get3A_83] {strides = array<i32>} : memref<128x128xf32, #tpu.memory_space<vmem>>, vector<16xf32>,
        %mul3A_85 = arith.mulf %get3A_84, %broadcast_in_dim3A : vector<16xf32>
        %swap3A_86 = arith.index_cast %add3A_40 : i32 to index
        %swap3A_87 = arith.constant 96 : index
        %swap3A_88 = tpu.vector_load %arg12[%swap3A_86, %swap3A_87] {strides = array<i32>} : memref<128x128xf32, #tpu.memory_space<vmem>>, vector<16xf32>,
        tpu.vector_store %arg12[%swap3A_86, %swap3A_87], %mul3A_85 {strides = array<i32>} : memref<128x128xf32, #tpu.memory_space<vmem>>, vector<16xf32>,
        %get3A_89 = arith.index_cast %add3A_40 : i32 to index
        %get3A_90 = arith.constant 112 : index
        %get3A_91 = tpu.vector_load %arg12[%get3A_89, %get3A_90] {strides = array<i32>} : memref<128x128xf32, #tpu.memory_space<vmem>>, vector<16xf32>,
        %mul3A_92 = arith.mulf %get3A_91, %broadcast_in_dim3A : vector<16xf32>
        %swap3A_93 = arith.index_cast %add3A_40 : i32 to index
        %swap3A_94 = arith.constant 112 : index
        %swap3A_95 = tpu.vector_load %arg12[%swap3A_93, %swap3A_94] {strides = array<i32>} : memref<128x128xf32, #tpu.memory_space<vmem>>, vector<16xf32>,
        tpu.vector_store %arg12[%swap3A_93, %swap3A_94], %mul3A_92 {strides = array<i32>} : memref<128x128xf32, #tpu.memory_space<vmem>>, vector<16xf32>,
        %slice3A_96 = vector.extract_strided_slice %get3A_36 {offsets = [1], sizes = [1], strides = [1]} : vector<16xf32> to vector<1xf32>
        %squeeze3A_97 = vector.extract %slice3A_96[0] : f32 from vector<1xf32>
        %broadcast_in_dim3A_98 = vector.broadcast %squeeze3A_97 : f32 to vector<16xf32>
        %mul3A_99 = arith.constant 16 : i32
        %mul3A_100 = arith.muli %scan3A_32, %mul3A_99 : i32
        %add3A_101 = arith.constant 1 : i32
        %add3A_102 = arith.addi %mul3A_100, %add3A_101 : i32
        %get3A_103 = arith.index_cast %add3A_102 : i32 to index
        %get3A_104 = arith.constant 0 : index
        %get3A_105 = tpu.vector_load %arg12[%get3A_103, %get3A_104] {strides = array<i32>} : memref<128x128xf32, #tpu.memory_space<vmem>>, vector<16xf32>,
        %mul3A_106 = arith.mulf %get3A_105, %broadcast_in_dim3A_98 : vector<16xf32>
        %swap3A_107 = arith.index_cast %add3A_102 : i32 to index
        %swap3A_108 = arith.constant 0 : index
        %swap3A_109 = tpu.vector_load %arg12[%swap3A_107, %swap3A_108] {strides = array<i32>} : memref<128x128xf32, #tpu.memory_space<vmem>>, vector<16xf32>,
        tpu.vector_store %arg12[%swap3A_107, %swap3A_108], %mul3A_106 {strides = array<i32>} : memref<128x128xf32, #tpu.memory_space<vmem>>, vector<16xf32>,
        %get3A_110 = arith.index_cast %add3A_102 : i32 to index
        %get3A_111 = arith.constant 16 : index
        %get3A_112 = tpu.vector_load %arg12[%get3A_110, %get3A_111] {strides = array<i32>} : memref<128x128xf32, #tpu.memory_space<vmem>>, vector<16xf32>,
        %mul3A_113 = arith.mulf %get3A_112, %broadcast_in_dim3A_98 : vector<16xf32>
        %swap3A_114 = arith.index_cast %add3A_102 : i32 to index
        %swap3A_115 = arith.constant 16 : index
        %swap3A_116 = tpu.vector_load %arg12[%swap3A_114, %swap3A_115] {strides = array<i32>} : memref<128x128xf32, #tpu.memory_space<vmem>>, vector<16xf32>,
        tpu.vector_store %arg12[%swap3A_114, %swap3A_115], %mul3A_113 {strides = array<i32>} : memref<128x128xf32, #tpu.memory_space<vmem>>, vector<16xf32>,
        %get3A_117 = arith.index_cast %add3A_102 : i32 to index
        %get3A_118 = arith.constant 32 : index
        %get3A_119 = tpu.vector_load %arg12[%get3A_117, %get3A_118] {strides = array<i32>} : memref<128x128xf32, #tpu.memory_space<vmem>>, vector<16xf32>,
        %mul3A_120 = arith.mulf %get3A_119, %broadcast_in_dim3A_98 : vector<16xf32>
        %swap3A_121 = arith.index_cast %add3A_102 : i32 to index
        %swap3A_122 = arith.constant 32 : index
        %swap3A_123 = tpu.vector_load %arg12[%swap3A_121, %swap3A_122] {strides = array<i32>} : memref<128x128xf32, #tpu.memory_space<vmem>>, vector<16xf32>,
        tpu.vector_store %arg12[%swap3A_121, %swap3A_122], %mul3A_120 {strides = array<i32>} : memref<128x128xf32, #tpu.memory_space<vmem>>, vector<16xf32>,
        %get3A_124 = arith.index_cast %add3A_102 : i32 to index
        %get3A_125 = arith.constant 48 : index
        %get3A_126 = tpu.vector_load %arg12[%get3A_124, %get3A_125] {strides = array<i32>} : memref<128x128xf32, #tpu.memory_space<vmem>>, vector<16xf32>,
        %mul3A_127 = arith.mulf %get3A_126, %broadcast_in_dim3A_98 : vector<16xf32>
        %swap3A_128 = arith.index_cast %add3A_102 : i32 to index
        %swap3A_129 = arith.constant 48 : index
        %swap3A_130 = tpu.vector_load %arg12[%swap3A_128, %swap3A_129] {strides = array<i32>} : memref<128x128xf32, #tpu.memory_space<vmem>>, vector<16xf32>,
        tpu.vector_store %arg12[%swap3A_128, %swap3A_129], %mul3A_127 {strides = array<i32>} : memref<128x128xf32, #tpu.memory_space<vmem>>, vector<16xf32>,
        %get3A_131 = arith.index_cast %add3A_102 : i32 to index
        %get3A_132 = arith.constant 64 : index
        %get3A_133 = tpu.vector_load %arg12[%get3A_131, %get3A_132] {strides = array<i32>} : memref<128x128xf32, #tpu.memory_space<vmem>>, vector<16xf32>,
        %mul3A_134 = arith.mulf %get3A_133, %broadcast_in_dim3A_98 : vector<16xf32>
        %swap3A_135 = arith.index_cast %add3A_102 : i32 to index
        %swap3A_136 = arith.constant 64 : index
        %swap3A_137 = tpu.vector_load %arg12[%swap3A_135, %swap3A_136] {strides = array<i32>} : memref<128x128xf32, #tpu.memory_space<vmem>>, vector<16xf32>,
        tpu.vector_store %arg12[%swap3A_135, %swap3A_136], %mul3A_134 {strides = array<i32>} : memref<128x128xf32, #tpu.memory_space<vmem>>, vector<16xf32>,
        %get3A_138 = arith.index_cast %add3A_102 : i32 to index
        %get3A_139 = arith.constant 80 : index
        %get3A_140 = tpu.vector_load %arg12[%get3A_138, %get3A_139] {strides = array<i32>} : memref<128x128xf32, #tpu.memory_space<vmem>>, vector<16xf32>,
        %mul3A_141 = arith.mulf %get3A_140, %broadcast_in_dim3A_98 : vector<16xf32>
        %swap3A_142 = arith.index_cast %add3A_102 : i32 to index
        %swap3A_143 = arith.constant 80 : index
        %swap3A_144 = tpu.vector_load %arg12[%swap3A_142, %swap3A_143] {strides = array<i32>} : memref<128x128xf32, #tpu.memory_space<vmem>>, vector<16xf32>,
        tpu.vector_store %arg12[%swap3A_142, %swap3A_143], %mul3A_141 {strides = array<i32>} : memref<128x128xf32, #tpu.memory_space<vmem>>, vector<16xf32>,
        %get3A_145 = arith.index_cast %add3A_102 : i32 to index
        %get3A_146 = arith.constant 96 : index
        %get3A_147 = tpu.vector_load %arg12[%get3A_145, %get3A_146] {strides = array<i32>} : memref<128x128xf32, #tpu.memory_space<vmem>>, vector<16xf32>,
        %mul3A_148 = arith.mulf %get3A_147, %broadcast_in_dim3A_98 : vector<16xf32>
        %swap3A_149 = arith.index_cast %add3A_102 : i32 to index
        %swap3A_150 = arith.constant 96 : index
        %swap3A_151 = tpu.vector_load %arg12[%swap3A_149, %swap3A_150] {strides = array<i32>} : memref<128x128xf32, #tpu.memory_space<vmem>>, vector<16xf32>,
        tpu.vector_store %arg12[%swap3A_149, %swap3A_150], %mul3A_148 {strides = array<i32>} : memref<128x128xf32, #tpu.memory_space<vmem>>, vector<16xf32>,
        %get3A_152 = arith.index_cast %add3A_102 : i32 to index
        %get3A_153 = arith.constant 112 : index
        %get3A_154 = tpu.vector_load %arg12[%get3A_152, %get3A_153] {strides = array<i32>} : memref<128x128xf32, #tpu.memory_space<vmem>>, vector<16xf32>,
        %mul3A_155 = arith.mulf %get3A_154, %broadcast_in_dim3A_98 : vector<16xf32>
        %swap3A_156 = arith.index_cast %add3A_102 : i32 to index
        %swap3A_157 = arith.constant 112 : index
        %swap3A_158 = tpu.vector_load %arg12[%swap3A_156, %swap3A_157] {strides = array<i32>} : memref<128x128xf32, #tpu.memory_space<vmem>>, vector<16xf32>,
        tpu.vector_store %arg12[%swap3A_156, %swap3A_157], %mul3A_155 {strides = array<i32>} : memref<128x128xf32, #tpu.memory_space<vmem>>, vector<16xf32>,
        %slice3A_159 = vector.extract_strided_slice %get3A_36 {offsets = [2], sizes = [1], strides = [1]} : vector<16xf32> to vector<1xf32>
        %squeeze3A_160 = vector.extract %slice3A_159[0] : f32 from vector<1xf32>
        %broadcast_in_dim3A_161 = vector.broadcast %squeeze3A_160 : f32 to vector<16xf32>
        %mul3A_162 = arith.constant 16 : i32
        %mul3A_163 = arith.muli %scan3A_32, %mul3A_162 : i32
        %add3A_164 = arith.constant 2 : i32
        %add3A_165 = arith.addi %mul3A_163, %add3A_164 : i32
        %get3A_166 = arith.index_cast %add3A_165 : i32 to index
        %get3A_167 = arith.constant 0 : index
        %get3A_168 = tpu.vector_load %arg12[%get3A_166, %get3A_167] {strides = array<i32>} : memref<128x128xf32, #tpu.memory_space<vmem>>, vector<16xf32>,
        %mul3A_169 = arith.mulf %get3A_168, %broadcast_in_dim3A_161 : vector<16xf32>
        %swap3A_170 = arith.index_cast %add3A_165 : i32 to index
        %swap3A_171 = arith.constant 0 : index
        %swap3A_172 = tpu.vector_load %arg12[%swap3A_170, %swap3A_171] {strides = array<i32>} : memref<128x128xf32, #tpu.memory_space<vmem>>, vector<16xf32>,
        tpu.vector_store %arg12[%swap3A_170, %swap3A_171], %mul3A_169 {strides = array<i32>} : memref<128x128xf32, #tpu.memory_space<vmem>>, vector<16xf32>,
        %get3A_173 = arith.index_cast %add3A_165 : i32 to index
        %get3A_174 = arith.constant 16 : index
        %get3A_175 = tpu.vector_load %arg12[%get3A_173, %get3A_174] {strides = array<i32>} : memref<128x128xf32, #tpu.memory_space<vmem>>, vector<16xf32>,
        %mul3A_176 = arith.mulf %get3A_175, %broadcast_in_dim3A_161 : vector<16xf32>
        %swap3A_177 = arith.index_cast %add3A_165 : i32 to index
        %swap3A_178 = arith.constant 16 : index
        %swap3A_179 = tpu.vector_load %arg12[%swap3A_177, %swap3A_178] {strides = array<i32>} : memref<128x128xf32, #tpu.memory_space<vmem>>, vector<16xf32>,
        tpu.vector_store %arg12[%swap3A_177, %swap3A_178], %mul3A_176 {strides = array<i32>} : memref<128x128xf32, #tpu.memory_space<vmem>>, vector<16xf32>,
        %get3A_180 = arith.index_cast %add3A_165 : i32 to index
        %get3A_181 = arith.constant 32 : index
        %get3A_182 = tpu.vector_load %arg12[%get3A_180, %get3A_181] {strides = array<i32>} : memref<128x128xf32, #tpu.memory_space<vmem>>, vector<16xf32>,
        %mul3A_183 = arith.mulf %get3A_182, %broadcast_in_dim3A_161 : vector<16xf32>
        %swap3A_184 = arith.index_cast %add3A_165 : i32 to index
        %swap3A_185 = arith.constant 32 : index
        %swap3A_186 = tpu.vector_load %arg12[%swap3A_184, %swap3A_185] {strides = array<i32>} : memref<128x128xf32, #tpu.memory_space<vmem>>, vector<16xf32>,
        tpu.vector_store %arg12[%swap3A_184, %swap3A_185], %mul3A_183 {strides = array<i32>} : memref<128x128xf32, #tpu.memory_space<vmem>>, vector<16xf32>,
        %get3A_187 = arith.index_cast %add3A_165 : i32 to index
        %get3A_188 = arith.constant 48 : index
        %get3A_189 = tpu.vector_load %arg12[%get3A_187, %get3A_188] {strides = array<i32>} : memref<128x128xf32, #tpu.memory_space<vmem>>, vector<16xf32>,
        %mul3A_190 = arith.mulf %get3A_189, %broadcast_in_dim3A_161 : vector<16xf32>
        %swap3A_191 = arith.index_cast %add3A_165 : i32 to index
        %swap3A_192 = arith.constant 48 : index
        %swap3A_193 = tpu.vector_load %arg12[%swap3A_191, %swap3A_192] {strides = array<i32>} : memref<128x128xf32, #tpu.memory_space<vmem>>, vector<16xf32>,
        tpu.vector_store %arg12[%swap3A_191, %swap3A_192], %mul3A_190 {strides = array<i32>} : memref<128x128xf32, #tpu.memory_space<vmem>>, vector<16xf32>,
        %get3A_194 = arith.index_cast %add3A_165 : i32 to index
        %get3A_195 = arith.constant 64 : index
        %get3A_196 = tpu.vector_load %arg12[%get3A_194, %get3A_195] {strides = array<i32>} : memref<128x128xf32, #tpu.memory_space<vmem>>, vector<16xf32>,
        %mul3A_197 = arith.mulf %get3A_196, %broadcast_in_dim3A_161 : vector<16xf32>
        %swap3A_198 = arith.index_cast %add3A_165 : i32 to index
        %swap3A_199 = arith.constant 64 : index
        %swap3A_200 = tpu.vector_load %arg12[%swap3A_198, %swap3A_199] {strides = array<i32>} : memref<128x128xf32, #tpu.memory_space<vmem>>, vector<16xf32>,
        tpu.vector_store %arg12[%swap3A_198, %swap3A_199], %mul3A_197 {strides = array<i32>} : memref<128x128xf32, #tpu.memory_space<vmem>>, vector<16xf32>,
        %get3A_201 = arith.index_cast %add3A_165 : i32 to index
        %get3A_202 = arith.constant 80 : index
        %get3A_203 = tpu.vector_load %arg12[%get3A_201, %get3A_202] {strides = array<i32>} : memref<128x128xf32, #tpu.memory_space<vmem>>, vector<16xf32>,
        %mul3A_204 = arith.mulf %get3A_203, %broadcast_in_dim3A_161 : vector<16xf32>
        %swap3A_205 = arith.index_cast %add3A_165 : i32 to index
        %swap3A_206 = arith.constant 80 : index
        %swap3A_207 = tpu.vector_load %arg12[%swap3A_205, %swap3A_206] {strides = array<i32>} : memref<128x128xf32, #tpu.memory_space<vmem>>, vector<16xf32>,
        tpu.vector_store %arg12[%swap3A_205, %swap3A_206], %mul3A_204 {strides = array<i32>} : memref<128x128xf32, #tpu.memory_space<vmem>>, vector<16xf32>,
        %get3A_208 = arith.index_cast %add3A_165 : i32 to index
        %get3A_209 = arith.constant 96 : index
        %get3A_210 = tpu.vector_load %arg12[%get3A_208, %get3A_209] {strides = array<i32>} : memref<128x128xf32, #tpu.memory_space<vmem>>, vector<16xf32>,
        %mul3A_211 = arith.mulf %get3A_210, %broadcast_in_dim3A_161 : vector<16xf32>
        %swap3A_212 = arith.index_cast %add3A_165 : i32 to index
        %swap3A_213 = arith.constant 96 : index
        %swap3A_214 = tpu.vector_load %arg12[%swap3A_212, %swap3A_213] {strides = array<i32>} : memref<128x128xf32, #tpu.memory_space<vmem>>, vector<16xf32>,
        tpu.vector_store %arg12[%swap3A_212, %swap3A_213], %mul3A_211 {strides = array<i32>} : memref<128x128xf32, #tpu.memory_space<vmem>>, vector<16xf32>,
        %get3A_215 = arith.index_cast %add3A_165 : i32 to index
        %get3A_216 = arith.constant 112 : index
        %get3A_217 = tpu.vector_load %arg12[%get3A_215, %get3A_216] {strides = array<i32>} : memref<128x128xf32, #tpu.memory_space<vmem>>, vector<16xf32>,
        %mul3A_218 = arith.mulf %get3A_217, %broadcast_in_dim3A_161 : vector<16xf32>
        %swap3A_219 = arith.index_cast %add3A_165 : i32 to index
        %swap3A_220 = arith.constant 112 : index
        %swap3A_221 = tpu.vector_load %arg12[%swap3A_219, %swap3A_220] {strides = array<i32>} : memref<128x128xf32, #tpu.memory_space<vmem>>, vector<16xf32>,
        tpu.vector_store %arg12[%swap3A_219, %swap3A_220], %mul3A_218 {strides = array<i32>} : memref<128x128xf32, #tpu.memory_space<vmem>>, vector<16xf32>,
        %slice3A_222 = vector.extract_strided_slice %get3A_36 {offsets = [3], sizes = [1], strides = [1]} : vector<16xf32> to vector<1xf32>
        %squeeze3A_223 = vector.extract %slice3A_222[0] : f32 from vector<1xf32>
        %broadcast_in_dim3A_224 = vector.broadcast %squeeze3A_223 : f32 to vector<16xf32>
        %mul3A_225 = arith.constant 16 : i32
        %mul3A_226 = arith.muli %scan3A_32, %mul3A_225 : i32
        %add3A_227 = arith.constant 3 : i32
        %add3A_228 = arith.addi %mul3A_226, %add3A_227 : i32
        %get3A_229 = arith.index_cast %add3A_228 : i32 to index
        %get3A_230 = arith.constant 0 : index
        %get3A_231 = tpu.vector_load %arg12[%get3A_229, %get3A_230] {strides = array<i32>} : memref<128x128xf32, #tpu.memory_space<vmem>>, vector<16xf32>,
        %mul3A_232 = arith.mulf %get3A_231, %broadcast_in_dim3A_224 : vector<16xf32>
        %swap3A_233 = arith.index_cast %add3A_228 : i32 to index
        %swap3A_234 = arith.constant 0 : index
        %swap3A_235 = tpu.vector_load %arg12[%swap3A_233, %swap3A_234] {strides = array<i32>} : memref<128x128xf32, #tpu.memory_space<vmem>>, vector<16xf32>,
        tpu.vector_store %arg12[%swap3A_233, %swap3A_234], %mul3A_232 {strides = array<i32>} : memref<128x128xf32, #tpu.memory_space<vmem>>, vector<16xf32>,
        %get3A_236 = arith.index_cast %add3A_228 : i32 to index
        %get3A_237 = arith.constant 16 : index
        %get3A_238 = tpu.vector_load %arg12[%get3A_236, %get3A_237] {strides = array<i32>} : memref<128x128xf32, #tpu.memory_space<vmem>>, vector<16xf32>,
        %mul3A_239 = arith.mulf %get3A_238, %broadcast_in_dim3A_224 : vector<16xf32>
        %swap3A_240 = arith.index_cast %add3A_228 : i32 to index
        %swap3A_241 = arith.constant 16 : index
        %swap3A_242 = tpu.vector_load %arg12[%swap3A_240, %swap3A_241] {strides = array<i32>} : memref<128x128xf32, #tpu.memory_space<vmem>>, vector<16xf32>,
        tpu.vector_store %arg12[%swap3A_240, %swap3A_241], %mul3A_239 {strides = array<i32>} : memref<128x128xf32, #tpu.memory_space<vmem>>, vector<16xf32>,
        %get3A_243 = arith.index_cast %add3A_228 : i32 to index
        %get3A_244 = arith.constant 32 : index
        %get3A_245 = tpu.vector_load %arg12[%get3A_243, %get3A_244] {strides = array<i32>} : memref<128x128xf32, #tpu.memory_space<vmem>>, vector<16xf32>,
        %mul3A_246 = arith.mulf %get3A_245, %broadcast_in_dim3A_224 : vector<16xf32>
        %swap3A_247 = arith.index_cast %add3A_228 : i32 to index
        %swap3A_248 = arith.constant 32 : index
        %swap3A_249 = tpu.vector_load %arg12[%swap3A_247, %swap3A_248] {strides = array<i32>} : memref<128x128xf32, #tpu.memory_space<vmem>>, vector<16xf32>,
        tpu.vector_store %arg12[%swap3A_247, %swap3A_248], %mul3A_246 {strides = array<i32>} : memref<128x128xf32, #tpu.memory_space<vmem>>, vector<16xf32>,
        %get3A_250 = arith.index_cast %add3A_228 : i32 to index
        %get3A_251 = arith.constant 48 : index
        %get3A_252 = tpu.vector_load %arg12[%get3A_250, %get3A_251] {strides = array<i32>} : memref<128x128xf32, #tpu.memory_space<vmem>>, vector<16xf32>,
        %mul3A_253 = arith.mulf %get3A_252, %broadcast_in_dim3A_224 : vector<16xf32>
        %swap3A_254 = arith.index_cast %add3A_228 : i32 to index
        %swap3A_255 = arith.constant 48 : index
        %swap3A_256 = tpu.vector_load %arg12[%swap3A_254, %swap3A_255] {strides = array<i32>} : memref<128x128xf32, #tpu.memory_space<vmem>>, vector<16xf32>,
        tpu.vector_store %arg12[%swap3A_254, %swap3A_255], %mul3A_253 {strides = array<i32>} : memref<128x128xf32, #tpu.memory_space<vmem>>, vector<16xf32>,
        %get3A_257 = arith.index_cast %add3A_228 : i32 to index
        %get3A_258 = arith.constant 64 : index
        %get3A_259 = tpu.vector_load %arg12[%get3A_257, %get3A_258] {strides = array<i32>} : memref<128x128xf32, #tpu.memory_space<vmem>>, vector<16xf32>,
        %mul3A_260 = arith.mulf %get3A_259, %broadcast_in_dim3A_224 : vector<16xf32>
        %swap3A_261 = arith.index_cast %add3A_228 : i32 to index
        %swap3A_262 = arith.constant 64 : index
        %swap3A_263 = tpu.vector_load %arg12[%swap3A_261, %swap3A_262] {strides = array<i32>} : memref<128x128xf32, #tpu.memory_space<vmem>>, vector<16xf32>,
        tpu.vector_store %arg12[%swap3A_261, %swap3A_262], %mul3A_260 {strides = array<i32>} : memref<128x128xf32, #tpu.memory_space<vmem>>, vector<16xf32>,
        %get3A_264 = arith.index_cast %add3A_228 : i32 to index
        %get3A_265 = arith.constant 80 : index
        %get3A_266 = tpu.vector_load %arg12[%get3A_264, %get3A_265] {strides = array<i32>} : memref<128x128xf32, #tpu.memory_space<vmem>>, vector<16xf32>,
        %mul3A_267 = arith.mulf %get3A_266, %broadcast_in_dim3A_224 : vector<16xf32>
        %swap3A_268 = arith.index_cast %add3A_228 : i32 to index
        %swap3A_269 = arith.constant 80 : index
        %swap3A_270 = tpu.vector_load %arg12[%swap3A_268, %swap3A_269] {strides = array<i32>} : memref<128x128xf32, #tpu.memory_space<vmem>>, vector<16xf32>,
        tpu.vector_store %arg12[%swap3A_268, %swap3A_269], %mul3A_267 {strides = array<i32>} : memref<128x128xf32, #tpu.memory_space<vmem>>, vector<16xf32>,
        %get3A_271 = arith.index_cast %add3A_228 : i32 to index
        %get3A_272 = arith.constant 96 : index
        %get3A_273 = tpu.vector_load %arg12[%get3A_271, %get3A_272] {strides = array<i32>} : memref<128x128xf32, #tpu.memory_space<vmem>>, vector<16xf32>,
        %mul3A_274 = arith.mulf %get3A_273, %broadcast_in_dim3A_224 : vector<16xf32>
        %swap3A_275 = arith.index_cast %add3A_228 : i32 to index
        %swap3A_276 = arith.constant 96 : index
        %swap3A_277 = tpu.vector_load %arg12[%swap3A_275, %swap3A_276] {strides = array<i32>} : memref<128x128xf32, #tpu.memory_space<vmem>>, vector<16xf32>,
        tpu.vector_store %arg12[%swap3A_275, %swap3A_276], %mul3A_274 {strides = array<i32>} : memref<128x128xf32, #tpu.memory_space<vmem>>, vector<16xf32>,
        %get3A_278 = arith.index_cast %add3A_228 : i32 to index
        %get3A_279 = arith.constant 112 : index
        %get3A_280 = tpu.vector_load %arg12[%get3A_278, %get3A_279] {strides = array<i32>} : memref<128x128xf32, #tpu.memory_space<vmem>>, vector<16xf32>,
        %mul3A_281 = arith.mulf %get3A_280, %broadcast_in_dim3A_224 : vector<16xf32>
        %swap3A_282 = arith.index_cast %add3A_228 : i32 to index
        %swap3A_283 = arith.constant 112 : index
        %swap3A_284 = tpu.vector_load %arg12[%swap3A_282, %swap3A_283] {strides = array<i32>} : memref<128x128xf32, #tpu.memory_space<vmem>>, vector<16xf32>,
        tpu.vector_store %arg12[%swap3A_282, %swap3A_283], %mul3A_281 {strides = array<i32>} : memref<128x128xf32, #tpu.memory_space<vmem>>, vector<16xf32>,
        %slice3A_285 = vector.extract_strided_slice %get3A_36 {offsets = [4], sizes = [1], strides = [1]} : vector<16xf32> to vector<1xf32>
        %squeeze3A_286 = vector.extract %slice3A_285[0] : f32 from vector<1xf32>
        %broadcast_in_dim3A_287 = vector.broadcast %squeeze3A_286 : f32 to vector<16xf32>
        %mul3A_288 = arith.constant 16 : i32
        %mul3A_289 = arith.muli %scan3A_32, %mul3A_288 : i32
        %add3A_290 = arith.constant 4 : i32
        %add3A_291 = arith.addi %mul3A_289, %add3A_290 : i32
        %get3A_292 = arith.index_cast %add3A_291 : i32 to index
        %get3A_293 = arith.constant 0 : index
        %get3A_294 = tpu.vector_load %arg12[%get3A_292, %get3A_293] {strides = array<i32>} : memref<128x128xf32, #tpu.memory_space<vmem>>, vector<16xf32>,
        %mul3A_295 = arith.mulf %get3A_294, %broadcast_in_dim3A_287 : vector<16xf32>
        %swap3A_296 = arith.index_cast %add3A_291 : i32 to index
        %swap3A_297 = arith.constant 0 : index
        %swap3A_298 = tpu.vector_load %arg12[%swap3A_296, %swap3A_297] {strides = array<i32>} : memref<128x128xf32, #tpu.memory_space<vmem>>, vector<16xf32>,
        tpu.vector_store %arg12[%swap3A_296, %swap3A_297], %mul3A_295 {strides = array<i32>} : memref<128x128xf32, #tpu.memory_space<vmem>>, vector<16xf32>,
        %get3A_299 = arith.index_cast %add3A_291 : i32 to index
        %get3A_300 = arith.constant 16 : index
        %get3A_301 = tpu.vector_load %arg12[%get3A_299, %get3A_300] {strides = array<i32>} : memref<128x128xf32, #tpu.memory_space<vmem>>, vector<16xf32>,
        %mul3A_302 = arith.mulf %get3A_301, %broadcast_in_dim3A_287 : vector<16xf32>
        %swap3A_303 = arith.index_cast %add3A_291 : i32 to index
        %swap3A_304 = arith.constant 16 : index
        %swap3A_305 = tpu.vector_load %arg12[%swap3A_303, %swap3A_304] {strides = array<i32>} : memref<128x128xf32, #tpu.memory_space<vmem>>, vector<16xf32>,
        tpu.vector_store %arg12[%swap3A_303, %swap3A_304], %mul3A_302 {strides = array<i32>} : memref<128x128xf32, #tpu.memory_space<vmem>>, vector<16xf32>,
        %get3A_306 = arith.index_cast %add3A_291 : i32 to index
        %get3A_307 = arith.constant 32 : index
        %get3A_308 = tpu.vector_load %arg12[%get3A_306, %get3A_307] {strides = array<i32>} : memref<128x128xf32, #tpu.memory_space<vmem>>, vector<16xf32>,
        %mul3A_309 = arith.mulf %get3A_308, %broadcast_in_dim3A_287 : vector<16xf32>
        %swap3A_310 = arith.index_cast %add3A_291 : i32 to index
        %swap3A_311 = arith.constant 32 : index
        %swap3A_312 = tpu.vector_load %arg12[%swap3A_310, %swap3A_311] {strides = array<i32>} : memref<128x128xf32, #tpu.memory_space<vmem>>, vector<16xf32>,
        tpu.vector_store %arg12[%swap3A_310, %swap3A_311], %mul3A_309 {strides = array<i32>} : memref<128x128xf32, #tpu.memory_space<vmem>>, vector<16xf32>,
        %get3A_313 = arith.index_cast %add3A_291 : i32 to index
        %get3A_314 = arith.constant 48 : index
        %get3A_315 = tpu.vector_load %arg12[%get3A_313, %get3A_314] {strides = array<i32>} : memref<128x128xf32, #tpu.memory_space<vmem>>, vector<16xf32>,
        %mul3A_316 = arith.mulf %get3A_315, %broadcast_in_dim3A_287 : vector<16xf32>
        %swap3A_317 = arith.index_cast %add3A_291 : i32 to index
        %swap3A_318 = arith.constant 48 : index
        %swap3A_319 = tpu.vector_load %arg12[%swap3A_317, %swap3A_318] {strides = array<i32>} : memref<128x128xf32, #tpu.memory_space<vmem>>, vector<16xf32>,
        tpu.vector_store %arg12[%swap3A_317, %swap3A_318], %mul3A_316 {strides = array<i32>} : memref<128x128xf32, #tpu.memory_space<vmem>>, vector<16xf32>,
        %get3A_320 = arith.index_cast %add3A_291 : i32 to index
        %get3A_321 = arith.constant 64 : index
        %get3A_322 = tpu.vector_load %arg12[%get3A_320, %get3A_321] {strides = array<i32>} : memref<128x128xf32, #tpu.memory_space<vmem>>, vector<16xf32>,
        %mul3A_323 = arith.mulf %get3A_322, %broadcast_in_dim3A_287 : vector<16xf32>
        %swap3A_324 = arith.index_cast %add3A_291 : i32 to index
        %swap3A_325 = arith.constant 64 : index
        %swap3A_326 = tpu.vector_load %arg12[%swap3A_324, %swap3A_325] {strides = array<i32>} : memref<128x128xf32, #tpu.memory_space<vmem>>, vector<16xf32>,
        tpu.vector_store %arg12[%swap3A_324, %swap3A_325], %mul3A_323 {strides = array<i32>} : memref<128x128xf32, #tpu.memory_space<vmem>>, vector<16xf32>,
        %get3A_327 = arith.index_cast %add3A_291 : i32 to index
        %get3A_328 = arith.constant 80 : index
        %get3A_329 = tpu.vector_load %arg12[%get3A_327, %get3A_328] {strides = array<i32>} : memref<128x128xf32, #tpu.memory_space<vmem>>, vector<16xf32>,
        %mul3A_330 = arith.mulf %get3A_329, %broadcast_in_dim3A_287 : vector<16xf32>
        %swap3A_331 = arith.index_cast %add3A_291 : i32 to index
        %swap3A_332 = arith.constant 80 : index
        %swap3A_333 = tpu.vector_load %arg12[%swap3A_331, %swap3A_332] {strides = array<i32>} : memref<128x128xf32, #tpu.memory_space<vmem>>, vector<16xf32>,
        tpu.vector_store %arg12[%swap3A_331, %swap3A_332], %mul3A_330 {strides = array<i32>} : memref<128x128xf32, #tpu.memory_space<vmem>>, vector<16xf32>,
        %get3A_334 = arith.index_cast %add3A_291 : i32 to index
        %get3A_335 = arith.constant 96 : index
        %get3A_336 = tpu.vector_load %arg12[%get3A_334, %get3A_335] {strides = array<i32>} : memref<128x128xf32, #tpu.memory_space<vmem>>, vector<16xf32>,
        %mul3A_337 = arith.mulf %get3A_336, %broadcast_in_dim3A_287 : vector<16xf32>
        %swap3A_338 = arith.index_cast %add3A_291 : i32 to index
        %swap3A_339 = arith.constant 96 : index
        %swap3A_340 = tpu.vector_load %arg12[%swap3A_338, %swap3A_339] {strides = array<i32>} : memref<128x128xf32, #tpu.memory_space<vmem>>, vector<16xf32>,
        tpu.vector_store %arg12[%swap3A_338, %swap3A_339], %mul3A_337 {strides = array<i32>} : memref<128x128xf32, #tpu.memory_space<vmem>>, vector<16xf32>,
        %get3A_341 = arith.index_cast %add3A_291 : i32 to index
        %get3A_342 = arith.constant 112 : index
        %get3A_343 = tpu.vector_load %arg12[%get3A_341, %get3A_342] {strides = array<i32>} : memref<128x128xf32, #tpu.memory_space<vmem>>, vector<16xf32>,
        %mul3A_344 = arith.mulf %get3A_343, %broadcast_in_dim3A_287 : vector<16xf32>
        %swap3A_345 = arith.index_cast %add3A_291 : i32 to index
        %swap3A_346 = arith.constant 112 : index
        %swap3A_347 = tpu.vector_load %arg12[%swap3A_345, %swap3A_346] {strides = array<i32>} : memref<128x128xf32, #tpu.memory_space<vmem>>, vector<16xf32>,
        tpu.vector_store %arg12[%swap3A_345, %swap3A_346], %mul3A_344 {strides = array<i32>} : memref<128x128xf32, #tpu.memory_space<vmem>>, vector<16xf32>,
        %slice3A_348 = vector.extract_strided_slice %get3A_36 {offsets = [5], sizes = [1], strides = [1]} : vector<16xf32> to vector<1xf32>
        %squeeze3A_349 = vector.extract %slice3A_348[0] : f32 from vector<1xf32>
        %broadcast_in_dim3A_350 = vector.broadcast %squeeze3A_349 : f32 to vector<16xf32>
        %mul3A_351 = arith.constant 16 : i32
        %mul3A_352 = arith.muli %scan3A_32, %mul3A_351 : i32
        %add3A_353 = arith.constant 5 : i32
        %add3A_354 = arith.addi %mul3A_352, %add3A_353 : i32
        %get3A_355 = arith.index_cast %add3A_354 : i32 to index
        %get3A_356 = arith.constant 0 : index
        %get3A_357 = tpu.vector_load %arg12[%get3A_355, %get3A_356] {strides = array<i32>} : memref<128x128xf32, #tpu.memory_space<vmem>>, vector<16xf32>,
        %mul3A_358 = arith.mulf %get3A_357, %broadcast_in_dim3A_350 : vector<16xf32>
        %swap3A_359 = arith.index_cast %add3A_354 : i32 to index
        %swap3A_360 = arith.constant 0 : index
        %swap3A_361 = tpu.vector_load %arg12[%swap3A_359, %swap3A_360] {strides = array<i32>} : memref<128x128xf32, #tpu.memory_space<vmem>>, vector<16xf32>,
        tpu.vector_store %arg12[%swap3A_359, %swap3A_360], %mul3A_358 {strides = array<i32>} : memref<128x128xf32, #tpu.memory_space<vmem>>, vector<16xf32>,
        %get3A_362 = arith.index_cast %add3A_354 : i32 to index
        %get3A_363 = arith.constant 16 : index
        %get3A_364 = tpu.vector_load %arg12[%get3A_362, %get3A_363] {strides = array<i32>} : memref<128x128xf32, #tpu.memory_space<vmem>>, vector<16xf32>,
        %mul3A_365 = arith.mulf %get3A_364, %broadcast_in_dim3A_350 : vector<16xf32>
        %swap3A_366 = arith.index_cast %add3A_354 : i32 to index
        %swap3A_367 = arith.constant 16 : index
        %swap3A_368 = tpu.vector_load %arg12[%swap3A_366, %swap3A_367] {strides = array<i32>} : memref<128x128xf32, #tpu.memory_space<vmem>>, vector<16xf32>,
        tpu.vector_store %arg12[%swap3A_366, %swap3A_367], %mul3A_365 {strides = array<i32>} : memref<128x128xf32, #tpu.memory_space<vmem>>, vector<16xf32>,
        %get3A_369 = arith.index_cast %add3A_354 : i32 to index
        %get3A_370 = arith.constant 32 : index
        %get3A_371 = tpu.vector_load %arg12[%get3A_369, %get3A_370] {strides = array<i32>} : memref<128x128xf32, #tpu.memory_space<vmem>>, vector<16xf32>,
        %mul3A_372 = arith.mulf %get3A_371, %broadcast_in_dim3A_350 : vector<16xf32>
        %swap3A_373 = arith.index_cast %add3A_354 : i32 to index
        %swap3A_374 = arith.constant 32 : index
        %swap3A_375 = tpu.vector_load %arg12[%swap3A_373, %swap3A_374] {strides = array<i32>} : memref<128x128xf32, #tpu.memory_space<vmem>>, vector<16xf32>,
        tpu.vector_store %arg12[%swap3A_373, %swap3A_374], %mul3A_372 {strides = array<i32>} : memref<128x128xf32, #tpu.memory_space<vmem>>, vector<16xf32>,
        %get3A_376 = arith.index_cast %add3A_354 : i32 to index
        %get3A_377 = arith.constant 48 : index
        %get3A_378 = tpu.vector_load %arg12[%get3A_376, %get3A_377] {strides = array<i32>} : memref<128x128xf32, #tpu.memory_space<vmem>>, vector<16xf32>,
        %mul3A_379 = arith.mulf %get3A_378, %broadcast_in_dim3A_350 : vector<16xf32>
        %swap3A_380 = arith.index_cast %add3A_354 : i32 to index
        %swap3A_381 = arith.constant 48 : index
        %swap3A_382 = tpu.vector_load %arg12[%swap3A_380, %swap3A_381] {strides = array<i32>} : memref<128x128xf32, #tpu.memory_space<vmem>>, vector<16xf32>,
        tpu.vector_store %arg12[%swap3A_380, %swap3A_381], %mul3A_379 {strides = array<i32>} : memref<128x128xf32, #tpu.memory_space<vmem>>, vector<16xf32>,
        %get3A_383 = arith.index_cast %add3A_354 : i32 to index
        %get3A_384 = arith.constant 64 : index
        %get3A_385 = tpu.vector_load %arg12[%get3A_383, %get3A_384] {strides = array<i32>} : memref<128x128xf32, #tpu.memory_space<vmem>>, vector<16xf32>,
        %mul3A_386 = arith.mulf %get3A_385, %broadcast_in_dim3A_350 : vector<16xf32>
        %swap3A_387 = arith.index_cast %add3A_354 : i32 to index
        %swap3A_388 = arith.constant 64 : index
        %swap3A_389 = tpu.vector_load %arg12[%swap3A_387, %swap3A_388] {strides = array<i32>} : memref<128x128xf32, #tpu.memory_space<vmem>>, vector<16xf32>,
        tpu.vector_store %arg12[%swap3A_387, %swap3A_388], %mul3A_386 {strides = array<i32>} : memref<128x128xf32, #tpu.memory_space<vmem>>, vector<16xf32>,
        %get3A_390 = arith.index_cast %add3A_354 : i32 to index
        %get3A_391 = arith.constant 80 : index
        %get3A_392 = tpu.vector_load %arg12[%get3A_390, %get3A_391] {strides = array<i32>} : memref<128x128xf32, #tpu.memory_space<vmem>>, vector<16xf32>,
        %mul3A_393 = arith.mulf %get3A_392, %broadcast_in_dim3A_350 : vector<16xf32>
        %swap3A_394 = arith.index_cast %add3A_354 : i32 to index
        %swap3A_395 = arith.constant 80 : index
        %swap3A_396 = tpu.vector_load %arg12[%swap3A_394, %swap3A_395] {strides = array<i32>} : memref<128x128xf32, #tpu.memory_space<vmem>>, vector<16xf32>,
        tpu.vector_store %arg12[%swap3A_394, %swap3A_395], %mul3A_393 {strides = array<i32>} : memref<128x128xf32, #tpu.memory_space<vmem>>, vector<16xf32>,
        %get3A_397 = arith.index_cast %add3A_354 : i32 to index
        %get3A_398 = arith.constant 96 : index
        %get3A_399 = tpu.vector_load %arg12[%get3A_397, %get3A_398] {strides = array<i32>} : memref<128x128xf32, #tpu.memory_space<vmem>>, vector<16xf32>,
        %mul3A_400 = arith.mulf %get3A_399, %broadcast_in_dim3A_350 : vector<16xf32>
        %swap3A_401 = arith.index_cast %add3A_354 : i32 to index
        %swap3A_402 = arith.constant 96 : index
        %swap3A_403 = tpu.vector_load %arg12[%swap3A_401, %swap3A_402] {strides = array<i32>} : memref<128x128xf32, #tpu.memory_space<vmem>>, vector<16xf32>,
        tpu.vector_store %arg12[%swap3A_401, %swap3A_402], %mul3A_400 {strides = array<i32>} : memref<128x128xf32, #tpu.memory_space<vmem>>, vector<16xf32>,
        %get3A_404 = arith.index_cast %add3A_354 : i32 to index
        %get3A_405 = arith.constant 112 : index
        %get3A_406 = tpu.vector_load %arg12[%get3A_404, %get3A_405] {strides = array<i32>} : memref<128x128xf32, #tpu.memory_space<vmem>>, vector<16xf32>,
        %mul3A_407 = arith.mulf %get3A_406, %broadcast_in_dim3A_350 : vector<16xf32>
        %swap3A_408 = arith.index_cast %add3A_354 : i32 to index
        %swap3A_409 = arith.constant 112 : index
        %swap3A_410 = tpu.vector_load %arg12[%swap3A_408, %swap3A_409] {strides = array<i32>} : memref<128x128xf32, #tpu.memory_space<vmem>>, vector<16xf32>,
        tpu.vector_store %arg12[%swap3A_408, %swap3A_409], %mul3A_407 {strides = array<i32>} : memref<128x128xf32, #tpu.memory_space<vmem>>, vector<16xf32>,
        %slice3A_411 = vector.extract_strided_slice %get3A_36 {offsets = [6], sizes = [1], strides = [1]} : vector<16xf32> to vector<1xf32>
        %squeeze3A_412 = vector.extract %slice3A_411[0] : f32 from vector<1xf32>
        %broadcast_in_dim3A_413 = vector.broadcast %squeeze3A_412 : f32 to vector<16xf32>
        %mul3A_414 = arith.constant 16 : i32
        %mul3A_415 = arith.muli %scan3A_32, %mul3A_414 : i32
        %add3A_416 = arith.constant 6 : i32
        %add3A_417 = arith.addi %mul3A_415, %add3A_416 : i32
        %get3A_418 = arith.index_cast %add3A_417 : i32 to index
        %get3A_419 = arith.constant 0 : index
        %get3A_420 = tpu.vector_load %arg12[%get3A_418, %get3A_419] {strides = array<i32>} : memref<128x128xf32, #tpu.memory_space<vmem>>, vector<16xf32>,
        %mul3A_421 = arith.mulf %get3A_420, %broadcast_in_dim3A_413 : vector<16xf32>
        %swap3A_422 = arith.index_cast %add3A_417 : i32 to index
        %swap3A_423 = arith.constant 0 : index
        %swap3A_424 = tpu.vector_load %arg12[%swap3A_422, %swap3A_423] {strides = array<i32>} : memref<128x128xf32, #tpu.memory_space<vmem>>, vector<16xf32>,
        tpu.vector_store %arg12[%swap3A_422, %swap3A_423], %mul3A_421 {strides = array<i32>} : memref<128x128xf32, #tpu.memory_space<vmem>>, vector<16xf32>,
        %get3A_425 = arith.index_cast %add3A_417 : i32 to index
        %get3A_426 = arith.constant 16 : index
        %get3A_427 = tpu.vector_load %arg12[%get3A_425, %get3A_426] {strides = array<i32>} : memref<128x128xf32, #tpu.memory_space<vmem>>, vector<16xf32>,
        %mul3A_428 = arith.mulf %get3A_427, %broadcast_in_dim3A_413 : vector<16xf32>
        %swap3A_429 = arith.index_cast %add3A_417 : i32 to index
        %swap3A_430 = arith.constant 16 : index
        %swap3A_431 = tpu.vector_load %arg12[%swap3A_429, %swap3A_430] {strides = array<i32>} : memref<128x128xf32, #tpu.memory_space<vmem>>, vector<16xf32>,
        tpu.vector_store %arg12[%swap3A_429, %swap3A_430], %mul3A_428 {strides = array<i32>} : memref<128x128xf32, #tpu.memory_space<vmem>>, vector<16xf32>,
        %get3A_432 = arith.index_cast %add3A_417 : i32 to index
        %get3A_433 = arith.constant 32 : index
        %get3A_434 = tpu.vector_load %arg12[%get3A_432, %get3A_433] {strides = array<i32>} : memref<128x128xf32, #tpu.memory_space<vmem>>, vector<16xf32>,
        %mul3A_435 = arith.mulf %get3A_434, %broadcast_in_dim3A_413 : vector<16xf32>
        %swap3A_436 = arith.index_cast %add3A_417 : i32 to index
        %swap3A_437 = arith.constant 32 : index
        %swap3A_438 = tpu.vector_load %arg12[%swap3A_436, %swap3A_437] {strides = array<i32>} : memref<128x128xf32, #tpu.memory_space<vmem>>, vector<16xf32>,
        tpu.vector_store %arg12[%swap3A_436, %swap3A_437], %mul3A_435 {strides = array<i32>} : memref<128x128xf32, #tpu.memory_space<vmem>>, vector<16xf32>,
        %get3A_439 = arith.index_cast %add3A_417 : i32 to index
        %get3A_440 = arith.constant 48 : index
        %get3A_441 = tpu.vector_load %arg12[%get3A_439, %get3A_440] {strides = array<i32>} : memref<128x128xf32, #tpu.memory_space<vmem>>, vector<16xf32>,
        %mul3A_442 = arith.mulf %get3A_441, %broadcast_in_dim3A_413 : vector<16xf32>
        %swap3A_443 = arith.index_cast %add3A_417 : i32 to index
        %swap3A_444 = arith.constant 48 : index
        %swap3A_445 = tpu.vector_load %arg12[%swap3A_443, %swap3A_444] {strides = array<i32>} : memref<128x128xf32, #tpu.memory_space<vmem>>, vector<16xf32>,
        tpu.vector_store %arg12[%swap3A_443, %swap3A_444], %mul3A_442 {strides = array<i32>} : memref<128x128xf32, #tpu.memory_space<vmem>>, vector<16xf32>,
        %get3A_446 = arith.index_cast %add3A_417 : i32 to index
        %get3A_447 = arith.constant 64 : index
        %get3A_448 = tpu.vector_load %arg12[%get3A_446, %get3A_447] {strides = array<i32>} : memref<128x128xf32, #tpu.memory_space<vmem>>, vector<16xf32>,
        %mul3A_449 = arith.mulf %get3A_448, %broadcast_in_dim3A_413 : vector<16xf32>
        %swap3A_450 = arith.index_cast %add3A_417 : i32 to index
        %swap3A_451 = arith.constant 64 : index
        %swap3A_452 = tpu.vector_load %arg12[%swap3A_450, %swap3A_451] {strides = array<i32>} : memref<128x128xf32, #tpu.memory_space<vmem>>, vector<16xf32>,
        tpu.vector_store %arg12[%swap3A_450, %swap3A_451], %mul3A_449 {strides = array<i32>} : memref<128x128xf32, #tpu.memory_space<vmem>>, vector<16xf32>,
        %get3A_453 = arith.index_cast %add3A_417 : i32 to index
        %get3A_454 = arith.constant 80 : index
        %get3A_455 = tpu.vector_load %arg12[%get3A_453, %get3A_454] {strides = array<i32>} : memref<128x128xf32, #tpu.memory_space<vmem>>, vector<16xf32>,
        %mul3A_456 = arith.mulf %get3A_455, %broadcast_in_dim3A_413 : vector<16xf32>
        %swap3A_457 = arith.index_cast %add3A_417 : i32 to index
        %swap3A_458 = arith.constant 80 : index
        %swap3A_459 = tpu.vector_load %arg12[%swap3A_457, %swap3A_458] {strides = array<i32>} : memref<128x128xf32, #tpu.memory_space<vmem>>, vector<16xf32>,
        tpu.vector_store %arg12[%swap3A_457, %swap3A_458], %mul3A_456 {strides = array<i32>} : memref<128x128xf32, #tpu.memory_space<vmem>>, vector<16xf32>,
        %get3A_460 = arith.index_cast %add3A_417 : i32 to index
        %get3A_461 = arith.constant 96 : index
        %get3A_462 = tpu.vector_load %arg12[%get3A_460, %get3A_461] {strides = array<i32>} : memref<128x128xf32, #tpu.memory_space<vmem>>, vector<16xf32>,
        %mul3A_463 = arith.mulf %get3A_462, %broadcast_in_dim3A_413 : vector<16xf32>
        %swap3A_464 = arith.index_cast %add3A_417 : i32 to index
        %swap3A_465 = arith.constant 96 : index
        %swap3A_466 = tpu.vector_load %arg12[%swap3A_464, %swap3A_465] {strides = array<i32>} : memref<128x128xf32, #tpu.memory_space<vmem>>, vector<16xf32>,
        tpu.vector_store %arg12[%swap3A_464, %swap3A_465], %mul3A_463 {strides = array<i32>} : memref<128x128xf32, #tpu.memory_space<vmem>>, vector<16xf32>,
        %get3A_467 = arith.index_cast %add3A_417 : i32 to index
        %get3A_468 = arith.constant 112 : index
        %get3A_469 = tpu.vector_load %arg12[%get3A_467, %get3A_468] {strides = array<i32>} : memref<128x128xf32, #tpu.memory_space<vmem>>, vector<16xf32>,
        %mul3A_470 = arith.mulf %get3A_469, %broadcast_in_dim3A_413 : vector<16xf32>
        %swap3A_471 = arith.index_cast %add3A_417 : i32 to index
        %swap3A_472 = arith.constant 112 : index
        %swap3A_473 = tpu.vector_load %arg12[%swap3A_471, %swap3A_472] {strides = array<i32>} : memref<128x128xf32, #tpu.memory_space<vmem>>, vector<16xf32>,
        tpu.vector_store %arg12[%swap3A_471, %swap3A_472], %mul3A_470 {strides = array<i32>} : memref<128x128xf32, #tpu.memory_space<vmem>>, vector<16xf32>,
        %slice3A_474 = vector.extract_strided_slice %get3A_36 {offsets = [7], sizes = [1], strides = [1]} : vector<16xf32> to vector<1xf32>
        %squeeze3A_475 = vector.extract %slice3A_474[0] : f32 from vector<1xf32>
        %broadcast_in_dim3A_476 = vector.broadcast %squeeze3A_475 : f32 to vector<16xf32>
        %mul3A_477 = arith.constant 16 : i32
        %mul3A_478 = arith.muli %scan3A_32, %mul3A_477 : i32
        %add3A_479 = arith.constant 7 : i32
        %add3A_480 = arith.addi %mul3A_478, %add3A_479 : i32
        %get3A_481 = arith.index_cast %add3A_480 : i32 to index
        %get3A_482 = arith.constant 0 : index
        %get3A_483 = tpu.vector_load %arg12[%get3A_481, %get3A_482] {strides = array<i32>} : memref<128x128xf32, #tpu.memory_space<vmem>>, vector<16xf32>,
        %mul3A_484 = arith.mulf %get3A_483, %broadcast_in_dim3A_476 : vector<16xf32>
        %swap3A_485 = arith.index_cast %add3A_480 : i32 to index
        %swap3A_486 = arith.constant 0 : index
        %swap3A_487 = tpu.vector_load %arg12[%swap3A_485, %swap3A_486] {strides = array<i32>} : memref<128x128xf32, #tpu.memory_space<vmem>>, vector<16xf32>,
        tpu.vector_store %arg12[%swap3A_485, %swap3A_486], %mul3A_484 {strides = array<i32>} : memref<128x128xf32, #tpu.memory_space<vmem>>, vector<16xf32>,
        %get3A_488 = arith.index_cast %add3A_480 : i32 to index
        %get3A_489 = arith.constant 16 : index
        %get3A_490 = tpu.vector_load %arg12[%get3A_488, %get3A_489] {strides = array<i32>} : memref<128x128xf32, #tpu.memory_space<vmem>>, vector<16xf32>,
        %mul3A_491 = arith.mulf %get3A_490, %broadcast_in_dim3A_476 : vector<16xf32>
        %swap3A_492 = arith.index_cast %add3A_480 : i32 to index
        %swap3A_493 = arith.constant 16 : index
        %swap3A_494 = tpu.vector_load %arg12[%swap3A_492, %swap3A_493] {strides = array<i32>} : memref<128x128xf32, #tpu.memory_space<vmem>>, vector<16xf32>,
        tpu.vector_store %arg12[%swap3A_492, %swap3A_493], %mul3A_491 {strides = array<i32>} : memref<128x128xf32, #tpu.memory_space<vmem>>, vector<16xf32>,
        %get3A_495 = arith.index_cast %add3A_480 : i32 to index
        %get3A_496 = arith.constant 32 : index
        %get3A_497 = tpu.vector_load %arg12[%get3A_495, %get3A_496] {strides = array<i32>} : memref<128x128xf32, #tpu.memory_space<vmem>>, vector<16xf32>,
        %mul3A_498 = arith.mulf %get3A_497, %broadcast_in_dim3A_476 : vector<16xf32>
        %swap3A_499 = arith.index_cast %add3A_480 : i32 to index
        %swap3A_500 = arith.constant 32 : index
        %swap3A_501 = tpu.vector_load %arg12[%swap3A_499, %swap3A_500] {strides = array<i32>} : memref<128x128xf32, #tpu.memory_space<vmem>>, vector<16xf32>,
        tpu.vector_store %arg12[%swap3A_499, %swap3A_500], %mul3A_498 {strides = array<i32>} : memref<128x128xf32, #tpu.memory_space<vmem>>, vector<16xf32>,
        %get3A_502 = arith.index_cast %add3A_480 : i32 to index
        %get3A_503 = arith.constant 48 : index
        %get3A_504 = tpu.vector_load %arg12[%get3A_502, %get3A_503] {strides = array<i32>} : memref<128x128xf32, #tpu.memory_space<vmem>>, vector<16xf32>,
        %mul3A_505 = arith.mulf %get3A_504, %broadcast_in_dim3A_476 : vector<16xf32>
        %swap3A_506 = arith.index_cast %add3A_480 : i32 to index
        %swap3A_507 = arith.constant 48 : index
        %swap3A_508 = tpu.vector_load %arg12[%swap3A_506, %swap3A_507] {strides = array<i32>} : memref<128x128xf32, #tpu.memory_space<vmem>>, vector<16xf32>,
        tpu.vector_store %arg12[%swap3A_506, %swap3A_507], %mul3A_505 {strides = array<i32>} : memref<128x128xf32, #tpu.memory_space<vmem>>, vector<16xf32>,
        %get3A_509 = arith.index_cast %add3A_480 : i32 to index
        %get3A_510 = arith.constant 64 : index
        %get3A_511 = tpu.vector_load %arg12[%get3A_509, %get3A_510] {strides = array<i32>} : memref<128x128xf32, #tpu.memory_space<vmem>>, vector<16xf32>,
        %mul3A_512 = arith.mulf %get3A_511, %broadcast_in_dim3A_476 : vector<16xf32>
        %swap3A_513 = arith.index_cast %add3A_480 : i32 to index
        %swap3A_514 = arith.constant 64 : index
        %swap3A_515 = tpu.vector_load %arg12[%swap3A_513, %swap3A_514] {strides = array<i32>} : memref<128x128xf32, #tpu.memory_space<vmem>>, vector<16xf32>,
        tpu.vector_store %arg12[%swap3A_513, %swap3A_514], %mul3A_512 {strides = array<i32>} : memref<128x128xf32, #tpu.memory_space<vmem>>, vector<16xf32>,
        %get3A_516 = arith.index_cast %add3A_480 : i32 to index
        %get3A_517 = arith.constant 80 : index
        %get3A_518 = tpu.vector_load %arg12[%get3A_516, %get3A_517] {strides = array<i32>} : memref<128x128xf32, #tpu.memory_space<vmem>>, vector<16xf32>,
        %mul3A_519 = arith.mulf %get3A_518, %broadcast_in_dim3A_476 : vector<16xf32>
        %swap3A_520 = arith.index_cast %add3A_480 : i32 to index
        %swap3A_521 = arith.constant 80 : index
        %swap3A_522 = tpu.vector_load %arg12[%swap3A_520, %swap3A_521] {strides = array<i32>} : memref<128x128xf32, #tpu.memory_space<vmem>>, vector<16xf32>,
        tpu.vector_store %arg12[%swap3A_520, %swap3A_521], %mul3A_519 {strides = array<i32>} : memref<128x128xf32, #tpu.memory_space<vmem>>, vector<16xf32>,
        %get3A_523 = arith.index_cast %add3A_480 : i32 to index
        %get3A_524 = arith.constant 96 : index
        %get3A_525 = tpu.vector_load %arg12[%get3A_523, %get3A_524] {strides = array<i32>} : memref<128x128xf32, #tpu.memory_space<vmem>>, vector<16xf32>,
        %mul3A_526 = arith.mulf %get3A_525, %broadcast_in_dim3A_476 : vector<16xf32>
        %swap3A_527 = arith.index_cast %add3A_480 : i32 to index
        %swap3A_528 = arith.constant 96 : index
        %swap3A_529 = tpu.vector_load %arg12[%swap3A_527, %swap3A_528] {strides = array<i32>} : memref<128x128xf32, #tpu.memory_space<vmem>>, vector<16xf32>,
        tpu.vector_store %arg12[%swap3A_527, %swap3A_528], %mul3A_526 {strides = array<i32>} : memref<128x128xf32, #tpu.memory_space<vmem>>, vector<16xf32>,
        %get3A_530 = arith.index_cast %add3A_480 : i32 to index
        %get3A_531 = arith.constant 112 : index
        %get3A_532 = tpu.vector_load %arg12[%get3A_530, %get3A_531] {strides = array<i32>} : memref<128x128xf32, #tpu.memory_space<vmem>>, vector<16xf32>,
        %mul3A_533 = arith.mulf %get3A_532, %broadcast_in_dim3A_476 : vector<16xf32>
        %swap3A_534 = arith.index_cast %add3A_480 : i32 to index
        %swap3A_535 = arith.constant 112 : index
        %swap3A_536 = tpu.vector_load %arg12[%swap3A_534, %swap3A_535] {strides = array<i32>} : memref<128x128xf32, #tpu.memory_space<vmem>>, vector<16xf32>,
        tpu.vector_store %arg12[%swap3A_534, %swap3A_535], %mul3A_533 {strides = array<i32>} : memref<128x128xf32, #tpu.memory_space<vmem>>, vector<16xf32>,
        %slice3A_537 = vector.extract_strided_slice %get3A_36 {offsets = [8], sizes = [1], strides = [1]} : vector<16xf32> to vector<1xf32>
        %squeeze3A_538 = vector.extract %slice3A_537[0] : f32 from vector<1xf32>
        %broadcast_in_dim3A_539 = vector.broadcast %squeeze3A_538 : f32 to vector<16xf32>
        %mul3A_540 = arith.constant 16 : i32
        %mul3A_541 = arith.muli %scan3A_32, %mul3A_540 : i32
        %add3A_542 = arith.constant 8 : i32
        %add3A_543 = arith.addi %mul3A_541, %add3A_542 : i32
        %get3A_544 = arith.index_cast %add3A_543 : i32 to index
        %get3A_545 = arith.constant 0 : index
        %get3A_546 = tpu.vector_load %arg12[%get3A_544, %get3A_545] {strides = array<i32>} : memref<128x128xf32, #tpu.memory_space<vmem>>, vector<16xf32>,
        %mul3A_547 = arith.mulf %get3A_546, %broadcast_in_dim3A_539 : vector<16xf32>
        %swap3A_548 = arith.index_cast %add3A_543 : i32 to index
        %swap3A_549 = arith.constant 0 : index
        %swap3A_550 = tpu.vector_load %arg12[%swap3A_548, %swap3A_549] {strides = array<i32>} : memref<128x128xf32, #tpu.memory_space<vmem>>, vector<16xf32>,
        tpu.vector_store %arg12[%swap3A_548, %swap3A_549], %mul3A_547 {strides = array<i32>} : memref<128x128xf32, #tpu.memory_space<vmem>>, vector<16xf32>,
        %get3A_551 = arith.index_cast %add3A_543 : i32 to index
        %get3A_552 = arith.constant 16 : index
        %get3A_553 = tpu.vector_load %arg12[%get3A_551, %get3A_552] {strides = array<i32>} : memref<128x128xf32, #tpu.memory_space<vmem>>, vector<16xf32>,
        %mul3A_554 = arith.mulf %get3A_553, %broadcast_in_dim3A_539 : vector<16xf32>
        %swap3A_555 = arith.index_cast %add3A_543 : i32 to index
        %swap3A_556 = arith.constant 16 : index
        %swap3A_557 = tpu.vector_load %arg12[%swap3A_555, %swap3A_556] {strides = array<i32>} : memref<128x128xf32, #tpu.memory_space<vmem>>, vector<16xf32>,
        tpu.vector_store %arg12[%swap3A_555, %swap3A_556], %mul3A_554 {strides = array<i32>} : memref<128x128xf32, #tpu.memory_space<vmem>>, vector<16xf32>,
        %get3A_558 = arith.index_cast %add3A_543 : i32 to index
        %get3A_559 = arith.constant 32 : index
        %get3A_560 = tpu.vector_load %arg12[%get3A_558, %get3A_559] {strides = array<i32>} : memref<128x128xf32, #tpu.memory_space<vmem>>, vector<16xf32>,
        %mul3A_561 = arith.mulf %get3A_560, %broadcast_in_dim3A_539 : vector<16xf32>
        %swap3A_562 = arith.index_cast %add3A_543 : i32 to index
        %swap3A_563 = arith.constant 32 : index
        %swap3A_564 = tpu.vector_load %arg12[%swap3A_562, %swap3A_563] {strides = array<i32>} : memref<128x128xf32, #tpu.memory_space<vmem>>, vector<16xf32>,
        tpu.vector_store %arg12[%swap3A_562, %swap3A_563], %mul3A_561 {strides = array<i32>} : memref<128x128xf32, #tpu.memory_space<vmem>>, vector<16xf32>,
        %get3A_565 = arith.index_cast %add3A_543 : i32 to index
        %get3A_566 = arith.constant 48 : index
        %get3A_567 = tpu.vector_load %arg12[%get3A_565, %get3A_566] {strides = array<i32>} : memref<128x128xf32, #tpu.memory_space<vmem>>, vector<16xf32>,
        %mul3A_568 = arith.mulf %get3A_567, %broadcast_in_dim3A_539 : vector<16xf32>
        %swap3A_569 = arith.index_cast %add3A_543 : i32 to index
        %swap3A_570 = arith.constant 48 : index
        %swap3A_571 = tpu.vector_load %arg12[%swap3A_569, %swap3A_570] {strides = array<i32>} : memref<128x128xf32, #tpu.memory_space<vmem>>, vector<16xf32>,
        tpu.vector_store %arg12[%swap3A_569, %swap3A_570], %mul3A_568 {strides = array<i32>} : memref<128x128xf32, #tpu.memory_space<vmem>>, vector<16xf32>,
        %get3A_572 = arith.index_cast %add3A_543 : i32 to index
        %get3A_573 = arith.constant 64 : index
        %get3A_574 = tpu.vector_load %arg12[%get3A_572, %get3A_573] {strides = array<i32>} : memref<128x128xf32, #tpu.memory_space<vmem>>, vector<16xf32>,
        %mul3A_575 = arith.mulf %get3A_574, %broadcast_in_dim3A_539 : vector<16xf32>
        %swap3A_576 = arith.index_cast %add3A_543 : i32 to index
        %swap3A_577 = arith.constant 64 : index
        %swap3A_578 = tpu.vector_load %arg12[%swap3A_576, %swap3A_577] {strides = array<i32>} : memref<128x128xf32, #tpu.memory_space<vmem>>, vector<16xf32>,
        tpu.vector_store %arg12[%swap3A_576, %swap3A_577], %mul3A_575 {strides = array<i32>} : memref<128x128xf32, #tpu.memory_space<vmem>>, vector<16xf32>,
        %get3A_579 = arith.index_cast %add3A_543 : i32 to index
        %get3A_580 = arith.constant 80 : index
        %get3A_581 = tpu.vector_load %arg12[%get3A_579, %get3A_580] {strides = array<i32>} : memref<128x128xf32, #tpu.memory_space<vmem>>, vector<16xf32>,
        %mul3A_582 = arith.mulf %get3A_581, %broadcast_in_dim3A_539 : vector<16xf32>
        %swap3A_583 = arith.index_cast %add3A_543 : i32 to index
        %swap3A_584 = arith.constant 80 : index
        %swap3A_585 = tpu.vector_load %arg12[%swap3A_583, %swap3A_584] {strides = array<i32>} : memref<128x128xf32, #tpu.memory_space<vmem>>, vector<16xf32>,
        tpu.vector_store %arg12[%swap3A_583, %swap3A_584], %mul3A_582 {strides = array<i32>} : memref<128x128xf32, #tpu.memory_space<vmem>>, vector<16xf32>,
        %get3A_586 = arith.index_cast %add3A_543 : i32 to index
        %get3A_587 = arith.constant 96 : index
        %get3A_588 = tpu.vector_load %arg12[%get3A_586, %get3A_587] {strides = array<i32>} : memref<128x128xf32, #tpu.memory_space<vmem>>, vector<16xf32>,
        %mul3A_589 = arith.mulf %get3A_588, %broadcast_in_dim3A_539 : vector<16xf32>
        %swap3A_590 = arith.index_cast %add3A_543 : i32 to index
        %swap3A_591 = arith.constant 96 : index
        %swap3A_592 = tpu.vector_load %arg12[%swap3A_590, %swap3A_591] {strides = array<i32>} : memref<128x128xf32, #tpu.memory_space<vmem>>, vector<16xf32>,
        tpu.vector_store %arg12[%swap3A_590, %swap3A_591], %mul3A_589 {strides = array<i32>} : memref<128x128xf32, #tpu.memory_space<vmem>>, vector<16xf32>,
        %get3A_593 = arith.index_cast %add3A_543 : i32 to index
        %get3A_594 = arith.constant 112 : index
        %get3A_595 = tpu.vector_load %arg12[%get3A_593, %get3A_594] {strides = array<i32>} : memref<128x128xf32, #tpu.memory_space<vmem>>, vector<16xf32>,
        %mul3A_596 = arith.mulf %get3A_595, %broadcast_in_dim3A_539 : vector<16xf32>
        %swap3A_597 = arith.index_cast %add3A_543 : i32 to index
        %swap3A_598 = arith.constant 112 : index
        %swap3A_599 = tpu.vector_load %arg12[%swap3A_597, %swap3A_598] {strides = array<i32>} : memref<128x128xf32, #tpu.memory_space<vmem>>, vector<16xf32>,
        tpu.vector_store %arg12[%swap3A_597, %swap3A_598], %mul3A_596 {strides = array<i32>} : memref<128x128xf32, #tpu.memory_space<vmem>>, vector<16xf32>,
        %slice3A_600 = vector.extract_strided_slice %get3A_36 {offsets = [9], sizes = [1], strides = [1]} : vector<16xf32> to vector<1xf32>
        %squeeze3A_601 = vector.extract %slice3A_600[0] : f32 from vector<1xf32>
        %broadcast_in_dim3A_602 = vector.broadcast %squeeze3A_601 : f32 to vector<16xf32>
        %mul3A_603 = arith.constant 16 : i32
        %mul3A_604 = arith.muli %scan3A_32, %mul3A_603 : i32
        %add3A_605 = arith.constant 9 : i32
        %add3A_606 = arith.addi %mul3A_604, %add3A_605 : i32
        %get3A_607 = arith.index_cast %add3A_606 : i32 to index
        %get3A_608 = arith.constant 0 : index
        %get3A_609 = tpu.vector_load %arg12[%get3A_607, %get3A_608] {strides = array<i32>} : memref<128x128xf32, #tpu.memory_space<vmem>>, vector<16xf32>,
        %mul3A_610 = arith.mulf %get3A_609, %broadcast_in_dim3A_602 : vector<16xf32>
        %swap3A_611 = arith.index_cast %add3A_606 : i32 to index
        %swap3A_612 = arith.constant 0 : index
        %swap3A_613 = tpu.vector_load %arg12[%swap3A_611, %swap3A_612] {strides = array<i32>} : memref<128x128xf32, #tpu.memory_space<vmem>>, vector<16xf32>,
        tpu.vector_store %arg12[%swap3A_611, %swap3A_612], %mul3A_610 {strides = array<i32>} : memref<128x128xf32, #tpu.memory_space<vmem>>, vector<16xf32>,
        %get3A_614 = arith.index_cast %add3A_606 : i32 to index
        %get3A_615 = arith.constant 16 : index
        %get3A_616 = tpu.vector_load %arg12[%get3A_614, %get3A_615] {strides = array<i32>} : memref<128x128xf32, #tpu.memory_space<vmem>>, vector<16xf32>,
        %mul3A_617 = arith.mulf %get3A_616, %broadcast_in_dim3A_602 : vector<16xf32>
        %swap3A_618 = arith.index_cast %add3A_606 : i32 to index
        %swap3A_619 = arith.constant 16 : index
        %swap3A_620 = tpu.vector_load %arg12[%swap3A_618, %swap3A_619] {strides = array<i32>} : memref<128x128xf32, #tpu.memory_space<vmem>>, vector<16xf32>,
        tpu.vector_store %arg12[%swap3A_618, %swap3A_619], %mul3A_617 {strides = array<i32>} : memref<128x128xf32, #tpu.memory_space<vmem>>, vector<16xf32>,
        %get3A_621 = arith.index_cast %add3A_606 : i32 to index
        %get3A_622 = arith.constant 32 : index
        %get3A_623 = tpu.vector_load %arg12[%get3A_621, %get3A_622] {strides = array<i32>} : memref<128x128xf32, #tpu.memory_space<vmem>>, vector<16xf32>,
        %mul3A_624 = arith.mulf %get3A_623, %broadcast_in_dim3A_602 : vector<16xf32>
        %swap3A_625 = arith.index_cast %add3A_606 : i32 to index
        %swap3A_626 = arith.constant 32 : index
        %swap3A_627 = tpu.vector_load %arg12[%swap3A_625, %swap3A_626] {strides = array<i32>} : memref<128x128xf32, #tpu.memory_space<vmem>>, vector<16xf32>,
        tpu.vector_store %arg12[%swap3A_625, %swap3A_626], %mul3A_624 {strides = array<i32>} : memref<128x128xf32, #tpu.memory_space<vmem>>, vector<16xf32>,
        %get3A_628 = arith.index_cast %add3A_606 : i32 to index
        %get3A_629 = arith.constant 48 : index
        %get3A_630 = tpu.vector_load %arg12[%get3A_628, %get3A_629] {strides = array<i32>} : memref<128x128xf32, #tpu.memory_space<vmem>>, vector<16xf32>,
        %mul3A_631 = arith.mulf %get3A_630, %broadcast_in_dim3A_602 : vector<16xf32>
        %swap3A_632 = arith.index_cast %add3A_606 : i32 to index
        %swap3A_633 = arith.constant 48 : index
        %swap3A_634 = tpu.vector_load %arg12[%swap3A_632, %swap3A_633] {strides = array<i32>} : memref<128x128xf32, #tpu.memory_space<vmem>>, vector<16xf32>,
        tpu.vector_store %arg12[%swap3A_632, %swap3A_633], %mul3A_631 {strides = array<i32>} : memref<128x128xf32, #tpu.memory_space<vmem>>, vector<16xf32>,
        %get3A_635 = arith.index_cast %add3A_606 : i32 to index
        %get3A_636 = arith.constant 64 : index
        %get3A_637 = tpu.vector_load %arg12[%get3A_635, %get3A_636] {strides = array<i32>} : memref<128x128xf32, #tpu.memory_space<vmem>>, vector<16xf32>,
        %mul3A_638 = arith.mulf %get3A_637, %broadcast_in_dim3A_602 : vector<16xf32>
        %swap3A_639 = arith.index_cast %add3A_606 : i32 to index
        %swap3A_640 = arith.constant 64 : index
        %swap3A_641 = tpu.vector_load %arg12[%swap3A_639, %swap3A_640] {strides = array<i32>} : memref<128x128xf32, #tpu.memory_space<vmem>>, vector<16xf32>,
        tpu.vector_store %arg12[%swap3A_639, %swap3A_640], %mul3A_638 {strides = array<i32>} : memref<128x128xf32, #tpu.memory_space<vmem>>, vector<16xf32>,
        %get3A_642 = arith.index_cast %add3A_606 : i32 to index
        %get3A_643 = arith.constant 80 : index
        %get3A_644 = tpu.vector_load %arg12[%get3A_642, %get3A_643] {strides = array<i32>} : memref<128x128xf32, #tpu.memory_space<vmem>>, vector<16xf32>,
        %mul3A_645 = arith.mulf %get3A_644, %broadcast_in_dim3A_602 : vector<16xf32>
        %swap3A_646 = arith.index_cast %add3A_606 : i32 to index
        %swap3A_647 = arith.constant 80 : index
        %swap3A_648 = tpu.vector_load %arg12[%swap3A_646, %swap3A_647] {strides = array<i32>} : memref<128x128xf32, #tpu.memory_space<vmem>>, vector<16xf32>,
        tpu.vector_store %arg12[%swap3A_646, %swap3A_647], %mul3A_645 {strides = array<i32>} : memref<128x128xf32, #tpu.memory_space<vmem>>, vector<16xf32>,
        %get3A_649 = arith.index_cast %add3A_606 : i32 to index
        %get3A_650 = arith.constant 96 : index
        %get3A_651 = tpu.vector_load %arg12[%get3A_649, %get3A_650] {strides = array<i32>} : memref<128x128xf32, #tpu.memory_space<vmem>>, vector<16xf32>,
        %mul3A_652 = arith.mulf %get3A_651, %broadcast_in_dim3A_602 : vector<16xf32>
        %swap3A_653 = arith.index_cast %add3A_606 : i32 to index
        %swap3A_654 = arith.constant 96 : index
        %swap3A_655 = tpu.vector_load %arg12[%swap3A_653, %swap3A_654] {strides = array<i32>} : memref<128x128xf32, #tpu.memory_space<vmem>>, vector<16xf32>,
        tpu.vector_store %arg12[%swap3A_653, %swap3A_654], %mul3A_652 {strides = array<i32>} : memref<128x128xf32, #tpu.memory_space<vmem>>, vector<16xf32>,
        %get3A_656 = arith.index_cast %add3A_606 : i32 to index
        %get3A_657 = arith.constant 112 : index
        %get3A_658 = tpu.vector_load %arg12[%get3A_656, %get3A_657] {strides = array<i32>} : memref<128x128xf32, #tpu.memory_space<vmem>>, vector<16xf32>,
        %mul3A_659 = arith.mulf %get3A_658, %broadcast_in_dim3A_602 : vector<16xf32>
        %swap3A_660 = arith.index_cast %add3A_606 : i32 to index
        %swap3A_661 = arith.constant 112 : index
        %swap3A_662 = tpu.vector_load %arg12[%swap3A_660, %swap3A_661] {strides = array<i32>} : memref<128x128xf32, #tpu.memory_space<vmem>>, vector<16xf32>,
        tpu.vector_store %arg12[%swap3A_660, %swap3A_661], %mul3A_659 {strides = array<i32>} : memref<128x128xf32, #tpu.memory_space<vmem>>, vector<16xf32>,
        %slice3A_663 = vector.extract_strided_slice %get3A_36 {offsets = [10], sizes = [1], strides = [1]} : vector<16xf32> to vector<1xf32>
        %squeeze3A_664 = vector.extract %slice3A_663[0] : f32 from vector<1xf32>
        %broadcast_in_dim3A_665 = vector.broadcast %squeeze3A_664 : f32 to vector<16xf32>
        %mul3A_666 = arith.constant 16 : i32
        %mul3A_667 = arith.muli %scan3A_32, %mul3A_666 : i32
        %add3A_668 = arith.constant 10 : i32
        %add3A_669 = arith.addi %mul3A_667, %add3A_668 : i32
        %get3A_670 = arith.index_cast %add3A_669 : i32 to index
        %get3A_671 = arith.constant 0 : index
        %get3A_672 = tpu.vector_load %arg12[%get3A_670, %get3A_671] {strides = array<i32>} : memref<128x128xf32, #tpu.memory_space<vmem>>, vector<16xf32>,
        %mul3A_673 = arith.mulf %get3A_672, %broadcast_in_dim3A_665 : vector<16xf32>
        %swap3A_674 = arith.index_cast %add3A_669 : i32 to index
        %swap3A_675 = arith.constant 0 : index
        %swap3A_676 = tpu.vector_load %arg12[%swap3A_674, %swap3A_675] {strides = array<i32>} : memref<128x128xf32, #tpu.memory_space<vmem>>, vector<16xf32>,
        tpu.vector_store %arg12[%swap3A_674, %swap3A_675], %mul3A_673 {strides = array<i32>} : memref<128x128xf32, #tpu.memory_space<vmem>>, vector<16xf32>,
        %get3A_677 = arith.index_cast %add3A_669 : i32 to index
        %get3A_678 = arith.constant 16 : index
        %get3A_679 = tpu.vector_load %arg12[%get3A_677, %get3A_678] {strides = array<i32>} : memref<128x128xf32, #tpu.memory_space<vmem>>, vector<16xf32>,
        %mul3A_680 = arith.mulf %get3A_679, %broadcast_in_dim3A_665 : vector<16xf32>
        %swap3A_681 = arith.index_cast %add3A_669 : i32 to index
        %swap3A_682 = arith.constant 16 : index
        %swap3A_683 = tpu.vector_load %arg12[%swap3A_681, %swap3A_682] {strides = array<i32>} : memref<128x128xf32, #tpu.memory_space<vmem>>, vector<16xf32>,
        tpu.vector_store %arg12[%swap3A_681, %swap3A_682], %mul3A_680 {strides = array<i32>} : memref<128x128xf32, #tpu.memory_space<vmem>>, vector<16xf32>,
        %get3A_684 = arith.index_cast %add3A_669 : i32 to index
        %get3A_685 = arith.constant 32 : index
        %get3A_686 = tpu.vector_load %arg12[%get3A_684, %get3A_685] {strides = array<i32>} : memref<128x128xf32, #tpu.memory_space<vmem>>, vector<16xf32>,
        %mul3A_687 = arith.mulf %get3A_686, %broadcast_in_dim3A_665 : vector<16xf32>
        %swap3A_688 = arith.index_cast %add3A_669 : i32 to index
        %swap3A_689 = arith.constant 32 : index
        %swap3A_690 = tpu.vector_load %arg12[%swap3A_688, %swap3A_689] {strides = array<i32>} : memref<128x128xf32, #tpu.memory_space<vmem>>, vector<16xf32>,
        tpu.vector_store %arg12[%swap3A_688, %swap3A_689], %mul3A_687 {strides = array<i32>} : memref<128x128xf32, #tpu.memory_space<vmem>>, vector<16xf32>,
        %get3A_691 = arith.index_cast %add3A_669 : i32 to index
        %get3A_692 = arith.constant 48 : index
        %get3A_693 = tpu.vector_load %arg12[%get3A_691, %get3A_692] {strides = array<i32>} : memref<128x128xf32, #tpu.memory_space<vmem>>, vector<16xf32>,
        %mul3A_694 = arith.mulf %get3A_693, %broadcast_in_dim3A_665 : vector<16xf32>
        %swap3A_695 = arith.index_cast %add3A_669 : i32 to index
        %swap3A_696 = arith.constant 48 : index
        %swap3A_697 = tpu.vector_load %arg12[%swap3A_695, %swap3A_696] {strides = array<i32>} : memref<128x128xf32, #tpu.memory_space<vmem>>, vector<16xf32>,
        tpu.vector_store %arg12[%swap3A_695, %swap3A_696], %mul3A_694 {strides = array<i32>} : memref<128x128xf32, #tpu.memory_space<vmem>>, vector<16xf32>,
        %get3A_698 = arith.index_cast %add3A_669 : i32 to index
        %get3A_699 = arith.constant 64 : index
        %get3A_700 = tpu.vector_load %arg12[%get3A_698, %get3A_699] {strides = array<i32>} : memref<128x128xf32, #tpu.memory_space<vmem>>, vector<16xf32>,
        %mul3A_701 = arith.mulf %get3A_700, %broadcast_in_dim3A_665 : vector<16xf32>
        %swap3A_702 = arith.index_cast %add3A_669 : i32 to index
        %swap3A_703 = arith.constant 64 : index
        %swap3A_704 = tpu.vector_load %arg12[%swap3A_702, %swap3A_703] {strides = array<i32>} : memref<128x128xf32, #tpu.memory_space<vmem>>, vector<16xf32>,
        tpu.vector_store %arg12[%swap3A_702, %swap3A_703], %mul3A_701 {strides = array<i32>} : memref<128x128xf32, #tpu.memory_space<vmem>>, vector<16xf32>,
        %get3A_705 = arith.index_cast %add3A_669 : i32 to index
        %get3A_706 = arith.constant 80 : index
        %get3A_707 = tpu.vector_load %arg12[%get3A_705, %get3A_706] {strides = array<i32>} : memref<128x128xf32, #tpu.memory_space<vmem>>, vector<16xf32>,
        %mul3A_708 = arith.mulf %get3A_707, %broadcast_in_dim3A_665 : vector<16xf32>
        %swap3A_709 = arith.index_cast %add3A_669 : i32 to index
        %swap3A_710 = arith.constant 80 : index
        %swap3A_711 = tpu.vector_load %arg12[%swap3A_709, %swap3A_710] {strides = array<i32>} : memref<128x128xf32, #tpu.memory_space<vmem>>, vector<16xf32>,
        tpu.vector_store %arg12[%swap3A_709, %swap3A_710], %mul3A_708 {strides = array<i32>} : memref<128x128xf32, #tpu.memory_space<vmem>>, vector<16xf32>,
        %get3A_712 = arith.index_cast %add3A_669 : i32 to index
        %get3A_713 = arith.constant 96 : index
        %get3A_714 = tpu.vector_load %arg12[%get3A_712, %get3A_713] {strides = array<i32>} : memref<128x128xf32, #tpu.memory_space<vmem>>, vector<16xf32>,
        %mul3A_715 = arith.mulf %get3A_714, %broadcast_in_dim3A_665 : vector<16xf32>
        %swap3A_716 = arith.index_cast %add3A_669 : i32 to index
        %swap3A_717 = arith.constant 96 : index
        %swap3A_718 = tpu.vector_load %arg12[%swap3A_716, %swap3A_717] {strides = array<i32>} : memref<128x128xf32, #tpu.memory_space<vmem>>, vector<16xf32>,
        tpu.vector_store %arg12[%swap3A_716, %swap3A_717], %mul3A_715 {strides = array<i32>} : memref<128x128xf32, #tpu.memory_space<vmem>>, vector<16xf32>,
        %get3A_719 = arith.index_cast %add3A_669 : i32 to index
        %get3A_720 = arith.constant 112 : index
        %get3A_721 = tpu.vector_load %arg12[%get3A_719, %get3A_720] {strides = array<i32>} : memref<128x128xf32, #tpu.memory_space<vmem>>, vector<16xf32>,
        %mul3A_722 = arith.mulf %get3A_721, %broadcast_in_dim3A_665 : vector<16xf32>
        %swap3A_723 = arith.index_cast %add3A_669 : i32 to index
        %swap3A_724 = arith.constant 112 : index
        %swap3A_725 = tpu.vector_load %arg12[%swap3A_723, %swap3A_724] {strides = array<i32>} : memref<128x128xf32, #tpu.memory_space<vmem>>, vector<16xf32>,
        tpu.vector_store %arg12[%swap3A_723, %swap3A_724], %mul3A_722 {strides = array<i32>} : memref<128x128xf32, #tpu.memory_space<vmem>>, vector<16xf32>,
        %slice3A_726 = vector.extract_strided_slice %get3A_36 {offsets = [11], sizes = [1], strides = [1]} : vector<16xf32> to vector<1xf32>
        %squeeze3A_727 = vector.extract %slice3A_726[0] : f32 from vector<1xf32>
        %broadcast_in_dim3A_728 = vector.broadcast %squeeze3A_727 : f32 to vector<16xf32>
        %mul3A_729 = arith.constant 16 : i32
        %mul3A_730 = arith.muli %scan3A_32, %mul3A_729 : i32
        %add3A_731 = arith.constant 11 : i32
        %add3A_732 = arith.addi %mul3A_730, %add3A_731 : i32
        %get3A_733 = arith.index_cast %add3A_732 : i32 to index
        %get3A_734 = arith.constant 0 : index
        %get3A_735 = tpu.vector_load %arg12[%get3A_733, %get3A_734] {strides = array<i32>} : memref<128x128xf32, #tpu.memory_space<vmem>>, vector<16xf32>,
        %mul3A_736 = arith.mulf %get3A_735, %broadcast_in_dim3A_728 : vector<16xf32>
        %swap3A_737 = arith.index_cast %add3A_732 : i32 to index
        %swap3A_738 = arith.constant 0 : index
        %swap3A_739 = tpu.vector_load %arg12[%swap3A_737, %swap3A_738] {strides = array<i32>} : memref<128x128xf32, #tpu.memory_space<vmem>>, vector<16xf32>,
        tpu.vector_store %arg12[%swap3A_737, %swap3A_738], %mul3A_736 {strides = array<i32>} : memref<128x128xf32, #tpu.memory_space<vmem>>, vector<16xf32>,
        %get3A_740 = arith.index_cast %add3A_732 : i32 to index
        %get3A_741 = arith.constant 16 : index
        %get3A_742 = tpu.vector_load %arg12[%get3A_740, %get3A_741] {strides = array<i32>} : memref<128x128xf32, #tpu.memory_space<vmem>>, vector<16xf32>,
        %mul3A_743 = arith.mulf %get3A_742, %broadcast_in_dim3A_728 : vector<16xf32>
        %swap3A_744 = arith.index_cast %add3A_732 : i32 to index
        %swap3A_745 = arith.constant 16 : index
        %swap3A_746 = tpu.vector_load %arg12[%swap3A_744, %swap3A_745] {strides = array<i32>} : memref<128x128xf32, #tpu.memory_space<vmem>>, vector<16xf32>,
        tpu.vector_store %arg12[%swap3A_744, %swap3A_745], %mul3A_743 {strides = array<i32>} : memref<128x128xf32, #tpu.memory_space<vmem>>, vector<16xf32>,
        %get3A_747 = arith.index_cast %add3A_732 : i32 to index
        %get3A_748 = arith.constant 32 : index
        %get3A_749 = tpu.vector_load %arg12[%get3A_747, %get3A_748] {strides = array<i32>} : memref<128x128xf32, #tpu.memory_space<vmem>>, vector<16xf32>,
        %mul3A_750 = arith.mulf %get3A_749, %broadcast_in_dim3A_728 : vector<16xf32>
        %swap3A_751 = arith.index_cast %add3A_732 : i32 to index
        %swap3A_752 = arith.constant 32 : index
        %swap3A_753 = tpu.vector_load %arg12[%swap3A_751, %swap3A_752] {strides = array<i32>} : memref<128x128xf32, #tpu.memory_space<vmem>>, vector<16xf32>,
        tpu.vector_store %arg12[%swap3A_751, %swap3A_752], %mul3A_750 {strides = array<i32>} : memref<128x128xf32, #tpu.memory_space<vmem>>, vector<16xf32>,
        %get3A_754 = arith.index_cast %add3A_732 : i32 to index
        %get3A_755 = arith.constant 48 : index
        %get3A_756 = tpu.vector_load %arg12[%get3A_754, %get3A_755] {strides = array<i32>} : memref<128x128xf32, #tpu.memory_space<vmem>>, vector<16xf32>,
        %mul3A_757 = arith.mulf %get3A_756, %broadcast_in_dim3A_728 : vector<16xf32>
        %swap3A_758 = arith.index_cast %add3A_732 : i32 to index
        %swap3A_759 = arith.constant 48 : index
        %swap3A_760 = tpu.vector_load %arg12[%swap3A_758, %swap3A_759] {strides = array<i32>} : memref<128x128xf32, #tpu.memory_space<vmem>>, vector<16xf32>,
        tpu.vector_store %arg12[%swap3A_758, %swap3A_759], %mul3A_757 {strides = array<i32>} : memref<128x128xf32, #tpu.memory_space<vmem>>, vector<16xf32>,
        %get3A_761 = arith.index_cast %add3A_732 : i32 to index
        %get3A_762 = arith.constant 64 : index
        %get3A_763 = tpu.vector_load %arg12[%get3A_761, %get3A_762] {strides = array<i32>} : memref<128x128xf32, #tpu.memory_space<vmem>>, vector<16xf32>,
        %mul3A_764 = arith.mulf %get3A_763, %broadcast_in_dim3A_728 : vector<16xf32>
        %swap3A_765 = arith.index_cast %add3A_732 : i32 to index
        %swap3A_766 = arith.constant 64 : index
        %swap3A_767 = tpu.vector_load %arg12[%swap3A_765, %swap3A_766] {strides = array<i32>} : memref<128x128xf32, #tpu.memory_space<vmem>>, vector<16xf32>,
        tpu.vector_store %arg12[%swap3A_765, %swap3A_766], %mul3A_764 {strides = array<i32>} : memref<128x128xf32, #tpu.memory_space<vmem>>, vector<16xf32>,
        %get3A_768 = arith.index_cast %add3A_732 : i32 to index
        %get3A_769 = arith.constant 80 : index
        %get3A_770 = tpu.vector_load %arg12[%get3A_768, %get3A_769] {strides = array<i32>} : memref<128x128xf32, #tpu.memory_space<vmem>>, vector<16xf32>,
        %mul3A_771 = arith.mulf %get3A_770, %broadcast_in_dim3A_728 : vector<16xf32>
        %swap3A_772 = arith.index_cast %add3A_732 : i32 to index
        %swap3A_773 = arith.constant 80 : index
        %swap3A_774 = tpu.vector_load %arg12[%swap3A_772, %swap3A_773] {strides = array<i32>} : memref<128x128xf32, #tpu.memory_space<vmem>>, vector<16xf32>,
        tpu.vector_store %arg12[%swap3A_772, %swap3A_773], %mul3A_771 {strides = array<i32>} : memref<128x128xf32, #tpu.memory_space<vmem>>, vector<16xf32>,
        %get3A_775 = arith.index_cast %add3A_732 : i32 to index
        %get3A_776 = arith.constant 96 : index
        %get3A_777 = tpu.vector_load %arg12[%get3A_775, %get3A_776] {strides = array<i32>} : memref<128x128xf32, #tpu.memory_space<vmem>>, vector<16xf32>,
        %mul3A_778 = arith.mulf %get3A_777, %broadcast_in_dim3A_728 : vector<16xf32>
        %swap3A_779 = arith.index_cast %add3A_732 : i32 to index
        %swap3A_780 = arith.constant 96 : index
        %swap3A_781 = tpu.vector_load %arg12[%swap3A_779, %swap3A_780] {strides = array<i32>} : memref<128x128xf32, #tpu.memory_space<vmem>>, vector<16xf32>,
        tpu.vector_store %arg12[%swap3A_779, %swap3A_780], %mul3A_778 {strides = array<i32>} : memref<128x128xf32, #tpu.memory_space<vmem>>, vector<16xf32>,
        %get3A_782 = arith.index_cast %add3A_732 : i32 to index
        %get3A_783 = arith.constant 112 : index
        %get3A_784 = tpu.vector_load %arg12[%get3A_782, %get3A_783] {strides = array<i32>} : memref<128x128xf32, #tpu.memory_space<vmem>>, vector<16xf32>,
        %mul3A_785 = arith.mulf %get3A_784, %broadcast_in_dim3A_728 : vector<16xf32>
        %swap3A_786 = arith.index_cast %add3A_732 : i32 to index
        %swap3A_787 = arith.constant 112 : index
        %swap3A_788 = tpu.vector_load %arg12[%swap3A_786, %swap3A_787] {strides = array<i32>} : memref<128x128xf32, #tpu.memory_space<vmem>>, vector<16xf32>,
        tpu.vector_store %arg12[%swap3A_786, %swap3A_787], %mul3A_785 {strides = array<i32>} : memref<128x128xf32, #tpu.memory_space<vmem>>, vector<16xf32>,
        %slice3A_789 = vector.extract_strided_slice %get3A_36 {offsets = [12], sizes = [1], strides = [1]} : vector<16xf32> to vector<1xf32>
        %squeeze3A_790 = vector.extract %slice3A_789[0] : f32 from vector<1xf32>
        %broadcast_in_dim3A_791 = vector.broadcast %squeeze3A_790 : f32 to vector<16xf32>
        %mul3A_792 = arith.constant 16 : i32
        %mul3A_793 = arith.muli %scan3A_32, %mul3A_792 : i32
        %add3A_794 = arith.constant 12 : i32
        %add3A_795 = arith.addi %mul3A_793, %add3A_794 : i32
        %get3A_796 = arith.index_cast %add3A_795 : i32 to index
        %get3A_797 = arith.constant 0 : index
        %get3A_798 = tpu.vector_load %arg12[%get3A_796, %get3A_797] {strides = array<i32>} : memref<128x128xf32, #tpu.memory_space<vmem>>, vector<16xf32>,
        %mul3A_799 = arith.mulf %get3A_798, %broadcast_in_dim3A_791 : vector<16xf32>
        %swap3A_800 = arith.index_cast %add3A_795 : i32 to index
        %swap3A_801 = arith.constant 0 : index
        %swap3A_802 = tpu.vector_load %arg12[%swap3A_800, %swap3A_801] {strides = array<i32>} : memref<128x128xf32, #tpu.memory_space<vmem>>, vector<16xf32>,
        tpu.vector_store %arg12[%swap3A_800, %swap3A_801], %mul3A_799 {strides = array<i32>} : memref<128x128xf32, #tpu.memory_space<vmem>>, vector<16xf32>,
        %get3A_803 = arith.index_cast %add3A_795 : i32 to index
        %get3A_804 = arith.constant 16 : index
        %get3A_805 = tpu.vector_load %arg12[%get3A_803, %get3A_804] {strides = array<i32>} : memref<128x128xf32, #tpu.memory_space<vmem>>, vector<16xf32>,
        %mul3A_806 = arith.mulf %get3A_805, %broadcast_in_dim3A_791 : vector<16xf32>
        %swap3A_807 = arith.index_cast %add3A_795 : i32 to index
        %swap3A_808 = arith.constant 16 : index
        %swap3A_809 = tpu.vector_load %arg12[%swap3A_807, %swap3A_808] {strides = array<i32>} : memref<128x128xf32, #tpu.memory_space<vmem>>, vector<16xf32>,
        tpu.vector_store %arg12[%swap3A_807, %swap3A_808], %mul3A_806 {strides = array<i32>} : memref<128x128xf32, #tpu.memory_space<vmem>>, vector<16xf32>,
        %get3A_810 = arith.index_cast %add3A_795 : i32 to index
        %get3A_811 = arith.constant 32 : index
        %get3A_812 = tpu.vector_load %arg12[%get3A_810, %get3A_811] {strides = array<i32>} : memref<128x128xf32, #tpu.memory_space<vmem>>, vector<16xf32>,
        %mul3A_813 = arith.mulf %get3A_812, %broadcast_in_dim3A_791 : vector<16xf32>
        %swap3A_814 = arith.index_cast %add3A_795 : i32 to index
        %swap3A_815 = arith.constant 32 : index
        %swap3A_816 = tpu.vector_load %arg12[%swap3A_814, %swap3A_815] {strides = array<i32>} : memref<128x128xf32, #tpu.memory_space<vmem>>, vector<16xf32>,
        tpu.vector_store %arg12[%swap3A_814, %swap3A_815], %mul3A_813 {strides = array<i32>} : memref<128x128xf32, #tpu.memory_space<vmem>>, vector<16xf32>,
        %get3A_817 = arith.index_cast %add3A_795 : i32 to index
        %get3A_818 = arith.constant 48 : index
        %get3A_819 = tpu.vector_load %arg12[%get3A_817, %get3A_818] {strides = array<i32>} : memref<128x128xf32, #tpu.memory_space<vmem>>, vector<16xf32>,
        %mul3A_820 = arith.mulf %get3A_819, %broadcast_in_dim3A_791 : vector<16xf32>
        %swap3A_821 = arith.index_cast %add3A_795 : i32 to index
        %swap3A_822 = arith.constant 48 : index
        %swap3A_823 = tpu.vector_load %arg12[%swap3A_821, %swap3A_822] {strides = array<i32>} : memref<128x128xf32, #tpu.memory_space<vmem>>, vector<16xf32>,
        tpu.vector_store %arg12[%swap3A_821, %swap3A_822], %mul3A_820 {strides = array<i32>} : memref<128x128xf32, #tpu.memory_space<vmem>>, vector<16xf32>,
        %get3A_824 = arith.index_cast %add3A_795 : i32 to index
        %get3A_825 = arith.constant 64 : index
        %get3A_826 = tpu.vector_load %arg12[%get3A_824, %get3A_825] {strides = array<i32>} : memref<128x128xf32, #tpu.memory_space<vmem>>, vector<16xf32>,
        %mul3A_827 = arith.mulf %get3A_826, %broadcast_in_dim3A_791 : vector<16xf32>
        %swap3A_828 = arith.index_cast %add3A_795 : i32 to index
        %swap3A_829 = arith.constant 64 : index
        %swap3A_830 = tpu.vector_load %arg12[%swap3A_828, %swap3A_829] {strides = array<i32>} : memref<128x128xf32, #tpu.memory_space<vmem>>, vector<16xf32>,
        tpu.vector_store %arg12[%swap3A_828, %swap3A_829], %mul3A_827 {strides = array<i32>} : memref<128x128xf32, #tpu.memory_space<vmem>>, vector<16xf32>,
        %get3A_831 = arith.index_cast %add3A_795 : i32 to index
        %get3A_832 = arith.constant 80 : index
        %get3A_833 = tpu.vector_load %arg12[%get3A_831, %get3A_832] {strides = array<i32>} : memref<128x128xf32, #tpu.memory_space<vmem>>, vector<16xf32>,
        %mul3A_834 = arith.mulf %get3A_833, %broadcast_in_dim3A_791 : vector<16xf32>
        %swap3A_835 = arith.index_cast %add3A_795 : i32 to index
        %swap3A_836 = arith.constant 80 : index
        %swap3A_837 = tpu.vector_load %arg12[%swap3A_835, %swap3A_836] {strides = array<i32>} : memref<128x128xf32, #tpu.memory_space<vmem>>, vector<16xf32>,
        tpu.vector_store %arg12[%swap3A_835, %swap3A_836], %mul3A_834 {strides = array<i32>} : memref<128x128xf32, #tpu.memory_space<vmem>>, vector<16xf32>,
        %get3A_838 = arith.index_cast %add3A_795 : i32 to index
        %get3A_839 = arith.constant 96 : index
        %get3A_840 = tpu.vector_load %arg12[%get3A_838, %get3A_839] {strides = array<i32>} : memref<128x128xf32, #tpu.memory_space<vmem>>, vector<16xf32>,
        %mul3A_841 = arith.mulf %get3A_840, %broadcast_in_dim3A_791 : vector<16xf32>
        %swap3A_842 = arith.index_cast %add3A_795 : i32 to index
        %swap3A_843 = arith.constant 96 : index
        %swap3A_844 = tpu.vector_load %arg12[%swap3A_842, %swap3A_843] {strides = array<i32>} : memref<128x128xf32, #tpu.memory_space<vmem>>, vector<16xf32>,
        tpu.vector_store %arg12[%swap3A_842, %swap3A_843], %mul3A_841 {strides = array<i32>} : memref<128x128xf32, #tpu.memory_space<vmem>>, vector<16xf32>,
        %get3A_845 = arith.index_cast %add3A_795 : i32 to index
        %get3A_846 = arith.constant 112 : index
        %get3A_847 = tpu.vector_load %arg12[%get3A_845, %get3A_846] {strides = array<i32>} : memref<128x128xf32, #tpu.memory_space<vmem>>, vector<16xf32>,
        %mul3A_848 = arith.mulf %get3A_847, %broadcast_in_dim3A_791 : vector<16xf32>
        %swap3A_849 = arith.index_cast %add3A_795 : i32 to index
        %swap3A_850 = arith.constant 112 : index
        %swap3A_851 = tpu.vector_load %arg12[%swap3A_849, %swap3A_850] {strides = array<i32>} : memref<128x128xf32, #tpu.memory_space<vmem>>, vector<16xf32>,
        tpu.vector_store %arg12[%swap3A_849, %swap3A_850], %mul3A_848 {strides = array<i32>} : memref<128x128xf32, #tpu.memory_space<vmem>>, vector<16xf32>,
        %slice3A_852 = vector.extract_strided_slice %get3A_36 {offsets = [13], sizes = [1], strides = [1]} : vector<16xf32> to vector<1xf32>
        %squeeze3A_853 = vector.extract %slice3A_852[0] : f32 from vector<1xf32>
        %broadcast_in_dim3A_854 = vector.broadcast %squeeze3A_853 : f32 to vector<16xf32>
        %mul3A_855 = arith.constant 16 : i32
        %mul3A_856 = arith.muli %scan3A_32, %mul3A_855 : i32
        %add3A_857 = arith.constant 13 : i32
        %add3A_858 = arith.addi %mul3A_856, %add3A_857 : i32
        %get3A_859 = arith.index_cast %add3A_858 : i32 to index
        %get3A_860 = arith.constant 0 : index
        %get3A_861 = tpu.vector_load %arg12[%get3A_859, %get3A_860] {strides = array<i32>} : memref<128x128xf32, #tpu.memory_space<vmem>>, vector<16xf32>,
        %mul3A_862 = arith.mulf %get3A_861, %broadcast_in_dim3A_854 : vector<16xf32>
        %swap3A_863 = arith.index_cast %add3A_858 : i32 to index
        %swap3A_864 = arith.constant 0 : index
        %swap3A_865 = tpu.vector_load %arg12[%swap3A_863, %swap3A_864] {strides = array<i32>} : memref<128x128xf32, #tpu.memory_space<vmem>>, vector<16xf32>,
        tpu.vector_store %arg12[%swap3A_863, %swap3A_864], %mul3A_862 {strides = array<i32>} : memref<128x128xf32, #tpu.memory_space<vmem>>, vector<16xf32>,
        %get3A_866 = arith.index_cast %add3A_858 : i32 to index
        %get3A_867 = arith.constant 16 : index
        %get3A_868 = tpu.vector_load %arg12[%get3A_866, %get3A_867] {strides = array<i32>} : memref<128x128xf32, #tpu.memory_space<vmem>>, vector<16xf32>,
        %mul3A_869 = arith.mulf %get3A_868, %broadcast_in_dim3A_854 : vector<16xf32>
        %swap3A_870 = arith.index_cast %add3A_858 : i32 to index
        %swap3A_871 = arith.constant 16 : index
        %swap3A_872 = tpu.vector_load %arg12[%swap3A_870, %swap3A_871] {strides = array<i32>} : memref<128x128xf32, #tpu.memory_space<vmem>>, vector<16xf32>,
        tpu.vector_store %arg12[%swap3A_870, %swap3A_871], %mul3A_869 {strides = array<i32>} : memref<128x128xf32, #tpu.memory_space<vmem>>, vector<16xf32>,
        %get3A_873 = arith.index_cast %add3A_858 : i32 to index
        %get3A_874 = arith.constant 32 : index
        %get3A_875 = tpu.vector_load %arg12[%get3A_873, %get3A_874] {strides = array<i32>} : memref<128x128xf32, #tpu.memory_space<vmem>>, vector<16xf32>,
        %mul3A_876 = arith.mulf %get3A_875, %broadcast_in_dim3A_854 : vector<16xf32>
        %swap3A_877 = arith.index_cast %add3A_858 : i32 to index
        %swap3A_878 = arith.constant 32 : index
        %swap3A_879 = tpu.vector_load %arg12[%swap3A_877, %swap3A_878] {strides = array<i32>} : memref<128x128xf32, #tpu.memory_space<vmem>>, vector<16xf32>,
        tpu.vector_store %arg12[%swap3A_877, %swap3A_878], %mul3A_876 {strides = array<i32>} : memref<128x128xf32, #tpu.memory_space<vmem>>, vector<16xf32>,
        %get3A_880 = arith.index_cast %add3A_858 : i32 to index
        %get3A_881 = arith.constant 48 : index
        %get3A_882 = tpu.vector_load %arg12[%get3A_880, %get3A_881] {strides = array<i32>} : memref<128x128xf32, #tpu.memory_space<vmem>>, vector<16xf32>,
        %mul3A_883 = arith.mulf %get3A_882, %broadcast_in_dim3A_854 : vector<16xf32>
        %swap3A_884 = arith.index_cast %add3A_858 : i32 to index
        %swap3A_885 = arith.constant 48 : index
        %swap3A_886 = tpu.vector_load %arg12[%swap3A_884, %swap3A_885] {strides = array<i32>} : memref<128x128xf32, #tpu.memory_space<vmem>>, vector<16xf32>,
        tpu.vector_store %arg12[%swap3A_884, %swap3A_885], %mul3A_883 {strides = array<i32>} : memref<128x128xf32, #tpu.memory_space<vmem>>, vector<16xf32>,
        %get3A_887 = arith.index_cast %add3A_858 : i32 to index
        %get3A_888 = arith.constant 64 : index
        %get3A_889 = tpu.vector_load %arg12[%get3A_887, %get3A_888] {strides = array<i32>} : memref<128x128xf32, #tpu.memory_space<vmem>>, vector<16xf32>,
        %mul3A_890 = arith.mulf %get3A_889, %broadcast_in_dim3A_854 : vector<16xf32>
        %swap3A_891 = arith.index_cast %add3A_858 : i32 to index
        %swap3A_892 = arith.constant 64 : index
        %swap3A_893 = tpu.vector_load %arg12[%swap3A_891, %swap3A_892] {strides = array<i32>} : memref<128x128xf32, #tpu.memory_space<vmem>>, vector<16xf32>,
        tpu.vector_store %arg12[%swap3A_891, %swap3A_892], %mul3A_890 {strides = array<i32>} : memref<128x128xf32, #tpu.memory_space<vmem>>, vector<16xf32>,
        %get3A_894 = arith.index_cast %add3A_858 : i32 to index
        %get3A_895 = arith.constant 80 : index
        %get3A_896 = tpu.vector_load %arg12[%get3A_894, %get3A_895] {strides = array<i32>} : memref<128x128xf32, #tpu.memory_space<vmem>>, vector<16xf32>,
        %mul3A_897 = arith.mulf %get3A_896, %broadcast_in_dim3A_854 : vector<16xf32>
        %swap3A_898 = arith.index_cast %add3A_858 : i32 to index
        %swap3A_899 = arith.constant 80 : index
        %swap3A_900 = tpu.vector_load %arg12[%swap3A_898, %swap3A_899] {strides = array<i32>} : memref<128x128xf32, #tpu.memory_space<vmem>>, vector<16xf32>,
        tpu.vector_store %arg12[%swap3A_898, %swap3A_899], %mul3A_897 {strides = array<i32>} : memref<128x128xf32, #tpu.memory_space<vmem>>, vector<16xf32>,
        %get3A_901 = arith.index_cast %add3A_858 : i32 to index
        %get3A_902 = arith.constant 96 : index
        %get3A_903 = tpu.vector_load %arg12[%get3A_901, %get3A_902] {strides = array<i32>} : memref<128x128xf32, #tpu.memory_space<vmem>>, vector<16xf32>,
        %mul3A_904 = arith.mulf %get3A_903, %broadcast_in_dim3A_854 : vector<16xf32>
        %swap3A_905 = arith.index_cast %add3A_858 : i32 to index
        %swap3A_906 = arith.constant 96 : index
        %swap3A_907 = tpu.vector_load %arg12[%swap3A_905, %swap3A_906] {strides = array<i32>} : memref<128x128xf32, #tpu.memory_space<vmem>>, vector<16xf32>,
        tpu.vector_store %arg12[%swap3A_905, %swap3A_906], %mul3A_904 {strides = array<i32>} : memref<128x128xf32, #tpu.memory_space<vmem>>, vector<16xf32>,
        %get3A_908 = arith.index_cast %add3A_858 : i32 to index
        %get3A_909 = arith.constant 112 : index
        %get3A_910 = tpu.vector_load %arg12[%get3A_908, %get3A_909] {strides = array<i32>} : memref<128x128xf32, #tpu.memory_space<vmem>>, vector<16xf32>,
        %mul3A_911 = arith.mulf %get3A_910, %broadcast_in_dim3A_854 : vector<16xf32>
        %swap3A_912 = arith.index_cast %add3A_858 : i32 to index
        %swap3A_913 = arith.constant 112 : index
        %swap3A_914 = tpu.vector_load %arg12[%swap3A_912, %swap3A_913] {strides = array<i32>} : memref<128x128xf32, #tpu.memory_space<vmem>>, vector<16xf32>,
        tpu.vector_store %arg12[%swap3A_912, %swap3A_913], %mul3A_911 {strides = array<i32>} : memref<128x128xf32, #tpu.memory_space<vmem>>, vector<16xf32>,
        %slice3A_915 = vector.extract_strided_slice %get3A_36 {offsets = [14], sizes = [1], strides = [1]} : vector<16xf32> to vector<1xf32>
        %squeeze3A_916 = vector.extract %slice3A_915[0] : f32 from vector<1xf32>
        %broadcast_in_dim3A_917 = vector.broadcast %squeeze3A_916 : f32 to vector<16xf32>
        %mul3A_918 = arith.constant 16 : i32
        %mul3A_919 = arith.muli %scan3A_32, %mul3A_918 : i32
        %add3A_920 = arith.constant 14 : i32
        %add3A_921 = arith.addi %mul3A_919, %add3A_920 : i32
        %get3A_922 = arith.index_cast %add3A_921 : i32 to index
        %get3A_923 = arith.constant 0 : index
        %get3A_924 = tpu.vector_load %arg12[%get3A_922, %get3A_923] {strides = array<i32>} : memref<128x128xf32, #tpu.memory_space<vmem>>, vector<16xf32>,
        %mul3A_925 = arith.mulf %get3A_924, %broadcast_in_dim3A_917 : vector<16xf32>
        %swap3A_926 = arith.index_cast %add3A_921 : i32 to index
        %swap3A_927 = arith.constant 0 : index
        %swap3A_928 = tpu.vector_load %arg12[%swap3A_926, %swap3A_927] {strides = array<i32>} : memref<128x128xf32, #tpu.memory_space<vmem>>, vector<16xf32>,
        tpu.vector_store %arg12[%swap3A_926, %swap3A_927], %mul3A_925 {strides = array<i32>} : memref<128x128xf32, #tpu.memory_space<vmem>>, vector<16xf32>,
        %get3A_929 = arith.index_cast %add3A_921 : i32 to index
        %get3A_930 = arith.constant 16 : index
        %get3A_931 = tpu.vector_load %arg12[%get3A_929, %get3A_930] {strides = array<i32>} : memref<128x128xf32, #tpu.memory_space<vmem>>, vector<16xf32>,
        %mul3A_932 = arith.mulf %get3A_931, %broadcast_in_dim3A_917 : vector<16xf32>
        %swap3A_933 = arith.index_cast %add3A_921 : i32 to index
        %swap3A_934 = arith.constant 16 : index
        %swap3A_935 = tpu.vector_load %arg12[%swap3A_933, %swap3A_934] {strides = array<i32>} : memref<128x128xf32, #tpu.memory_space<vmem>>, vector<16xf32>,
        tpu.vector_store %arg12[%swap3A_933, %swap3A_934], %mul3A_932 {strides = array<i32>} : memref<128x128xf32, #tpu.memory_space<vmem>>, vector<16xf32>,
        %get3A_936 = arith.index_cast %add3A_921 : i32 to index
        %get3A_937 = arith.constant 32 : index
        %get3A_938 = tpu.vector_load %arg12[%get3A_936, %get3A_937] {strides = array<i32>} : memref<128x128xf32, #tpu.memory_space<vmem>>, vector<16xf32>,
        %mul3A_939 = arith.mulf %get3A_938, %broadcast_in_dim3A_917 : vector<16xf32>
        %swap3A_940 = arith.index_cast %add3A_921 : i32 to index
        %swap3A_941 = arith.constant 32 : index
        %swap3A_942 = tpu.vector_load %arg12[%swap3A_940, %swap3A_941] {strides = array<i32>} : memref<128x128xf32, #tpu.memory_space<vmem>>, vector<16xf32>,
        tpu.vector_store %arg12[%swap3A_940, %swap3A_941], %mul3A_939 {strides = array<i32>} : memref<128x128xf32, #tpu.memory_space<vmem>>, vector<16xf32>,
        %get3A_943 = arith.index_cast %add3A_921 : i32 to index
        %get3A_944 = arith.constant 48 : index
        %get3A_945 = tpu.vector_load %arg12[%get3A_943, %get3A_944] {strides = array<i32>} : memref<128x128xf32, #tpu.memory_space<vmem>>, vector<16xf32>,
        %mul3A_946 = arith.mulf %get3A_945, %broadcast_in_dim3A_917 : vector<16xf32>
        %swap3A_947 = arith.index_cast %add3A_921 : i32 to index
        %swap3A_948 = arith.constant 48 : index
        %swap3A_949 = tpu.vector_load %arg12[%swap3A_947, %swap3A_948] {strides = array<i32>} : memref<128x128xf32, #tpu.memory_space<vmem>>, vector<16xf32>,
        tpu.vector_store %arg12[%swap3A_947, %swap3A_948], %mul3A_946 {strides = array<i32>} : memref<128x128xf32, #tpu.memory_space<vmem>>, vector<16xf32>,
        %get3A_950 = arith.index_cast %add3A_921 : i32 to index
        %get3A_951 = arith.constant 64 : index
        %get3A_952 = tpu.vector_load %arg12[%get3A_950, %get3A_951] {strides = array<i32>} : memref<128x128xf32, #tpu.memory_space<vmem>>, vector<16xf32>,
        %mul3A_953 = arith.mulf %get3A_952, %broadcast_in_dim3A_917 : vector<16xf32>
        %swap3A_954 = arith.index_cast %add3A_921 : i32 to index
        %swap3A_955 = arith.constant 64 : index
        %swap3A_956 = tpu.vector_load %arg12[%swap3A_954, %swap3A_955] {strides = array<i32>} : memref<128x128xf32, #tpu.memory_space<vmem>>, vector<16xf32>,
        tpu.vector_store %arg12[%swap3A_954, %swap3A_955], %mul3A_953 {strides = array<i32>} : memref<128x128xf32, #tpu.memory_space<vmem>>, vector<16xf32>,
        %get3A_957 = arith.index_cast %add3A_921 : i32 to index
        %get3A_958 = arith.constant 80 : index
        %get3A_959 = tpu.vector_load %arg12[%get3A_957, %get3A_958] {strides = array<i32>} : memref<128x128xf32, #tpu.memory_space<vmem>>, vector<16xf32>,
        %mul3A_960 = arith.mulf %get3A_959, %broadcast_in_dim3A_917 : vector<16xf32>
        %swap3A_961 = arith.index_cast %add3A_921 : i32 to index
        %swap3A_962 = arith.constant 80 : index
        %swap3A_963 = tpu.vector_load %arg12[%swap3A_961, %swap3A_962] {strides = array<i32>} : memref<128x128xf32, #tpu.memory_space<vmem>>, vector<16xf32>,
        tpu.vector_store %arg12[%swap3A_961, %swap3A_962], %mul3A_960 {strides = array<i32>} : memref<128x128xf32, #tpu.memory_space<vmem>>, vector<16xf32>,
        %get3A_964 = arith.index_cast %add3A_921 : i32 to index
        %get3A_965 = arith.constant 96 : index
        %get3A_966 = tpu.vector_load %arg12[%get3A_964, %get3A_965] {strides = array<i32>} : memref<128x128xf32, #tpu.memory_space<vmem>>, vector<16xf32>,
        %mul3A_967 = arith.mulf %get3A_966, %broadcast_in_dim3A_917 : vector<16xf32>
        %swap3A_968 = arith.index_cast %add3A_921 : i32 to index
        %swap3A_969 = arith.constant 96 : index
        %swap3A_970 = tpu.vector_load %arg12[%swap3A_968, %swap3A_969] {strides = array<i32>} : memref<128x128xf32, #tpu.memory_space<vmem>>, vector<16xf32>,
        tpu.vector_store %arg12[%swap3A_968, %swap3A_969], %mul3A_967 {strides = array<i32>} : memref<128x128xf32, #tpu.memory_space<vmem>>, vector<16xf32>,
        %get3A_971 = arith.index_cast %add3A_921 : i32 to index
        %get3A_972 = arith.constant 112 : index
        %get3A_973 = tpu.vector_load %arg12[%get3A_971, %get3A_972] {strides = array<i32>} : memref<128x128xf32, #tpu.memory_space<vmem>>, vector<16xf32>,
        %mul3A_974 = arith.mulf %get3A_973, %broadcast_in_dim3A_917 : vector<16xf32>
        %swap3A_975 = arith.index_cast %add3A_921 : i32 to index
        %swap3A_976 = arith.constant 112 : index
        %swap3A_977 = tpu.vector_load %arg12[%swap3A_975, %swap3A_976] {strides = array<i32>} : memref<128x128xf32, #tpu.memory_space<vmem>>, vector<16xf32>,
        tpu.vector_store %arg12[%swap3A_975, %swap3A_976], %mul3A_974 {strides = array<i32>} : memref<128x128xf32, #tpu.memory_space<vmem>>, vector<16xf32>,
        %slice3A_978 = vector.extract_strided_slice %get3A_36 {offsets = [15], sizes = [1], strides = [1]} : vector<16xf32> to vector<1xf32>
        %squeeze3A_979 = vector.extract %slice3A_978[0] : f32 from vector<1xf32>
        %broadcast_in_dim3A_980 = vector.broadcast %squeeze3A_979 : f32 to vector<16xf32>
        %mul3A_981 = arith.constant 16 : i32
        %mul3A_982 = arith.muli %scan3A_32, %mul3A_981 : i32
        %add3A_983 = arith.constant 15 : i32
        %add3A_984 = arith.addi %mul3A_982, %add3A_983 : i32
        %get3A_985 = arith.index_cast %add3A_984 : i32 to index
        %get3A_986 = arith.constant 0 : index
        %get3A_987 = tpu.vector_load %arg12[%get3A_985, %get3A_986] {strides = array<i32>} : memref<128x128xf32, #tpu.memory_space<vmem>>, vector<16xf32>,
        %mul3A_988 = arith.mulf %get3A_987, %broadcast_in_dim3A_980 : vector<16xf32>
        %swap3A_989 = arith.index_cast %add3A_984 : i32 to index
        %swap3A_990 = arith.constant 0 : index
        %swap3A_991 = tpu.vector_load %arg12[%swap3A_989, %swap3A_990] {strides = array<i32>} : memref<128x128xf32, #tpu.memory_space<vmem>>, vector<16xf32>,
        tpu.vector_store %arg12[%swap3A_989, %swap3A_990], %mul3A_988 {strides = array<i32>} : memref<128x128xf32, #tpu.memory_space<vmem>>, vector<16xf32>,
        %get3A_992 = arith.index_cast %add3A_984 : i32 to index
        %get3A_993 = arith.constant 16 : index
        %get3A_994 = tpu.vector_load %arg12[%get3A_992, %get3A_993] {strides = array<i32>} : memref<128x128xf32, #tpu.memory_space<vmem>>, vector<16xf32>,
        %mul3A_995 = arith.mulf %get3A_994, %broadcast_in_dim3A_980 : vector<16xf32>
        %swap3A_996 = arith.index_cast %add3A_984 : i32 to index
        %swap3A_997 = arith.constant 16 : index
        %swap3A_998 = tpu.vector_load %arg12[%swap3A_996, %swap3A_997] {strides = array<i32>} : memref<128x128xf32, #tpu.memory_space<vmem>>, vector<16xf32>,
        tpu.vector_store %arg12[%swap3A_996, %swap3A_997], %mul3A_995 {strides = array<i32>} : memref<128x128xf32, #tpu.memory_space<vmem>>, vector<16xf32>,
        %get3A_999 = arith.index_cast %add3A_984 : i32 to index
        %get3A_1000 = arith.constant 32 : index
        %get3A_1001 = tpu.vector_load %arg12[%get3A_999, %get3A_1000] {strides = array<i32>} : memref<128x128xf32, #tpu.memory_space<vmem>>, vector<16xf32>,
        %mul3A_1002 = arith.mulf %get3A_1001, %broadcast_in_dim3A_980 : vector<16xf32>
        %swap3A_1003 = arith.index_cast %add3A_984 : i32 to index
        %swap3A_1004 = arith.constant 32 : index
        %swap3A_1005 = tpu.vector_load %arg12[%swap3A_1003, %swap3A_1004] {strides = array<i32>} : memref<128x128xf32, #tpu.memory_space<vmem>>, vector<16xf32>,
        tpu.vector_store %arg12[%swap3A_1003, %swap3A_1004], %mul3A_1002 {strides = array<i32>} : memref<128x128xf32, #tpu.memory_space<vmem>>, vector<16xf32>,
        %get3A_1006 = arith.index_cast %add3A_984 : i32 to index
        %get3A_1007 = arith.constant 48 : index
        %get3A_1008 = tpu.vector_load %arg12[%get3A_1006, %get3A_1007] {strides = array<i32>} : memref<128x128xf32, #tpu.memory_space<vmem>>, vector<16xf32>,
        %mul3A_1009 = arith.mulf %get3A_1008, %broadcast_in_dim3A_980 : vector<16xf32>
        %swap3A_1010 = arith.index_cast %add3A_984 : i32 to index
        %swap3A_1011 = arith.constant 48 : index
        %swap3A_1012 = tpu.vector_load %arg12[%swap3A_1010, %swap3A_1011] {strides = array<i32>} : memref<128x128xf32, #tpu.memory_space<vmem>>, vector<16xf32>,
        tpu.vector_store %arg12[%swap3A_1010, %swap3A_1011], %mul3A_1009 {strides = array<i32>} : memref<128x128xf32, #tpu.memory_space<vmem>>, vector<16xf32>,
        %get3A_1013 = arith.index_cast %add3A_984 : i32 to index
        %get3A_1014 = arith.constant 64 : index
        %get3A_1015 = tpu.vector_load %arg12[%get3A_1013, %get3A_1014] {strides = array<i32>} : memref<128x128xf32, #tpu.memory_space<vmem>>, vector<16xf32>,
        %mul3A_1016 = arith.mulf %get3A_1015, %broadcast_in_dim3A_980 : vector<16xf32>
        %swap3A_1017 = arith.index_cast %add3A_984 : i32 to index
        %swap3A_1018 = arith.constant 64 : index
        %swap3A_1019 = tpu.vector_load %arg12[%swap3A_1017, %swap3A_1018] {strides = array<i32>} : memref<128x128xf32, #tpu.memory_space<vmem>>, vector<16xf32>,
        tpu.vector_store %arg12[%swap3A_1017, %swap3A_1018], %mul3A_1016 {strides = array<i32>} : memref<128x128xf32, #tpu.memory_space<vmem>>, vector<16xf32>,
        %get3A_1020 = arith.index_cast %add3A_984 : i32 to index
        %get3A_1021 = arith.constant 80 : index
        %get3A_1022 = tpu.vector_load %arg12[%get3A_1020, %get3A_1021] {strides = array<i32>} : memref<128x128xf32, #tpu.memory_space<vmem>>, vector<16xf32>,
        %mul3A_1023 = arith.mulf %get3A_1022, %broadcast_in_dim3A_980 : vector<16xf32>
        %swap3A_1024 = arith.index_cast %add3A_984 : i32 to index
        %swap3A_1025 = arith.constant 80 : index
        %swap3A_1026 = tpu.vector_load %arg12[%swap3A_1024, %swap3A_1025] {strides = array<i32>} : memref<128x128xf32, #tpu.memory_space<vmem>>, vector<16xf32>,
        tpu.vector_store %arg12[%swap3A_1024, %swap3A_1025], %mul3A_1023 {strides = array<i32>} : memref<128x128xf32, #tpu.memory_space<vmem>>, vector<16xf32>,
        %get3A_1027 = arith.index_cast %add3A_984 : i32 to index
        %get3A_1028 = arith.constant 96 : index
        %get3A_1029 = tpu.vector_load %arg12[%get3A_1027, %get3A_1028] {strides = array<i32>} : memref<128x128xf32, #tpu.memory_space<vmem>>, vector<16xf32>,
        %mul3A_1030 = arith.mulf %get3A_1029, %broadcast_in_dim3A_980 : vector<16xf32>
        %swap3A_1031 = arith.index_cast %add3A_984 : i32 to index
        %swap3A_1032 = arith.constant 96 : index
        %swap3A_1033 = tpu.vector_load %arg12[%swap3A_1031, %swap3A_1032] {strides = array<i32>} : memref<128x128xf32, #tpu.memory_space<vmem>>, vector<16xf32>,
        tpu.vector_store %arg12[%swap3A_1031, %swap3A_1032], %mul3A_1030 {strides = array<i32>} : memref<128x128xf32, #tpu.memory_space<vmem>>, vector<16xf32>,
        %get3A_1034 = arith.index_cast %add3A_984 : i32 to index
        %get3A_1035 = arith.constant 112 : index
        %get3A_1036 = tpu.vector_load %arg12[%get3A_1034, %get3A_1035] {strides = array<i32>} : memref<128x128xf32, #tpu.memory_space<vmem>>, vector<16xf32>,
        %mul3A_1037 = arith.mulf %get3A_1036, %broadcast_in_dim3A_980 : vector<16xf32>
        %swap3A_1038 = arith.index_cast %add3A_984 : i32 to index
        %swap3A_1039 = arith.constant 112 : index
        %swap3A_1040 = tpu.vector_load %arg12[%swap3A_1038, %swap3A_1039] {strides = array<i32>} : memref<128x128xf32, #tpu.memory_space<vmem>>, vector<16xf32>,
        tpu.vector_store %arg12[%swap3A_1038, %swap3A_1039], %mul3A_1037 {strides = array<i32>} : memref<128x128xf32, #tpu.memory_space<vmem>>, vector<16xf32>,
      }
      %scan3A_31 = arith.constant 8 : i32
      "tpu.region"() ({
        %run_scoped3A = tpu.sem_alloc : memref<!tpu.dma_semaphore, #tpu.memory_space<semaphore_mem>>
        %dma_start3A_32 = arith.constant 0 : i32
        %dma_start3A_33 = tpu.memref_slice %arg10[%scan3A_15, %dma_start3A_32] : memref<79x128xi32, #tpu.memory_space<vmem>> -> memref<1x128xi32, #tpu.memory_space<vmem>>
        %dma_start3A_34 = tpu.memref_squeeze %dma_start3A_33 : memref<1x128xi32, #tpu.memory_space<vmem>> -> memref<128xi32, #tpu.memory_space<vmem>>
        %dma_start3A_35 = arith.constant 0 : i32
        %dma_start3A_36 = arith.constant 0 : i32
        %dma_start3A_37 = tpu.memref_slice %arg13[%dma_start3A_35, %dma_start3A_36] : memref<10112x128xf32, #tpu.memory_space<vmem_shared>> -> memref<10112x128xf32, #tpu.memory_space<vmem_shared>>
        tpu.enqueue_indirect_dma source(%arg12 : memref<128x128xf32, #tpu.memory_space<vmem>>) target(%dma_start3A_37 : memref<10112x128xf32, #tpu.memory_space<vmem_shared>>) offsets(%dma_start3A_34 : memref<128xi32, #tpu.memory_space<vmem>>) semaphore(%run_scoped3A : memref<!tpu.dma_semaphore, #tpu.memory_space<semaphore_mem>>) {add = true}
        %dma_wait3A_38 = arith.constant 0 : i32
        %dma_wait3A_39 = tpu.memref_slice %arg10[%scan3A_15, %dma_wait3A_38] : memref<79x128xi32, #tpu.memory_space<vmem>> -> memref<1x128xi32, #tpu.memory_space<vmem>>
        %dma_wait3A_40 = tpu.memref_squeeze %dma_wait3A_39 : memref<1x128xi32, #tpu.memory_space<vmem>> -> memref<128xi32, #tpu.memory_space<vmem>>
        %dma_wait3A_41 = arith.constant 0 : i32
        %dma_wait3A_42 = arith.constant 0 : i32
        %dma_wait3A_43 = tpu.memref_slice %arg13[%dma_wait3A_41, %dma_wait3A_42] : memref<10112x128xf32, #tpu.memory_space<vmem_shared>> -> memref<10112x128xf32, #tpu.memory_space<vmem_shared>>
        tpu.wait_indirect_dma semaphore(%run_scoped3A : memref<!tpu.dma_semaphore, #tpu.memory_space<semaphore_mem>>) src(%arg12 : memref<128x128xf32, #tpu.memory_space<vmem>>) dst(%dma_wait3A_43 : memref<10112x128xf32, #tpu.memory_space<vmem_shared>>)
        tpu.yield
      }) : () -> ()
    }
    %scan3A_13 = arith.constant 79 : i32
    %barrier3A_14 = arith.constant 0 : index
    tpu.barrier barrier_id(%barrier3A_14)
    "tpu.region"() ({
      %run_scoped3A = tpu.sem_alloc : memref<!tpu.dma_semaphore, #tpu.memory_space<semaphore_mem>>
      %dma_start3A = arith.constant 0 : i32
      %dma_start3A_15 = tpu.memref_slice %arg8[%arg0, %mul3A_2, %dma_start3A] : memref<2x10112x128xf32, #tpu.memory_space<hbm>> -> memref<1x632x128xf32, #tpu.memory_space<hbm>>
      %dma_start3A_16 = tpu.memref_squeeze %dma_start3A_15 : memref<1x632x128xf32, #tpu.memory_space<hbm>> -> memref<632x128xf32, #tpu.memory_space<hbm>>
      %dma_start3A_17 = arith.constant 0 : i32
      %dma_start3A_18 = tpu.memref_slice %arg13[%mul3A_2, %dma_start3A_17] : memref<10112x128xf32, #tpu.memory_space<vmem_shared>> -> memref<632x128xf32, #tpu.memory_space<vmem_shared>>
      tpu.enqueue_dma source(%dma_start3A_18 : memref<632x128xf32, #tpu.memory_space<vmem_shared>>) target(%dma_start3A_16 : memref<632x128xf32, #tpu.memory_space<hbm>>) target_semaphore(%run_scoped3A : memref<!tpu.dma_semaphore, #tpu.memory_space<semaphore_mem>>)
      %dma_wait3A = arith.constant 0 : i32
      %dma_wait3A_19 = tpu.memref_slice %arg8[%arg0, %mul3A_2, %dma_wait3A] : memref<2x10112x128xf32, #tpu.memory_space<hbm>> -> memref<1x632x128xf32, #tpu.memory_space<hbm>>
      %dma_wait3A_20 = tpu.memref_squeeze %dma_wait3A_19 : memref<1x632x128xf32, #tpu.memory_space<hbm>> -> memref<632x128xf32, #tpu.memory_space<hbm>>
      %dma_wait3A_21 = arith.constant 0 : i32
      %dma_wait3A_22 = tpu.memref_slice %arg13[%mul3A_2, %dma_wait3A_21] : memref<10112x128xf32, #tpu.memory_space<vmem_shared>> -> memref<632x128xf32, #tpu.memory_space<vmem_shared>>
      tpu.wait_dma2 semaphore(%run_scoped3A : memref<!tpu.dma_semaphore, #tpu.memory_space<semaphore_mem>>) src(%dma_wait3A_22 : memref<632x128xf32, #tpu.memory_space<vmem_shared>>) dst(%dma_wait3A_20 : memref<632x128xf32, #tpu.memory_space<hbm>>)
      tpu.yield
    }) : () -> ()
    return
  }
}

module attributes {stable_mosaic.version = 14 : i64} {
  func.func @body(%arg0: memref<10112x128xf32, #tpu.memory_space<vmem>>, %arg1: memref<128x128xf32, #tpu.memory_space<vmem>>, %arg2: memref<32x10112xf32, #tpu.memory_space<vmem>>, %arg3: memref<10112x128xf32, #tpu.memory_space<vmem>>, %arg4: memref<10112x128xf32, #tpu.memory_space<vmem>>, %arg5: memref<10112xf32, #tpu.memory_space<vmem>>) attributes {dimension_semantics = [], scalar_prefetch = 0 : i64, scratch_operands = 0 : i64, tpu.core_type = #tpu.core_type<tc>} {
    %get3A = arith.constant 0 : index
    %get3A_0 = arith.constant 0 : index
    %get3A_1 = vector.load %arg2[%get3A, %get3A_0] : memref<32x10112xf32, #tpu.memory_space<vmem>>, vector<32x10112xf32>
    %reduce_sum3A = arith.constant dense<0.000000e+00> : vector<10112xf32>
    %reduce_sum3A_2 = vector.multi_reduction <add>, %get3A_1, %reduce_sum3A [0] : vector<32x10112xf32> to vector<10112xf32>
    %add3A = arith.constant 1.000000e+00 : f32
    %add3A_3 = vector.broadcast %add3A : f32 to vector<10112xf32>
    %add3A_4 = arith.addf %reduce_sum3A_2, %add3A_3 : vector<10112xf32>
    %rsqrt3A = math.rsqrt %add3A_4 : vector<10112xf32>
    %get3A_5 = arith.constant 0 : index
    %get3A_6 = arith.constant 0 : index
    %get3A_7 = vector.load %arg0[%get3A_5, %get3A_6] : memref<10112x128xf32, #tpu.memory_space<vmem>>, vector<10112x128xf32>
    %get3A_8 = arith.constant 0 : index
    %get3A_9 = arith.constant 0 : index
    %get3A_10 = vector.load %arg1[%get3A_8, %get3A_9] : memref<128x128xf32, #tpu.memory_space<vmem>>, vector<128x128xf32>
    %dot_general3A = arith.constant dense<0.000000e+00> : vector<10112x128xf32>
    %dot_general3A_11 = tpu.matmul %get3A_7, %get3A_10, %dot_general3A {dimension_numbers = #tpu.dot_dimension_numbers<[1], [0], [0], [1], [0, 0, 1, 1], [], []>, transpose_lhs_hint = false} : vector<10112x128xf32>, vector<128x128xf32>, vector<10112x128xf32> -> vector<10112x128xf32>
    %swap3A = arith.constant 0 : index
    %swap3A_12 = arith.constant 0 : index
    %swap3A_13 = vector.load %arg3[%swap3A, %swap3A_12] : memref<10112x128xf32, #tpu.memory_space<vmem>>, vector<10112x128xf32>
    tpu.vector_store %arg3[%swap3A, %swap3A_12], %dot_general3A_11 {strides = array<i32>} : memref<10112x128xf32, #tpu.memory_space<vmem>>, vector<10112x128xf32>,
    %mul3A = arith.mulf %rsqrt3A, %rsqrt3A : vector<10112xf32>
    %broadcast_in_dim3A = vector.shape_cast %mul3A : vector<10112xf32> to vector<10112x1xf32>
    %mul3A_14 = vector.broadcast %broadcast_in_dim3A : vector<10112x1xf32> to vector<10112x128xf32>
    %mul3A_15 = arith.mulf %dot_general3A_11, %mul3A_14 : vector<10112x128xf32>
    %swap3A_16 = arith.constant 0 : index
    %swap3A_17 = arith.constant 0 : index
    %swap3A_18 = vector.load %arg4[%swap3A_16, %swap3A_17] : memref<10112x128xf32, #tpu.memory_space<vmem>>, vector<10112x128xf32>
    tpu.vector_store %arg4[%swap3A_16, %swap3A_17], %mul3A_15 {strides = array<i32>} : memref<10112x128xf32, #tpu.memory_space<vmem>>, vector<10112x128xf32>,
    %swap3A_19 = arith.constant 0 : index
    %swap3A_20 = vector.load %arg5[%swap3A_19] : memref<10112xf32, #tpu.memory_space<vmem>>, vector<10112xf32>
    tpu.vector_store %arg5[%swap3A_19], %rsqrt3A {strides = array<i32>} : memref<10112xf32, #tpu.memory_space<vmem>>, vector<10112xf32>,
    return
  }
}

module attributes {stable_mosaic.version = 14 : i64} {
  func.func @body(%arg0: memref<2x10112x128xf32, #tpu.memory_space<vmem>>, %arg1: memref<128xf32, #tpu.memory_space<vmem>>, %arg2: memref<128x64xf32, #tpu.memory_space<vmem>>, %arg3: memref<10112xf32, #tpu.memory_space<vmem>>, %arg4: memref<10112x64xf32, #tpu.memory_space<vmem>>, %arg5: memref<10112x64xf32, #tpu.memory_space<vmem>>) attributes {dimension_semantics = [], scalar_prefetch = 0 : i64, scratch_operands = 0 : i64, tpu.core_type = #tpu.core_type<tc>} {
    %get3A = arith.constant 0 : index
    %get3A_0 = arith.constant 0 : index
    %get3A_1 = arith.constant 0 : index
    %get3A_2 = vector.load %arg0[%get3A, %get3A_0, %get3A_1] : memref<2x10112x128xf32, #tpu.memory_space<vmem>>, vector<1x10112x128xf32>
    %get3A_3 = vector.shape_cast %get3A_2 : vector<1x10112x128xf32> to vector<10112x128xf32>
    %get3A_4 = arith.constant 1 : index
    %get3A_5 = arith.constant 0 : index
    %get3A_6 = arith.constant 0 : index
    %get3A_7 = vector.load %arg0[%get3A_4, %get3A_5, %get3A_6] : memref<2x10112x128xf32, #tpu.memory_space<vmem>>, vector<1x10112x128xf32>
    %get3A_8 = vector.shape_cast %get3A_7 : vector<1x10112x128xf32> to vector<10112x128xf32>
    %add3A = arith.addf %get3A_3, %get3A_8 : vector<10112x128xf32>
    %get3A_9 = arith.constant 0 : index
    %get3A_10 = vector.load %arg1[%get3A_9] : memref<128xf32, #tpu.memory_space<vmem>>, vector<128xf32>
    %broadcast_in_dim3A = vector.shape_cast %get3A_10 : vector<128xf32> to vector<1x128xf32>
    %add3A_11 = vector.broadcast %broadcast_in_dim3A : vector<1x128xf32> to vector<10112x128xf32>
    %add3A_12 = arith.addf %add3A, %add3A_11 : vector<10112x128xf32>
    %max3A = arith.constant 0.000000e+00 : f32
    %max3A_13 = vector.broadcast %max3A : f32 to vector<10112x128xf32>
    %max3A_14 = arith.maximumf %add3A_12, %max3A_13 : vector<10112x128xf32>
    %get3A_15 = arith.constant 0 : index
    %get3A_16 = arith.constant 0 : index
    %get3A_17 = vector.load %arg2[%get3A_15, %get3A_16] : memref<128x64xf32, #tpu.memory_space<vmem>>, vector<128x64xf32>
    %dot_general3A = arith.constant dense<0.000000e+00> : vector<10112x64xf32>
    %dot_general3A_18 = tpu.matmul %max3A_14, %get3A_17, %dot_general3A {dimension_numbers = #tpu.dot_dimension_numbers<[1], [0], [0], [1], [0, 0, 1, 1], [], []>, transpose_lhs_hint = false} : vector<10112x128xf32>, vector<128x64xf32>, vector<10112x64xf32> -> vector<10112x64xf32>
    %get3A_19 = arith.constant 0 : index
    %get3A_20 = vector.load %arg3[%get3A_19] : memref<10112xf32, #tpu.memory_space<vmem>>, vector<10112xf32>
    %swap3A = arith.constant 0 : index
    %swap3A_21 = arith.constant 0 : index
    %swap3A_22 = vector.load %arg4[%swap3A, %swap3A_21] : memref<10112x64xf32, #tpu.memory_space<vmem>>, vector<10112x64xf32>
    tpu.vector_store %arg4[%swap3A, %swap3A_21], %dot_general3A_18 {strides = array<i32>} : memref<10112x64xf32, #tpu.memory_space<vmem>>, vector<10112x64xf32>,
    %mul3A = arith.mulf %get3A_20, %get3A_20 : vector<10112xf32>
    %broadcast_in_dim3A_23 = vector.shape_cast %mul3A : vector<10112xf32> to vector<10112x1xf32>
    %mul3A_24 = vector.broadcast %broadcast_in_dim3A_23 : vector<10112x1xf32> to vector<10112x64xf32>
    %mul3A_25 = arith.mulf %dot_general3A_18, %mul3A_24 : vector<10112x64xf32>
    %swap3A_26 = arith.constant 0 : index
    %swap3A_27 = arith.constant 0 : index
    %swap3A_28 = vector.load %arg5[%swap3A_26, %swap3A_27] : memref<10112x64xf32, #tpu.memory_space<vmem>>, vector<10112x64xf32>
    tpu.vector_store %arg5[%swap3A_26, %swap3A_27], %mul3A_25 {strides = array<i32>} : memref<10112x64xf32, #tpu.memory_space<vmem>>, vector<10112x64xf32>,
    return
  }
}

module attributes {stable_mosaic.version = 14 : i64} {
  func.func @body(%arg0: memref<2x10112x64xf32, #tpu.memory_space<vmem>>, %arg1: memref<64xf32, #tpu.memory_space<vmem>>, %arg2: memref<10000x64xf32, #tpu.memory_space<vmem>>) attributes {dimension_semantics = [], scalar_prefetch = 0 : i64, scratch_operands = 0 : i64, tpu.core_type = #tpu.core_type<tc>} {
    %get3A = arith.constant 0 : index
    %get3A_0 = arith.constant 0 : index
    %get3A_1 = arith.constant 0 : index
    %get3A_2 = vector.load %arg0[%get3A, %get3A_0, %get3A_1] : memref<2x10112x64xf32, #tpu.memory_space<vmem>>, vector<1x10000x64xf32>
    %get3A_3 = vector.shape_cast %get3A_2 : vector<1x10000x64xf32> to vector<10000x64xf32>
    %get3A_4 = arith.constant 1 : index
    %get3A_5 = arith.constant 0 : index
    %get3A_6 = arith.constant 0 : index
    %get3A_7 = vector.load %arg0[%get3A_4, %get3A_5, %get3A_6] : memref<2x10112x64xf32, #tpu.memory_space<vmem>>, vector<1x10000x64xf32>
    %get3A_8 = vector.shape_cast %get3A_7 : vector<1x10000x64xf32> to vector<10000x64xf32>
    %add3A = arith.addf %get3A_3, %get3A_8 : vector<10000x64xf32>
    %get3A_9 = arith.constant 0 : index
    %get3A_10 = vector.load %arg1[%get3A_9] : memref<64xf32, #tpu.memory_space<vmem>>, vector<64xf32>
    %broadcast_in_dim3A = vector.shape_cast %get3A_10 : vector<64xf32> to vector<1x64xf32>
    %add3A_11 = vector.broadcast %broadcast_in_dim3A : vector<1x64xf32> to vector<10000x64xf32>
    %add3A_12 = arith.addf %add3A, %add3A_11 : vector<10000x64xf32>
    %max3A = arith.constant 0.000000e+00 : f32
    %max3A_13 = vector.broadcast %max3A : f32 to vector<10000x64xf32>
    %max3A_14 = arith.maximumf %add3A_12, %max3A_13 : vector<10000x64xf32>
    %swap3A = arith.constant 0 : index
    %swap3A_15 = arith.constant 0 : index
    %swap3A_16 = vector.load %arg2[%swap3A, %swap3A_15] : memref<10000x64xf32, #tpu.memory_space<vmem>>, vector<10000x64xf32>
    tpu.vector_store %arg2[%swap3A, %swap3A_15], %max3A_14 {strides = array<i32>} : memref<10000x64xf32, #tpu.memory_space<vmem>>, vector<10000x64xf32>,
    return
  }
}

</mosaic_0001>

<sc_bundles>
// kernel: kernel.12.cloned.1.call-start
scs
__scs_entry_jumppad:
0x0: {  	(pc) =	sbr.rel $0x88, $3  }
0x1: {  	(tag) =	ssettag $0x0;
	lr =	simm.s32 $0x1  }
0x2: {  	[smem:$0x3F9A] =	sst lr;
	_ =	strace $0xD0000000  }
0x3: {  	_ = 	snop  }
0x4: {  	_ = 	snop  }
0x5: {  	_ = 	snop  }
0x6: {  	_ = 	snop  }
0x7: {  	_ = 	snop  }
__scs_overlays_trampoline_lowered:
0x8: {  	[smem:$0x3FA9] =	sst s0  }
0x9: {  	[smem:$0x3FAA] =	sst s1  }
0xa: {  	[smem:$0x3FAB] =	sst s2  }
0xb: {  	[smem:$0x3FAC] =	sst s3  }
0xc: {  	[smem:$0x3FAD] =	sst s4  }
0xd: {  	[smem:$0x3FAE] =	sst s5  }
0xe: {  	[smem:$0x3FAF] =	sst s6  }
0xf: {  	[smem:$0x3FB0] =	sst s7  }
0x10: {  	[smem:$0x3FB1] =	sst s8  }
0x11: {  	[smem:$0x3FB2] =	sst s9;
	s0 =	simm.s32 @!p0 $0x0  }
0x12: {  	s1 =	sld [smem:$0x3F98];
	s0 =	simm.s32 @p0 $0x1  }
0x13: {  	[smem:$0x3FB3] =	sst s0;
	s0 =	simm.s32 @!p1 $0x0  }
0x14: {  	s2 =	sld [smem:$0x3F97];
	s0 =	simm.s32 @p1 $0x1  }
0x15: {  	[smem:$0x3FB4] =	sst s0;
	s0 =	simm.s32 @!p2 $0x0  }
0x16: {  	s3 =	sld [smem:$0x3FDB];
	s0 =	simm.s32 @p2 $0x1  }
0x17: {  	s4 =	simm.s32 $0x1BF5;
	[smem:$0x3FB6] =	sst s0  }
0x18: {  	s0 =	sld [smem:$0x3F99];
	_ =	swait.ge [sflag:s4], $0x0  }
0x19: {  	s7 =	sld [smem:$0x3F9A]  }
0x1a: {  	s8 =	sadd.s32 $0xFFFFE003, lr  }
0x1b: {  	s9 =	sadd.s32 $0xFFFFFEF7, lr;
	s5 =	simm.s32 $0xFFFFFFFF;
	p2 =	slt.u32 s8, $0xFFFFF086  }
0x1c: {  	p1 =	slt.u32 s9, $0xF7A;
	s5 =	simm.s32 @!p2 $0x0  }
0x1d: {  	s5 =	simm.s32 @p1 $0x1;
	p0 =	seq.s32 s7, s2  }
0x1e: {  	s7 =	smul.u32 @!p0 $0xF7A, s2;
	p2 =	seq.s32 @!p0 s5, $0x0  }
0x1f: {  	s9 =	smul.u32 $0xF7A, s1;
	s8 =	simm.s32 @!p0 $0x1BF5;
	p2 =	por !p2, p0  }
0x20: {  	[sflag:s8] =	ssyncset.s32 @!p0 $0xFFFFF086;
	s6 =	sadd.s32 @!p0 s3, s7;
	s7 =	simm.s32 @!p0 $0x108  }
0x21: {  	s3 =	sadd.s32 s3, s9;
	s6 =	sadd.s32 @!p0 $0x88, s6;
	s7 =	simm.s32 @p2 $0x1082  }
0x22: {  	[simem:s7], [sflag:s8] =	dma.local @!p0 [hbm:s6], $0xF7A  }
0x23: {  	s9 =	sor.u32 $0xD0000000, s2;
	s6 =	simm.s32 $0x108;
	_ =	swait.ge @!p0 [sflag:s8], $0x0  }
0x24: {  	s3 =	sadd.s32 $0x88, s3;
	s6 =	simm.s32 @!p1 $0x1082;
	[sflag:s4] =	ssyncset.s32 $0xFFFFF086  }
0x25: {  	[simem:s6], [sflag:s4] =	dma.local [hbm:s3], $0xF7A  }
0x26: {  	[smem:$0x3F9A] =	sst s1;
	(tag) =	ssettag s2;
	_ =	strace s9  }
0x27: {  	s1 =	sld [smem:$0x3FAA]  }
0x28: {  	s2 =	sld [smem:$0x3FAB]  }
0x29: {  	s4 =	sld [smem:$0x3FAD]  }
0x2a: {  	p0 =	seq.s32 s5, $0x0;
	s5 =	sld [smem:$0x3FAE]  }
0x2b: {  	s6 =	sld [smem:$0x3FAF]  }
0x2c: {  	s7 =	sld [smem:$0x3FB0]  }
0x2d: {  	s3 =	simm.s32 $0x108;
	s8 =	sld [smem:$0x3FB1]  }
0x2e: {  	s3 =	simm.s32 @!p0 $0x1082;
	s9 =	sld [smem:$0x3FB2]  }
0x2f: {  	lr =	sadd.s32 s0, s3;
	s0 =	sld [smem:$0x3FA9]  }
0x30: {  	s3 =	sld [smem:$0x3FAC]  }
0x31: {  	[smem:$0x3FB5] =	sst s10  }
0x32: {  	s10 =	sld [smem:$0x3FB3];
	_ =	sdelay $0x3  }
0x33: {  	p0 =	seq.s32 s10, $0x1;
	s10 =	sld [smem:$0x3FB5];
	_ =	sdelay $0x3  }
0x34: {  	[smem:$0x3FB5] =	sst s10  }
0x35: {  	s10 =	sld [smem:$0x3FB4];
	_ =	sdelay $0x3  }
0x36: {  	p1 =	seq.s32 s10, $0x1;
	s10 =	sld [smem:$0x3FB5];
	_ =	sdelay $0x3  }
0x37: {  	[smem:$0x3FB5] =	sst s10  }
0x38: {  	s10 =	sld [smem:$0x3FB6]  }
0x39: {  	_ = 	snop;
	(pc) =	sbr.ind lr, $3  }
0x3a: {  	_ = 	snop  }
0x3b: {  	_ = 	snop  }
0x3c: {  	p2 =	seq.s32 s10, $0x1;
	s10 =	sld [smem:$0x3FB5]  }
0x3d: {  	_ =	shalt  }
0x3e: {  	_ =	shalt  }
0x3f: {  	_ =	shalt  }
0x40: {  	_ =	shalt  }
0x41: {  	_ =	shalt  }
0x42: {  	_ =	shalt  }
0x43: {  	_ =	shalt  }
0x44: {  	_ =	shalt  }
0x45: {  	_ =	shalt  }
0x46: {  	_ =	shalt  }
0x47: {  	_ =	shalt  }
0x48: {  	_ =	shalt  }
0x49: {  	_ =	shalt  }
0x4a: {  	_ =	shalt  }
0x4b: {  	_ =	shalt  }
0x4c: {  	_ =	shalt  }
0x4d: {  	_ =	shalt  }
0x4e: {  	_ =	shalt  }
0x4f: {  	_ =	shalt  }
0x50: {  	_ =	shalt  }
0x51: {  	_ =	shalt  }
0x52: {  	_ =	shalt  }
0x53: {  	_ =	shalt  }
0x54: {  	_ =	shalt  }
0x55: {  	_ =	shalt  }
0x56: {  	_ =	shalt  }
0x57: {  	_ =	shalt  }
0x58: {  	_ =	shalt  }
0x59: {  	_ =	shalt  }
0x5a: {  	_ =	shalt  }
0x5b: {  	_ =	shalt  }
0x5c: {  	_ =	shalt  }
0x5d: {  	_ =	shalt  }
0x5e: {  	_ =	shalt  }
0x5f: {  	_ =	shalt  }
0x60: {  	_ =	shalt  }
0x61: {  	_ =	shalt  }
0x62: {  	_ =	shalt  }
0x63: {  	_ =	shalt  }
0x64: {  	_ =	shalt  }
0x65: {  	_ =	shalt  }
0x66: {  	_ =	shalt  }
0x67: {  	_ =	shalt  }
0x68: {  	_ =	shalt  }
0x69: {  	_ =	shalt  }
0x6a: {  	_ =	shalt  }
0x6b: {  	_ =	shalt  }
0x6c: {  	_ =	shalt  }
0x6d: {  	_ =	shalt  }
0x6e: {  	_ =	shalt  }
0x6f: {  	_ =	shalt  }
0x70: {  	_ =	shalt  }
0x71: {  	_ =	shalt  }
0x72: {  	_ =	shalt  }
0x73: {  	_ =	shalt  }
0x74: {  	_ =	shalt  }
0x75: {  	_ =	shalt  }
0x76: {  	_ =	shalt  }
0x77: {  	_ =	shalt  }
0x78: {  	_ =	shalt  }
0x79: {  	_ =	shalt  }
0x7a: {  	_ =	shalt  }
0x7b: {  	_ =	shalt  }
0x7c: {  	_ =	shalt  }
0x7d: {  	_ =	shalt  }
0x7e: {  	_ =	shalt  }
0x7f: {  	_ =	shalt  }
0x80: {  	_ =	shalt  }
0x81: {  	_ =	shalt  }
0x82: {  	_ =	shalt  }
0x83: {  	_ =	shalt  }
0x84: {  	_ =	shalt  }
0x85: {  	_ =	shalt  }
0x86: {  	_ =	shalt  }
0x87: {  	_ =	shalt  }
.Lfunc_end0:
.L_simem_size_0:
called_computation.1_lowered:
.L_overlay_start_0:
0x88: {  	s2 =	sld [smem:$0x3FD9]  }
0x89: {  	s3 =	sld [smem:$0x3FFE];
	_ =	sdelay $0x1  }
0x8a: {  	s1 =	srdreg.scid  }
0x8b: {  	s0 =	sand.u32 $0x1, s1  }
0x8c: {  	s17 =	sshll.u32 s0, $0xA;
	s2 =	sadd.s32 s3, s2  }
0x8d: {  	s2 =	sadd.s32 s2, s17  }
0x8e: {  	[smem:$0x3FC1] =	sst s2  }
0x8f: {  	_ = 	snop  }
0x90: {  	s2 =	sld [smem:$0x3FD0];
	(tm) =	ssettm $0x1  }
0x91: {  	s18 =	sld [smem:$0x3FFB];
	_ =	sdelay $0x3  }
0x92: {  	_ =	strace s18  }
0x93: {  	s3 =	sld [smem:$0x3FFC];
	_ =	sdelay $0x3  }
0x94: {  	_ =	strace s3  }
0x95: {  	s3 =	sld [smem:$0x3FFD];
	_ =	sdelay $0x3  }
0x96: {  	_ =	strace s3  }
0x97: {  	_ =	strace $0x8FFFFFFF  }
0x98: {  	s19 =	sld [smem:$0x3FDB];
	_ =	sdelay $0x1  }
0x99: {  	s4 =	simm.s32 $_scs_section_size  }
0x9a: {  	s5 =	simm.s32 $_size__tile_overlayer_lowered;
	s6 =	simm.s32 $_tile_overlayer_lowered  }
0x9b: {  	s22 =	simm.s32 $0x1BFF;
	s21 =	sshll.u32 s6, $0x1;
	s3 =	sadd.s32 s4, s19  }
0x9c: {  	s7 =	simm.s32 $0x0;
	s20 =	sshll.u32 s5, $0x1;
	s5 =	sadd.s32 s21, s3  }
0x9d: {  	[timem:s7], [sflag:s22] =	dma.local [hbm:s5], s20  }
0x9e: {  	_ =	swait.ge [sflag:s22], s20  }
0x9f: {  	s4 =	ssub.s32 $0x0, s20;
	[sflag:s22] =	ssyncset.done $0x0  }
0xa0: {  	[sflag:s22] =	ssyncadd.s32 s4;
	_ =	sdelay $0x1  }
0xa1: {  	s23 =	simm.s32 $0x1B8B  }
0xa2: {  	_ =	swait.ge [sflag:s23], $0x1  }
0xa3: {  	[sflag:s23] =	ssyncset.done $0x0  }
0xa4: {  	s25 =	simm.s32 $0x1B8E;
	s24 =	sld [smem:$0x3FFE];
	[sflag:s23] =	ssyncadd.s32 $0xFFFFFFFF  }
0xa5: {  	s26 =	simm.s32 $execute0_lowered;
	[smem:$0x3FD2] =	sst s25  }
0xa6: {  	s5 =	sshll.u32 s26, $0x1;
	_ =	strace $0x80000049;
	[dreg:$0x1] =	wrdreg $0xFFFFFFFF  }
0xa7: {  	s28 =	simm.s32 $_size_execute0_lowered;
	s3 =	sadd.s32 s3, s5;
	[dreg:$0x0] =	wrdreg $0x0  }
0xa8: {  	s5 =	sshll.u32 s28, $0x1;
	[dreg:$0x2] =	wrdreg s3  }
0xa9: {  	[dreg:$0x3] =	wrdreg s5  }
0xaa: {  	[dreg:$0x4] =	wrdreg $0xC0  }
0xab: {  	_ =	task [dreg:s7], $0x5FFFF  }
0xac: {  	[dreg:$0x1] =	wrdreg $0xFFFFFFFF  }
0xad: {  	[dreg:$0x0] =	wrdreg $0x60  }
0xae: {  	[dreg:$0x2] =	wrdreg s24  }
0xaf: {  	[dreg:$0x3] =	wrdreg s2  }
0xb0: {  	[dreg:$0x4] =	wrdreg $0x9  }
0xb1: {  	_ =	task.clear_ibuf [dreg:s7], $0x5FFFF;
	_ =	strace $0x90000049  }
0xb2: {  	s29 =	simm.s32 $0x9;
	_ =	strace $0x8000004B  }
0xb3: {  	_ =	swait.ge [sflag:s29], $0x1  }
0xb4: {  	[sflag:s29] =	ssyncadd.s32 $0xFFFFFFFF  }
0xb5: {  	_ =	strace $0x9000004B  }
0xb6: {  	_ =	sfence  }
0xb7: {  	s30 =	sld [smem:$0x0];
	_ =	sdelay $0x2  }
0xb8: {  	s31 =	sshll.u32 s1, $0xD;
	s1 =	sshrl.u32 s1, $0x2  }
0xb9: {  	s3 =	sand.u32 $0x4000, s31;
	s1 =	sadd.s32 s1, s30  }
0xba: {  	s0 =	sor.u32 s3, s0;
	s1 =	sshll.u32 s1, $0x11  }
0xbb: {  	s0 =	sor.u32 s1, s0  }
0xbc: {  	s0 =	sadd.s32 $0x8F2B, s0  }
0xbd: {  	[sflag:s0] =	ssyncadd.remote.s32 $0x1  }
0xbe: {  	_ =	sfence.sel $0xFFFF  }
0xbf: {  	[dreg:$0x0] =	wrdreg $0xFFFFFFFF;
	(pc) =	sbr.abs _section_cstart, $3  }
0xc0: {  	[dreg:$0x1] =	wrdreg $0xFFFFFFFF  }
0xc1: {  	_ =	task.clear_ibuf [dreg:s7], $0x2FFFF;
	_ =	strace $0x9FFFFFFF  }
0xc2: {  	(tm) =	ssettm $0x7FFFFFFF  }
0xc3: {  	_ =	shalt  }
tec
execute0_lowered:
.L_overlay_start_1:
0x0: {  	(tag) =	ssettag $0x1  }
0x1: {  	s3 =	rddreg [dreg:$0x0];
	s1 =	srdreg.scid  }
0x2: {  	s0 =	stileid.u32;
	s6 =	rddreg [dreg:$0x1];
	s9 =	simm.s32 $0x1  }
0x3: {  	s10 =	simm.s32 $0x80;
	s11 =	simm.s32 $0x400;
	s12 =	simm.s32 $0x2780  }
0x4: {  	s13 =	simm.s32 $0x4F00;
	s14 =	simm.s32 $0x7680;
	s15 =	simm.s32 $0x9E00  }
0x5: {  	s16 =	simm.s32 $0x0;
	s4 =	sand.u32 $0x1, s1;
	s29 =	sshrl.u32 s0, $0x2  }
0x6: {  	s2 =	sshll.u32 s0, $0x8;
	s1 =	rddreg [dreg:$0x2];
	s5 =	smul.u32 $0x13C00, s29  }
0x7: {  	s30 =	sshll.u32 s4, $0x7;
	s2 =	sand.u32 $0x300, s2;
	s4 =	ssub.s32 $0x2, s4  }
0x8: {  	s7 =	sor.u32 s30, s2;
	s2 =	simm.s32 $0x0;
	s8 =	sshrl.u32 s4, $0x1  }
0x9: {  	s5 =	sor.u32 s5, s7;
	[smem:$0x7FF] =	sst s2;
	s8 =	ssub.s32 s4, s8  }
0xa: {  	s5 =	sshrl.u32 s5, $0x3;
	_ =	strace $0x8000004A;
	s8 =	smax.u32 s8, $0x1  }
0xb: {  	s31 =	sadd.s32 s5, s3;
	s3 =	sadd.s32 $0x16A00, s3;
	s5 =	sadd.s32 s6, s5  }
0xc: {  	s4 =	sadd.s32 $0x2A600, s31;
	s6 =	sadd.s32 $0xCC00, s31;
	s7 =	sadd.s32 $0x83400, s31  }
.LBB2_1:
0xd: {  	[tilespmem:s2], [sflag:$0x1] =	stream.linear.gather [hbm4b:s3+s2], $0x2780, $0x38;
	[tilespmem:$0xC580] =	vst v63  }
0xe: {  	_ =	swait.ge [sflag:s9], $0x2780  }
0xf: {  	[sflag:s9] =	ssyncset.done $0x0  }
0x10: {  	[sflag:s9] =	ssyncadd.s32 $0xFFFFD880  }
0x11: {  	[tilespmem:s12], [sflag:$0x1] =	stream.strided.gather [hbm4b:s4+s10], $0x2780, s11, s10, $0x38;
	[tilespmem:$0xC580] =	vst v63  }
0x12: {  	_ =	swait.ge [sflag:s9], $0x2780  }
0x13: {  	[sflag:s9] =	ssyncset.done $0x0  }
0x14: {  	[sflag:s9] =	ssyncadd.s32 $0xFFFFD880  }
0x15: {  	[tilespmem:s13], [sflag:$0x1] =	stream.strided.gather [hbm4b:s5+s10], $0x2780, s11, s10, $0x38;
	[tilespmem:$0xC580] =	vst v63  }
0x16: {  	_ =	swait.ge [sflag:s9], $0x2780  }
0x17: {  	[sflag:s9] =	ssyncset.done $0x0  }
0x18: {  	[sflag:s9] =	ssyncadd.s32 $0xFFFFD880  }
0x19: {  	[tilespmem:s14], [sflag:$0x1] =	stream.strided.gather [hbm4b:s6+s10], $0x2780, s11, s10, $0x38;
	[tilespmem:$0xC580] =	vst v63  }
0x1a: {  	_ =	swait.ge [sflag:s9], $0x2780  }
0x1b: {  	[sflag:s9] =	ssyncset.done $0x0  }
0x1c: {  	s17 =	simm.s32 $0x0;
	[sflag:s9] =	ssyncadd.s32 $0xFFFFD880  }
0x1d: {  	v0 =	vld [tilespmem:s17+$0x2780]  }
0x1e: {  	v2 =	vld [tilespmem:s17+$0x4F00];
	_ =	sdelay $0x5  }
0x1f: {  	v1 =	vld [tilespmem:s17+$0x7680]  }
0x20: {  	v0 =	vld.idx.msk [tilespmem:v0+s2+$0x0], $0xffff  }
0x21: {  	s18 =	simm.s32 $0x10;
	s19 =	simm.s32 $0x80;
	v2 =	vld.idx.msk [tilespmem:v2+s2+$0x0], $0xffff  }
.LBB2_2:
0x22: {  	p0 =	sne.s32 s19, $0x9DC0;
	v3 =	vld [tilespmem:s18+$0x2780];
	_ =	sdelay $0x1  }
0x23: {  	v4 =	vld [tilespmem:s18+$0x4F00]  }
0x24: {  	v0 =	vmul.f32 v1, v0;
	_ =	sdelay $0x1  }
0x25: {  	v0 =	vmul.f32 v0, v2  }
.Ltmp0:
0x26: {  	(pc) =	sbr.rel @p0 .LBB2_2-.Ltmp0, $4  }
0x27: {  	[tilespmem:s17+$0x9E00] =	vst v0;
	s17 =	smov.u32 s18  }
0x28: {  	v0 =	vld.idx.msk [tilespmem:v3+s2+$0x0], $0xffff  }
0x29: {  	v1 =	vld [tilespmem:s17+$0x7680]  }
0x2a: {  	s18 =	sshra.s32 s19, $0x2;
	s19 =	sadd.s32 $0x40, s19;
	v2 =	vld.idx.msk [tilespmem:v4+s2+$0x0], $0xffff  }
0x2b: {  	v3 =	vld [tilespmem:s18+$0x2780];
	_ =	sdelay $0x2  }
0x2c: {  	v4 =	vld [tilespmem:s18+$0x4F00];
	v0 =	vmul.f32 v1, v0;
	_ =	sdelay $0x1  }
0x2d: {  	v0 =	vmul.f32 v0, v2;
	_ =	sdelay $0x1  }
0x2e: {  	[tilespmem:s17+$0x9E00] =	vst v0  }
0x2f: {  	v0 =	vld.idx.msk [tilespmem:v3+s2+$0x0], $0xffff  }
0x30: {  	v62 =	vld [tilespmem:s18+$0x7680];
	_ =	sdelay $0x1  }
0x31: {  	v63 =	vld.idx.msk [tilespmem:v4+s2+$0x0], $0xffff;
	_ =	sdelay $0x2  }
0x32: {  	v0 =	vmul.f32 v62, v0;
	_ =	sdelay $0x1  }
0x33: {  	s16 =	sadd.s32 $0x1, s16;
	v0 =	vmul.f32 v0, v63  }
0x34: {  	p0 =	sne.s32 s16, s8  }
.Ltmp1:
0x35: {  	[tilespmem:s18+$0x9E00] =	vst v0;
	(pc) =	sbr.rel @p0 .LBB2_1-.Ltmp1, $4  }
0x36: {  	[hbm4b:s7+s10] =	stream.strided.scatter [tilespmem:s15], [sflag:$0x1], $0x2780, s11, s10, $0x38;
	[tilespmem:$0xC580] =	vst v63  }
0x37: {  	_ =	swait.ge [sflag:s9], $0x2780  }
0x38: {  	[sflag:s9] =	ssyncset.done $0x0  }
0x39: {  	[sflag:s9] =	ssyncadd.s32 $0xFFFFD880  }
0x3a: {  	_ =	sfence.sel $0x180000  }
0x3b: {  	[bflag:$0x0] =	sbarrier.arrive $0xFFFF  }
0x3c: {  	p0 =	sne.s32 s0, $0x0;
	_ =	strace $0x9000004A  }
0x3d: {  	s0 =	sadd.s32 @!p0 $0x100000, s1;
	[bflag:$0x2] =	sbarrier.arrive $0xFFFF  }
0x3e: {  	[sflag:s0] =	ssyncadd.tile.s32 @!p0 $0x1;
	_ =	shalt  }
.Lfunc_end2:
_tile_overlayer_lowered:
.L_overlay_start_2:
0x3f: {  	(tag) =	ssettag $0x2  }
0x40: {  	s0 =	rddreg [dreg:$0x0];
	s2 =	stileid.u32  }
0x41: {  	s1 =	rddreg [dreg:$0x1];
	p0 =	sne.s32 s2, $0x0  }
0x42: {  	s3 =	rddreg [dreg:$0x2];
	[bflag:$0x3] =	sbarrier.arrive $0xFFFF;
	s2 =	simm.s32 @!p0 $0x1C01  }
0x43: {  	[timem:s3], [sflag:s2] =	dma.local @!p0 [hbm:s0], s1  }
0x44: {  	s0 =	simm.s32 @!p0 $0x1  }
0x45: {  	_ =	swait.ge @!p0 [sflag:s0], s1  }
0x46: {  	s1 =	ssub.s32 @!p0 $0x0, s1;
	[sflag:s0] =	ssyncset.done @!p0 $0x0  }
0x47: {  	[sflag:s0] =	ssyncadd.s32 @!p0 s1  }
0x48: {  	[bflag:$0x3] =	sbarrier.arrive $0xFFFF  }
0x49: {  	_ =	shalt  }

// kernel: kernel.15.cloned.1.call-start
scs
__scs_entry_jumppad:
0x0: {  	(pc) =	sbr.rel $0x88, $3  }
0x1: {  	(tag) =	ssettag $0x0;
	lr =	simm.s32 $0x1  }
0x2: {  	[smem:$0x3F9A] =	sst lr;
	_ =	strace $0xD0000000  }
0x3: {  	_ = 	snop  }
0x4: {  	_ = 	snop  }
0x5: {  	_ = 	snop  }
0x6: {  	_ = 	snop  }
0x7: {  	_ = 	snop  }
__scs_overlays_trampoline_lowered:
0x8: {  	[smem:$0x3FA9] =	sst s0  }
0x9: {  	[smem:$0x3FAA] =	sst s1  }
0xa: {  	[smem:$0x3FAB] =	sst s2  }
0xb: {  	[smem:$0x3FAC] =	sst s3  }
0xc: {  	[smem:$0x3FAD] =	sst s4  }
0xd: {  	[smem:$0x3FAE] =	sst s5  }
0xe: {  	[smem:$0x3FAF] =	sst s6  }
0xf: {  	[smem:$0x3FB0] =	sst s7  }
0x10: {  	[smem:$0x3FB1] =	sst s8  }
0x11: {  	[smem:$0x3FB2] =	sst s9;
	s0 =	simm.s32 @!p0 $0x0  }
0x12: {  	s1 =	sld [smem:$0x3F98];
	s0 =	simm.s32 @p0 $0x1  }
0x13: {  	[smem:$0x3FB3] =	sst s0;
	s0 =	simm.s32 @!p1 $0x0  }
0x14: {  	s2 =	sld [smem:$0x3F97];
	s0 =	simm.s32 @p1 $0x1  }
0x15: {  	[smem:$0x3FB4] =	sst s0;
	s0 =	simm.s32 @!p2 $0x0  }
0x16: {  	s3 =	sld [smem:$0x3FDB];
	s0 =	simm.s32 @p2 $0x1  }
0x17: {  	s4 =	simm.s32 $0x1BF5;
	[smem:$0x3FB6] =	sst s0  }
0x18: {  	s0 =	sld [smem:$0x3F99];
	_ =	swait.ge [sflag:s4], $0x0  }
0x19: {  	s7 =	sld [smem:$0x3F9A]  }
0x1a: {  	s8 =	sadd.s32 $0xFFFFE003, lr  }
0x1b: {  	s9 =	sadd.s32 $0xFFFFFEF7, lr;
	s5 =	simm.s32 $0xFFFFFFFF;
	p2 =	slt.u32 s8, $0xFFFFF086  }
0x1c: {  	p1 =	slt.u32 s9, $0xF7A;
	s5 =	simm.s32 @!p2 $0x0  }
0x1d: {  	s5 =	simm.s32 @p1 $0x1;
	p0 =	seq.s32 s7, s2  }
0x1e: {  	s7 =	smul.u32 @!p0 $0xF7A, s2;
	p2 =	seq.s32 @!p0 s5, $0x0  }
0x1f: {  	s9 =	smul.u32 $0xF7A, s1;
	s8 =	simm.s32 @!p0 $0x1BF5;
	p2 =	por !p2, p0  }
0x20: {  	[sflag:s8] =	ssyncset.s32 @!p0 $0xFFFFF086;
	s6 =	sadd.s32 @!p0 s3, s7;
	s7 =	simm.s32 @!p0 $0x108  }
0x21: {  	s3 =	sadd.s32 s3, s9;
	s6 =	sadd.s32 @!p0 $0x88, s6;
	s7 =	simm.s32 @p2 $0x1082  }
0x22: {  	[simem:s7], [sflag:s8] =	dma.local @!p0 [hbm:s6], $0xF7A  }
0x23: {  	s9 =	sor.u32 $0xD0000000, s2;
	s6 =	simm.s32 $0x108;
	_ =	swait.ge @!p0 [sflag:s8], $0x0  }
0x24: {  	s3 =	sadd.s32 $0x88, s3;
	s6 =	simm.s32 @!p1 $0x1082;
	[sflag:s4] =	ssyncset.s32 $0xFFFFF086  }
0x25: {  	[simem:s6], [sflag:s4] =	dma.local [hbm:s3], $0xF7A  }
0x26: {  	[smem:$0x3F9A] =	sst s1;
	(tag) =	ssettag s2;
	_ =	strace s9  }
0x27: {  	s1 =	sld [smem:$0x3FAA]  }
0x28: {  	s2 =	sld [smem:$0x3FAB]  }
0x29: {  	s4 =	sld [smem:$0x3FAD]  }
0x2a: {  	p0 =	seq.s32 s5, $0x0;
	s5 =	sld [smem:$0x3FAE]  }
0x2b: {  	s6 =	sld [smem:$0x3FAF]  }
0x2c: {  	s7 =	sld [smem:$0x3FB0]  }
0x2d: {  	s3 =	simm.s32 $0x108;
	s8 =	sld [smem:$0x3FB1]  }
0x2e: {  	s3 =	simm.s32 @!p0 $0x1082;
	s9 =	sld [smem:$0x3FB2]  }
0x2f: {  	lr =	sadd.s32 s0, s3;
	s0 =	sld [smem:$0x3FA9]  }
0x30: {  	s3 =	sld [smem:$0x3FAC]  }
0x31: {  	[smem:$0x3FB5] =	sst s10  }
0x32: {  	s10 =	sld [smem:$0x3FB3];
	_ =	sdelay $0x3  }
0x33: {  	p0 =	seq.s32 s10, $0x1;
	s10 =	sld [smem:$0x3FB5];
	_ =	sdelay $0x3  }
0x34: {  	[smem:$0x3FB5] =	sst s10  }
0x35: {  	s10 =	sld [smem:$0x3FB4];
	_ =	sdelay $0x3  }
0x36: {  	p1 =	seq.s32 s10, $0x1;
	s10 =	sld [smem:$0x3FB5];
	_ =	sdelay $0x3  }
0x37: {  	[smem:$0x3FB5] =	sst s10  }
0x38: {  	s10 =	sld [smem:$0x3FB6]  }
0x39: {  	_ = 	snop;
	(pc) =	sbr.ind lr, $3  }
0x3a: {  	_ = 	snop  }
0x3b: {  	_ = 	snop  }
0x3c: {  	p2 =	seq.s32 s10, $0x1;
	s10 =	sld [smem:$0x3FB5]  }
0x3d: {  	_ =	shalt  }
0x3e: {  	_ =	shalt  }
0x3f: {  	_ =	shalt  }
0x40: {  	_ =	shalt  }
0x41: {  	_ =	shalt  }
0x42: {  	_ =	shalt  }
0x43: {  	_ =	shalt  }
0x44: {  	_ =	shalt  }
0x45: {  	_ =	shalt  }
0x46: {  	_ =	shalt  }
0x47: {  	_ =	shalt  }
0x48: {  	_ =	shalt  }
0x49: {  	_ =	shalt  }
0x4a: {  	_ =	shalt  }
0x4b: {  	_ =	shalt  }
0x4c: {  	_ =	shalt  }
0x4d: {  	_ =	shalt  }
0x4e: {  	_ =	shalt  }
0x4f: {  	_ =	shalt  }
0x50: {  	_ =	shalt  }
0x51: {  	_ =	shalt  }
0x52: {  	_ =	shalt  }
0x53: {  	_ =	shalt  }
0x54: {  	_ =	shalt  }
0x55: {  	_ =	shalt  }
0x56: {  	_ =	shalt  }
0x57: {  	_ =	shalt  }
0x58: {  	_ =	shalt  }
0x59: {  	_ =	shalt  }
0x5a: {  	_ =	shalt  }
0x5b: {  	_ =	shalt  }
0x5c: {  	_ =	shalt  }
0x5d: {  	_ =	shalt  }
0x5e: {  	_ =	shalt  }
0x5f: {  	_ =	shalt  }
0x60: {  	_ =	shalt  }
0x61: {  	_ =	shalt  }
0x62: {  	_ =	shalt  }
0x63: {  	_ =	shalt  }
0x64: {  	_ =	shalt  }
0x65: {  	_ =	shalt  }
0x66: {  	_ =	shalt  }
0x67: {  	_ =	shalt  }
0x68: {  	_ =	shalt  }
0x69: {  	_ =	shalt  }
0x6a: {  	_ =	shalt  }
0x6b: {  	_ =	shalt  }
0x6c: {  	_ =	shalt  }
0x6d: {  	_ =	shalt  }
0x6e: {  	_ =	shalt  }
0x6f: {  	_ =	shalt  }
0x70: {  	_ =	shalt  }
0x71: {  	_ =	shalt  }
0x72: {  	_ =	shalt  }
0x73: {  	_ =	shalt  }
0x74: {  	_ =	shalt  }
0x75: {  	_ =	shalt  }
0x76: {  	_ =	shalt  }
0x77: {  	_ =	shalt  }
0x78: {  	_ =	shalt  }
0x79: {  	_ =	shalt  }
0x7a: {  	_ =	shalt  }
0x7b: {  	_ =	shalt  }
0x7c: {  	_ =	shalt  }
0x7d: {  	_ =	shalt  }
0x7e: {  	_ =	shalt  }
0x7f: {  	_ =	shalt  }
0x80: {  	_ =	shalt  }
0x81: {  	_ =	shalt  }
0x82: {  	_ =	shalt  }
0x83: {  	_ =	shalt  }
0x84: {  	_ =	shalt  }
0x85: {  	_ =	shalt  }
0x86: {  	_ =	shalt  }
0x87: {  	_ =	shalt  }
.Lfunc_end0:
.L_simem_size_0:
called_computation.2_lowered:
.L_overlay_start_0:
0x88: {  	s2 =	sld [smem:$0x3FD9]  }
0x89: {  	s3 =	sld [smem:$0x3FFE];
	_ =	sdelay $0x1  }
0x8a: {  	s1 =	srdreg.scid  }
0x8b: {  	s0 =	sand.u32 $0x1, s1  }
0x8c: {  	s16 =	sshll.u32 s0, $0xA;
	s2 =	sadd.s32 s3, s2  }
0x8d: {  	s2 =	sadd.s32 s2, s16  }
0x8e: {  	[smem:$0x3FC1] =	sst s2  }
0x8f: {  	_ = 	snop  }
0x90: {  	(tm) =	ssettm $0x1  }
0x91: {  	s17 =	sld [smem:$0x3FFB];
	_ =	sdelay $0x3  }
0x92: {  	_ =	strace s17  }
0x93: {  	s2 =	sld [smem:$0x3FFC];
	_ =	sdelay $0x3  }
0x94: {  	_ =	strace s2  }
0x95: {  	s2 =	sld [smem:$0x3FFD];
	_ =	sdelay $0x3  }
0x96: {  	_ =	strace s2  }
0x97: {  	_ =	strace $0x8FFFFFFF  }
0x98: {  	s18 =	sld [smem:$0x3FDB];
	_ =	sdelay $0x1  }
0x99: {  	s19 =	simm.s32 $_scs_section_size  }
0x9a: {  	s4 =	simm.s32 $_size__tile_overlayer_lowered;
	s5 =	simm.s32 $_tile_overlayer_lowered  }
0x9b: {  	s22 =	simm.s32 $0x1BFF;
	s21 =	sshll.u32 s5, $0x1;
	s2 =	sadd.s32 s19, s18  }
0x9c: {  	s6 =	simm.s32 $0x0;
	s20 =	sshll.u32 s4, $0x1;
	s4 =	sadd.s32 s21, s2  }
0x9d: {  	[timem:s6], [sflag:s22] =	dma.local [hbm:s4], s20  }
0x9e: {  	_ =	swait.ge [sflag:s22], s20  }
0x9f: {  	s3 =	ssub.s32 $0x0, s20;
	[sflag:s22] =	ssyncset.done $0x0  }
0xa0: {  	[sflag:s22] =	ssyncadd.s32 s3;
	_ =	sdelay $0x1  }
0xa1: {  	s23 =	simm.s32 $0x1B8B  }
0xa2: {  	_ =	swait.ge [sflag:s23], $0x1  }
0xa3: {  	[sflag:s23] =	ssyncset.done $0x0  }
0xa4: {  	s25 =	simm.s32 $0x1B8E;
	s24 =	sld [smem:$0x3FFE];
	[sflag:s23] =	ssyncadd.s32 $0xFFFFFFFF  }
0xa5: {  	s26 =	simm.s32 $execute0_lowered;
	[smem:$0x3FD2] =	sst s25  }
0xa6: {  	s4 =	sshll.u32 s26, $0x1;
	_ =	strace $0x8000004C;
	[dreg:$0x1] =	wrdreg $0xFFFFFFFF  }
0xa7: {  	s28 =	simm.s32 $_size_execute0_lowered;
	s2 =	sadd.s32 s2, s4;
	[dreg:$0x0] =	wrdreg $0x0  }
0xa8: {  	s4 =	sshll.u32 s28, $0x1;
	[dreg:$0x2] =	wrdreg s2  }
0xa9: {  	[dreg:$0x3] =	wrdreg s4  }
0xaa: {  	[dreg:$0x4] =	wrdreg $0xC0  }
0xab: {  	_ =	task [dreg:s6], $0x5FFFF  }
0xac: {  	[dreg:$0x1] =	wrdreg $0xFFFFFFFF  }
0xad: {  	[dreg:$0x0] =	wrdreg $0x60  }
0xae: {  	[dreg:$0x2] =	wrdreg s24  }
0xaf: {  	[dreg:$0x3] =	wrdreg $0xB6800  }
0xb0: {  	[dreg:$0x4] =	wrdreg $0x9  }
0xb1: {  	_ =	task.clear_ibuf [dreg:s6], $0x5FFFF;
	_ =	strace $0x9000004C  }
0xb2: {  	s29 =	simm.s32 $0x9;
	_ =	strace $0x8000004E  }
0xb3: {  	_ =	swait.ge [sflag:s29], $0x1  }
0xb4: {  	[sflag:s29] =	ssyncadd.s32 $0xFFFFFFFF  }
0xb5: {  	_ =	strace $0x9000004E  }
0xb6: {  	_ =	sfence  }
0xb7: {  	s30 =	sld [smem:$0x0];
	_ =	sdelay $0x2  }
0xb8: {  	s31 =	sshll.u32 s1, $0xD;
	s1 =	sshrl.u32 s1, $0x2  }
0xb9: {  	s3 =	sand.u32 $0x4000, s31;
	s1 =	sadd.s32 s1, s30  }
0xba: {  	s0 =	sor.u32 s3, s0;
	s1 =	sshll.u32 s1, $0x11  }
0xbb: {  	s0 =	sor.u32 s1, s0  }
0xbc: {  	s0 =	sadd.s32 $0x8F2B, s0  }
0xbd: {  	[sflag:s0] =	ssyncadd.remote.s32 $0x1  }
0xbe: {  	_ =	sfence.sel $0xFFFF  }
0xbf: {  	[dreg:$0x0] =	wrdreg $0xFFFFFFFF;
	(pc) =	sbr.abs _section_cstart, $3  }
0xc0: {  	[dreg:$0x1] =	wrdreg $0xFFFFFFFF  }
0xc1: {  	_ =	task.clear_ibuf [dreg:s6], $0x2FFFF;
	_ =	strace $0x9FFFFFFF  }
0xc2: {  	(tm) =	ssettm $0x7FFFFFFF  }
0xc3: {  	_ =	shalt  }
tec
execute0_lowered:
.L_overlay_start_1:
0x0: {  	(tag) =	ssettag $0x1  }
0x1: {  	s9 =	rddreg [dreg:$0x0]  }
0x2: {  	s2 =	rddreg [dreg:$0x1]  }
0x3: {  	s0 =	rddreg [dreg:$0x2];
	s3 =	simm.s32 $0x0;
	s4 =	srdreg.scid  }
0x4: {  	s1 =	stileid.u32;
	s14 =	simm.s32 $0x34400;
	s15 =	simm.s32 $0x4F00  }
0x5: {  	s16 =	simm.s32 $0x80;
	s17 =	simm.s32 $0x7680;
	s18 =	simm.s32 $0x1  }
0x6: {  	s19 =	simm.s32 $0x0;
	s5 =	sand.u32 $0x1, s4;
	s28 =	sshll.u32 s1, $0x1  }
0x7: {  	s6 =	smul.u32 $0x13C00, s1;
	[smem:$0x7FF] =	sst s3;
	s31 =	sshll.u32 s1, $0x6  }
0x8: {  	s4 =	sor.u32 s5, s28;
	s7 =	smul.u32 $0x13C000, s5;
	_ =	strace $0x8000004D  }
0x9: {  	s10 =	ssub.s32 $0x2, s5;
	p0 =	seq.s32 s5, $0x0;
	s8 =	smul.u32 $0x4F0, s4  }
0xa: {  	s4 =	sadd.s32 $0x5BC00, s9;
	s11 =	sshrl.u32 s10, $0x1;
	s13 =	sadd.s32 s6, s2  }
0xb: {  	s29 =	sshrl.u32 s6, $0x3;
	s14 =	simm.s32 @!p0 $0x83400;
	s7 =	sadd.s32 s6, s7  }
0xc: {  	s10 =	ssub.s32 s10, s11;
	s30 =	sadd.s32 s14, s9;
	s11 =	sor.u32 $0x1C02, s31  }
0xd: {  	s14 =	simm.s32 $0x2780;
	s8 =	sadd.s32 s8, s9;
	s7 =	sshrl.u32 s7, $0x3  }
0xe: {  	s12 =	sadd.s32 s7, s9;
	s5 =	sadd.s32 $0x20800, s8;
	s6 =	sadd.s32 $0x2E00, s8  }
0xf: {  	s7 =	sadd.s32 $0xCC00, s8;
	s9 =	smax.u32 s10, $0x1;
	s10 =	sadd.s32 s30, s29  }
0x10: {  	s8 =	sadd.s32 $0xAAC00, s12;
	s12 =	sshrl.u32 s13, $0x3;
	s13 =	simm.s32 $0x2  }
.LBB2_1:
0x11: {  	[spmem:s12], [sflag:s11] =	dma.local [hbm:s10], $0x2780  }
0x12: {  	_ =	swait.ge [sflag:s13], $0x2780  }
0x13: {  	[sflag:s13] =	ssyncset.done $0x0  }
0x14: {  	[sflag:s13] =	ssyncadd.s32 $0xFFFFD880  }
0x15: {  	[tilespmem:s3], [sflag:$0x2] =	stream.linear.gather [hbm4b:s5+s3], $0x2780, $0x38;
	[tilespmem:$0x1F280] =	vst v63  }
0x16: {  	_ =	swait.ge [sflag:s13], $0x2780  }
0x17: {  	[sflag:s13] =	ssyncset.done $0x0  }
0x18: {  	[sflag:s13] =	ssyncadd.s32 $0xFFFFD880  }
0x19: {  	[tilespmem:s14], [sflag:$0x2] =	stream.linear.gather [hbm4b:s6+s3], $0x2780, $0x38;
	[tilespmem:$0x1F280] =	vst v63  }
0x1a: {  	_ =	swait.ge [sflag:s13], $0x2780  }
0x1b: {  	[sflag:s13] =	ssyncset.done $0x0  }
0x1c: {  	[sflag:s13] =	ssyncadd.s32 $0xFFFFD880  }
0x1d: {  	[tilespmem:s15], [sflag:$0x2] =	stream.linear.gather [hbm4b:s7+s3], $0x2780, $0x38;
	[tilespmem:$0x1F280] =	vst v63  }
0x1e: {  	_ =	swait.ge [sflag:s13], $0x2780  }
0x1f: {  	[sflag:s13] =	ssyncset.done $0x0  }
0x20: {  	[sflag:s13] =	ssyncadd.s32 $0xFFFFD880  }
0x21: {  	s20 =	simm.s32 $0x0;
	[bflag:$0x0] =	sbarrier.arrive $0xFFFF  }
.LBB2_2:
0x22: {  	s21 =	sshll.u32 s20, $0x7  }
0x23: {  	[tilespmem:s17], [sflag:$0x1] =	stream.indirect.gather [hbm4b:s4+s16], $0x80, s21, s16, $0xb8;
	[tilespmem:$0x1F280] =	vst v63  }
0x24: {  	s23 =	sadd.s32 $0x4F00, s21  }
0x25: {  	_ =	swait.ge [sflag:s18], $0x4000;
	v0 =	vmov s23  }
0x26: {  	[sflag:s18] =	ssyncset.done $0x0  }
0x27: {  	s22 =	simm.s32 $0x0;
	[sflag:s18] =	ssyncadd.s32 $0xFFFFC000  }
.LBB2_3:
0x28: {  	s23 =	sshll.u32 s22, $0x4  }
0x29: {  	s23 =	sand.u32 $0x3FFFFFF0, s23  }
0x2a: {  	s31 =	sshll.u32 s22, $0xB;
	v1 =	vld.idx.msk [tilespmem:v0+s23+$0x0 ss:$0x1], $0xffff  }
0x2b: {  	s23 =	sand.u32 $0x3FFFF800, s31  }
0x2c: {  	v2 =	vld [tilespmem:s23+$0x7680]  }
0x2d: {  	v3 =	vld [tilespmem:s23+$0x7690]  }
0x2e: {  	v4 =	vld [tilespmem:s23+$0x76A0]  }
0x2f: {  	v6 =	vld [tilespmem:s23+$0x76B0];
	v5 =	vbroadcast v1, $0x0  }
0x30: {  	v7 =	vld [tilespmem:s23+$0x76C0]  }
0x31: {  	v8 =	vld [tilespmem:s23+$0x76D0];
	v2 =	vmul.f32 v5, v2  }
0x32: {  	v9 =	vld [tilespmem:s23+$0x76E0];
	v3 =	vmul.f32 v3, v5  }
0x33: {  	v34 =	vld [tilespmem:s23+$0x76F0];
	[tilespmem:s23+$0x7680] =	vst v2;
	v2 =	vmul.f32 v4, v5  }
0x34: {  	v35 =	vld [tilespmem:s23+$0x7700];
	[tilespmem:s23+$0x7690] =	vst v3;
	v3 =	vmul.f32 v6, v5  }
0x35: {  	v36 =	vld [tilespmem:s23+$0x7710];
	[tilespmem:s23+$0x76A0] =	vst v2;
	v2 =	vmul.f32 v7, v5  }
0x36: {  	v37 =	vld [tilespmem:s23+$0x7720];
	[tilespmem:s23+$0x76B0] =	vst v3;
	v3 =	vmul.f32 v8, v5  }
0x37: {  	v10 =	vld [tilespmem:s23+$0x7730];
	v38 =	vbroadcast v1, $0x1;
	[tilespmem:s23+$0x76C0] =	vst v2;
	v2 =	vmul.f32 v9, v5  }
0x38: {  	v39 =	vld [tilespmem:s23+$0x7740];
	[tilespmem:s23+$0x76D0] =	vst v3;
	v3 =	vmul.f32 v34, v5  }
0x39: {  	v40 =	vld [tilespmem:s23+$0x7750];
	[tilespmem:s23+$0x76E0] =	vst v2;
	v2 =	vmul.f32 v35, v38  }
0x3a: {  	v41 =	vld [tilespmem:s23+$0x7760];
	[tilespmem:s23+$0x76F0] =	vst v3;
	v3 =	vmul.f32 v36, v38  }
0x3b: {  	v42 =	vld [tilespmem:s23+$0x7770];
	[tilespmem:s23+$0x7700] =	vst v2;
	v2 =	vmul.f32 v37, v38  }
0x3c: {  	v43 =	vld [tilespmem:s23+$0x7780];
	[tilespmem:s23+$0x7710] =	vst v3;
	v3 =	vmul.f32 v10, v38  }
0x3d: {  	v44 =	vld [tilespmem:s23+$0x7790];
	[tilespmem:s23+$0x7720] =	vst v2;
	v2 =	vmul.f32 v39, v38  }
0x3e: {  	v45 =	vld [tilespmem:s23+$0x77A0];
	[tilespmem:s23+$0x7730] =	vst v3;
	v3 =	vmul.f32 v40, v38  }
0x3f: {  	v47 =	vld [tilespmem:s23+$0x77B0];
	v46 =	vbroadcast v1, $0x2;
	[tilespmem:s23+$0x7740] =	vst v2;
	v2 =	vmul.f32 v41, v38  }
0x40: {  	v48 =	vld [tilespmem:s23+$0x77C0];
	[tilespmem:s23+$0x7750] =	vst v3;
	v3 =	vmul.f32 v42, v38  }
0x41: {  	v49 =	vld [tilespmem:s23+$0x77D0];
	[tilespmem:s23+$0x7760] =	vst v2;
	v2 =	vmul.f32 v43, v46  }
0x42: {  	v50 =	vld [tilespmem:s23+$0x77E0];
	[tilespmem:s23+$0x7770] =	vst v3;
	v3 =	vmul.f32 v44, v46  }
0x43: {  	v51 =	vld [tilespmem:s23+$0x77F0];
	[tilespmem:s23+$0x7780] =	vst v2;
	v2 =	vmul.f32 v45, v46  }
0x44: {  	v52 =	vld [tilespmem:s23+$0x7800];
	[tilespmem:s23+$0x7790] =	vst v3;
	v3 =	vmul.f32 v47, v46  }
0x45: {  	v53 =	vld [tilespmem:s23+$0x7810];
	[tilespmem:s23+$0x77A0] =	vst v2;
	v2 =	vmul.f32 v48, v46  }
0x46: {  	v54 =	vld [tilespmem:s23+$0x7820];
	[tilespmem:s23+$0x77B0] =	vst v3;
	v3 =	vmul.f32 v49, v46  }
0x47: {  	v56 =	vld [tilespmem:s23+$0x7830];
	v55 =	vbroadcast v1, $0x3;
	[tilespmem:s23+$0x77C0] =	vst v2;
	v2 =	vmul.f32 v50, v46  }
0x48: {  	v57 =	vld [tilespmem:s23+$0x7840];
	[tilespmem:s23+$0x77D0] =	vst v3;
	v3 =	vmul.f32 v51, v46  }
0x49: {  	v58 =	vld [tilespmem:s23+$0x7850];
	[tilespmem:s23+$0x77E0] =	vst v2;
	v2 =	vmul.f32 v52, v55  }
0x4a: {  	v59 =	vld [tilespmem:s23+$0x7860];
	[tilespmem:s23+$0x77F0] =	vst v3;
	v3 =	vmul.f32 v53, v55  }
0x4b: {  	v60 =	vld [tilespmem:s23+$0x7870];
	[tilespmem:s23+$0x7800] =	vst v2;
	v2 =	vmul.f32 v54, v55  }
0x4c: {  	v61 =	vld [tilespmem:s23+$0x7880];
	[tilespmem:s23+$0x7810] =	vst v3;
	v3 =	vmul.f32 v56, v55  }
0x4d: {  	v62 =	vld [tilespmem:s23+$0x7890];
	[tilespmem:s23+$0x7820] =	vst v2;
	v2 =	vmul.f32 v57, v55  }
0x4e: {  	v63 =	vld [tilespmem:s23+$0x78A0];
	[tilespmem:s23+$0x7830] =	vst v3;
	v3 =	vmul.f32 v58, v55  }
0x4f: {  	v13 =	vld [tilespmem:s23+$0x78B0];
	v12 =	vbroadcast v1, $0x4;
	[tilespmem:s23+$0x7840] =	vst v2;
	v2 =	vmul.f32 v59, v55  }
0x50: {  	v14 =	vld [tilespmem:s23+$0x78C0];
	[tilespmem:s23+$0x7850] =	vst v3;
	v3 =	vmul.f32 v60, v55  }
0x51: {  	v15 =	vld [tilespmem:s23+$0x78D0];
	[tilespmem:s23+$0x7860] =	vst v2;
	v2 =	vmul.f32 v61, v12  }
0x52: {  	v16 =	vld [tilespmem:s23+$0x78E0];
	[tilespmem:s23+$0x7870] =	vst v3;
	v3 =	vmul.f32 v62, v12  }
0x53: {  	v17 =	vld [tilespmem:s23+$0x78F0];
	[tilespmem:s23+$0x7880] =	vst v2;
	v2 =	vmul.f32 v63, v12  }
0x54: {  	v18 =	vld [tilespmem:s23+$0x7900];
	[tilespmem:s23+$0x7890] =	vst v3;
	v3 =	vmul.f32 v13, v12  }
0x55: {  	v19 =	vld [tilespmem:s23+$0x7910];
	[tilespmem:s23+$0x78A0] =	vst v2;
	v2 =	vmul.f32 v14, v12  }
0x56: {  	v20 =	vld [tilespmem:s23+$0x7920];
	[tilespmem:s23+$0x78B0] =	vst v3;
	v3 =	vmul.f32 v15, v12  }
0x57: {  	v22 =	vld [tilespmem:s23+$0x7930];
	v21 =	vbroadcast v1, $0x5;
	[tilespmem:s23+$0x78C0] =	vst v2;
	v2 =	vmul.f32 v16, v12  }
0x58: {  	v23 =	vld [tilespmem:s23+$0x7940];
	[tilespmem:s23+$0x78D0] =	vst v3;
	v3 =	vmul.f32 v17, v12  }
0x59: {  	v24 =	vld [tilespmem:s23+$0x7950];
	[tilespmem:s23+$0x78E0] =	vst v2;
	v2 =	vmul.f32 v18, v21  }
0x5a: {  	v25 =	vld [tilespmem:s23+$0x7960];
	[tilespmem:s23+$0x78F0] =	vst v3;
	v3 =	vmul.f32 v19, v21  }
0x5b: {  	v26 =	vld [tilespmem:s23+$0x7970];
	[tilespmem:s23+$0x7900] =	vst v2;
	v2 =	vmul.f32 v20, v21  }
0x5c: {  	v27 =	vld [tilespmem:s23+$0x7980];
	[tilespmem:s23+$0x7910] =	vst v3;
	v3 =	vmul.f32 v22, v21  }
0x5d: {  	v28 =	vld [tilespmem:s23+$0x7990];
	[tilespmem:s23+$0x7920] =	vst v2;
	v2 =	vmul.f32 v23, v21  }
0x5e: {  	v29 =	vld [tilespmem:s23+$0x79A0];
	[tilespmem:s23+$0x7930] =	vst v3;
	v3 =	vmul.f32 v24, v21  }
0x5f: {  	v31 =	vld [tilespmem:s23+$0x79B0];
	v30 =	vbroadcast v1, $0x6;
	[tilespmem:s23+$0x7940] =	vst v2;
	v2 =	vmul.f32 v25, v21  }
0x60: {  	v32 =	vld [tilespmem:s23+$0x79C0];
	[tilespmem:s23+$0x7950] =	vst v3;
	v3 =	vmul.f32 v26, v21  }
0x61: {  	v33 =	vld [tilespmem:s23+$0x79D0];
	[tilespmem:s23+$0x7960] =	vst v2;
	v2 =	vmul.f32 v27, v30  }
0x62: {  	v34 =	vld [tilespmem:s23+$0x79E0];
	[tilespmem:s23+$0x7970] =	vst v3;
	v3 =	vmul.f32 v28, v30  }
0x63: {  	v35 =	vld [tilespmem:s23+$0x79F0];
	[tilespmem:s23+$0x7980] =	vst v2;
	v2 =	vmul.f32 v29, v30  }
0x64: {  	v36 =	vld [tilespmem:s23+$0x7A00];
	[tilespmem:s23+$0x7990] =	vst v3;
	v3 =	vmul.f32 v31, v30  }
0x65: {  	v37 =	vld [tilespmem:s23+$0x7A10];
	[tilespmem:s23+$0x79A0] =	vst v2;
	v2 =	vmul.f32 v32, v30  }
0x66: {  	v38 =	vld [tilespmem:s23+$0x7A20];
	[tilespmem:s23+$0x79B0] =	vst v3;
	v3 =	vmul.f32 v33, v30  }
0x67: {  	v39 =	vbroadcast v1, $0x7;
	v40 =	vld [tilespmem:s23+$0x7A30];
	[tilespmem:s23+$0x79C0] =	vst v2;
	v2 =	vmul.f32 v34, v30  }
0x68: {  	v41 =	vld [tilespmem:s23+$0x7A40];
	[tilespmem:s23+$0x79D0] =	vst v3;
	v3 =	vmul.f32 v35, v30  }
0x69: {  	v42 =	vld [tilespmem:s23+$0x7A50];
	[tilespmem:s23+$0x79E0] =	vst v2;
	v2 =	vmul.f32 v36, v39  }
0x6a: {  	v43 =	vld [tilespmem:s23+$0x7A60];
	[tilespmem:s23+$0x79F0] =	vst v3;
	v3 =	vmul.f32 v37, v39  }
0x6b: {  	v44 =	vld [tilespmem:s23+$0x7A70];
	[tilespmem:s23+$0x7A00] =	vst v2;
	v2 =	vmul.f32 v38, v39  }
0x6c: {  	v45 =	vld [tilespmem:s23+$0x7A80];
	[tilespmem:s23+$0x7A10] =	vst v3;
	v3 =	vmul.f32 v40, v39  }
0x6d: {  	v46 =	vld [tilespmem:s23+$0x7A90];
	[tilespmem:s23+$0x7A20] =	vst v2;
	v2 =	vmul.f32 v41, v39  }
0x6e: {  	v47 =	vld [tilespmem:s23+$0x7AA0];
	[tilespmem:s23+$0x7A30] =	vst v3;
	v3 =	vmul.f32 v42, v39  }
0x6f: {  	v48 =	vbroadcast v1, $0x8;
	v49 =	vld [tilespmem:s23+$0x7AB0];
	[tilespmem:s23+$0x7A40] =	vst v2;
	v2 =	vmul.f32 v43, v39  }
0x70: {  	v50 =	vld [tilespmem:s23+$0x7AC0];
	[tilespmem:s23+$0x7A50] =	vst v3;
	v3 =	vmul.f32 v44, v39  }
0x71: {  	v51 =	vld [tilespmem:s23+$0x7AD0];
	[tilespmem:s23+$0x7A60] =	vst v2;
	v2 =	vmul.f32 v45, v48  }
0x72: {  	v52 =	vld [tilespmem:s23+$0x7AE0];
	[tilespmem:s23+$0x7A70] =	vst v3;
	v3 =	vmul.f32 v46, v48  }
0x73: {  	v53 =	vld [tilespmem:s23+$0x7AF0];
	[tilespmem:s23+$0x7A80] =	vst v2;
	v2 =	vmul.f32 v47, v48  }
0x74: {  	v54 =	vld [tilespmem:s23+$0x7B00];
	[tilespmem:s23+$0x7A90] =	vst v3;
	v3 =	vmul.f32 v49, v48  }
0x75: {  	v55 =	vld [tilespmem:s23+$0x7B10];
	[tilespmem:s23+$0x7AA0] =	vst v2;
	v2 =	vmul.f32 v50, v48  }
0x76: {  	v56 =	vld [tilespmem:s23+$0x7B20];
	[tilespmem:s23+$0x7AB0] =	vst v3;
	v3 =	vmul.f32 v51, v48  }
0x77: {  	v57 =	vbroadcast v1, $0x9;
	v58 =	vld [tilespmem:s23+$0x7B30];
	[tilespmem:s23+$0x7AC0] =	vst v2;
	v2 =	vmul.f32 v52, v48  }
0x78: {  	v59 =	vld [tilespmem:s23+$0x7B40];
	[tilespmem:s23+$0x7AD0] =	vst v3;
	v3 =	vmul.f32 v53, v48  }
0x79: {  	v60 =	vld [tilespmem:s23+$0x7B50];
	[tilespmem:s23+$0x7AE0] =	vst v2;
	v2 =	vmul.f32 v54, v57  }
0x7a: {  	v61 =	vld [tilespmem:s23+$0x7B60];
	[tilespmem:s23+$0x7AF0] =	vst v3;
	v3 =	vmul.f32 v55, v57  }
0x7b: {  	v62 =	vld [tilespmem:s23+$0x7B70];
	[tilespmem:s23+$0x7B00] =	vst v2;
	v2 =	vmul.f32 v56, v57  }
0x7c: {  	v63 =	vld [tilespmem:s23+$0x7B80];
	[tilespmem:s23+$0x7B10] =	vst v3;
	v3 =	vmul.f32 v58, v57  }
0x7d: {  	v12 =	vld [tilespmem:s23+$0x7B90];
	[tilespmem:s23+$0x7B20] =	vst v2;
	v2 =	vmul.f32 v59, v57  }
0x7e: {  	v13 =	vld [tilespmem:s23+$0x7BA0];
	[tilespmem:s23+$0x7B30] =	vst v3;
	v3 =	vmul.f32 v60, v57  }
0x7f: {  	v14 =	vbroadcast v1, $0xA;
	v15 =	vld [tilespmem:s23+$0x7BB0];
	[tilespmem:s23+$0x7B40] =	vst v2;
	v2 =	vmul.f32 v61, v57  }
0x80: {  	v16 =	vld [tilespmem:s23+$0x7BC0];
	[tilespmem:s23+$0x7B50] =	vst v3;
	v3 =	vmul.f32 v62, v57  }
0x81: {  	v17 =	vld [tilespmem:s23+$0x7BD0];
	[tilespmem:s23+$0x7B60] =	vst v2;
	v2 =	vmul.f32 v63, v14  }
0x82: {  	v18 =	vld [tilespmem:s23+$0x7BE0];
	[tilespmem:s23+$0x7B70] =	vst v3;
	v3 =	vmul.f32 v12, v14  }
0x83: {  	v19 =	vld [tilespmem:s23+$0x7BF0];
	[tilespmem:s23+$0x7B80] =	vst v2;
	v2 =	vmul.f32 v13, v14  }
0x84: {  	v20 =	vld [tilespmem:s23+$0x7C00];
	[tilespmem:s23+$0x7B90] =	vst v3;
	v3 =	vmul.f32 v15, v14  }
0x85: {  	v21 =	vld [tilespmem:s23+$0x7C10];
	[tilespmem:s23+$0x7BA0] =	vst v2;
	v2 =	vmul.f32 v16, v14  }
0x86: {  	v22 =	vld [tilespmem:s23+$0x7C20];
	[tilespmem:s23+$0x7BB0] =	vst v3;
	v3 =	vmul.f32 v17, v14  }
0x87: {  	v23 =	vbroadcast v1, $0xB;
	v24 =	vld [tilespmem:s23+$0x7C30];
	[tilespmem:s23+$0x7BC0] =	vst v2;
	v2 =	vmul.f32 v18, v14  }
0x88: {  	v25 =	vld [tilespmem:s23+$0x7C40];
	[tilespmem:s23+$0x7BD0] =	vst v3;
	v3 =	vmul.f32 v19, v14  }
0x89: {  	v26 =	vld [tilespmem:s23+$0x7C50];
	[tilespmem:s23+$0x7BE0] =	vst v2;
	v2 =	vmul.f32 v20, v23  }
0x8a: {  	v27 =	vld [tilespmem:s23+$0x7C60];
	[tilespmem:s23+$0x7BF0] =	vst v3;
	v3 =	vmul.f32 v21, v23  }
0x8b: {  	v28 =	vld [tilespmem:s23+$0x7C70];
	[tilespmem:s23+$0x7C00] =	vst v2;
	v2 =	vmul.f32 v22, v23  }
0x8c: {  	v29 =	vld [tilespmem:s23+$0x7C80];
	[tilespmem:s23+$0x7C10] =	vst v3;
	v3 =	vmul.f32 v24, v23  }
0x8d: {  	v30 =	vld [tilespmem:s23+$0x7C90];
	[tilespmem:s23+$0x7C20] =	vst v2;
	v2 =	vmul.f32 v25, v23  }
0x8e: {  	v31 =	vld [tilespmem:s23+$0x7CA0];
	[tilespmem:s23+$0x7C30] =	vst v3;
	v3 =	vmul.f32 v26, v23  }
0x8f: {  	v32 =	vbroadcast v1, $0xC;
	v33 =	vld [tilespmem:s23+$0x7CB0];
	[tilespmem:s23+$0x7C40] =	vst v2;
	v2 =	vmul.f32 v27, v23  }
0x90: {  	v34 =	vld [tilespmem:s23+$0x7CC0];
	[tilespmem:s23+$0x7C50] =	vst v3;
	v3 =	vmul.f32 v28, v23  }
0x91: {  	v35 =	vld [tilespmem:s23+$0x7CD0];
	[tilespmem:s23+$0x7C60] =	vst v2;
	v2 =	vmul.f32 v29, v32  }
0x92: {  	v36 =	vld [tilespmem:s23+$0x7CE0];
	[tilespmem:s23+$0x7C70] =	vst v3;
	v3 =	vmul.f32 v30, v32  }
0x93: {  	v37 =	vld [tilespmem:s23+$0x7CF0];
	[tilespmem:s23+$0x7C80] =	vst v2;
	v2 =	vmul.f32 v31, v32  }
0x94: {  	v38 =	vld [tilespmem:s23+$0x7D00];
	[tilespmem:s23+$0x7C90] =	vst v3;
	v3 =	vmul.f32 v33, v32  }
0x95: {  	v39 =	vld [tilespmem:s23+$0x7D10];
	[tilespmem:s23+$0x7CA0] =	vst v2;
	v2 =	vmul.f32 v34, v32  }
0x96: {  	v40 =	vld [tilespmem:s23+$0x7D20];
	[tilespmem:s23+$0x7CB0] =	vst v3;
	v3 =	vmul.f32 v35, v32  }
0x97: {  	v41 =	vbroadcast v1, $0xD;
	v42 =	vld [tilespmem:s23+$0x7D30];
	[tilespmem:s23+$0x7CC0] =	vst v2;
	v2 =	vmul.f32 v36, v32  }
0x98: {  	v43 =	vld [tilespmem:s23+$0x7D40];
	[tilespmem:s23+$0x7CD0] =	vst v3;
	v3 =	vmul.f32 v37, v32  }
0x99: {  	v44 =	vld [tilespmem:s23+$0x7D50];
	[tilespmem:s23+$0x7CE0] =	vst v2;
	v2 =	vmul.f32 v38, v41  }
0x9a: {  	v45 =	vld [tilespmem:s23+$0x7D60];
	[tilespmem:s23+$0x7CF0] =	vst v3;
	v3 =	vmul.f32 v39, v41  }
0x9b: {  	v46 =	vld [tilespmem:s23+$0x7D70];
	[tilespmem:s23+$0x7D00] =	vst v2;
	v2 =	vmul.f32 v40, v41  }
0x9c: {  	v47 =	vld [tilespmem:s23+$0x7D80];
	[tilespmem:s23+$0x7D10] =	vst v3;
	v3 =	vmul.f32 v42, v41  }
0x9d: {  	v48 =	vld [tilespmem:s23+$0x7D90];
	[tilespmem:s23+$0x7D20] =	vst v2;
	v2 =	vmul.f32 v43, v41  }
0x9e: {  	v49 =	vld [tilespmem:s23+$0x7DA0];
	[tilespmem:s23+$0x7D30] =	vst v3;
	v3 =	vmul.f32 v44, v41  }
0x9f: {  	v50 =	vbroadcast v1, $0xE;
	v51 =	vld [tilespmem:s23+$0x7DB0];
	[tilespmem:s23+$0x7D40] =	vst v2;
	v2 =	vmul.f32 v45, v41  }
0xa0: {  	v52 =	vld [tilespmem:s23+$0x7DC0];
	[tilespmem:s23+$0x7D50] =	vst v3;
	v3 =	vmul.f32 v46, v41  }
0xa1: {  	v53 =	vld [tilespmem:s23+$0x7DD0];
	[tilespmem:s23+$0x7D60] =	vst v2;
	v2 =	vmul.f32 v47, v50  }
0xa2: {  	v54 =	vld [tilespmem:s23+$0x7DE0];
	[tilespmem:s23+$0x7D70] =	vst v3;
	v3 =	vmul.f32 v48, v50  }
0xa3: {  	v55 =	vld [tilespmem:s23+$0x7DF0];
	[tilespmem:s23+$0x7D80] =	vst v2;
	v2 =	vmul.f32 v49, v50  }
0xa4: {  	v56 =	vld [tilespmem:s23+$0x7E00];
	[tilespmem:s23+$0x7D90] =	vst v3;
	v3 =	vmul.f32 v51, v50  }
0xa5: {  	v57 =	vld [tilespmem:s23+$0x7E10];
	[tilespmem:s23+$0x7DA0] =	vst v2;
	v2 =	vmul.f32 v52, v50  }
0xa6: {  	v58 =	vld [tilespmem:s23+$0x7E20];
	[tilespmem:s23+$0x7DB0] =	vst v3;
	v3 =	vmul.f32 v53, v50  }
0xa7: {  	v1 =	vbroadcast v1, $0xF;
	v59 =	vld [tilespmem:s23+$0x7E30];
	[tilespmem:s23+$0x7DC0] =	vst v2;
	v2 =	vmul.f32 v54, v50  }
0xa8: {  	v60 =	vld [tilespmem:s23+$0x7E40];
	[tilespmem:s23+$0x7DD0] =	vst v3;
	v3 =	vmul.f32 v55, v50  }
0xa9: {  	v61 =	vld [tilespmem:s23+$0x7E50];
	[tilespmem:s23+$0x7DE0] =	vst v2;
	v2 =	vmul.f32 v56, v1  }
0xaa: {  	v62 =	vld [tilespmem:s23+$0x7E60];
	[tilespmem:s23+$0x7DF0] =	vst v3;
	v3 =	vmul.f32 v57, v1  }
0xab: {  	v63 =	vld [tilespmem:s23+$0x7E70];
	[tilespmem:s23+$0x7E00] =	vst v2;
	v2 =	vmul.f32 v58, v1  }
0xac: {  	[tilespmem:s23+$0x7E10] =	vst v3;
	v3 =	vmul.f32 v59, v1  }
0xad: {  	p0 =	sne.s32 s22, $0x7;
	[tilespmem:s23+$0x7E20] =	vst v2;
	v2 =	vmul.f32 v60, v1  }
.Ltmp0:
0xae: {  	[tilespmem:s23+$0x7E30] =	vst v3;
	v3 =	vmul.f32 v61, v1;
	(pc) =	sbr.rel @p0 .LBB2_3-.Ltmp0, $4  }
0xaf: {  	[tilespmem:s23+$0x7E40] =	vst v2;
	v2 =	vmul.f32 v62, v1  }
0xb0: {  	[tilespmem:s23+$0x7E50] =	vst v3;
	v1 =	vmul.f32 v63, v1  }
0xb1: {  	[tilespmem:s23+$0x7E60] =	vst v2  }
0xb2: {  	s22 =	sadd.s32 $0x1, s22;
	[tilespmem:s23+$0x7E70] =	vst v1  }
0xb3: {  	s20 =	sadd.s32 $0x1, s20  }
0xb4: {  	p0 =	sne.s32 s20, $0x4F  }
.Ltmp1:
0xb5: {  	s21 =	sadd.s32 $0x2780, s21;
	(pc) =	sbr.rel @p0 .LBB2_2-.Ltmp1, $4  }
0xb6: {  	[spmem:s2] =	stream.indirect.scatter.add.f32 [tilespmem:s17], [sflag:$0x2], $0x80, s21, s16, $0xb8;
	[tilespmem:$0x1F280] =	vst v63  }
0xb7: {  	_ =	swait.ge [sflag:s13], $0x4000  }
0xb8: {  	[sflag:s13] =	ssyncset.done $0x0  }
0xb9: {  	[sflag:s13] =	ssyncadd.s32 $0xFFFFC000  }
0xba: {  	s19 =	sadd.s32 $0x1, s19  }
0xbb: {  	p0 =	sne.s32 s19, s9  }
.Ltmp2:
0xbc: {  	[bflag:$0x0] =	sbarrier.arrive $0xFFFF;
	(pc) =	sbr.rel @p0 .LBB2_1-.Ltmp2, $4  }
0xbd: {  	[hbm:s8], [sflag:s11] =	dma.local [spmem:s12], $0x2780  }
0xbe: {  	_ =	swait.ge [sflag:s13], $0x2780  }
0xbf: {  	[sflag:s13] =	ssyncset.done $0x0  }
0xc0: {  	[sflag:s13] =	ssyncadd.s32 $0xFFFFD880  }
0xc1: {  	_ =	sfence.sel $0x180000  }
0xc2: {  	[bflag:$0x0] =	sbarrier.arrive $0xFFFF  }
0xc3: {  	p0 =	sne.s32 s1, $0x0;
	_ =	strace $0x9000004D  }
0xc4: {  	s0 =	sadd.s32 @!p0 $0x100000, s0;
	[bflag:$0x2] =	sbarrier.arrive $0xFFFF  }
0xc5: {  	[sflag:s0] =	ssyncadd.tile.s32 @!p0 $0x1;
	_ =	shalt  }
.Lfunc_end2:
_tile_overlayer_lowered:
.L_overlay_start_2:
0xc6: {  	(tag) =	ssettag $0x2  }
0xc7: {  	s0 =	rddreg [dreg:$0x0];
	s2 =	stileid.u32  }
0xc8: {  	s1 =	rddreg [dreg:$0x1];
	p0 =	sne.s32 s2, $0x0  }
0xc9: {  	s3 =	rddreg [dreg:$0x2];
	[bflag:$0x3] =	sbarrier.arrive $0xFFFF;
	s2 =	simm.s32 @!p0 $0x1C02  }
0xca: {  	[timem:s3], [sflag:s2] =	dma.local @!p0 [hbm:s0], s1  }
0xcb: {  	s0 =	simm.s32 @!p0 $0x2  }
0xcc: {  	_ =	swait.ge @!p0 [sflag:s0], s1  }
0xcd: {  	s1 =	ssub.s32 @!p0 $0x0, s1;
	[sflag:s0] =	ssyncset.done @!p0 $0x0  }
0xce: {  	[sflag:s0] =	ssyncadd.s32 @!p0 s1  }
0xcf: {  	[bflag:$0x3] =	sbarrier.arrive $0xFFFF  }
0xd0: {  	_ =	shalt  }

// kernel: kernel.18.cloned.1.call-start
scs
__scs_entry_jumppad:
0x0: {  	(pc) =	sbr.rel $0x88, $3  }
0x1: {  	(tag) =	ssettag $0x0;
	lr =	simm.s32 $0x1  }
0x2: {  	[smem:$0x3F9A] =	sst lr;
	_ =	strace $0xD0000000  }
0x3: {  	_ = 	snop  }
0x4: {  	_ = 	snop  }
0x5: {  	_ = 	snop  }
0x6: {  	_ = 	snop  }
0x7: {  	_ = 	snop  }
__scs_overlays_trampoline_lowered:
0x8: {  	[smem:$0x3FA9] =	sst s0  }
0x9: {  	[smem:$0x3FAA] =	sst s1  }
0xa: {  	[smem:$0x3FAB] =	sst s2  }
0xb: {  	[smem:$0x3FAC] =	sst s3  }
0xc: {  	[smem:$0x3FAD] =	sst s4  }
0xd: {  	[smem:$0x3FAE] =	sst s5  }
0xe: {  	[smem:$0x3FAF] =	sst s6  }
0xf: {  	[smem:$0x3FB0] =	sst s7  }
0x10: {  	[smem:$0x3FB1] =	sst s8  }
0x11: {  	[smem:$0x3FB2] =	sst s9;
	s0 =	simm.s32 @!p0 $0x0  }
0x12: {  	s1 =	sld [smem:$0x3F98];
	s0 =	simm.s32 @p0 $0x1  }
0x13: {  	[smem:$0x3FB3] =	sst s0;
	s0 =	simm.s32 @!p1 $0x0  }
0x14: {  	s2 =	sld [smem:$0x3F97];
	s0 =	simm.s32 @p1 $0x1  }
0x15: {  	[smem:$0x3FB4] =	sst s0;
	s0 =	simm.s32 @!p2 $0x0  }
0x16: {  	s3 =	sld [smem:$0x3FDB];
	s0 =	simm.s32 @p2 $0x1  }
0x17: {  	s4 =	simm.s32 $0x1BF5;
	[smem:$0x3FB6] =	sst s0  }
0x18: {  	s0 =	sld [smem:$0x3F99];
	_ =	swait.ge [sflag:s4], $0x0  }
0x19: {  	s7 =	sld [smem:$0x3F9A]  }
0x1a: {  	s8 =	sadd.s32 $0xFFFFE003, lr  }
0x1b: {  	s9 =	sadd.s32 $0xFFFFFEF7, lr;
	s5 =	simm.s32 $0xFFFFFFFF;
	p2 =	slt.u32 s8, $0xFFFFF086  }
0x1c: {  	p1 =	slt.u32 s9, $0xF7A;
	s5 =	simm.s32 @!p2 $0x0  }
0x1d: {  	s5 =	simm.s32 @p1 $0x1;
	p0 =	seq.s32 s7, s2  }
0x1e: {  	s7 =	smul.u32 @!p0 $0xF7A, s2;
	p2 =	seq.s32 @!p0 s5, $0x0  }
0x1f: {  	s9 =	smul.u32 $0xF7A, s1;
	s8 =	simm.s32 @!p0 $0x1BF5;
	p2 =	por !p2, p0  }
0x20: {  	[sflag:s8] =	ssyncset.s32 @!p0 $0xFFFFF086;
	s6 =	sadd.s32 @!p0 s3, s7;
	s7 =	simm.s32 @!p0 $0x108  }
0x21: {  	s3 =	sadd.s32 s3, s9;
	s6 =	sadd.s32 @!p0 $0x88, s6;
	s7 =	simm.s32 @p2 $0x1082  }
0x22: {  	[simem:s7], [sflag:s8] =	dma.local @!p0 [hbm:s6], $0xF7A  }
0x23: {  	s9 =	sor.u32 $0xD0000000, s2;
	s6 =	simm.s32 $0x108;
	_ =	swait.ge @!p0 [sflag:s8], $0x0  }
0x24: {  	s3 =	sadd.s32 $0x88, s3;
	s6 =	simm.s32 @!p1 $0x1082;
	[sflag:s4] =	ssyncset.s32 $0xFFFFF086  }
0x25: {  	[simem:s6], [sflag:s4] =	dma.local [hbm:s3], $0xF7A  }
0x26: {  	[smem:$0x3F9A] =	sst s1;
	(tag) =	ssettag s2;
	_ =	strace s9  }
0x27: {  	s1 =	sld [smem:$0x3FAA]  }
0x28: {  	s2 =	sld [smem:$0x3FAB]  }
0x29: {  	s4 =	sld [smem:$0x3FAD]  }
0x2a: {  	p0 =	seq.s32 s5, $0x0;
	s5 =	sld [smem:$0x3FAE]  }
0x2b: {  	s6 =	sld [smem:$0x3FAF]  }
0x2c: {  	s7 =	sld [smem:$0x3FB0]  }
0x2d: {  	s3 =	simm.s32 $0x108;
	s8 =	sld [smem:$0x3FB1]  }
0x2e: {  	s3 =	simm.s32 @!p0 $0x1082;
	s9 =	sld [smem:$0x3FB2]  }
0x2f: {  	lr =	sadd.s32 s0, s3;
	s0 =	sld [smem:$0x3FA9]  }
0x30: {  	s3 =	sld [smem:$0x3FAC]  }
0x31: {  	[smem:$0x3FB5] =	sst s10  }
0x32: {  	s10 =	sld [smem:$0x3FB3];
	_ =	sdelay $0x3  }
0x33: {  	p0 =	seq.s32 s10, $0x1;
	s10 =	sld [smem:$0x3FB5];
	_ =	sdelay $0x3  }
0x34: {  	[smem:$0x3FB5] =	sst s10  }
0x35: {  	s10 =	sld [smem:$0x3FB4];
	_ =	sdelay $0x3  }
0x36: {  	p1 =	seq.s32 s10, $0x1;
	s10 =	sld [smem:$0x3FB5];
	_ =	sdelay $0x3  }
0x37: {  	[smem:$0x3FB5] =	sst s10  }
0x38: {  	s10 =	sld [smem:$0x3FB6]  }
0x39: {  	_ = 	snop;
	(pc) =	sbr.ind lr, $3  }
0x3a: {  	_ = 	snop  }
0x3b: {  	_ = 	snop  }
0x3c: {  	p2 =	seq.s32 s10, $0x1;
	s10 =	sld [smem:$0x3FB5]  }
0x3d: {  	_ =	shalt  }
0x3e: {  	_ =	shalt  }
0x3f: {  	_ =	shalt  }
0x40: {  	_ =	shalt  }
0x41: {  	_ =	shalt  }
0x42: {  	_ =	shalt  }
0x43: {  	_ =	shalt  }
0x44: {  	_ =	shalt  }
0x45: {  	_ =	shalt  }
0x46: {  	_ =	shalt  }
0x47: {  	_ =	shalt  }
0x48: {  	_ =	shalt  }
0x49: {  	_ =	shalt  }
0x4a: {  	_ =	shalt  }
0x4b: {  	_ =	shalt  }
0x4c: {  	_ =	shalt  }
0x4d: {  	_ =	shalt  }
0x4e: {  	_ =	shalt  }
0x4f: {  	_ =	shalt  }
0x50: {  	_ =	shalt  }
0x51: {  	_ =	shalt  }
0x52: {  	_ =	shalt  }
0x53: {  	_ =	shalt  }
0x54: {  	_ =	shalt  }
0x55: {  	_ =	shalt  }
0x56: {  	_ =	shalt  }
0x57: {  	_ =	shalt  }
0x58: {  	_ =	shalt  }
0x59: {  	_ =	shalt  }
0x5a: {  	_ =	shalt  }
0x5b: {  	_ =	shalt  }
0x5c: {  	_ =	shalt  }
0x5d: {  	_ =	shalt  }
0x5e: {  	_ =	shalt  }
0x5f: {  	_ =	shalt  }
0x60: {  	_ =	shalt  }
0x61: {  	_ =	shalt  }
0x62: {  	_ =	shalt  }
0x63: {  	_ =	shalt  }
0x64: {  	_ =	shalt  }
0x65: {  	_ =	shalt  }
0x66: {  	_ =	shalt  }
0x67: {  	_ =	shalt  }
0x68: {  	_ =	shalt  }
0x69: {  	_ =	shalt  }
0x6a: {  	_ =	shalt  }
0x6b: {  	_ =	shalt  }
0x6c: {  	_ =	shalt  }
0x6d: {  	_ =	shalt  }
0x6e: {  	_ =	shalt  }
0x6f: {  	_ =	shalt  }
0x70: {  	_ =	shalt  }
0x71: {  	_ =	shalt  }
0x72: {  	_ =	shalt  }
0x73: {  	_ =	shalt  }
0x74: {  	_ =	shalt  }
0x75: {  	_ =	shalt  }
0x76: {  	_ =	shalt  }
0x77: {  	_ =	shalt  }
0x78: {  	_ =	shalt  }
0x79: {  	_ =	shalt  }
0x7a: {  	_ =	shalt  }
0x7b: {  	_ =	shalt  }
0x7c: {  	_ =	shalt  }
0x7d: {  	_ =	shalt  }
0x7e: {  	_ =	shalt  }
0x7f: {  	_ =	shalt  }
0x80: {  	_ =	shalt  }
0x81: {  	_ =	shalt  }
0x82: {  	_ =	shalt  }
0x83: {  	_ =	shalt  }
0x84: {  	_ =	shalt  }
0x85: {  	_ =	shalt  }
0x86: {  	_ =	shalt  }
0x87: {  	_ =	shalt  }
.Lfunc_end0:
.L_simem_size_0:
called_computation.3_lowered:
.L_overlay_start_0:
0x88: {  	s2 =	sld [smem:$0x3FD9]  }
0x89: {  	s3 =	sld [smem:$0x3FFE];
	_ =	sdelay $0x1  }
0x8a: {  	s1 =	srdreg.scid  }
0x8b: {  	s0 =	sand.u32 $0x1, s1  }
0x8c: {  	s17 =	sshll.u32 s0, $0xA;
	s2 =	sadd.s32 s3, s2  }
0x8d: {  	s2 =	sadd.s32 s2, s17  }
0x8e: {  	[smem:$0x3FC1] =	sst s2  }
0x8f: {  	_ = 	snop  }
0x90: {  	s2 =	sld [smem:$0x3FD0];
	(tm) =	ssettm $0x1  }
0x91: {  	s18 =	sld [smem:$0x3FFB];
	_ =	sdelay $0x3  }
0x92: {  	_ =	strace s18  }
0x93: {  	s3 =	sld [smem:$0x3FFC];
	_ =	sdelay $0x3  }
0x94: {  	_ =	strace s3  }
0x95: {  	s3 =	sld [smem:$0x3FFD];
	_ =	sdelay $0x3  }
0x96: {  	_ =	strace s3  }
0x97: {  	_ =	strace $0x8FFFFFFF  }
0x98: {  	s19 =	sld [smem:$0x3FDB];
	_ =	sdelay $0x1  }
0x99: {  	s4 =	simm.s32 $_scs_section_size  }
0x9a: {  	s5 =	simm.s32 $_size__tile_overlayer_lowered;
	s6 =	simm.s32 $_tile_overlayer_lowered  }
0x9b: {  	s22 =	simm.s32 $0x1BFF;
	s21 =	sshll.u32 s6, $0x1;
	s3 =	sadd.s32 s4, s19  }
0x9c: {  	s7 =	simm.s32 $0x0;
	s20 =	sshll.u32 s5, $0x1;
	s5 =	sadd.s32 s21, s3  }
0x9d: {  	[timem:s7], [sflag:s22] =	dma.local [hbm:s5], s20  }
0x9e: {  	_ =	swait.ge [sflag:s22], s20  }
0x9f: {  	s4 =	ssub.s32 $0x0, s20;
	[sflag:s22] =	ssyncset.done $0x0  }
0xa0: {  	[sflag:s22] =	ssyncadd.s32 s4;
	_ =	sdelay $0x1  }
0xa1: {  	s23 =	simm.s32 $0x1B8B  }
0xa2: {  	_ =	swait.ge [sflag:s23], $0x1  }
0xa3: {  	[sflag:s23] =	ssyncset.done $0x0  }
0xa4: {  	s25 =	simm.s32 $0x1B8E;
	s24 =	sld [smem:$0x3FFE];
	[sflag:s23] =	ssyncadd.s32 $0xFFFFFFFF  }
0xa5: {  	s26 =	simm.s32 $execute0_lowered;
	[smem:$0x3FD2] =	sst s25  }
0xa6: {  	s5 =	sshll.u32 s26, $0x1;
	_ =	strace $0x8000004F;
	[dreg:$0x1] =	wrdreg $0xFFFFFFFF  }
0xa7: {  	s28 =	simm.s32 $_size_execute0_lowered;
	s3 =	sadd.s32 s3, s5;
	[dreg:$0x0] =	wrdreg $0x0  }
0xa8: {  	s5 =	sshll.u32 s28, $0x1;
	[dreg:$0x2] =	wrdreg s3  }
0xa9: {  	[dreg:$0x3] =	wrdreg s5  }
0xaa: {  	[dreg:$0x4] =	wrdreg $0xC0  }
0xab: {  	_ =	task [dreg:s7], $0x5FFFF  }
0xac: {  	[dreg:$0x1] =	wrdreg $0xFFFFFFFF  }
0xad: {  	[dreg:$0x0] =	wrdreg $0x60  }
0xae: {  	[dreg:$0x2] =	wrdreg s2  }
0xaf: {  	[dreg:$0x3] =	wrdreg s24  }
0xb0: {  	[dreg:$0x4] =	wrdreg $0x96800  }
0xb1: {  	[dreg:$0x5] =	wrdreg $0x9  }
0xb2: {  	_ =	task.clear_ibuf [dreg:s7], $0x6FFFF;
	_ =	strace $0x9000004F  }
0xb3: {  	s29 =	simm.s32 $0x9;
	_ =	strace $0x80000051  }
0xb4: {  	_ =	swait.ge [sflag:s29], $0x1  }
0xb5: {  	[sflag:s29] =	ssyncadd.s32 $0xFFFFFFFF  }
0xb6: {  	_ =	strace $0x90000051  }
0xb7: {  	_ =	sfence  }
0xb8: {  	s30 =	sld [smem:$0x0];
	_ =	sdelay $0x2  }
0xb9: {  	s31 =	sshll.u32 s1, $0xD;
	s1 =	sshrl.u32 s1, $0x2  }
0xba: {  	s3 =	sand.u32 $0x4000, s31;
	s1 =	sadd.s32 s1, s30  }
0xbb: {  	s0 =	sor.u32 s3, s0;
	s1 =	sshll.u32 s1, $0x11  }
0xbc: {  	s0 =	sor.u32 s1, s0  }
0xbd: {  	s0 =	sadd.s32 $0x8F2B, s0  }
0xbe: {  	[sflag:s0] =	ssyncadd.remote.s32 $0x1  }
0xbf: {  	_ =	sfence.sel $0xFFFF  }
0xc0: {  	[dreg:$0x0] =	wrdreg $0xFFFFFFFF;
	(pc) =	sbr.abs _section_cstart, $3  }
0xc1: {  	[dreg:$0x1] =	wrdreg $0xFFFFFFFF  }
0xc2: {  	_ =	task.clear_ibuf [dreg:s7], $0x2FFFF;
	_ =	strace $0x9FFFFFFF  }
0xc3: {  	(tm) =	ssettm $0x7FFFFFFF  }
tec
execute0_lowered:
.L_overlay_start_1:
0x0: {  	(tag) =	ssettag $0x1  }
0x1: {  	s2 =	rddreg [dreg:$0x0]  }
0x2: {  	s10 =	rddreg [dreg:$0x1]  }
0x3: {  	s3 =	rddreg [dreg:$0x2];
	s4 =	srdreg.scid  }
0x4: {  	s1 =	stileid.u32;
	s0 =	rddreg [dreg:$0x3];
	s13 =	simm.s32 $0x2A600  }
0x5: {  	s14 =	simm.s32 $0x2780;
	s15 =	simm.s32 $0x80;
	s16 =	simm.s32 $0x7680  }
0x6: {  	s17 =	simm.s32 $0x1;
	s18 =	simm.s32 $0x0;
	s5 =	sand.u32 $0x1, s4  }
0x7: {  	s6 =	smul.u32 $0x9E00, s1;
	s4 =	simm.s32 $0x0;
	s7 =	sshll.u32 s1, $0x1  }
0x8: {  	s31 =	sshll.u32 s1, $0x6;
	s8 =	smul.u32 $0x9E000, s5;
	[smem:$0x7FF] =	sst s4  }
0x9: {  	s7 =	sor.u32 s5, s7;
	s9 =	ssub.s32 $0x2, s5;
	p0 =	seq.s32 s5, $0x0  }
0xa: {  	s7 =	smul.u32 $0x4F0, s7;
	_ =	strace $0x80000050;
	s11 =	sshrl.u32 s9, $0x1  }
0xb: {  	s12 =	sadd.s32 s6, s3;
	s30 =	sshrl.u32 s6, $0x3;
	s13 =	simm.s32 @!p0 $0x3E200  }
0xc: {  	s8 =	sadd.s32 s6, s8;
	s9 =	ssub.s32 s9, s11;
	s11 =	sor.u32 $0x1C02, s31  }
0xd: {  	s12 =	sshrl.u32 s12, $0x3;
	s8 =	sshrl.u32 s8, $0x3;
	s7 =	sadd.s32 s7, s10  }
0xe: {  	s9 =	smax.u32 s9, $0x1;
	s8 =	sadd.s32 s8, s10;
	s5 =	sadd.s32 $0x20800, s7  }
0xf: {  	s6 =	sadd.s32 $0x2E00, s7;
	s7 =	sadd.s32 $0xCC00, s7;
	s10 =	sadd.s32 s13, s10  }
0x10: {  	s13 =	simm.s32 $0x2;
	s8 =	sadd.s32 $0x51E00, s8;
	s10 =	sadd.s32 s10, s30  }
.LBB2_1:
0x11: {  	[spmem:s12], [sflag:s11] =	dma.local [hbm:s10], $0x13C0  }
0x12: {  	_ =	swait.ge [sflag:s13], $0x13C0  }
0x13: {  	[sflag:s13] =	ssyncset.done $0x0  }
0x14: {  	[sflag:s13] =	ssyncadd.s32 $0xFFFFEC40  }
0x15: {  	[tilespmem:s4], [sflag:$0x2] =	stream.linear.gather [hbm4b:s5+s4], $0x2780, $0x38;
	[tilespmem:$0x13480] =	vst v63  }
0x16: {  	_ =	swait.ge [sflag:s13], $0x2780  }
0x17: {  	[sflag:s13] =	ssyncset.done $0x0  }
0x18: {  	[sflag:s13] =	ssyncadd.s32 $0xFFFFD880  }
0x19: {  	[tilespmem:s14], [sflag:$0x2] =	stream.linear.gather [hbm4b:s6+s4], $0x2780, $0x38;
	[tilespmem:$0x13480] =	vst v63  }
0x1a: {  	_ =	swait.ge [sflag:s13], $0x2780  }
0x1b: {  	[sflag:s13] =	ssyncset.done $0x0  }
0x1c: {  	s19 =	simm.s32 $0x4F00;
	[sflag:s13] =	ssyncadd.s32 $0xFFFFD880  }
0x1d: {  	[tilespmem:s19], [sflag:$0x2] =	stream.linear.gather [hbm4b:s7+s4], $0x2780, $0x38;
	[tilespmem:$0x13480] =	vst v63  }
0x1e: {  	_ =	swait.ge [sflag:s13], $0x2780  }
0x1f: {  	[sflag:s13] =	ssyncset.done $0x0  }
0x20: {  	[sflag:s13] =	ssyncadd.s32 $0xFFFFD880  }
0x21: {  	s20 =	simm.s32 $0x0;
	[bflag:$0x0] =	sbarrier.arrive $0xFFFF  }
.LBB2_2:
0x22: {  	s21 =	sshll.u32 s20, $0x7  }
0x23: {  	v0 =	vmov s19;
	[tilespmem:s16], [sflag:$0x1] =	stream.indirect.gather [hbm4b:s2+s15], $0x40, s21, s15, $0xb8;
	[tilespmem:$0x13480] =	vst v63  }
0x24: {  	_ =	swait.ge [sflag:s17], $0x2000  }
0x25: {  	[sflag:s17] =	ssyncset.done $0x0  }
0x26: {  	s22 =	simm.s32 $0x0;
	s23 =	simm.s32 $0x7880;
	[sflag:s17] =	ssyncadd.s32 $0xFFFFE000  }
.LBB2_3:
0x27: {  	s24 =	sshra.s32 s22, $0x2  }
0x28: {  	v1 =	vld.idx.msk [tilespmem:v0+s24+$0x0 ss:$0x1], $0xffff;
	_ =	sdelay $0x1  }
0x29: {  	v2 =	vld [tilespmem:s23+$0xFFFFFE00];
	_ =	sdelay $0x2  }
0x2a: {  	v3 =	vbroadcast v1, $0x0;
	_ =	sdelay $0x1  }
0x2b: {  	v2 =	vmul.f32 v3, v2;
	_ =	sdelay $0x1  }
0x2c: {  	[tilespmem:s23+$0xFFFFFE00] =	vst v2;
	v2 =	vld [tilespmem:s23+$0xFFFFFE10];
	_ =	sdelay $0x4  }
0x2d: {  	v2 =	vmul.f32 v2, v3;
	_ =	sdelay $0x1  }
0x2e: {  	[tilespmem:s23+$0xFFFFFE10] =	vst v2;
	v2 =	vld [tilespmem:s23+$0xFFFFFE20];
	_ =	sdelay $0x4  }
0x2f: {  	v2 =	vmul.f32 v2, v3;
	_ =	sdelay $0x1  }
0x30: {  	[tilespmem:s23+$0xFFFFFE20] =	vst v2;
	v2 =	vld [tilespmem:s23+$0xFFFFFE30];
	_ =	sdelay $0x4  }
0x31: {  	v2 =	vmul.f32 v2, v3;
	_ =	sdelay $0x1  }
0x32: {  	[tilespmem:s23+$0xFFFFFE30] =	vst v2;
	v2 =	vld [tilespmem:s23+$0xFFFFFE40];
	_ =	sdelay $0x2  }
0x33: {  	v3 =	vbroadcast v1, $0x1;
	_ =	sdelay $0x1  }
0x34: {  	v2 =	vmul.f32 v2, v3;
	_ =	sdelay $0x1  }
0x35: {  	[tilespmem:s23+$0xFFFFFE40] =	vst v2;
	v2 =	vld [tilespmem:s23+$0xFFFFFE50];
	_ =	sdelay $0x4  }
0x36: {  	v2 =	vmul.f32 v2, v3;
	_ =	sdelay $0x1  }
0x37: {  	[tilespmem:s23+$0xFFFFFE50] =	vst v2;
	v2 =	vld [tilespmem:s23+$0xFFFFFE60];
	_ =	sdelay $0x4  }
0x38: {  	v2 =	vmul.f32 v2, v3;
	_ =	sdelay $0x1  }
0x39: {  	[tilespmem:s23+$0xFFFFFE60] =	vst v2;
	v2 =	vld [tilespmem:s23+$0xFFFFFE70];
	_ =	sdelay $0x4  }
0x3a: {  	v2 =	vmul.f32 v2, v3;
	_ =	sdelay $0x1  }
0x3b: {  	[tilespmem:s23+$0xFFFFFE70] =	vst v2;
	v2 =	vld [tilespmem:s23+$0xFFFFFE80];
	_ =	sdelay $0x2  }
0x3c: {  	v3 =	vbroadcast v1, $0x2;
	_ =	sdelay $0x1  }
0x3d: {  	v2 =	vmul.f32 v2, v3;
	_ =	sdelay $0x1  }
0x3e: {  	[tilespmem:s23+$0xFFFFFE80] =	vst v2;
	v2 =	vld [tilespmem:s23+$0xFFFFFE90];
	_ =	sdelay $0x4  }
0x3f: {  	v2 =	vmul.f32 v2, v3;
	_ =	sdelay $0x1  }
0x40: {  	[tilespmem:s23+$0xFFFFFE90] =	vst v2;
	v2 =	vld [tilespmem:s23+$0xFFFFFEA0];
	_ =	sdelay $0x4  }
0x41: {  	v2 =	vmul.f32 v2, v3;
	_ =	sdelay $0x1  }
0x42: {  	[tilespmem:s23+$0xFFFFFEA0] =	vst v2;
	v2 =	vld [tilespmem:s23+$0xFFFFFEB0];
	_ =	sdelay $0x4  }
0x43: {  	v2 =	vmul.f32 v2, v3;
	_ =	sdelay $0x1  }
0x44: {  	[tilespmem:s23+$0xFFFFFEB0] =	vst v2;
	v2 =	vld [tilespmem:s23+$0xFFFFFEC0];
	_ =	sdelay $0x2  }
0x45: {  	v3 =	vbroadcast v1, $0x3;
	_ =	sdelay $0x1  }
0x46: {  	v2 =	vmul.f32 v2, v3;
	_ =	sdelay $0x1  }
0x47: {  	[tilespmem:s23+$0xFFFFFEC0] =	vst v2;
	v2 =	vld [tilespmem:s23+$0xFFFFFED0];
	_ =	sdelay $0x4  }
0x48: {  	v2 =	vmul.f32 v2, v3;
	_ =	sdelay $0x1  }
0x49: {  	[tilespmem:s23+$0xFFFFFED0] =	vst v2;
	v2 =	vld [tilespmem:s23+$0xFFFFFEE0];
	_ =	sdelay $0x4  }
0x4a: {  	v2 =	vmul.f32 v2, v3;
	_ =	sdelay $0x1  }
0x4b: {  	[tilespmem:s23+$0xFFFFFEE0] =	vst v2;
	v2 =	vld [tilespmem:s23+$0xFFFFFEF0];
	_ =	sdelay $0x4  }
0x4c: {  	v2 =	vmul.f32 v2, v3;
	_ =	sdelay $0x1  }
0x4d: {  	[tilespmem:s23+$0xFFFFFEF0] =	vst v2;
	v2 =	vld [tilespmem:s23+$0xFFFFFF00];
	_ =	sdelay $0x2  }
0x4e: {  	v3 =	vbroadcast v1, $0x4;
	_ =	sdelay $0x1  }
0x4f: {  	v2 =	vmul.f32 v2, v3;
	_ =	sdelay $0x1  }
0x50: {  	[tilespmem:s23+$0xFFFFFF00] =	vst v2;
	v2 =	vld [tilespmem:s23+$0xFFFFFF10];
	_ =	sdelay $0x4  }
0x51: {  	v2 =	vmul.f32 v2, v3;
	_ =	sdelay $0x1  }
0x52: {  	[tilespmem:s23+$0xFFFFFF10] =	vst v2;
	v2 =	vld [tilespmem:s23+$0xFFFFFF20];
	_ =	sdelay $0x4  }
0x53: {  	v2 =	vmul.f32 v2, v3;
	_ =	sdelay $0x1  }
0x54: {  	[tilespmem:s23+$0xFFFFFF20] =	vst v2;
	v2 =	vld [tilespmem:s23+$0xFFFFFF30];
	_ =	sdelay $0x4  }
0x55: {  	v2 =	vmul.f32 v2, v3;
	_ =	sdelay $0x1  }
0x56: {  	[tilespmem:s23+$0xFFFFFF30] =	vst v2;
	v2 =	vld [tilespmem:s23+$0xFFFFFF40];
	_ =	sdelay $0x2  }
0x57: {  	v3 =	vbroadcast v1, $0x5;
	_ =	sdelay $0x1  }
0x58: {  	v2 =	vmul.f32 v2, v3;
	_ =	sdelay $0x1  }
0x59: {  	[tilespmem:s23+$0xFFFFFF40] =	vst v2;
	v2 =	vld [tilespmem:s23+$0xFFFFFF50];
	_ =	sdelay $0x4  }
0x5a: {  	v2 =	vmul.f32 v2, v3;
	_ =	sdelay $0x1  }
0x5b: {  	[tilespmem:s23+$0xFFFFFF50] =	vst v2;
	v2 =	vld [tilespmem:s23+$0xFFFFFF60];
	_ =	sdelay $0x4  }
0x5c: {  	v2 =	vmul.f32 v2, v3;
	_ =	sdelay $0x1  }
0x5d: {  	[tilespmem:s23+$0xFFFFFF60] =	vst v2;
	v2 =	vld [tilespmem:s23+$0xFFFFFF70];
	_ =	sdelay $0x4  }
0x5e: {  	v2 =	vmul.f32 v2, v3;
	_ =	sdelay $0x1  }
0x5f: {  	[tilespmem:s23+$0xFFFFFF70] =	vst v2;
	v2 =	vld [tilespmem:s23+$0xFFFFFF80];
	_ =	sdelay $0x2  }
0x60: {  	v3 =	vbroadcast v1, $0x6;
	_ =	sdelay $0x1  }
0x61: {  	v2 =	vmul.f32 v2, v3;
	_ =	sdelay $0x1  }
0x62: {  	[tilespmem:s23+$0xFFFFFF80] =	vst v2;
	v2 =	vld [tilespmem:s23+$0xFFFFFF90];
	_ =	sdelay $0x4  }
0x63: {  	v2 =	vmul.f32 v2, v3;
	_ =	sdelay $0x1  }
0x64: {  	[tilespmem:s23+$0xFFFFFF90] =	vst v2;
	v2 =	vld [tilespmem:s23+$0xFFFFFFA0];
	_ =	sdelay $0x4  }
0x65: {  	v2 =	vmul.f32 v2, v3;
	_ =	sdelay $0x1  }
0x66: {  	[tilespmem:s23+$0xFFFFFFA0] =	vst v2;
	v2 =	vld [tilespmem:s23+$0xFFFFFFB0];
	_ =	sdelay $0x4  }
0x67: {  	v2 =	vmul.f32 v2, v3;
	_ =	sdelay $0x1  }
0x68: {  	[tilespmem:s23+$0xFFFFFFB0] =	vst v2;
	v2 =	vld [tilespmem:s23+$0xFFFFFFC0];
	_ =	sdelay $0x2  }
0x69: {  	v3 =	vbroadcast v1, $0x7;
	_ =	sdelay $0x1  }
0x6a: {  	v2 =	vmul.f32 v2, v3;
	_ =	sdelay $0x1  }
0x6b: {  	[tilespmem:s23+$0xFFFFFFC0] =	vst v2;
	v2 =	vld [tilespmem:s23+$0xFFFFFFD0];
	_ =	sdelay $0x4  }
0x6c: {  	v2 =	vmul.f32 v2, v3;
	_ =	sdelay $0x1  }
0x6d: {  	[tilespmem:s23+$0xFFFFFFD0] =	vst v2;
	v2 =	vld [tilespmem:s23+$0xFFFFFFE0];
	_ =	sdelay $0x4  }
0x6e: {  	v2 =	vmul.f32 v2, v3;
	_ =	sdelay $0x1  }
0x6f: {  	[tilespmem:s23+$0xFFFFFFE0] =	vst v2;
	v2 =	vld [tilespmem:s23+$0xFFFFFFF0];
	_ =	sdelay $0x4  }
0x70: {  	v2 =	vmul.f32 v2, v3;
	_ =	sdelay $0x1  }
0x71: {  	[tilespmem:s23+$0xFFFFFFF0] =	vst v2;
	v2 =	vld [tilespmem:s23+$0x0];
	_ =	sdelay $0x2  }
0x72: {  	v3 =	vbroadcast v1, $0x8;
	_ =	sdelay $0x1  }
0x73: {  	v2 =	vmul.f32 v2, v3;
	_ =	sdelay $0x1  }
0x74: {  	[tilespmem:s23+$0x0] =	vst v2;
	v2 =	vld [tilespmem:s23+$0x10];
	_ =	sdelay $0x4  }
0x75: {  	v2 =	vmul.f32 v2, v3;
	_ =	sdelay $0x1  }
0x76: {  	[tilespmem:s23+$0x10] =	vst v2;
	v2 =	vld [tilespmem:s23+$0x20];
	_ =	sdelay $0x4  }
0x77: {  	v2 =	vmul.f32 v2, v3;
	_ =	sdelay $0x1  }
0x78: {  	[tilespmem:s23+$0x20] =	vst v2;
	v2 =	vld [tilespmem:s23+$0x30];
	_ =	sdelay $0x4  }
0x79: {  	v2 =	vmul.f32 v2, v3;
	_ =	sdelay $0x1  }
0x7a: {  	[tilespmem:s23+$0x30] =	vst v2;
	v2 =	vld [tilespmem:s23+$0x40];
	_ =	sdelay $0x2  }
0x7b: {  	v3 =	vbroadcast v1, $0x9;
	_ =	sdelay $0x1  }
0x7c: {  	v2 =	vmul.f32 v2, v3;
	_ =	sdelay $0x1  }
0x7d: {  	[tilespmem:s23+$0x40] =	vst v2;
	v2 =	vld [tilespmem:s23+$0x50];
	_ =	sdelay $0x4  }
0x7e: {  	v2 =	vmul.f32 v2, v3;
	_ =	sdelay $0x1  }
0x7f: {  	[tilespmem:s23+$0x50] =	vst v2;
	v2 =	vld [tilespmem:s23+$0x60];
	_ =	sdelay $0x4  }
0x80: {  	v2 =	vmul.f32 v2, v3;
	_ =	sdelay $0x1  }
0x81: {  	[tilespmem:s23+$0x60] =	vst v2;
	v2 =	vld [tilespmem:s23+$0x70];
	_ =	sdelay $0x4  }
0x82: {  	v2 =	vmul.f32 v2, v3;
	_ =	sdelay $0x1  }
0x83: {  	[tilespmem:s23+$0x70] =	vst v2;
	v2 =	vld [tilespmem:s23+$0x80];
	_ =	sdelay $0x2  }
0x84: {  	v3 =	vbroadcast v1, $0xA;
	_ =	sdelay $0x1  }
0x85: {  	v2 =	vmul.f32 v2, v3;
	_ =	sdelay $0x1  }
0x86: {  	[tilespmem:s23+$0x80] =	vst v2;
	v2 =	vld [tilespmem:s23+$0x90];
	_ =	sdelay $0x4  }
0x87: {  	v2 =	vmul.f32 v2, v3;
	_ =	sdelay $0x1  }
0x88: {  	[tilespmem:s23+$0x90] =	vst v2;
	v2 =	vld [tilespmem:s23+$0xA0];
	_ =	sdelay $0x4  }
0x89: {  	v2 =	vmul.f32 v2, v3;
	_ =	sdelay $0x1  }
0x8a: {  	[tilespmem:s23+$0xA0] =	vst v2;
	v2 =	vld [tilespmem:s23+$0xB0];
	_ =	sdelay $0x4  }
0x8b: {  	v2 =	vmul.f32 v2, v3;
	_ =	sdelay $0x1  }
0x8c: {  	[tilespmem:s23+$0xB0] =	vst v2;
	v2 =	vld [tilespmem:s23+$0xC0];
	_ =	sdelay $0x2  }
0x8d: {  	v3 =	vbroadcast v1, $0xB;
	_ =	sdelay $0x1  }
0x8e: {  	v2 =	vmul.f32 v2, v3;
	_ =	sdelay $0x1  }
0x8f: {  	[tilespmem:s23+$0xC0] =	vst v2;
	v2 =	vld [tilespmem:s23+$0xD0];
	_ =	sdelay $0x4  }
0x90: {  	v2 =	vmul.f32 v2, v3;
	_ =	sdelay $0x1  }
0x91: {  	[tilespmem:s23+$0xD0] =	vst v2;
	v2 =	vld [tilespmem:s23+$0xE0];
	_ =	sdelay $0x4  }
0x92: {  	v2 =	vmul.f32 v2, v3;
	_ =	sdelay $0x1  }
0x93: {  	[tilespmem:s23+$0xE0] =	vst v2;
	v2 =	vld [tilespmem:s23+$0xF0];
	_ =	sdelay $0x4  }
0x94: {  	v2 =	vmul.f32 v2, v3;
	_ =	sdelay $0x1  }
0x95: {  	[tilespmem:s23+$0xF0] =	vst v2;
	v2 =	vld [tilespmem:s23+$0x100];
	_ =	sdelay $0x2  }
0x96: {  	v3 =	vbroadcast v1, $0xC;
	_ =	sdelay $0x1  }
0x97: {  	v2 =	vmul.f32 v2, v3;
	_ =	sdelay $0x1  }
0x98: {  	[tilespmem:s23+$0x100] =	vst v2;
	v2 =	vld [tilespmem:s23+$0x110];
	_ =	sdelay $0x4  }
0x99: {  	v2 =	vmul.f32 v2, v3;
	_ =	sdelay $0x1  }
0x9a: {  	[tilespmem:s23+$0x110] =	vst v2;
	v2 =	vld [tilespmem:s23+$0x120];
	_ =	sdelay $0x4  }
0x9b: {  	v2 =	vmul.f32 v2, v3;
	_ =	sdelay $0x1  }
0x9c: {  	[tilespmem:s23+$0x120] =	vst v2;
	v2 =	vld [tilespmem:s23+$0x130];
	_ =	sdelay $0x4  }
0x9d: {  	v2 =	vmul.f32 v2, v3;
	_ =	sdelay $0x1  }
0x9e: {  	[tilespmem:s23+$0x130] =	vst v2;
	v2 =	vld [tilespmem:s23+$0x140];
	_ =	sdelay $0x2  }
0x9f: {  	v3 =	vbroadcast v1, $0xD;
	_ =	sdelay $0x1  }
0xa0: {  	v2 =	vmul.f32 v2, v3;
	_ =	sdelay $0x1  }
0xa1: {  	[tilespmem:s23+$0x140] =	vst v2;
	v2 =	vld [tilespmem:s23+$0x150];
	_ =	sdelay $0x4  }
0xa2: {  	v2 =	vmul.f32 v2, v3;
	_ =	sdelay $0x1  }
0xa3: {  	[tilespmem:s23+$0x150] =	vst v2;
	v2 =	vld [tilespmem:s23+$0x160];
	_ =	sdelay $0x4  }
0xa4: {  	v2 =	vmul.f32 v2, v3;
	_ =	sdelay $0x1  }
0xa5: {  	[tilespmem:s23+$0x160] =	vst v2;
	v2 =	vld [tilespmem:s23+$0x170];
	_ =	sdelay $0x4  }
0xa6: {  	v2 =	vmul.f32 v2, v3;
	_ =	sdelay $0x1  }
0xa7: {  	[tilespmem:s23+$0x170] =	vst v2;
	v2 =	vld [tilespmem:s23+$0x180];
	_ =	sdelay $0x2  }
0xa8: {  	v3 =	vbroadcast v1, $0xE;
	_ =	sdelay $0x1  }
0xa9: {  	v2 =	vmul.f32 v2, v3;
	_ =	sdelay $0x1  }
0xaa: {  	[tilespmem:s23+$0x180] =	vst v2;
	v2 =	vld [tilespmem:s23+$0x190];
	_ =	sdelay $0x4  }
0xab: {  	v2 =	vmul.f32 v2, v3;
	_ =	sdelay $0x1  }
0xac: {  	[tilespmem:s23+$0x190] =	vst v2;
	v2 =	vld [tilespmem:s23+$0x1A0];
	_ =	sdelay $0x4  }
0xad: {  	v2 =	vmul.f32 v2, v3;
	_ =	sdelay $0x1  }
0xae: {  	[tilespmem:s23+$0x1A0] =	vst v2;
	v2 =	vld [tilespmem:s23+$0x1B0];
	_ =	sdelay $0x4  }
0xaf: {  	v2 =	vmul.f32 v2, v3;
	_ =	sdelay $0x1  }
0xb0: {  	[tilespmem:s23+$0x1B0] =	vst v2;
	v2 =	vld [tilespmem:s23+$0x1C0];
	_ =	sdelay $0x2  }
0xb1: {  	v1 =	vbroadcast v1, $0xF;
	_ =	sdelay $0x1  }
0xb2: {  	v2 =	vmul.f32 v2, v1;
	_ =	sdelay $0x1  }
0xb3: {  	[tilespmem:s23+$0x1C0] =	vst v2;
	v2 =	vld [tilespmem:s23+$0x1D0];
	_ =	sdelay $0x4  }
0xb4: {  	v2 =	vmul.f32 v2, v1;
	_ =	sdelay $0x1  }
0xb5: {  	[tilespmem:s23+$0x1D0] =	vst v2;
	v2 =	vld [tilespmem:s23+$0x1E0];
	_ =	sdelay $0x4  }
0xb6: {  	v2 =	vmul.f32 v2, v1;
	_ =	sdelay $0x1  }
0xb7: {  	[tilespmem:s23+$0x1E0] =	vst v2;
	v2 =	vld [tilespmem:s23+$0x1F0];
	_ =	sdelay $0x1  }
0xb8: {  	p0 =	sne.s32 s22, $0x1C0  }
.Ltmp0:
0xb9: {  	_ = 	snop;
	(pc) =	sbr.rel @p0 .LBB2_3-.Ltmp0, $3  }
0xba: {  	_ = 	snop  }
0xbb: {  	v1 =	vmul.f32 v2, v1;
	_ =	sdelay $0x1  }
0xbc: {  	s22 =	sadd.s32 $0x40, s22;
	[tilespmem:s23+$0x1F0] =	vst v1;
	s23 =	sadd.s32 $0x400, s23  }
0xbd: {  	s20 =	sadd.s32 $0x1, s20  }
0xbe: {  	p0 =	sne.s32 s20, $0x4F  }
.Ltmp1:
0xbf: {  	s21 =	sadd.s32 $0x2780, s21;
	(pc) =	sbr.rel @p0 .LBB2_2-.Ltmp1, $4  }
0xc0: {  	[spmem:s3] =	stream.indirect.scatter.add.f32 [tilespmem:s16], [sflag:$0x2], $0x40, s21, s15, $0xb8;
	[tilespmem:$0x13480] =	vst v63  }
0xc1: {  	_ =	swait.ge [sflag:s13], $0x2000  }
0xc2: {  	[sflag:s13] =	ssyncset.done $0x0  }
0xc3: {  	s19 =	sadd.s32 $0x80, s19;
	[sflag:s13] =	ssyncadd.s32 $0xFFFFE000  }
0xc4: {  	s18 =	sadd.s32 $0x1, s18  }
0xc5: {  	p0 =	sne.s32 s18, s9  }
.Ltmp2:
0xc6: {  	[bflag:$0x0] =	sbarrier.arrive $0xFFFF;
	(pc) =	sbr.rel @p0 .LBB2_1-.Ltmp2, $4  }
0xc7: {  	[hbm:s8], [sflag:s11] =	dma.local [spmem:s12], $0x13C0  }
0xc8: {  	_ =	swait.ge [sflag:s13], $0x13C0  }
0xc9: {  	[sflag:s13] =	ssyncset.done $0x0  }
0xca: {  	[sflag:s13] =	ssyncadd.s32 $0xFFFFEC40  }
0xcb: {  	_ =	sfence.sel $0x180000  }
0xcc: {  	[bflag:$0x0] =	sbarrier.arrive $0xFFFF  }
0xcd: {  	p0 =	sne.s32 s1, $0x0;
	_ =	strace $0x90000050  }
0xce: {  	s0 =	sadd.s32 @!p0 $0x100000, s0;
	[bflag:$0x2] =	sbarrier.arrive $0xFFFF  }
0xcf: {  	[sflag:s0] =	ssyncadd.tile.s32 @!p0 $0x1;
	_ =	shalt  }
.Lfunc_end2:
_tile_overlayer_lowered:
.L_overlay_start_2:
0xd0: {  	(tag) =	ssettag $0x2  }
0xd1: {  	s0 =	rddreg [dreg:$0x0];
	s2 =	stileid.u32  }
0xd2: {  	s1 =	rddreg [dreg:$0x1];
	p0 =	sne.s32 s2, $0x0  }
0xd3: {  	s3 =	rddreg [dreg:$0x2];
	[bflag:$0x3] =	sbarrier.arrive $0xFFFF;
	s2 =	simm.s32 @!p0 $0x1C02  }
0xd4: {  	[timem:s3], [sflag:s2] =	dma.local @!p0 [hbm:s0], s1  }
0xd5: {  	s0 =	simm.s32 @!p0 $0x2  }
0xd6: {  	_ =	swait.ge @!p0 [sflag:s0], s1  }
0xd7: {  	s1 =	ssub.s32 @!p0 $0x0, s1;
	[sflag:s0] =	ssyncset.done @!p0 $0x0  }
0xd8: {  	[sflag:s0] =	ssyncadd.s32 @!p0 s1  }
0xd9: {  	[bflag:$0x3] =	sbarrier.arrive $0xFFFF  }
0xda: {  	_ =	shalt  }

// kernel: kernel.9.cloned.1.call-start
scs
__scs_entry_jumppad:
0x0: {  	(pc) =	sbr.rel $0x88, $3  }
0x1: {  	(tag) =	ssettag $0x0;
	lr =	simm.s32 $0x1  }
0x2: {  	[smem:$0x3F9A] =	sst lr;
	_ =	strace $0xD0000000  }
0x3: {  	_ = 	snop  }
0x4: {  	_ = 	snop  }
0x5: {  	_ = 	snop  }
0x6: {  	_ = 	snop  }
0x7: {  	_ = 	snop  }
__scs_overlays_trampoline_lowered:
0x8: {  	[smem:$0x3FA9] =	sst s0  }
0x9: {  	[smem:$0x3FAA] =	sst s1  }
0xa: {  	[smem:$0x3FAB] =	sst s2  }
0xb: {  	[smem:$0x3FAC] =	sst s3  }
0xc: {  	[smem:$0x3FAD] =	sst s4  }
0xd: {  	[smem:$0x3FAE] =	sst s5  }
0xe: {  	[smem:$0x3FAF] =	sst s6  }
0xf: {  	[smem:$0x3FB0] =	sst s7  }
0x10: {  	[smem:$0x3FB1] =	sst s8  }
0x11: {  	[smem:$0x3FB2] =	sst s9;
	s0 =	simm.s32 @!p0 $0x0  }
0x12: {  	s1 =	sld [smem:$0x3F98];
	s0 =	simm.s32 @p0 $0x1  }
0x13: {  	[smem:$0x3FB3] =	sst s0;
	s0 =	simm.s32 @!p1 $0x0  }
0x14: {  	s2 =	sld [smem:$0x3F97];
	s0 =	simm.s32 @p1 $0x1  }
0x15: {  	[smem:$0x3FB4] =	sst s0;
	s0 =	simm.s32 @!p2 $0x0  }
0x16: {  	s3 =	sld [smem:$0x3FDB];
	s0 =	simm.s32 @p2 $0x1  }
0x17: {  	s4 =	simm.s32 $0x1BF5;
	[smem:$0x3FB6] =	sst s0  }
0x18: {  	s0 =	sld [smem:$0x3F99];
	_ =	swait.ge [sflag:s4], $0x0  }
0x19: {  	s7 =	sld [smem:$0x3F9A]  }
0x1a: {  	s8 =	sadd.s32 $0xFFFFE003, lr  }
0x1b: {  	s9 =	sadd.s32 $0xFFFFFEF7, lr;
	s5 =	simm.s32 $0xFFFFFFFF;
	p2 =	slt.u32 s8, $0xFFFFF086  }
0x1c: {  	p1 =	slt.u32 s9, $0xF7A;
	s5 =	simm.s32 @!p2 $0x0  }
0x1d: {  	s5 =	simm.s32 @p1 $0x1;
	p0 =	seq.s32 s7, s2  }
0x1e: {  	s7 =	smul.u32 @!p0 $0xF7A, s2;
	p2 =	seq.s32 @!p0 s5, $0x0  }
0x1f: {  	s9 =	smul.u32 $0xF7A, s1;
	s8 =	simm.s32 @!p0 $0x1BF5;
	p2 =	por !p2, p0  }
0x20: {  	[sflag:s8] =	ssyncset.s32 @!p0 $0xFFFFF086;
	s6 =	sadd.s32 @!p0 s3, s7;
	s7 =	simm.s32 @!p0 $0x108  }
0x21: {  	s3 =	sadd.s32 s3, s9;
	s6 =	sadd.s32 @!p0 $0x88, s6;
	s7 =	simm.s32 @p2 $0x1082  }
0x22: {  	[simem:s7], [sflag:s8] =	dma.local @!p0 [hbm:s6], $0xF7A  }
0x23: {  	s9 =	sor.u32 $0xD0000000, s2;
	s6 =	simm.s32 $0x108;
	_ =	swait.ge @!p0 [sflag:s8], $0x0  }
0x24: {  	s3 =	sadd.s32 $0x88, s3;
	s6 =	simm.s32 @!p1 $0x1082;
	[sflag:s4] =	ssyncset.s32 $0xFFFFF086  }
0x25: {  	[simem:s6], [sflag:s4] =	dma.local [hbm:s3], $0xF7A  }
0x26: {  	[smem:$0x3F9A] =	sst s1;
	(tag) =	ssettag s2;
	_ =	strace s9  }
0x27: {  	s1 =	sld [smem:$0x3FAA]  }
0x28: {  	s2 =	sld [smem:$0x3FAB]  }
0x29: {  	s4 =	sld [smem:$0x3FAD]  }
0x2a: {  	p0 =	seq.s32 s5, $0x0;
	s5 =	sld [smem:$0x3FAE]  }
0x2b: {  	s6 =	sld [smem:$0x3FAF]  }
0x2c: {  	s7 =	sld [smem:$0x3FB0]  }
0x2d: {  	s3 =	simm.s32 $0x108;
	s8 =	sld [smem:$0x3FB1]  }
0x2e: {  	s3 =	simm.s32 @!p0 $0x1082;
	s9 =	sld [smem:$0x3FB2]  }
0x2f: {  	lr =	sadd.s32 s0, s3;
	s0 =	sld [smem:$0x3FA9]  }
0x30: {  	s3 =	sld [smem:$0x3FAC]  }
0x31: {  	[smem:$0x3FB5] =	sst s10  }
0x32: {  	s10 =	sld [smem:$0x3FB3];
	_ =	sdelay $0x3  }
0x33: {  	p0 =	seq.s32 s10, $0x1;
	s10 =	sld [smem:$0x3FB5];
	_ =	sdelay $0x3  }
0x34: {  	[smem:$0x3FB5] =	sst s10  }
0x35: {  	s10 =	sld [smem:$0x3FB4];
	_ =	sdelay $0x3  }
0x36: {  	p1 =	seq.s32 s10, $0x1;
	s10 =	sld [smem:$0x3FB5];
	_ =	sdelay $0x3  }
0x37: {  	[smem:$0x3FB5] =	sst s10  }
0x38: {  	s10 =	sld [smem:$0x3FB6]  }
0x39: {  	_ = 	snop;
	(pc) =	sbr.ind lr, $3  }
0x3a: {  	_ = 	snop  }
0x3b: {  	_ = 	snop  }
0x3c: {  	p2 =	seq.s32 s10, $0x1;
	s10 =	sld [smem:$0x3FB5]  }
0x3d: {  	_ =	shalt  }
0x3e: {  	_ =	shalt  }
0x3f: {  	_ =	shalt  }
0x40: {  	_ =	shalt  }
0x41: {  	_ =	shalt  }
0x42: {  	_ =	shalt  }
0x43: {  	_ =	shalt  }
0x44: {  	_ =	shalt  }
0x45: {  	_ =	shalt  }
0x46: {  	_ =	shalt  }
0x47: {  	_ =	shalt  }
0x48: {  	_ =	shalt  }
0x49: {  	_ =	shalt  }
0x4a: {  	_ =	shalt  }
0x4b: {  	_ =	shalt  }
0x4c: {  	_ =	shalt  }
0x4d: {  	_ =	shalt  }
0x4e: {  	_ =	shalt  }
0x4f: {  	_ =	shalt  }
0x50: {  	_ =	shalt  }
0x51: {  	_ =	shalt  }
0x52: {  	_ =	shalt  }
0x53: {  	_ =	shalt  }
0x54: {  	_ =	shalt  }
0x55: {  	_ =	shalt  }
0x56: {  	_ =	shalt  }
0x57: {  	_ =	shalt  }
0x58: {  	_ =	shalt  }
0x59: {  	_ =	shalt  }
0x5a: {  	_ =	shalt  }
0x5b: {  	_ =	shalt  }
0x5c: {  	_ =	shalt  }
0x5d: {  	_ =	shalt  }
0x5e: {  	_ =	shalt  }
0x5f: {  	_ =	shalt  }
0x60: {  	_ =	shalt  }
0x61: {  	_ =	shalt  }
0x62: {  	_ =	shalt  }
0x63: {  	_ =	shalt  }
0x64: {  	_ =	shalt  }
0x65: {  	_ =	shalt  }
0x66: {  	_ =	shalt  }
0x67: {  	_ =	shalt  }
0x68: {  	_ =	shalt  }
0x69: {  	_ =	shalt  }
0x6a: {  	_ =	shalt  }
0x6b: {  	_ =	shalt  }
0x6c: {  	_ =	shalt  }
0x6d: {  	_ =	shalt  }
0x6e: {  	_ =	shalt  }
0x6f: {  	_ =	shalt  }
0x70: {  	_ =	shalt  }
0x71: {  	_ =	shalt  }
0x72: {  	_ =	shalt  }
0x73: {  	_ =	shalt  }
0x74: {  	_ =	shalt  }
0x75: {  	_ =	shalt  }
0x76: {  	_ =	shalt  }
0x77: {  	_ =	shalt  }
0x78: {  	_ =	shalt  }
0x79: {  	_ =	shalt  }
0x7a: {  	_ =	shalt  }
0x7b: {  	_ =	shalt  }
0x7c: {  	_ =	shalt  }
0x7d: {  	_ =	shalt  }
0x7e: {  	_ =	shalt  }
0x7f: {  	_ =	shalt  }
0x80: {  	_ =	shalt  }
0x81: {  	_ =	shalt  }
0x82: {  	_ =	shalt  }
0x83: {  	_ =	shalt  }
0x84: {  	_ =	shalt  }
0x85: {  	_ =	shalt  }
0x86: {  	_ =	shalt  }
0x87: {  	_ =	shalt  }
.Lfunc_end0:
.L_simem_size_0:
called_computation_lowered:
.L_overlay_start_0:
0x88: {  	s2 =	sld [smem:$0x3FD9]  }
0x89: {  	s3 =	sld [smem:$0x3FFE];
	_ =	sdelay $0x1  }
0x8a: {  	s1 =	srdreg.scid  }
0x8b: {  	s0 =	sand.u32 $0x1, s1  }
0x8c: {  	s17 =	sshll.u32 s0, $0xA;
	s2 =	sadd.s32 s3, s2  }
0x8d: {  	s2 =	sadd.s32 s2, s17  }
0x8e: {  	[smem:$0x3FC1] =	sst s2  }
0x8f: {  	_ = 	snop  }
0x90: {  	s2 =	sld [smem:$0x3FD0];
	(tm) =	ssettm $0x1  }
0x91: {  	s18 =	sld [smem:$0x3FFB];
	_ =	sdelay $0x3  }
0x92: {  	_ =	strace s18  }
0x93: {  	s3 =	sld [smem:$0x3FFC];
	_ =	sdelay $0x3  }
0x94: {  	_ =	strace s3  }
0x95: {  	s3 =	sld [smem:$0x3FFD];
	_ =	sdelay $0x3  }
0x96: {  	_ =	strace s3  }
0x97: {  	_ =	strace $0x8FFFFFFF  }
0x98: {  	s19 =	sld [smem:$0x3FDB];
	_ =	sdelay $0x1  }
0x99: {  	s4 =	simm.s32 $_scs_section_size  }
0x9a: {  	s5 =	simm.s32 $_size__tile_overlayer_lowered;
	s6 =	simm.s32 $_tile_overlayer_lowered  }
0x9b: {  	s22 =	simm.s32 $0x1BFF;
	s21 =	sshll.u32 s6, $0x1;
	s3 =	sadd.s32 s4, s19  }
0x9c: {  	s7 =	simm.s32 $0x0;
	s20 =	sshll.u32 s5, $0x1;
	s5 =	sadd.s32 s21, s3  }
0x9d: {  	[timem:s7], [sflag:s22] =	dma.local [hbm:s5], s20  }
0x9e: {  	_ =	swait.ge [sflag:s22], s20  }
0x9f: {  	s4 =	ssub.s32 $0x0, s20;
	[sflag:s22] =	ssyncset.done $0x0  }
0xa0: {  	[sflag:s22] =	ssyncadd.s32 s4;
	_ =	sdelay $0x1  }
0xa1: {  	s23 =	simm.s32 $0x1B8B  }
0xa2: {  	_ =	swait.ge [sflag:s23], $0x1  }
0xa3: {  	[sflag:s23] =	ssyncset.done $0x0  }
0xa4: {  	s25 =	simm.s32 $0x1B8E;
	s24 =	sld [smem:$0x3FFE];
	[sflag:s23] =	ssyncadd.s32 $0xFFFFFFFF  }
0xa5: {  	s26 =	simm.s32 $execute0_lowered;
	[smem:$0x3FD2] =	sst s25  }
0xa6: {  	s5 =	sshll.u32 s26, $0x1;
	_ =	strace $0x80000046;
	[dreg:$0x1] =	wrdreg $0xFFFFFFFF  }
0xa7: {  	s28 =	simm.s32 $_size_execute0_lowered;
	s3 =	sadd.s32 s3, s5;
	[dreg:$0x0] =	wrdreg $0x0  }
0xa8: {  	s5 =	sshll.u32 s28, $0x1;
	[dreg:$0x2] =	wrdreg s3  }
0xa9: {  	[dreg:$0x3] =	wrdreg s5  }
0xaa: {  	[dreg:$0x4] =	wrdreg $0xC0  }
0xab: {  	_ =	task [dreg:s7], $0x5FFFF  }
0xac: {  	[dreg:$0x1] =	wrdreg $0xFFFFFFFF  }
0xad: {  	[dreg:$0x0] =	wrdreg $0x60  }
0xae: {  	[dreg:$0x2] =	wrdreg s2  }
0xaf: {  	[dreg:$0x3] =	wrdreg s24  }
0xb0: {  	[dreg:$0x4] =	wrdreg $0x9  }
0xb1: {  	_ =	task.clear_ibuf [dreg:s7], $0x5FFFF;
	_ =	strace $0x90000046  }
0xb2: {  	s29 =	simm.s32 $0x9;
	_ =	strace $0x80000048  }
0xb3: {  	_ =	swait.ge [sflag:s29], $0x1  }
0xb4: {  	[sflag:s29] =	ssyncadd.s32 $0xFFFFFFFF  }
0xb5: {  	_ =	strace $0x90000048  }
0xb6: {  	_ =	sfence  }
0xb7: {  	s30 =	sld [smem:$0x0];
	_ =	sdelay $0x2  }
0xb8: {  	s31 =	sshll.u32 s1, $0xD;
	s1 =	sshrl.u32 s1, $0x2  }
0xb9: {  	s3 =	sand.u32 $0x4000, s31;
	s1 =	sadd.s32 s1, s30  }
0xba: {  	s0 =	sor.u32 s3, s0;
	s1 =	sshll.u32 s1, $0x11  }
0xbb: {  	s0 =	sor.u32 s1, s0  }
0xbc: {  	s0 =	sadd.s32 $0x8F2B, s0  }
0xbd: {  	[sflag:s0] =	ssyncadd.remote.s32 $0x1  }
0xbe: {  	_ =	sfence.sel $0xFFFF  }
0xbf: {  	[dreg:$0x0] =	wrdreg $0xFFFFFFFF;
	(pc) =	sbr.abs _section_cstart, $3  }
0xc0: {  	[dreg:$0x1] =	wrdreg $0xFFFFFFFF  }
0xc1: {  	_ =	task.clear_ibuf [dreg:s7], $0x2FFFF;
	_ =	strace $0x9FFFFFFF  }
0xc2: {  	(tm) =	ssettm $0x7FFFFFFF  }
0xc3: {  	_ =	shalt  }
tec
execute0_lowered:
.L_overlay_start_1:
0x0: {  	(tag) =	ssettag $0x1  }
0x1: {  	s3 =	rddreg [dreg:$0x0]  }
0x2: {  	s4 =	rddreg [dreg:$0x1];
	s1 =	srdreg.scid  }
0x3: {  	s0 =	stileid.u32;
	s9 =	simm.s32 $0x1;
	s10 =	simm.s32 $0x2780  }
0x4: {  	s5 =	sand.u32 $0x1, s1;
	s30 =	sshrl.u32 s0, $0x2;
	s2 =	sshll.u32 s0, $0x8  }
0x5: {  	s6 =	smul.u32 $0x13C00, s30;
	s7 =	sshll.u32 s5, $0x7;
	s2 =	sand.u32 $0x300, s2  }
0x6: {  	s11 =	simm.s32 $0x4F00;
	s1 =	rddreg [dreg:$0x2];
	s7 =	sor.u32 s7, s2  }
0x7: {  	s5 =	ssub.s32 $0x2, s5;
	s2 =	simm.s32 $0x0;
	s6 =	sor.u32 s6, s7  }
0x8: {  	s31 =	sshrl.u32 s5, $0x1;
	[smem:$0x7FF] =	sst s2;
	s6 =	sshrl.u32 s6, $0x3  }
0x9: {  	s7 =	ssub.s32 s5, s31;
	_ =	strace $0x80000047;
	s8 =	sadd.s32 s6, s4  }
0xa: {  	s3 =	sadd.s32 s3, s6;
	s6 =	smax.u32 s7, $0x1;
	s7 =	simm.s32 $0x80  }
0xb: {  	v0 =	vimm.f32 $0.0e+00;
	s4 =	sadd.s32 $0xCC00, s8;
	s5 =	sadd.s32 $0x16A00, s8;
	s8 =	simm.s32 $0x400  }
.LBB2_1:
0xc: {  	s12 =	simm.s32 $0x40;
	s13 =	simm.s32 $0x0  }
.LBB2_2:
0xd: {  	p0 =	sne.s32 s12, $0x9DC0;
	[tilespmem:s13+$0x4F00] =	vst v0;
	s13 =	smov.u32 s12;
	s12 =	sadd.s32 $0x40, s12  }
.Ltmp0:
0xe: {  	(pc) =	sbr.rel @p0 .LBB2_2-.Ltmp0, $2  }
0xf: {  	_ =	sdelay $0x2  }
0x10: {  	s13 =	sshra.s32 s13, $0x2  }
0x11: {  	[tilespmem:s13+$0x4F00] =	vst v0;
	s12 =	simm.s32 $0x0  }
0x12: {  	[tilespmem:s12], [sflag:$0x1] =	stream.strided.gather [hbm4b:s3+s7], $0x2780, s8, s7, $0x38;
	[tilespmem:$0x7680] =	vst v63  }
0x13: {  	_ =	swait.ge [sflag:s9], $0x2780  }
0x14: {  	[sflag:s9] =	ssyncset.done $0x0  }
0x15: {  	[sflag:s9] =	ssyncadd.s32 $0xFFFFD880  }
0x16: {  	[tilespmem:s10], [sflag:$0x1] =	stream.strided.gather [hbm4b:s4+s7], $0x2780, s8, s7, $0x38;
	[tilespmem:$0x7680] =	vst v63  }
0x17: {  	_ =	swait.ge [sflag:s9], $0x2780  }
0x18: {  	[sflag:s9] =	ssyncset.done $0x0  }
0x19: {  	s13 =	simm.s32 $0x0;
	s12 =	simm.s32 $0x40;
	[sflag:s9] =	ssyncadd.s32 $0xFFFFD880  }
.LBB2_4:
0x1a: {  	p0 =	sne.s32 s12, $0x9DC0;
	v1 =	vld [tilespmem:s13+$0x0];
	_ =	sdelay $0x2  }
0x1b: {  	v2 =	vld [tilespmem:s13+$0x2780]  }
.Ltmp1:
0x1c: {  	(pc) =	sbr.rel @p0 .LBB2_4-.Ltmp1, $2  }
0x1d: {  	_ =	sdelay $0x2  }
0x1e: {  	s13 =	sshra.s32 s12, $0x2;
	s12 =	sadd.s32 $0x40, s12;
	[tilespmem:v1+s11+$0x0] =	vst.idx.add.f32.msk $0xffff, v2  }
0x1f: {  	v1 =	vld [tilespmem:s13+$0x0];
	_ =	sdelay $0x2  }
0x20: {  	v2 =	vld [tilespmem:s13+$0x2780];
	_ =	sdelay $0x2  }
0x21: {  	s2 =	sadd.s32 $0x1, s2  }
0x22: {  	p0 =	sne.s32 s2, s6  }
.Ltmp2:
0x23: {  	[tilespmem:v1+s11+$0x0] =	vst.idx.add.f32.msk $0xffff, v2;
	(pc) =	sbr.rel @p0 .LBB2_1-.Ltmp2, $4  }
0x24: {  	[hbm4b:s5+s7] =	stream.strided.scatter [tilespmem:s11], [sflag:$0x1], $0x2780, s8, s7, $0x38;
	[tilespmem:$0x7680] =	vst v63  }
0x25: {  	_ =	swait.ge [sflag:s9], $0x2780  }
0x26: {  	[sflag:s9] =	ssyncset.done $0x0  }
0x27: {  	[sflag:s9] =	ssyncadd.s32 $0xFFFFD880  }
0x28: {  	_ =	sfence.sel $0x180000  }
0x29: {  	[bflag:$0x0] =	sbarrier.arrive $0xFFFF  }
0x2a: {  	p0 =	sne.s32 s0, $0x0;
	_ =	strace $0x90000047  }
0x2b: {  	s0 =	sadd.s32 @!p0 $0x100000, s1;
	[bflag:$0x2] =	sbarrier.arrive $0xFFFF  }
0x2c: {  	[sflag:s0] =	ssyncadd.tile.s32 @!p0 $0x1;
	_ =	shalt  }
.Lfunc_end2:
_tile_overlayer_lowered:
.L_overlay_start_2:
0x2d: {  	(tag) =	ssettag $0x2  }
0x2e: {  	s0 =	rddreg [dreg:$0x0];
	s2 =	stileid.u32  }
0x2f: {  	s1 =	rddreg [dreg:$0x1];
	p0 =	sne.s32 s2, $0x0  }
0x30: {  	s3 =	rddreg [dreg:$0x2];
	[bflag:$0x3] =	sbarrier.arrive $0xFFFF;
	s2 =	simm.s32 @!p0 $0x1C01  }
0x31: {  	[timem:s3], [sflag:s2] =	dma.local @!p0 [hbm:s0], s1  }
0x32: {  	s0 =	simm.s32 @!p0 $0x1  }
0x33: {  	_ =	swait.ge @!p0 [sflag:s0], s1  }
0x34: {  	s1 =	ssub.s32 @!p0 $0x0, s1;
	[sflag:s0] =	ssyncset.done @!p0 $0x0  }
0x35: {  	[sflag:s0] =	ssyncadd.s32 @!p0 s1  }
0x36: {  	[bflag:$0x3] =	sbarrier.arrive $0xFFFF  }
0x37: {  	_ =	shalt  }

</sc_bundles>
